<compile_context>
chip_gen: v7x
topology: tpu7x:2x2x1
jax: 0.10.2.dev20260603
libtpu: 0.0.44.dev20260713+nightly
codegen_flags: <defaults>
</compile_context>

<pallas_src>
import functools
import math

import jax
import jax.numpy as jnp
from jax import lax
from jax.experimental import pallas as pl
from jax.experimental.pallas import tpu as pltpu
from jax.experimental.pallas import tpu_sc as plsc

F32 = jnp.float32


def _sc_geometry():
    try:
        info = plsc.get_sparse_core_info()
        return int(info.num_cores), int(info.num_subcores)
    except Exception:
        return 2, 16



def _sc_gather3(q_tab, k_tab, v_tab, idx_q, idx_kv):
    E = idx_q.shape[0]
    C = q_tab.shape[1]
    B = 128
    nchunks = E // B
    ncore, nsub = _sc_geometry()
    NW = ncore * nsub
    nloops = (nchunks + NW - 1) // NW
    npairs = (nloops + 1) // 2
    mesh = plsc.VectorSubcoreMesh(core_axis_name="c", subcore_axis_name="s")

    @functools.partial(
        pl.kernel,
        mesh=mesh,
        compiler_params=pltpu.CompilerParams(
            use_tc_tiling_on_sc=False, needs_layout_passes=False),
        out_type=[jax.ShapeDtypeStruct((E, C), F32)] * 3,
        scratch_types=[
            pltpu.VMEM((B,), jnp.int32),
            pltpu.VMEM((B,), jnp.int32),
            pltpu.VMEM((B, C), F32),
            pltpu.VMEM((B, C), F32),
            pltpu.VMEM((B, C), F32),
            pltpu.VMEM((B,), jnp.int32),
            pltpu.VMEM((B,), jnp.int32),
            pltpu.VMEM((B, C), F32),
            pltpu.VMEM((B, C), F32),
            pltpu.VMEM((B, C), F32),
            pltpu.SemaphoreType.DMA,
            pltpu.SemaphoreType.DMA,
            pltpu.SemaphoreType.DMA,
            pltpu.SemaphoreType.DMA,
        ],
    )
    def kern(q_hbm, k_hbm, v_hbm, iq_hbm, ikv_hbm, qi_out, kj_out, vj_out,
             iqa, ikva, qa, ka, va, iqb, ikvb, qb, kb, vb,
             sema, semb, semwa, semwb):
        wid = lax.axis_index("s") * ncore + lax.axis_index("c")

        def body(u, _):
            t0 = wid + (2 * u) * NW
            t1 = wid + (2 * u + 1) * NW

            @pl.when(t0 < nchunks)
            def _():
                base0 = pl.multiple_of(t0 * B, B)
                pltpu.sync_copy(iq_hbm.at[pl.ds(base0, B)], iqa)
                pltpu.sync_copy(ikv_hbm.at[pl.ds(base0, B)], ikva)
                ga1 = pltpu.async_copy(q_hbm.at[iqa], qa, sema)
                ga2 = pltpu.async_copy(k_hbm.at[ikva], ka, sema)
                ga3 = pltpu.async_copy(v_hbm.at[ikva], va, sema)

                @pl.when(t1 < nchunks)
                def _():
                    base1 = pl.multiple_of(t1 * B, B)
                    pltpu.sync_copy(iq_hbm.at[pl.ds(base1, B)], iqb)
                    pltpu.sync_copy(ikv_hbm.at[pl.ds(base1, B)], ikvb)
                    gb1 = pltpu.async_copy(q_hbm.at[iqb], qb, semb)
                    gb2 = pltpu.async_copy(k_hbm.at[ikvb], kb, semb)
                    gb3 = pltpu.async_copy(v_hbm.at[ikvb], vb, semb)

                ga1.wait()
                ga2.wait()
                ga3.wait()
                wa1 = pltpu.async_copy(qa, qi_out.at[pl.ds(base0, B)], semwa)
                wa2 = pltpu.async_copy(ka, kj_out.at[pl.ds(base0, B)], semwa)
                wa3 = pltpu.async_copy(va, vj_out.at[pl.ds(base0, B)], semwa)

                @pl.when(t1 < nchunks)
                def _():
                    base1 = pl.multiple_of(t1 * B, B)
                    gb1w = pltpu.make_async_copy(q_hbm.at[iqb], qb, semb)
                    gb2w = pltpu.make_async_copy(k_hbm.at[ikvb], kb, semb)
                    gb3w = pltpu.make_async_copy(v_hbm.at[ikvb], vb, semb)
                    gb1w.wait()
                    gb2w.wait()
                    gb3w.wait()
                    wb1 = pltpu.async_copy(qb, qi_out.at[pl.ds(base1, B)], semwb)
                    wb2 = pltpu.async_copy(kb, kj_out.at[pl.ds(base1, B)], semwb)
                    wb3 = pltpu.async_copy(vb, vj_out.at[pl.ds(base1, B)], semwb)
                    wb1.wait()
                    wb2.wait()
                    wb3.wait()

                wa1.wait()
                wa2.wait()
                wa3.wait()
            return 0

        lax.fori_loop(0, npairs, body, 0)

    return kern(q_tab, k_tab, v_tab, idx_q, idx_kv)


def _sc_gather2(p_tab, q_tab, idx_p, idx_q):
    E = idx_p.shape[0]
    C = p_tab.shape[1]
    B = 128
    nchunks = E // B
    ncore, nsub = _sc_geometry()
    NW = ncore * nsub
    nloops = (nchunks + NW - 1) // NW
    mesh = plsc.VectorSubcoreMesh(core_axis_name="c", subcore_axis_name="s")

    @functools.partial(
        pl.kernel,
        mesh=mesh,
        compiler_params=pltpu.CompilerParams(
            use_tc_tiling_on_sc=False, needs_layout_passes=False),
        out_type=[jax.ShapeDtypeStruct((E, C), F32)] * 2,
        scratch_types=[
            pltpu.VMEM((B,), jnp.int32),
            pltpu.VMEM((B,), jnp.int32),
            pltpu.VMEM((B, C), F32),
            pltpu.VMEM((B, C), F32),
            pltpu.SemaphoreType.DMA,
        ],
    )
    def kern(p_hbm, q_hbm, ip_hbm, iq_hbm, pj_out, qi_out,
             ipbuf, iqbuf, pbuf, qbuf, sem):
        wid = lax.axis_index("s") * ncore + lax.axis_index("c")

        def body(t, _):
            chunk = wid + t * NW

            @pl.when(chunk < nchunks)
            def _():
                base = pl.multiple_of(chunk * B, B)
                pltpu.sync_copy(ip_hbm.at[pl.ds(base, B)], ipbuf)
                pltpu.sync_copy(iq_hbm.at[pl.ds(base, B)], iqbuf)
                cp = pltpu.async_copy(p_hbm.at[ipbuf], pbuf, sem)
                cq = pltpu.async_copy(q_hbm.at[iqbuf], qbuf, sem)
                cp.wait()
                cq.wait()
                pltpu.sync_copy(pbuf, pj_out.at[pl.ds(base, B)])
                pltpu.sync_copy(qbuf, qi_out.at[pl.ds(base, B)])
            return 0

        lax.fori_loop(0, nloops, body, 0)

    return kern(p_tab, q_tab, idx_p, idx_q)


def _sc_scatter_rows(rows, idx, n_dst):
    E, C = rows.shape
    B = 128
    nchunks = E // B
    ncore, nsub = _sc_geometry()
    NW = ncore * nsub
    nloops = (nchunks + NW - 1) // NW
    npairs = (nloops + 1) // 2
    rows_sub = n_dst // nsub
    mesh = plsc.VectorSubcoreMesh(core_axis_name="c", subcore_axis_name="s")

    @functools.partial(
        pl.kernel,
        mesh=mesh,
        compiler_params=pltpu.CompilerParams(
            use_tc_tiling_on_sc=False, needs_layout_passes=False),
        out_type=[jax.ShapeDtypeStruct((ncore, n_dst, C), F32)],
        scratch_types=[
            pltpu.VMEM((B,), jnp.int32),
            pltpu.VMEM((B, C), F32),
            pltpu.VMEM((B,), jnp.int32),
            pltpu.VMEM((B, C), F32),
            pltpu.VMEM_SHARED((n_dst, C), F32),
            pltpu.SemaphoreType.DMA,
            pltpu.SemaphoreType.DMA,
            pltpu.SemaphoreType.DMA,
            pltpu.SemaphoreType.DMA,
        ],
    )
    def kern(rows_hbm, idx_hbm, zs_hbm, s_out, ia, ra, ib, rb, s_sh,
             sema, semb, semwa, semwb):
        cid = lax.axis_index("c")
        sid = lax.axis_index("s")
        wid = sid * ncore + cid
        r0 = sid * rows_sub
        pltpu.sync_copy(zs_hbm.at[pl.ds(r0, rows_sub)],
                        s_sh.at[pl.ds(r0, rows_sub)])
        plsc.subcore_barrier()

        def body(u, _):
            t0 = wid + (2 * u) * NW
            t1 = wid + (2 * u + 1) * NW

            @pl.when(t0 < nchunks)
            def _():
                base0 = pl.multiple_of(t0 * B, B)
                la1 = pltpu.async_copy(idx_hbm.at[pl.ds(base0, B)], ia, sema)
                la2 = pltpu.async_copy(rows_hbm.at[pl.ds(base0, B)], ra, sema)

                @pl.when(t1 < nchunks)
                def _():
                    base1 = pl.multiple_of(t1 * B, B)
                    lb1 = pltpu.async_copy(idx_hbm.at[pl.ds(base1, B)], ib, semb)
                    lb2 = pltpu.async_copy(rows_hbm.at[pl.ds(base1, B)], rb, semb)

                la1.wait()
                la2.wait()
                sa = pltpu.async_copy(ra, s_sh.at[ia], semwa, add=True)

                @pl.when(t1 < nchunks)
                def _():
                    base1 = pl.multiple_of(t1 * B, B)
                    lb1w = pltpu.make_async_copy(idx_hbm.at[pl.ds(base1, B)], ib, semb)
                    lb2w = pltpu.make_async_copy(rows_hbm.at[pl.ds(base1, B)], rb, semb)
                    lb1w.wait()
                    lb2w.wait()
                    sb = pltpu.async_copy(rb, s_sh.at[ib], semwb, add=True)
                    sb.wait()

                sa.wait()
            return 0

        lax.fori_loop(0, npairs, body, 0)
        plsc.subcore_barrier()
        pltpu.sync_copy(s_sh.at[pl.ds(r0, rows_sub)],
                        s_out.at[cid, pl.ds(r0, rows_sub)])

    (out,) = kern(rows, idx, jnp.zeros((n_dst, C), F32))
    return out



def _full(shape):
    return pl.BlockSpec(shape, lambda i: (0,) * len(shape))


def _dot(a, b):
    return jax.lax.dot(a, b, preferred_element_type=F32)


def _tc_nodes1(var_lp, con_lp, wq, bq, wk, bk, wv, bv, ws, bs):
    N = var_lp.shape[0]
    BN = 2000
    grid = N // BN

    def body(var_ref, con_ref, wq_r, bq_r, wk_r, bk_r, wv_r, bv_r, ws_r, bs_r,
             q_ref, k_ref, v_ref, s_ref):
        xv = var_ref[...]
        xc = con_ref[...]
        q_ref[...] = _dot(xc, wq_r[...]) + bq_r[...]
        k_ref[...] = _dot(xv, wk_r[...]) + bk_r[...]
        v_ref[...] = _dot(xv, wv_r[...]) + bv_r[...]
        s_ref[...] = _dot(xc, ws_r[...]) + bs_r[...]

    blk = pl.BlockSpec((BN, 8), lambda i: (i, 0))
    out = pl.BlockSpec((BN, 32), lambda i: (i, 0))
    return pl.pallas_call(
        body,
        grid=(grid,),
        in_specs=[blk, blk, _full((8, 32)), _full((1, 32)), _full((8, 32)),
                  _full((1, 32)), _full((8, 32)), _full((1, 32)),
                  _full((8, 32)), _full((1, 32))],
        out_specs=[out, out, out, out],
        out_shape=[jax.ShapeDtypeStruct((N, 32), F32)] * 4,
    )(var_lp, con_lp, wq, bq, wk, bk, wv, bv, ws, bs)


def _tc_edge_prep(lo, hi, dm, rest, we1, we2, m1e, mb1):
    E = lo.shape[0]
    BE = 1600
    grid = E // BE

    def body(lo_r, hi_r, dm_r, rest_r, we1_r, we2_r, m1e_r, mb1_r,
             e1_ref, e2_ref, e3_ref):
        ec = jnp.concatenate([lo_r[...], hi_r[...], dm_r[...], rest_r[...]],
                             axis=1)
        e1_ref[...] = _dot(ec, we1_r[...])
        e2_ref[...] = _dot(ec, we2_r[...])
        e3_ref[...] = _dot(ec, m1e_r[...]) + mb1_r[...]

    b1 = pl.BlockSpec((BE, 1), lambda i: (i, 0))
    b5 = pl.BlockSpec((BE, 5), lambda i: (i, 0))
    out = pl.BlockSpec((BE, 32), lambda i: (i, 0))
    return pl.pallas_call(
        body,
        grid=(grid,),
        in_specs=[b1, b1, b1, b5, _full((8, 32)), _full((8, 32)),
                  _full((8, 32)), _full((1, 32))],
        out_specs=[out, out, out],
        out_shape=[jax.ShapeDtypeStruct((E, 32), F32)] * 3,
    )(lo, hi, dm, rest, we1, we2, m1e, mb1)


def _tc_attn(qi, kj, vj, e):
    E, C = qi.shape
    BE = 1600
    grid = E // BE
    scale = 1.0 / math.sqrt(C)

    def body(qi_r, kj_r, vj_r, e_r, exv_ref, dex_ref):
        ev = e_r[...]
        k = kj_r[...] + ev
        v = vj_r[...] + ev
        p = qi_r[...] * k
        alpha = _dot(p, jnp.ones((C, 1), F32)) * scale
        ex = jnp.exp(alpha)
        exv_ref[...] = ex * v
        one = jnp.ones_like(ex)
        pad = jnp.zeros((ex.shape[0], 14), F32)
        dex_ref[...] = jnp.concatenate([ex, one, pad], axis=1)

    blk = pl.BlockSpec((BE, C), lambda i: (i, 0))
    return pl.pallas_call(
        body,
        grid=(grid,),
        in_specs=[blk, blk, blk, blk],
        out_specs=[blk, pl.BlockSpec((BE, 16), lambda i: (i, 0))],
        out_shape=[jax.ShapeDtypeStruct((E, C), F32),
                   jax.ShapeDtypeStruct((E, 16), F32)],
    )(qi, kj, vj, e)


def _segment_out(s_blk, d_blk, skip_blk):
    s = s_blk[0] + s_blk[1]
    d = d_blk[0] + d_blk[1]
    den = d[:, 0:1]
    cnt = d[:, 1:2]
    out = s / (den + 1e-16) / jnp.maximum(cnt, 1.0)
    return jnp.maximum(out + skip_blk, 0.0)


def _tc_finalize1(sp, dp, skip1, con_lp, var_lp, wk2a, wk2b, bk2, wv2a, wv2b,
                  bv2, c1a, c1b, cb1, c2, cb2, m1c, wq2, bq2, ws2, bs2):
    N = con_lp.shape[0]
    BN = 2000
    grid = N // BN

    def body(s_r, d_r, sk_r, clp_r, vlp_r, wk2a_r, wk2b_r, bk2_r, wv2a_r,
             wv2b_r, bv2_r, c1a_r, c1b_r, cb1_r, c2_r, cb2_r, m1c_r, wq2_r,
             bq2_r, ws2_r, bs2_r, conl_ref, k2_ref, v2_ref, qt_ref, q2_ref,
             s2_ref):
        xc = clp_r[...]
        xv = vlp_r[...]
        conl = _segment_out(s_r[...], d_r[...], sk_r[...])
        conl_ref[...] = conl
        k2_ref[...] = _dot(conl, wk2a_r[...]) + _dot(xc, wk2b_r[...]) + bk2_r[...]
        v2_ref[...] = _dot(conl, wv2a_r[...]) + _dot(xc, wv2b_r[...]) + bv2_r[...]
        h = jnp.maximum(_dot(conl, c1a_r[...]) + _dot(xc, c1b_r[...]) + cb1_r[...], 0.0)
        cc = jnp.maximum(_dot(h, c2_r[...]) + cb2_r[...], 0.0)
        qt_ref[...] = _dot(cc, m1c_r[...])
        q2_ref[...] = _dot(xv, wq2_r[...]) + bq2_r[...]
        s2_ref[...] = _dot(xv, ws2_r[...]) + bs2_r[...]

    b_s = pl.BlockSpec((2, BN, 32), lambda i: (0, i, 0))
    b_d = pl.BlockSpec((2, BN, 16), lambda i: (0, i, 0))
    b32 = pl.BlockSpec((BN, 32), lambda i: (i, 0))
    b8 = pl.BlockSpec((BN, 8), lambda i: (i, 0))
    w88 = _full((8, 32))
    w32 = _full((32, 32))
    wb = _full((1, 32))
    return pl.pallas_call(
        body,
        grid=(grid,),
        in_specs=[b_s, b_d, b32, b8, b8,
                  w32, w88, wb,
                  w32, w88, wb,
                  w32, w88, wb,
                  w32, wb,
                  w32,
                  w88, wb,
                  w88, wb],
        out_specs=[b32] * 6,
        out_shape=[jax.ShapeDtypeStruct((N, 32), F32)] * 6,
    )(sp, dp, skip1, con_lp, var_lp, wk2a, wk2b, bk2, wv2a, wv2b, bv2,
      c1a, c1b, cb1, c2, cb2, m1c, wq2, bq2, ws2, bs2)


def _tc_finalize2(sp, dp, skip2, var_lp, v1a, v1b, vb1, v2w, vb2, m1v):
    N = var_lp.shape[0]
    BN = 2000
    grid = N // BN

    def body(s_r, d_r, sk_r, vlp_r, v1a_r, v1b_r, vb1_r, v2_r, vb2_r, m1v_r,
             varl_ref, pt_ref):
        xv = vlp_r[...]
        varl = _segment_out(s_r[...], d_r[...], sk_r[...])
        varl_ref[...] = varl
        h = jnp.maximum(_dot(varl, v1a_r[...]) + _dot(xv, v1b_r[...]) + vb1_r[...], 0.0)
        vc = jnp.maximum(_dot(h, v2_r[...]) + vb2_r[...], 0.0)
        pt_ref[...] = _dot(vc, m1v_r[...])

    b_s = pl.BlockSpec((2, BN, 32), lambda i: (0, i, 0))
    b_d = pl.BlockSpec((2, BN, 16), lambda i: (0, i, 0))
    b32 = pl.BlockSpec((BN, 32), lambda i: (i, 0))
    b8 = pl.BlockSpec((BN, 8), lambda i: (i, 0))
    return pl.pallas_call(
        body,
        grid=(grid,),
        in_specs=[b_s, b_d, b32, b8, _full((32, 32)), _full((8, 32)),
                  _full((1, 32)), _full((32, 32)), _full((1, 32)),
                  _full((32, 32))],
        out_specs=[b32, b32],
        out_shape=[jax.ShapeDtypeStruct((N, 32), F32)] * 2,
    )(sp, dp, skip2, var_lp, v1a, v1b, vb1, v2w, vb2, m1v)


def _tc_edge_mlp(e3, pj, qic, m2, mb2):
    E = pj.shape[0]
    BE = 1600
    grid = E // BE

    def body(e3_r, pj_r, qic_r, m2_r, mb2_r, out_ref):
        h = jnp.maximum(e3_r[...] + pj_r[...] + qic_r[...], 0.0)
        out_ref[...] = jnp.maximum(_dot(h, m2_r[...]) + mb2_r[...], 0.0)

    blk = pl.BlockSpec((BE, 32), lambda i: (i, 0))
    return pl.pallas_call(
        body,
        grid=(grid,),
        in_specs=[blk, blk, blk, _full((32, 32)), _full((1, 32))],
        out_specs=blk,
        out_shape=jax.ShapeDtypeStruct((E, 32), F32),
    )(e3, pj, qic, m2, mb2)



def kernel(var_lp_f, con_lp_f, lo_costs, hi_costs, def_mm, edge_rest_lp_f,
           params, edge_index_var_con):
    NV = var_lp_f.shape[0]
    NC_ = con_lp_f.shape[0]
    E = lo_costs.shape[0]
    j0 = edge_index_var_con[0]
    i0 = edge_index_var_con[1]

    pc, pv, pe = params['con'], params['var'], params['edge']
    r1 = lambda b: b.reshape(1, -1)

    q1, k1, v1, skip1 = _tc_nodes1(
        var_lp_f, con_lp_f, pc['Wq'], r1(pc['bq']), pc['Wk'], r1(pc['bk']),
        pc['Wv'], r1(pc['bv']), pc['Ws'], r1(pc['bs']))

    m1 = pe['M1']
    e1, e2, e3 = _tc_edge_prep(
        lo_costs.reshape(E, 1), hi_costs.reshape(E, 1), def_mm.reshape(E, 1),
        edge_rest_lp_f, pc['We'], pv['We'], m1[:8], r1(pe['Mb1']))

    qi1, kj1, vj1 = _sc_gather3(q1, k1, v1, i0, j0)
    exv1, dex1 = _tc_attn(qi1, kj1, vj1, e1)
    sp1 = _sc_scatter_rows(exv1, i0, NC_)
    dp1 = _sc_scatter_rows(dex1, i0, NC_)

    wk2, wv2 = pv['Wk'], pv['Wv']
    c1 = pe['C1']
    con_learned, k2, v2, qt, q2, skip2 = _tc_finalize1(
        sp1, dp1, skip1, con_lp_f, var_lp_f,
        wk2[:32], wk2[32:], r1(pv['bk']), wv2[:32], wv2[32:], r1(pv['bv']),
        c1[:32], c1[32:], r1(pe['Cb1']), pe['C2'], r1(pe['Cb2']),
        m1[40:72], pv['Wq'], r1(pv['bq']), pv['Ws'], r1(pv['bs']))

    qi2, kj2, vj2 = _sc_gather3(q2, k2, v2, j0, i0)
    exv2, dex2 = _tc_attn(qi2, kj2, vj2, e2)
    sp2 = _sc_scatter_rows(exv2, j0, NV)
    dp2 = _sc_scatter_rows(dex2, j0, NV)

    v1w = pe['V1']
    var_learned, pt = _tc_finalize2(
        sp2, dp2, skip2, var_lp_f, v1w[:32], v1w[32:], r1(pe['Vb1']),
        pe['V2'], r1(pe['Vb2']), m1[8:40])

    pj, qic = _sc_gather2(pt, qt, j0, i0)
    edge_learned = _tc_edge_mlp(e3, pj, qic, pe['M2'], r1(pe['Mb2']))

    return (var_learned, con_learned, edge_learned)

# --- scband reference (transcript-rebuilt; emitter-appended) ---
"""Pipeline reference for scband-feature-extractor-91328184582309 (READ-ONLY COPY).

The authoritative reference and input builder live on the scoring server;
editing this copy changes nothing except your own understanding.
"""

import jax, jax.numpy as jnp
import numpy as np

NV = 50000
NC = 50000
E = 800000
C = 32

def _lin(key, din, dout):
    k1, k2 = jax.random.split(key)
    W = jax.random.normal(k1, (din, dout), dtype=jnp.float32) * 0.1
    b = jax.random.normal(k2, (dout,), dtype=jnp.float32) * 0.1
    return W, b

def _conv_params(key, d_src, d_dst, d_edge, c):
    ks = jax.random.split(key, 5)
    Wq, bq = _lin(ks[0], d_dst, c)
    Wk, bk = _lin(ks[1], d_src, c)
    Wv, bv = _lin(ks[2], d_src, c)
    We = jax.random.normal(ks[3], (d_edge, c), dtype=jnp.float32) * 0.1
    Ws, bs = _lin(ks[4], d_dst, c)
    return {'Wq': Wq, 'bq': bq, 'Wk': Wk, 'bk': bk, 'Wv': Wv, 'bv': bv, 'We': We, 'Ws': Ws, 'bs': bs}

def _transformer_conv(x_src, x_dst, j, i, eattr, p, num_dst):
    # PyG TransformerConv, heads=1, edge_dim set, aggr='mean' (passed via kwargs)
    q = x_dst @ p['Wq'] + p['bq']
    k = x_src @ p['Wk'] + p['bk']
    v = x_src @ p['Wv'] + p['bv']
    e = eattr @ p['We']
    kj = k[j] + e
    qi = q[i]
    alpha = jnp.sum(qi * kj, axis=-1) / float(np.sqrt(kj.shape[-1]))
    amax = jax.ops.segment_max(alpha, i, num_segments=num_dst)
    amax = jnp.where(jnp.isfinite(amax), amax, 0.0)
    ex = jnp.exp(alpha - amax[i])
    den = jax.ops.segment_sum(ex, i, num_segments=num_dst)
    a = ex / (den[i] + 1e-16)
    msg = a[:, None] * (v[j] + e)
    s = jax.ops.segment_sum(msg, i, num_segments=num_dst)
    cnt = jax.ops.segment_sum(jnp.ones((msg.shape[0],), jnp.float32), i, num_segments=num_dst)
    out = s / jnp.maximum(cnt, 1.0)[:, None]
    return out + x_dst @ p['Ws'] + p['bs']

def _forward(var_lp_f, con_lp_f, lo_costs, hi_costs, def_mm, edge_rest_lp_f, params, edge_index_var_con):
    j0 = edge_index_var_con[0]
    i0 = edge_index_var_con[1]
    # learned features start with 0 channels (depth=1, first layer), so comb == lp features
    edge_comb = jnp.concatenate([lo_costs[:, None], hi_costs[:, None], def_mm[:, None], edge_rest_lp_f], axis=1)
    # con_updater: flow source_to_target -> src=var (edge_index[0]), aggregate at con (edge_index[1])
    con_learned = jax.nn.relu(_transformer_conv(var_lp_f, con_lp_f, j0, i0, edge_comb, params['con'], con_lp_f.shape[0]))
    con_comb = jnp.concatenate([con_learned, con_lp_f], axis=1)
    # var_updater: flow target_to_source -> src=con (edge_index[1]), aggregate at var (edge_index[0])
    var_learned = jax.nn.relu(_transformer_conv(con_comb, var_lp_f, i0, j0, edge_comb, params['var'], var_lp_f.shape[0]))
    var_comb = jnp.concatenate([var_learned, var_lp_f], axis=1)
    pe = params['edge']
    vc = jax.nn.relu(jax.nn.relu(var_comb @ pe['V1'] + pe['Vb1']) @ pe['V2'] + pe['Vb2'])
    cc = jax.nn.relu(jax.nn.relu(con_comb @ pe['C1'] + pe['Cb1']) @ pe['C2'] + pe['Cb2'])
    cat = jnp.concatenate([edge_comb, vc[j0], cc[i0]], axis=1)
    edge_learned = jax.nn.relu(jax.nn.relu(cat @ pe['M1'] + pe['Mb1']) @ pe['M2'] + pe['Mb2'])
    return (var_learned, con_learned, edge_learned)

def setup_inputs(seed: int = 0):
    key = jax.random.key(seed)
    ks = jax.random.split(key, 16)
    var_lp_f = jax.random.normal(ks[0], (NV, 8), dtype=jnp.float32)
    con_lp_f = jax.random.normal(ks[1], (NC, 8), dtype=jnp.float32)
    lo_costs = jax.random.uniform(ks[2], (E,), dtype=jnp.float32)
    hi_costs = jax.random.uniform(ks[3], (E,), dtype=jnp.float32)
    def_mm = jax.random.normal(ks[4], (E,), dtype=jnp.float32)
    edge_rest_lp_f = jax.random.normal(ks[5], (E, 5), dtype=jnp.float32)
    edge_index_var_con = jnp.stack([jax.random.randint(ks[6], (E,), 0, NV, dtype=jnp.int32), jax.random.randint(ks[7], (E,), 0, NC, dtype=jnp.int32)], axis=0)
    eV1, eVb1 = _lin(ks[10], C + 8, C)
    eV2, eVb2 = _lin(ks[11], C, C)
    eC1, eCb1 = _lin(ks[12], C + 8, C)
    eC2, eCb2 = _lin(ks[13], C, C)
    eM1, eMb1 = _lin(ks[14], 8 + 2 * C, C)
    eM2, eMb2 = _lin(ks[15], C, C)
    params = {'con': _conv_params(ks[8], 8, 8, 8, C), 'var': _conv_params(ks[9], C + 8, 8, 8, C), 'edge': {'V1': eV1, 'Vb1': eVb1, 'V2': eV2, 'Vb2': eVb2, 'C1': eC1, 'Cb1': eCb1, 'C2': eC2, 'Cb2': eCb2, 'M1': eM1, 'Mb1': eMb1, 'M2': eM2, 'Mb2': eMb2}}
    return {'var_lp_f': var_lp_f, 'con_lp_f': con_lp_f, 'lo_costs': lo_costs, 'hi_costs': hi_costs, 'def_mm': def_mm, 'edge_rest_lp_f': edge_rest_lp_f, 'params': params, 'edge_index_var_con': edge_index_var_con}

def reference(var_lp_f, con_lp_f, lo_costs, hi_costs, def_mm, edge_rest_lp_f, params, edge_index_var_con):
    return _forward(var_lp_f, con_lp_f, lo_costs, hi_costs, def_mm, edge_rest_lp_f, params, edge_index_var_con)

if __name__ == "__main__":
    import jax
    _d = setup_inputs()
    print(jax.jit(kernel)(*tuple(_d.values())))

</pallas_src>

<mosaic_0001>
#map = affine_map<(d0, d1) -> (0, 0)>
#map1 = affine_map<(d0, d1) -> (0)>
module attributes {stable_mosaic.version = 14 : i64} {
  func.func @kern(%arg0: i32, %arg1: i32, %arg2: memref<50000x32xf32, #tpu.memory_space<hbm>>, %arg3: memref<50000x32xf32, #tpu.memory_space<hbm>>, %arg4: memref<50000x32xf32, #tpu.memory_space<hbm>>, %arg5: memref<800000xi32, #tpu.memory_space<hbm>>, %arg6: memref<800000xi32, #tpu.memory_space<hbm>>, %arg7: memref<800000x32xf32, #tpu.memory_space<hbm>>, %arg8: memref<800000x32xf32, #tpu.memory_space<hbm>>, %arg9: memref<800000x32xf32, #tpu.memory_space<hbm>>, %arg10: memref<128xi32, #tpu.memory_space<vmem>>, %arg11: memref<128xi32, #tpu.memory_space<vmem>>, %arg12: memref<128x32xf32, #tpu.memory_space<vmem>>, %arg13: memref<128x32xf32, #tpu.memory_space<vmem>>, %arg14: memref<128x32xf32, #tpu.memory_space<vmem>>, %arg15: memref<128xi32, #tpu.memory_space<vmem>>, %arg16: memref<128xi32, #tpu.memory_space<vmem>>, %arg17: memref<128x32xf32, #tpu.memory_space<vmem>>, %arg18: memref<128x32xf32, #tpu.memory_space<vmem>>, %arg19: memref<128x32xf32, #tpu.memory_space<vmem>>, %arg20: memref<!tpu.dma_semaphore, #tpu.memory_space<semaphore_mem>>, %arg21: memref<!tpu.dma_semaphore, #tpu.memory_space<semaphore_mem>>, %arg22: memref<!tpu.dma_semaphore, #tpu.memory_space<semaphore_mem>>, %arg23: memref<!tpu.dma_semaphore, #tpu.memory_space<semaphore_mem>>) attributes {dimension_semantics = [#tpu.dimension_semantics<core_parallel>, #tpu.dimension_semantics<subcore_parallel>], iteration_bounds = array<i64: 2, 16>, scalar_prefetch = 0 : i64, scratch_operands = 14 : i64, tpu.core_type = #tpu.core_type<sc_vector_subcore>, window_params = [{transform_indices = #map}, {transform_indices = #map}, {transform_indices = #map}, {transform_indices = #map1}, {transform_indices = #map1}, {transform_indices = #map}, {transform_indices = #map}, {transform_indices = #map}]} {
    %mul3A = arith.constant 2 : i32
    %mul3A_0 = arith.muli %arg1, %mul3A : i32
    %add3A = arith.addi %mul3A_0, %arg0 : i32
    %scan3A = arith.constant 0 : i32
    %scan3A_1 = arith.constant 0 : i32
    %scan3A_2 = arith.constant 98 : i32
    %scan3A_3 = arith.addi %scan3A_1, %scan3A_2 : i32
    %scan3A_4 = arith.constant 1 : i32
    %scan3A_5 = scf.for %scan3A_7 = %scan3A_1 to %scan3A_3 step %scan3A_4 iter_args(%scan3A_8 = %scan3A) -> (i32)  : i32 {
      %mul3A_9 = arith.constant 2 : i32
      %mul3A_10 = arith.muli %mul3A_9, %scan3A_7 : i32
      %mul3A_11 = arith.constant 32 : i32
      %mul3A_12 = arith.muli %mul3A_10, %mul3A_11 : i32
      %add3A_13 = arith.addi %add3A, %mul3A_12 : i32
      %mul3A_14 = arith.constant 2 : i32
      %mul3A_15 = arith.muli %mul3A_14, %scan3A_7 : i32
      %add3A_16 = arith.constant 1 : i32
      %add3A_17 = arith.addi %mul3A_15, %add3A_16 : i32
      %mul3A_18 = arith.constant 32 : i32
      %mul3A_19 = arith.muli %add3A_17, %mul3A_18 : i32
      %add3A_20 = arith.addi %add3A, %mul3A_19 : i32
      %lt3A = arith.constant 6250 : i32
      %lt3A_21 = arith.cmpi slt, %add3A_13, %lt3A : i32
      %convert_element_type3A = arith.extui %lt3A_21 : i1 to i32
      %cond3A = arith.constant 0 : i32
      %cond3A_22 = arith.cmpi ne, %convert_element_type3A, %cond3A : i32
      scf.if %cond3A_22 {
        %mul3A_24 = arith.constant 128 : i32
        %mul3A_25 = arith.muli %add3A_13, %mul3A_24 : i32
        %multiple_of3A = tpu.assume_multiple %mul3A_25, 128 : i32
        "tpu.region"() ({
          %run_scoped3A = tpu.sem_alloc : memref<!tpu.dma_semaphore, #tpu.memory_space<semaphore_mem>>
          %dma_start3A_76 = tpu.memref_slice %arg5[%multiple_of3A] : memref<800000xi32, #tpu.memory_space<hbm>> -> memref<128xi32, #tpu.memory_space<hbm>>
          %dma_start3A_77 = tpu.memref_slice %arg5[%multiple_of3A] : memref<800000xi32, #tpu.memory_space<hbm>> -> memref<128xi32, #tpu.memory_space<hbm>>
          tpu.enqueue_dma source(%dma_start3A_77 : memref<128xi32, #tpu.memory_space<hbm>>) target(%arg10 : memref<128xi32, #tpu.memory_space<vmem>>) target_semaphore(%run_scoped3A : memref<!tpu.dma_semaphore, #tpu.memory_space<semaphore_mem>>)
          %dma_wait3A_78 = tpu.memref_slice %arg5[%multiple_of3A] : memref<800000xi32, #tpu.memory_space<hbm>> -> memref<128xi32, #tpu.memory_space<hbm>>
          %dma_wait3A_79 = tpu.memref_slice %arg5[%multiple_of3A] : memref<800000xi32, #tpu.memory_space<hbm>> -> memref<128xi32, #tpu.memory_space<hbm>>
          tpu.wait_dma2 semaphore(%run_scoped3A : memref<!tpu.dma_semaphore, #tpu.memory_space<semaphore_mem>>) src(%dma_wait3A_79 : memref<128xi32, #tpu.memory_space<hbm>>) dst(%arg10 : memref<128xi32, #tpu.memory_space<vmem>>)
          tpu.yield
        }) : () -> ()
        "tpu.region"() ({
          %run_scoped3A = tpu.sem_alloc : memref<!tpu.dma_semaphore, #tpu.memory_space<semaphore_mem>>
          %dma_start3A_76 = tpu.memref_slice %arg6[%multiple_of3A] : memref<800000xi32, #tpu.memory_space<hbm>> -> memref<128xi32, #tpu.memory_space<hbm>>
          %dma_start3A_77 = tpu.memref_slice %arg6[%multiple_of3A] : memref<800000xi32, #tpu.memory_space<hbm>> -> memref<128xi32, #tpu.memory_space<hbm>>
          tpu.enqueue_dma source(%dma_start3A_77 : memref<128xi32, #tpu.memory_space<hbm>>) target(%arg11 : memref<128xi32, #tpu.memory_space<vmem>>) target_semaphore(%run_scoped3A : memref<!tpu.dma_semaphore, #tpu.memory_space<semaphore_mem>>)
          %dma_wait3A_78 = tpu.memref_slice %arg6[%multiple_of3A] : memref<800000xi32, #tpu.memory_space<hbm>> -> memref<128xi32, #tpu.memory_space<hbm>>
          %dma_wait3A_79 = tpu.memref_slice %arg6[%multiple_of3A] : memref<800000xi32, #tpu.memory_space<hbm>> -> memref<128xi32, #tpu.memory_space<hbm>>
          tpu.wait_dma2 semaphore(%run_scoped3A : memref<!tpu.dma_semaphore, #tpu.memory_space<semaphore_mem>>) src(%dma_wait3A_79 : memref<128xi32, #tpu.memory_space<hbm>>) dst(%arg11 : memref<128xi32, #tpu.memory_space<vmem>>)
          tpu.yield
        }) : () -> ()
        %dma_start3A = arith.constant 0 : i32
        %dma_start3A_26 = arith.constant 0 : i32
        %dma_start3A_27 = tpu.memref_slice %arg2[%dma_start3A, %dma_start3A_26] : memref<50000x32xf32, #tpu.memory_space<hbm>> -> memref<50000x32xf32, #tpu.memory_space<hbm>>
        tpu.enqueue_indirect_dma source(%dma_start3A_27 : memref<50000x32xf32, #tpu.memory_space<hbm>>) target(%arg12 : memref<128x32xf32, #tpu.memory_space<vmem>>) offsets(%arg10 : memref<128xi32, #tpu.memory_space<vmem>>) semaphore(%arg20 : memref<!tpu.dma_semaphore, #tpu.memory_space<semaphore_mem>>)
        %dma_start3A_28 = arith.constant 0 : i32
        %dma_start3A_29 = arith.constant 0 : i32
        %dma_start3A_30 = tpu.memref_slice %arg3[%dma_start3A_28, %dma_start3A_29] : memref<50000x32xf32, #tpu.memory_space<hbm>> -> memref<50000x32xf32, #tpu.memory_space<hbm>>
        tpu.enqueue_indirect_dma source(%dma_start3A_30 : memref<50000x32xf32, #tpu.memory_space<hbm>>) target(%arg13 : memref<128x32xf32, #tpu.memory_space<vmem>>) offsets(%arg11 : memref<128xi32, #tpu.memory_space<vmem>>) semaphore(%arg20 : memref<!tpu.dma_semaphore, #tpu.memory_space<semaphore_mem>>)
        %dma_start3A_31 = arith.constant 0 : i32
        %dma_start3A_32 = arith.constant 0 : i32
        %dma_start3A_33 = tpu.memref_slice %arg4[%dma_start3A_31, %dma_start3A_32] : memref<50000x32xf32, #tpu.memory_space<hbm>> -> memref<50000x32xf32, #tpu.memory_space<hbm>>
        tpu.enqueue_indirect_dma source(%dma_start3A_33 : memref<50000x32xf32, #tpu.memory_space<hbm>>) target(%arg14 : memref<128x32xf32, #tpu.memory_space<vmem>>) offsets(%arg11 : memref<128xi32, #tpu.memory_space<vmem>>) semaphore(%arg20 : memref<!tpu.dma_semaphore, #tpu.memory_space<semaphore_mem>>)
        %lt3A_34 = arith.constant 6250 : i32
        %lt3A_35 = arith.cmpi slt, %add3A_20, %lt3A_34 : i32
        %convert_element_type3A_36 = arith.extui %lt3A_35 : i1 to i32
        %cond3A_37 = arith.constant 0 : i32
        %cond3A_38 = arith.cmpi ne, %convert_element_type3A_36, %cond3A_37 : i32
        scf.if %cond3A_38 {
          %mul3A_76 = arith.constant 128 : i32
          %mul3A_77 = arith.muli %add3A_20, %mul3A_76 : i32
          %multiple_of3A_78 = tpu.assume_multiple %mul3A_77, 128 : i32
          "tpu.region"() ({
            %run_scoped3A = tpu.sem_alloc : memref<!tpu.dma_semaphore, #tpu.memory_space<semaphore_mem>>
            %dma_start3A_88 = tpu.memref_slice %arg5[%multiple_of3A_78] : memref<800000xi32, #tpu.memory_space<hbm>> -> memref<128xi32, #tpu.memory_space<hbm>>
            %dma_start3A_89 = tpu.memref_slice %arg5[%multiple_of3A_78] : memref<800000xi32, #tpu.memory_space<hbm>> -> memref<128xi32, #tpu.memory_space<hbm>>
            tpu.enqueue_dma source(%dma_start3A_89 : memref<128xi32, #tpu.memory_space<hbm>>) target(%arg15 : memref<128xi32, #tpu.memory_space<vmem>>) target_semaphore(%run_scoped3A : memref<!tpu.dma_semaphore, #tpu.memory_space<semaphore_mem>>)
            %dma_wait3A_90 = tpu.memref_slice %arg5[%multiple_of3A_78] : memref<800000xi32, #tpu.memory_space<hbm>> -> memref<128xi32, #tpu.memory_space<hbm>>
            %dma_wait3A_91 = tpu.memref_slice %arg5[%multiple_of3A_78] : memref<800000xi32, #tpu.memory_space<hbm>> -> memref<128xi32, #tpu.memory_space<hbm>>
            tpu.wait_dma2 semaphore(%run_scoped3A : memref<!tpu.dma_semaphore, #tpu.memory_space<semaphore_mem>>) src(%dma_wait3A_91 : memref<128xi32, #tpu.memory_space<hbm>>) dst(%arg15 : memref<128xi32, #tpu.memory_space<vmem>>)
            tpu.yield
          }) : () -> ()
          "tpu.region"() ({
            %run_scoped3A = tpu.sem_alloc : memref<!tpu.dma_semaphore, #tpu.memory_space<semaphore_mem>>
            %dma_start3A_88 = tpu.memref_slice %arg6[%multiple_of3A_78] : memref<800000xi32, #tpu.memory_space<hbm>> -> memref<128xi32, #tpu.memory_space<hbm>>
            %dma_start3A_89 = tpu.memref_slice %arg6[%multiple_of3A_78] : memref<800000xi32, #tpu.memory_space<hbm>> -> memref<128xi32, #tpu.memory_space<hbm>>
            tpu.enqueue_dma source(%dma_start3A_89 : memref<128xi32, #tpu.memory_space<hbm>>) target(%arg16 : memref<128xi32, #tpu.memory_space<vmem>>) target_semaphore(%run_scoped3A : memref<!tpu.dma_semaphore, #tpu.memory_space<semaphore_mem>>)
            %dma_wait3A_90 = tpu.memref_slice %arg6[%multiple_of3A_78] : memref<800000xi32, #tpu.memory_space<hbm>> -> memref<128xi32, #tpu.memory_space<hbm>>
            %dma_wait3A_91 = tpu.memref_slice %arg6[%multiple_of3A_78] : memref<800000xi32, #tpu.memory_space<hbm>> -> memref<128xi32, #tpu.memory_space<hbm>>
            tpu.wait_dma2 semaphore(%run_scoped3A : memref<!tpu.dma_semaphore, #tpu.memory_space<semaphore_mem>>) src(%dma_wait3A_91 : memref<128xi32, #tpu.memory_space<hbm>>) dst(%arg16 : memref<128xi32, #tpu.memory_space<vmem>>)
            tpu.yield
          }) : () -> ()
          %dma_start3A_79 = arith.constant 0 : i32
          %dma_start3A_80 = arith.constant 0 : i32
          %dma_start3A_81 = tpu.memref_slice %arg2[%dma_start3A_79, %dma_start3A_80] : memref<50000x32xf32, #tpu.memory_space<hbm>> -> memref<50000x32xf32, #tpu.memory_space<hbm>>
          tpu.enqueue_indirect_dma source(%dma_start3A_81 : memref<50000x32xf32, #tpu.memory_space<hbm>>) target(%arg17 : memref<128x32xf32, #tpu.memory_space<vmem>>) offsets(%arg15 : memref<128xi32, #tpu.memory_space<vmem>>) semaphore(%arg21 : memref<!tpu.dma_semaphore, #tpu.memory_space<semaphore_mem>>)
          %dma_start3A_82 = arith.constant 0 : i32
          %dma_start3A_83 = arith.constant 0 : i32
          %dma_start3A_84 = tpu.memref_slice %arg3[%dma_start3A_82, %dma_start3A_83] : memref<50000x32xf32, #tpu.memory_space<hbm>> -> memref<50000x32xf32, #tpu.memory_space<hbm>>
          tpu.enqueue_indirect_dma source(%dma_start3A_84 : memref<50000x32xf32, #tpu.memory_space<hbm>>) target(%arg18 : memref<128x32xf32, #tpu.memory_space<vmem>>) offsets(%arg16 : memref<128xi32, #tpu.memory_space<vmem>>) semaphore(%arg21 : memref<!tpu.dma_semaphore, #tpu.memory_space<semaphore_mem>>)
          %dma_start3A_85 = arith.constant 0 : i32
          %dma_start3A_86 = arith.constant 0 : i32
          %dma_start3A_87 = tpu.memref_slice %arg4[%dma_start3A_85, %dma_start3A_86] : memref<50000x32xf32, #tpu.memory_space<hbm>> -> memref<50000x32xf32, #tpu.memory_space<hbm>>
          tpu.enqueue_indirect_dma source(%dma_start3A_87 : memref<50000x32xf32, #tpu.memory_space<hbm>>) target(%arg19 : memref<128x32xf32, #tpu.memory_space<vmem>>) offsets(%arg16 : memref<128xi32, #tpu.memory_space<vmem>>) semaphore(%arg21 : memref<!tpu.dma_semaphore, #tpu.memory_space<semaphore_mem>>)
        } else {
        }
        %dma_wait3A = arith.constant 0 : i32
        %dma_wait3A_39 = arith.constant 0 : i32
        %dma_wait3A_40 = tpu.memref_slice %arg2[%dma_wait3A, %dma_wait3A_39] : memref<50000x32xf32, #tpu.memory_space<hbm>> -> memref<50000x32xf32, #tpu.memory_space<hbm>>
        tpu.wait_indirect_dma semaphore(%arg20 : memref<!tpu.dma_semaphore, #tpu.memory_space<semaphore_mem>>) src(%dma_wait3A_40 : memref<50000x32xf32, #tpu.memory_space<hbm>>) dst(%arg12 : memref<128x32xf32, #tpu.memory_space<vmem>>)
        %dma_wait3A_41 = arith.constant 0 : i32
        %dma_wait3A_42 = arith.constant 0 : i32
        %dma_wait3A_43 = tpu.memref_slice %arg3[%dma_wait3A_41, %dma_wait3A_42] : memref<50000x32xf32, #tpu.memory_space<hbm>> -> memref<50000x32xf32, #tpu.memory_space<hbm>>
        tpu.wait_indirect_dma semaphore(%arg20 : memref<!tpu.dma_semaphore, #tpu.memory_space<semaphore_mem>>) src(%dma_wait3A_43 : memref<50000x32xf32, #tpu.memory_space<hbm>>) dst(%arg13 : memref<128x32xf32, #tpu.memory_space<vmem>>)
        %dma_wait3A_44 = arith.constant 0 : i32
        %dma_wait3A_45 = arith.constant 0 : i32
        %dma_wait3A_46 = tpu.memref_slice %arg4[%dma_wait3A_44, %dma_wait3A_45] : memref<50000x32xf32, #tpu.memory_space<hbm>> -> memref<50000x32xf32, #tpu.memory_space<hbm>>
        tpu.wait_indirect_dma semaphore(%arg20 : memref<!tpu.dma_semaphore, #tpu.memory_space<semaphore_mem>>) src(%dma_wait3A_46 : memref<50000x32xf32, #tpu.memory_space<hbm>>) dst(%arg14 : memref<128x32xf32, #tpu.memory_space<vmem>>)
        %dma_start3A_47 = arith.constant 0 : i32
        %dma_start3A_48 = tpu.memref_slice %arg7[%multiple_of3A, %dma_start3A_47] : memref<800000x32xf32, #tpu.memory_space<hbm>> -> memref<128x32xf32, #tpu.memory_space<hbm>>
        %dma_start3A_49 = arith.constant 0 : i32
        %dma_start3A_50 = tpu.memref_slice %arg7[%multiple_of3A, %dma_start3A_49] : memref<800000x32xf32, #tpu.memory_space<hbm>> -> memref<128x32xf32, #tpu.memory_space<hbm>>
        tpu.enqueue_dma source(%arg12 : memref<128x32xf32, #tpu.memory_space<vmem>>) target(%dma_start3A_50 : memref<128x32xf32, #tpu.memory_space<hbm>>) target_semaphore(%arg22 : memref<!tpu.dma_semaphore, #tpu.memory_space<semaphore_mem>>)
        %dma_start3A_51 = arith.constant 0 : i32
        %dma_start3A_52 = tpu.memref_slice %arg8[%multiple_of3A, %dma_start3A_51] : memref<800000x32xf32, #tpu.memory_space<hbm>> -> memref<128x32xf32, #tpu.memory_space<hbm>>
        %dma_start3A_53 = arith.constant 0 : i32
        %dma_start3A_54 = tpu.memref_slice %arg8[%multiple_of3A, %dma_start3A_53] : memref<800000x32xf32, #tpu.memory_space<hbm>> -> memref<128x32xf32, #tpu.memory_space<hbm>>
        tpu.enqueue_dma source(%arg13 : memref<128x32xf32, #tpu.memory_space<vmem>>) target(%dma_start3A_54 : memref<128x32xf32, #tpu.memory_space<hbm>>) target_semaphore(%arg22 : memref<!tpu.dma_semaphore, #tpu.memory_space<semaphore_mem>>)
        %dma_start3A_55 = arith.constant 0 : i32
        %dma_start3A_56 = tpu.memref_slice %arg9[%multiple_of3A, %dma_start3A_55] : memref<800000x32xf32, #tpu.memory_space<hbm>> -> memref<128x32xf32, #tpu.memory_space<hbm>>
        %dma_start3A_57 = arith.constant 0 : i32
        %dma_start3A_58 = tpu.memref_slice %arg9[%multiple_of3A, %dma_start3A_57] : memref<800000x32xf32, #tpu.memory_space<hbm>> -> memref<128x32xf32, #tpu.memory_space<hbm>>
        tpu.enqueue_dma source(%arg14 : memref<128x32xf32, #tpu.memory_space<vmem>>) target(%dma_start3A_58 : memref<128x32xf32, #tpu.memory_space<hbm>>) target_semaphore(%arg22 : memref<!tpu.dma_semaphore, #tpu.memory_space<semaphore_mem>>)
        %lt3A_59 = arith.constant 6250 : i32
        %lt3A_60 = arith.cmpi slt, %add3A_20, %lt3A_59 : i32
        %convert_element_type3A_61 = arith.extui %lt3A_60 : i1 to i32
        %cond3A_62 = arith.constant 0 : i32
        %cond3A_63 = arith.cmpi ne, %convert_element_type3A_61, %cond3A_62 : i32
        scf.if %cond3A_63 {
          %mul3A_76 = arith.constant 128 : i32
          %mul3A_77 = arith.muli %add3A_20, %mul3A_76 : i32
          %multiple_of3A_78 = tpu.assume_multiple %mul3A_77, 128 : i32
          %dma_wait3A_79 = arith.constant 0 : i32
          %dma_wait3A_80 = arith.constant 0 : i32
          %dma_wait3A_81 = tpu.memref_slice %arg2[%dma_wait3A_79, %dma_wait3A_80] : memref<50000x32xf32, #tpu.memory_space<hbm>> -> memref<50000x32xf32, #tpu.memory_space<hbm>>
          tpu.wait_indirect_dma semaphore(%arg21 : memref<!tpu.dma_semaphore, #tpu.memory_space<semaphore_mem>>) src(%dma_wait3A_81 : memref<50000x32xf32, #tpu.memory_space<hbm>>) dst(%arg17 : memref<128x32xf32, #tpu.memory_space<vmem>>)
          %dma_wait3A_82 = arith.constant 0 : i32
          %dma_wait3A_83 = arith.constant 0 : i32
          %dma_wait3A_84 = tpu.memref_slice %arg3[%dma_wait3A_82, %dma_wait3A_83] : memref<50000x32xf32, #tpu.memory_space<hbm>> -> memref<50000x32xf32, #tpu.memory_space<hbm>>
          tpu.wait_indirect_dma semaphore(%arg21 : memref<!tpu.dma_semaphore, #tpu.memory_space<semaphore_mem>>) src(%dma_wait3A_84 : memref<50000x32xf32, #tpu.memory_space<hbm>>) dst(%arg18 : memref<128x32xf32, #tpu.memory_space<vmem>>)
          %dma_wait3A_85 = arith.constant 0 : i32
          %dma_wait3A_86 = arith.constant 0 : i32
          %dma_wait3A_87 = tpu.memref_slice %arg4[%dma_wait3A_85, %dma_wait3A_86] : memref<50000x32xf32, #tpu.memory_space<hbm>> -> memref<50000x32xf32, #tpu.memory_space<hbm>>
          tpu.wait_indirect_dma semaphore(%arg21 : memref<!tpu.dma_semaphore, #tpu.memory_space<semaphore_mem>>) src(%dma_wait3A_87 : memref<50000x32xf32, #tpu.memory_space<hbm>>) dst(%arg19 : memref<128x32xf32, #tpu.memory_space<vmem>>)
          %dma_start3A_88 = arith.constant 0 : i32
          %dma_start3A_89 = tpu.memref_slice %arg7[%multiple_of3A_78, %dma_start3A_88] : memref<800000x32xf32, #tpu.memory_space<hbm>> -> memref<128x32xf32, #tpu.memory_space<hbm>>
          %dma_start3A_90 = arith.constant 0 : i32
          %dma_start3A_91 = tpu.memref_slice %arg7[%multiple_of3A_78, %dma_start3A_90] : memref<800000x32xf32, #tpu.memory_space<hbm>> -> memref<128x32xf32, #tpu.memory_space<hbm>>
          tpu.enqueue_dma source(%arg17 : memref<128x32xf32, #tpu.memory_space<vmem>>) target(%dma_start3A_91 : memref<128x32xf32, #tpu.memory_space<hbm>>) target_semaphore(%arg23 : memref<!tpu.dma_semaphore, #tpu.memory_space<semaphore_mem>>)
          %dma_start3A_92 = arith.constant 0 : i32
          %dma_start3A_93 = tpu.memref_slice %arg8[%multiple_of3A_78, %dma_start3A_92] : memref<800000x32xf32, #tpu.memory_space<hbm>> -> memref<128x32xf32, #tpu.memory_space<hbm>>
          %dma_start3A_94 = arith.constant 0 : i32
          %dma_start3A_95 = tpu.memref_slice %arg8[%multiple_of3A_78, %dma_start3A_94] : memref<800000x32xf32, #tpu.memory_space<hbm>> -> memref<128x32xf32, #tpu.memory_space<hbm>>
          tpu.enqueue_dma source(%arg18 : memref<128x32xf32, #tpu.memory_space<vmem>>) target(%dma_start3A_95 : memref<128x32xf32, #tpu.memory_space<hbm>>) target_semaphore(%arg23 : memref<!tpu.dma_semaphore, #tpu.memory_space<semaphore_mem>>)
          %dma_start3A_96 = arith.constant 0 : i32
          %dma_start3A_97 = tpu.memref_slice %arg9[%multiple_of3A_78, %dma_start3A_96] : memref<800000x32xf32, #tpu.memory_space<hbm>> -> memref<128x32xf32, #tpu.memory_space<hbm>>
          %dma_start3A_98 = arith.constant 0 : i32
          %dma_start3A_99 = tpu.memref_slice %arg9[%multiple_of3A_78, %dma_start3A_98] : memref<800000x32xf32, #tpu.memory_space<hbm>> -> memref<128x32xf32, #tpu.memory_space<hbm>>
          tpu.enqueue_dma source(%arg19 : memref<128x32xf32, #tpu.memory_space<vmem>>) target(%dma_start3A_99 : memref<128x32xf32, #tpu.memory_space<hbm>>) target_semaphore(%arg23 : memref<!tpu.dma_semaphore, #tpu.memory_space<semaphore_mem>>)
          %dma_wait3A_100 = arith.constant 0 : i32
          %dma_wait3A_101 = tpu.memref_slice %arg7[%multiple_of3A_78, %dma_wait3A_100] : memref<800000x32xf32, #tpu.memory_space<hbm>> -> memref<128x32xf32, #tpu.memory_space<hbm>>
          %dma_wait3A_102 = arith.constant 0 : i32
          %dma_wait3A_103 = tpu.memref_slice %arg7[%multiple_of3A_78, %dma_wait3A_102] : memref<800000x32xf32, #tpu.memory_space<hbm>> -> memref<128x32xf32, #tpu.memory_space<hbm>>
          tpu.wait_dma2 semaphore(%arg23 : memref<!tpu.dma_semaphore, #tpu.memory_space<semaphore_mem>>) src(%arg17 : memref<128x32xf32, #tpu.memory_space<vmem>>) dst(%dma_wait3A_103 : memref<128x32xf32, #tpu.memory_space<hbm>>)
          %dma_wait3A_104 = arith.constant 0 : i32
          %dma_wait3A_105 = tpu.memref_slice %arg8[%multiple_of3A_78, %dma_wait3A_104] : memref<800000x32xf32, #tpu.memory_space<hbm>> -> memref<128x32xf32, #tpu.memory_space<hbm>>
          %dma_wait3A_106 = arith.constant 0 : i32
          %dma_wait3A_107 = tpu.memref_slice %arg8[%multiple_of3A_78, %dma_wait3A_106] : memref<800000x32xf32, #tpu.memory_space<hbm>> -> memref<128x32xf32, #tpu.memory_space<hbm>>
          tpu.wait_dma2 semaphore(%arg23 : memref<!tpu.dma_semaphore, #tpu.memory_space<semaphore_mem>>) src(%arg18 : memref<128x32xf32, #tpu.memory_space<vmem>>) dst(%dma_wait3A_107 : memref<128x32xf32, #tpu.memory_space<hbm>>)
          %dma_wait3A_108 = arith.constant 0 : i32
          %dma_wait3A_109 = tpu.memref_slice %arg9[%multiple_of3A_78, %dma_wait3A_108] : memref<800000x32xf32, #tpu.memory_space<hbm>> -> memref<128x32xf32, #tpu.memory_space<hbm>>
          %dma_wait3A_110 = arith.constant 0 : i32
          %dma_wait3A_111 = tpu.memref_slice %arg9[%multiple_of3A_78, %dma_wait3A_110] : memref<800000x32xf32, #tpu.memory_space<hbm>> -> memref<128x32xf32, #tpu.memory_space<hbm>>
          tpu.wait_dma2 semaphore(%arg23 : memref<!tpu.dma_semaphore, #tpu.memory_space<semaphore_mem>>) src(%arg19 : memref<128x32xf32, #tpu.memory_space<vmem>>) dst(%dma_wait3A_111 : memref<128x32xf32, #tpu.memory_space<hbm>>)
        } else {
        }
        %dma_wait3A_64 = arith.constant 0 : i32
        %dma_wait3A_65 = tpu.memref_slice %arg7[%multiple_of3A, %dma_wait3A_64] : memref<800000x32xf32, #tpu.memory_space<hbm>> -> memref<128x32xf32, #tpu.memory_space<hbm>>
        %dma_wait3A_66 = arith.constant 0 : i32
        %dma_wait3A_67 = tpu.memref_slice %arg7[%multiple_of3A, %dma_wait3A_66] : memref<800000x32xf32, #tpu.memory_space<hbm>> -> memref<128x32xf32, #tpu.memory_space<hbm>>
        tpu.wait_dma2 semaphore(%arg22 : memref<!tpu.dma_semaphore, #tpu.memory_space<semaphore_mem>>) src(%arg12 : memref<128x32xf32, #tpu.memory_space<vmem>>) dst(%dma_wait3A_67 : memref<128x32xf32, #tpu.memory_space<hbm>>)
        %dma_wait3A_68 = arith.constant 0 : i32
        %dma_wait3A_69 = tpu.memref_slice %arg8[%multiple_of3A, %dma_wait3A_68] : memref<800000x32xf32, #tpu.memory_space<hbm>> -> memref<128x32xf32, #tpu.memory_space<hbm>>
        %dma_wait3A_70 = arith.constant 0 : i32
        %dma_wait3A_71 = tpu.memref_slice %arg8[%multiple_of3A, %dma_wait3A_70] : memref<800000x32xf32, #tpu.memory_space<hbm>> -> memref<128x32xf32, #tpu.memory_space<hbm>>
        tpu.wait_dma2 semaphore(%arg22 : memref<!tpu.dma_semaphore, #tpu.memory_space<semaphore_mem>>) src(%arg13 : memref<128x32xf32, #tpu.memory_space<vmem>>) dst(%dma_wait3A_71 : memref<128x32xf32, #tpu.memory_space<hbm>>)
        %dma_wait3A_72 = arith.constant 0 : i32
        %dma_wait3A_73 = tpu.memref_slice %arg9[%multiple_of3A, %dma_wait3A_72] : memref<800000x32xf32, #tpu.memory_space<hbm>> -> memref<128x32xf32, #tpu.memory_space<hbm>>
        %dma_wait3A_74 = arith.constant 0 : i32
        %dma_wait3A_75 = tpu.memref_slice %arg9[%multiple_of3A, %dma_wait3A_74] : memref<800000x32xf32, #tpu.memory_space<hbm>> -> memref<128x32xf32, #tpu.memory_space<hbm>>
        tpu.wait_dma2 semaphore(%arg22 : memref<!tpu.dma_semaphore, #tpu.memory_space<semaphore_mem>>) src(%arg14 : memref<128x32xf32, #tpu.memory_space<vmem>>) dst(%dma_wait3A_75 : memref<128x32xf32, #tpu.memory_space<hbm>>)
      } else {
      }
      %scan3A_23 = arith.constant 0 : i32
      scf.yield %scan3A_23 : i32
    }
    %scan3A_6 = arith.constant 98 : i32
    return
  }
}

#map = affine_map<(d0, d1) -> (0, 0)>
#map1 = affine_map<(d0, d1) -> (0)>
#map2 = affine_map<(d0, d1) -> (0, 0, 0)>
module attributes {stable_mosaic.version = 14 : i64} {
  func.func @kern(%arg0: i32, %arg1: i32, %arg2: memref<800000x16xf32, #tpu.memory_space<hbm>>, %arg3: memref<800000xi32, #tpu.memory_space<hbm>>, %arg4: memref<50000x16xf32, #tpu.memory_space<hbm>>, %arg5: memref<2x50000x16xf32, #tpu.memory_space<hbm>>, %arg6: memref<128xi32, #tpu.memory_space<vmem>>, %arg7: memref<128x16xf32, #tpu.memory_space<vmem>>, %arg8: memref<128xi32, #tpu.memory_space<vmem>>, %arg9: memref<128x16xf32, #tpu.memory_space<vmem>>, %arg10: memref<50000x16xf32, #tpu.memory_space<vmem_shared>>, %arg11: memref<!tpu.dma_semaphore, #tpu.memory_space<semaphore_mem>>, %arg12: memref<!tpu.dma_semaphore, #tpu.memory_space<semaphore_mem>>, %arg13: memref<!tpu.dma_semaphore, #tpu.memory_space<semaphore_mem>>, %arg14: memref<!tpu.dma_semaphore, #tpu.memory_space<semaphore_mem>>) attributes {dimension_semantics = [#tpu.dimension_semantics<core_parallel>, #tpu.dimension_semantics<subcore_parallel>], iteration_bounds = array<i64: 2, 16>, scalar_prefetch = 0 : i64, scratch_operands = 9 : i64, tpu.core_type = #tpu.core_type<sc_vector_subcore>, window_params = [{transform_indices = #map}, {transform_indices = #map1}, {transform_indices = #map}, {transform_indices = #map2}]} {
    %mul3A = arith.constant 2 : i32
    %mul3A_0 = arith.muli %arg1, %mul3A : i32
    %add3A = arith.addi %mul3A_0, %arg0 : i32
    %mul3A_1 = arith.constant 3125 : i32
    %mul3A_2 = arith.muli %arg1, %mul3A_1 : i32
    "tpu.region"() ({
      %run_scoped3A = tpu.sem_alloc : memref<!tpu.dma_semaphore, #tpu.memory_space<semaphore_mem>>
      %dma_start3A = arith.constant 0 : i32
      %dma_start3A_10 = tpu.memref_slice %arg10[%mul3A_2, %dma_start3A] : memref<50000x16xf32, #tpu.memory_space<vmem_shared>> -> memref<3125x16xf32, #tpu.memory_space<vmem_shared>>
      %dma_start3A_11 = arith.constant 0 : i32
      %dma_start3A_12 = tpu.memref_slice %arg4[%mul3A_2, %dma_start3A_11] : memref<50000x16xf32, #tpu.memory_space<hbm>> -> memref<3125x16xf32, #tpu.memory_space<hbm>>
      tpu.enqueue_dma source(%dma_start3A_12 : memref<3125x16xf32, #tpu.memory_space<hbm>>) target(%dma_start3A_10 : memref<3125x16xf32, #tpu.memory_space<vmem_shared>>) target_semaphore(%run_scoped3A : memref<!tpu.dma_semaphore, #tpu.memory_space<semaphore_mem>>)
      %dma_wait3A = arith.constant 0 : i32
      %dma_wait3A_13 = tpu.memref_slice %arg10[%mul3A_2, %dma_wait3A] : memref<50000x16xf32, #tpu.memory_space<vmem_shared>> -> memref<3125x16xf32, #tpu.memory_space<vmem_shared>>
      %dma_wait3A_14 = arith.constant 0 : i32
      %dma_wait3A_15 = tpu.memref_slice %arg4[%mul3A_2, %dma_wait3A_14] : memref<50000x16xf32, #tpu.memory_space<hbm>> -> memref<3125x16xf32, #tpu.memory_space<hbm>>
      tpu.wait_dma2 semaphore(%run_scoped3A : memref<!tpu.dma_semaphore, #tpu.memory_space<semaphore_mem>>) src(%dma_wait3A_15 : memref<3125x16xf32, #tpu.memory_space<hbm>>) dst(%dma_wait3A_13 : memref<3125x16xf32, #tpu.memory_space<vmem_shared>>)
      tpu.yield
    }) : () -> ()
    %barrier3A = arith.constant 0 : index
    tpu.barrier barrier_id(%barrier3A)
    %scan3A = arith.constant 0 : i32
    %scan3A_3 = arith.constant 0 : i32
    %scan3A_4 = arith.constant 98 : i32
    %scan3A_5 = arith.addi %scan3A_3, %scan3A_4 : i32
    %scan3A_6 = arith.constant 1 : i32
    %scan3A_7 = scf.for %scan3A_10 = %scan3A_3 to %scan3A_5 step %scan3A_6 iter_args(%scan3A_11 = %scan3A) -> (i32)  : i32 {
      %mul3A_12 = arith.constant 2 : i32
      %mul3A_13 = arith.muli %mul3A_12, %scan3A_10 : i32
      %mul3A_14 = arith.constant 32 : i32
      %mul3A_15 = arith.muli %mul3A_13, %mul3A_14 : i32
      %add3A_16 = arith.addi %add3A, %mul3A_15 : i32
      %mul3A_17 = arith.constant 2 : i32
      %mul3A_18 = arith.muli %mul3A_17, %scan3A_10 : i32
      %add3A_19 = arith.constant 1 : i32
      %add3A_20 = arith.addi %mul3A_18, %add3A_19 : i32
      %mul3A_21 = arith.constant 32 : i32
      %mul3A_22 = arith.muli %add3A_20, %mul3A_21 : i32
      %add3A_23 = arith.addi %add3A, %mul3A_22 : i32
      %lt3A = arith.constant 6250 : i32
      %lt3A_24 = arith.cmpi slt, %add3A_16, %lt3A : i32
      %convert_element_type3A = arith.extui %lt3A_24 : i1 to i32
      %cond3A = arith.constant 0 : i32
      %cond3A_25 = arith.cmpi ne, %convert_element_type3A, %cond3A : i32
      scf.if %cond3A_25 {
        %mul3A_27 = arith.constant 128 : i32
        %mul3A_28 = arith.muli %add3A_16, %mul3A_27 : i32
        %multiple_of3A = tpu.assume_multiple %mul3A_28, 128 : i32
        %dma_start3A = tpu.memref_slice %arg3[%multiple_of3A] : memref<800000xi32, #tpu.memory_space<hbm>> -> memref<128xi32, #tpu.memory_space<hbm>>
        %dma_start3A_29 = tpu.memref_slice %arg3[%multiple_of3A] : memref<800000xi32, #tpu.memory_space<hbm>> -> memref<128xi32, #tpu.memory_space<hbm>>
        tpu.enqueue_dma source(%dma_start3A_29 : memref<128xi32, #tpu.memory_space<hbm>>) target(%arg6 : memref<128xi32, #tpu.memory_space<vmem>>) target_semaphore(%arg11 : memref<!tpu.dma_semaphore, #tpu.memory_space<semaphore_mem>>)
        %dma_start3A_30 = arith.constant 0 : i32
        %dma_start3A_31 = tpu.memref_slice %arg2[%multiple_of3A, %dma_start3A_30] : memref<800000x16xf32, #tpu.memory_space<hbm>> -> memref<128x16xf32, #tpu.memory_space<hbm>>
        %dma_start3A_32 = arith.constant 0 : i32
        %dma_start3A_33 = tpu.memref_slice %arg2[%multiple_of3A, %dma_start3A_32] : memref<800000x16xf32, #tpu.memory_space<hbm>> -> memref<128x16xf32, #tpu.memory_space<hbm>>
        tpu.enqueue_dma source(%dma_start3A_33 : memref<128x16xf32, #tpu.memory_space<hbm>>) target(%arg7 : memref<128x16xf32, #tpu.memory_space<vmem>>) target_semaphore(%arg11 : memref<!tpu.dma_semaphore, #tpu.memory_space<semaphore_mem>>)
        %lt3A_34 = arith.constant 6250 : i32
        %lt3A_35 = arith.cmpi slt, %add3A_23, %lt3A_34 : i32
        %convert_element_type3A_36 = arith.extui %lt3A_35 : i1 to i32
        %cond3A_37 = arith.constant 0 : i32
        %cond3A_38 = arith.cmpi ne, %convert_element_type3A_36, %cond3A_37 : i32
        scf.if %cond3A_38 {
          %mul3A_55 = arith.constant 128 : i32
          %mul3A_56 = arith.muli %add3A_23, %mul3A_55 : i32
          %multiple_of3A_57 = tpu.assume_multiple %mul3A_56, 128 : i32
          %dma_start3A_58 = tpu.memref_slice %arg3[%multiple_of3A_57] : memref<800000xi32, #tpu.memory_space<hbm>> -> memref<128xi32, #tpu.memory_space<hbm>>
          %dma_start3A_59 = tpu.memref_slice %arg3[%multiple_of3A_57] : memref<800000xi32, #tpu.memory_space<hbm>> -> memref<128xi32, #tpu.memory_space<hbm>>
          tpu.enqueue_dma source(%dma_start3A_59 : memref<128xi32, #tpu.memory_space<hbm>>) target(%arg8 : memref<128xi32, #tpu.memory_space<vmem>>) target_semaphore(%arg12 : memref<!tpu.dma_semaphore, #tpu.memory_space<semaphore_mem>>)
          %dma_start3A_60 = arith.constant 0 : i32
          %dma_start3A_61 = tpu.memref_slice %arg2[%multiple_of3A_57, %dma_start3A_60] : memref<800000x16xf32, #tpu.memory_space<hbm>> -> memref<128x16xf32, #tpu.memory_space<hbm>>
          %dma_start3A_62 = arith.constant 0 : i32
          %dma_start3A_63 = tpu.memref_slice %arg2[%multiple_of3A_57, %dma_start3A_62] : memref<800000x16xf32, #tpu.memory_space<hbm>> -> memref<128x16xf32, #tpu.memory_space<hbm>>
          tpu.enqueue_dma source(%dma_start3A_63 : memref<128x16xf32, #tpu.memory_space<hbm>>) target(%arg9 : memref<128x16xf32, #tpu.memory_space<vmem>>) target_semaphore(%arg12 : memref<!tpu.dma_semaphore, #tpu.memory_space<semaphore_mem>>)
        } else {
        }
        %dma_wait3A = tpu.memref_slice %arg3[%multiple_of3A] : memref<800000xi32, #tpu.memory_space<hbm>> -> memref<128xi32, #tpu.memory_space<hbm>>
        %dma_wait3A_39 = tpu.memref_slice %arg3[%multiple_of3A] : memref<800000xi32, #tpu.memory_space<hbm>> -> memref<128xi32, #tpu.memory_space<hbm>>
        tpu.wait_dma2 semaphore(%arg11 : memref<!tpu.dma_semaphore, #tpu.memory_space<semaphore_mem>>) src(%dma_wait3A_39 : memref<128xi32, #tpu.memory_space<hbm>>) dst(%arg6 : memref<128xi32, #tpu.memory_space<vmem>>)
        %dma_wait3A_40 = arith.constant 0 : i32
        %dma_wait3A_41 = tpu.memref_slice %arg2[%multiple_of3A, %dma_wait3A_40] : memref<800000x16xf32, #tpu.memory_space<hbm>> -> memref<128x16xf32, #tpu.memory_space<hbm>>
        %dma_wait3A_42 = arith.constant 0 : i32
        %dma_wait3A_43 = tpu.memref_slice %arg2[%multiple_of3A, %dma_wait3A_42] : memref<800000x16xf32, #tpu.memory_space<hbm>> -> memref<128x16xf32, #tpu.memory_space<hbm>>
        tpu.wait_dma2 semaphore(%arg11 : memref<!tpu.dma_semaphore, #tpu.memory_space<semaphore_mem>>) src(%dma_wait3A_43 : memref<128x16xf32, #tpu.memory_space<hbm>>) dst(%arg7 : memref<128x16xf32, #tpu.memory_space<vmem>>)
        %dma_start3A_44 = arith.constant 0 : i32
        %dma_start3A_45 = arith.constant 0 : i32
        %dma_start3A_46 = tpu.memref_slice %arg10[%dma_start3A_44, %dma_start3A_45] : memref<50000x16xf32, #tpu.memory_space<vmem_shared>> -> memref<50000x16xf32, #tpu.memory_space<vmem_shared>>
        tpu.enqueue_indirect_dma source(%arg7 : memref<128x16xf32, #tpu.memory_space<vmem>>) target(%dma_start3A_46 : memref<50000x16xf32, #tpu.memory_space<vmem_shared>>) offsets(%arg6 : memref<128xi32, #tpu.memory_space<vmem>>) semaphore(%arg13 : memref<!tpu.dma_semaphore, #tpu.memory_space<semaphore_mem>>) {add = true}
        %lt3A_47 = arith.constant 6250 : i32
        %lt3A_48 = arith.cmpi slt, %add3A_23, %lt3A_47 : i32
        %convert_element_type3A_49 = arith.extui %lt3A_48 : i1 to i32
        %cond3A_50 = arith.constant 0 : i32
        %cond3A_51 = arith.cmpi ne, %convert_element_type3A_49, %cond3A_50 : i32
        scf.if %cond3A_51 {
          %mul3A_55 = arith.constant 128 : i32
          %mul3A_56 = arith.muli %add3A_23, %mul3A_55 : i32
          %multiple_of3A_57 = tpu.assume_multiple %mul3A_56, 128 : i32
          %dma_wait3A_58 = tpu.memref_slice %arg3[%multiple_of3A_57] : memref<800000xi32, #tpu.memory_space<hbm>> -> memref<128xi32, #tpu.memory_space<hbm>>
          %dma_wait3A_59 = tpu.memref_slice %arg3[%multiple_of3A_57] : memref<800000xi32, #tpu.memory_space<hbm>> -> memref<128xi32, #tpu.memory_space<hbm>>
          tpu.wait_dma2 semaphore(%arg12 : memref<!tpu.dma_semaphore, #tpu.memory_space<semaphore_mem>>) src(%dma_wait3A_59 : memref<128xi32, #tpu.memory_space<hbm>>) dst(%arg8 : memref<128xi32, #tpu.memory_space<vmem>>)
          %dma_wait3A_60 = arith.constant 0 : i32
          %dma_wait3A_61 = tpu.memref_slice %arg2[%multiple_of3A_57, %dma_wait3A_60] : memref<800000x16xf32, #tpu.memory_space<hbm>> -> memref<128x16xf32, #tpu.memory_space<hbm>>
          %dma_wait3A_62 = arith.constant 0 : i32
          %dma_wait3A_63 = tpu.memref_slice %arg2[%multiple_of3A_57, %dma_wait3A_62] : memref<800000x16xf32, #tpu.memory_space<hbm>> -> memref<128x16xf32, #tpu.memory_space<hbm>>
          tpu.wait_dma2 semaphore(%arg12 : memref<!tpu.dma_semaphore, #tpu.memory_space<semaphore_mem>>) src(%dma_wait3A_63 : memref<128x16xf32, #tpu.memory_space<hbm>>) dst(%arg9 : memref<128x16xf32, #tpu.memory_space<vmem>>)
          %dma_start3A_64 = arith.constant 0 : i32
          %dma_start3A_65 = arith.constant 0 : i32
          %dma_start3A_66 = tpu.memref_slice %arg10[%dma_start3A_64, %dma_start3A_65] : memref<50000x16xf32, #tpu.memory_space<vmem_shared>> -> memref<50000x16xf32, #tpu.memory_space<vmem_shared>>
          tpu.enqueue_indirect_dma source(%arg9 : memref<128x16xf32, #tpu.memory_space<vmem>>) target(%dma_start3A_66 : memref<50000x16xf32, #tpu.memory_space<vmem_shared>>) offsets(%arg8 : memref<128xi32, #tpu.memory_space<vmem>>) semaphore(%arg14 : memref<!tpu.dma_semaphore, #tpu.memory_space<semaphore_mem>>) {add = true}
          %dma_wait3A_67 = arith.constant 0 : i32
          %dma_wait3A_68 = arith.constant 0 : i32
          %dma_wait3A_69 = tpu.memref_slice %arg10[%dma_wait3A_67, %dma_wait3A_68] : memref<50000x16xf32, #tpu.memory_space<vmem_shared>> -> memref<50000x16xf32, #tpu.memory_space<vmem_shared>>
          tpu.wait_indirect_dma semaphore(%arg14 : memref<!tpu.dma_semaphore, #tpu.memory_space<semaphore_mem>>) src(%arg9 : memref<128x16xf32, #tpu.memory_space<vmem>>) dst(%dma_wait3A_69 : memref<50000x16xf32, #tpu.memory_space<vmem_shared>>)
        } else {
        }
        %dma_wait3A_52 = arith.constant 0 : i32
        %dma_wait3A_53 = arith.constant 0 : i32
        %dma_wait3A_54 = tpu.memref_slice %arg10[%dma_wait3A_52, %dma_wait3A_53] : memref<50000x16xf32, #tpu.memory_space<vmem_shared>> -> memref<50000x16xf32, #tpu.memory_space<vmem_shared>>
        tpu.wait_indirect_dma semaphore(%arg13 : memref<!tpu.dma_semaphore, #tpu.memory_space<semaphore_mem>>) src(%arg7 : memref<128x16xf32, #tpu.memory_space<vmem>>) dst(%dma_wait3A_54 : memref<50000x16xf32, #tpu.memory_space<vmem_shared>>)
      } else {
      }
      %scan3A_26 = arith.constant 0 : i32
      scf.yield %scan3A_26 : i32
    }
    %scan3A_8 = arith.constant 98 : i32
    %barrier3A_9 = arith.constant 0 : index
    tpu.barrier barrier_id(%barrier3A_9)
    "tpu.region"() ({
      %run_scoped3A = tpu.sem_alloc : memref<!tpu.dma_semaphore, #tpu.memory_space<semaphore_mem>>
      %dma_start3A = arith.constant 0 : i32
      %dma_start3A_10 = tpu.memref_slice %arg5[%arg0, %mul3A_2, %dma_start3A] : memref<2x50000x16xf32, #tpu.memory_space<hbm>> -> memref<1x3125x16xf32, #tpu.memory_space<hbm>>
      %dma_start3A_11 = tpu.memref_squeeze %dma_start3A_10 : memref<1x3125x16xf32, #tpu.memory_space<hbm>> -> memref<3125x16xf32, #tpu.memory_space<hbm>>
      %dma_start3A_12 = arith.constant 0 : i32
      %dma_start3A_13 = tpu.memref_slice %arg10[%mul3A_2, %dma_start3A_12] : memref<50000x16xf32, #tpu.memory_space<vmem_shared>> -> memref<3125x16xf32, #tpu.memory_space<vmem_shared>>
      tpu.enqueue_dma source(%dma_start3A_13 : memref<3125x16xf32, #tpu.memory_space<vmem_shared>>) target(%dma_start3A_11 : memref<3125x16xf32, #tpu.memory_space<hbm>>) target_semaphore(%run_scoped3A : memref<!tpu.dma_semaphore, #tpu.memory_space<semaphore_mem>>)
      %dma_wait3A = arith.constant 0 : i32
      %dma_wait3A_14 = tpu.memref_slice %arg5[%arg0, %mul3A_2, %dma_wait3A] : memref<2x50000x16xf32, #tpu.memory_space<hbm>> -> memref<1x3125x16xf32, #tpu.memory_space<hbm>>
      %dma_wait3A_15 = tpu.memref_squeeze %dma_wait3A_14 : memref<1x3125x16xf32, #tpu.memory_space<hbm>> -> memref<3125x16xf32, #tpu.memory_space<hbm>>
      %dma_wait3A_16 = arith.constant 0 : i32
      %dma_wait3A_17 = tpu.memref_slice %arg10[%mul3A_2, %dma_wait3A_16] : memref<50000x16xf32, #tpu.memory_space<vmem_shared>> -> memref<3125x16xf32, #tpu.memory_space<vmem_shared>>
      tpu.wait_dma2 semaphore(%run_scoped3A : memref<!tpu.dma_semaphore, #tpu.memory_space<semaphore_mem>>) src(%dma_wait3A_17 : memref<3125x16xf32, #tpu.memory_space<vmem_shared>>) dst(%dma_wait3A_15 : memref<3125x16xf32, #tpu.memory_space<hbm>>)
      tpu.yield
    }) : () -> ()
    return
  }
}

#map = affine_map<(d0, d1) -> (0, 0)>
#map1 = affine_map<(d0, d1) -> (0)>
module attributes {stable_mosaic.version = 14 : i64} {
  func.func @kern(%arg0: i32, %arg1: i32, %arg2: memref<50000x32xf32, #tpu.memory_space<hbm>>, %arg3: memref<50000x32xf32, #tpu.memory_space<hbm>>, %arg4: memref<50000x32xf32, #tpu.memory_space<hbm>>, %arg5: memref<800000xi32, #tpu.memory_space<hbm>>, %arg6: memref<800000xi32, #tpu.memory_space<hbm>>, %arg7: memref<800000x32xf32, #tpu.memory_space<hbm>>, %arg8: memref<800000x32xf32, #tpu.memory_space<hbm>>, %arg9: memref<800000x32xf32, #tpu.memory_space<hbm>>, %arg10: memref<128xi32, #tpu.memory_space<vmem>>, %arg11: memref<128xi32, #tpu.memory_space<vmem>>, %arg12: memref<128x32xf32, #tpu.memory_space<vmem>>, %arg13: memref<128x32xf32, #tpu.memory_space<vmem>>, %arg14: memref<128x32xf32, #tpu.memory_space<vmem>>, %arg15: memref<128xi32, #tpu.memory_space<vmem>>, %arg16: memref<128xi32, #tpu.memory_space<vmem>>, %arg17: memref<128x32xf32, #tpu.memory_space<vmem>>, %arg18: memref<128x32xf32, #tpu.memory_space<vmem>>, %arg19: memref<128x32xf32, #tpu.memory_space<vmem>>, %arg20: memref<!tpu.dma_semaphore, #tpu.memory_space<semaphore_mem>>, %arg21: memref<!tpu.dma_semaphore, #tpu.memory_space<semaphore_mem>>, %arg22: memref<!tpu.dma_semaphore, #tpu.memory_space<semaphore_mem>>, %arg23: memref<!tpu.dma_semaphore, #tpu.memory_space<semaphore_mem>>) attributes {dimension_semantics = [#tpu.dimension_semantics<core_parallel>, #tpu.dimension_semantics<subcore_parallel>], iteration_bounds = array<i64: 2, 16>, scalar_prefetch = 0 : i64, scratch_operands = 14 : i64, tpu.core_type = #tpu.core_type<sc_vector_subcore>, window_params = [{transform_indices = #map}, {transform_indices = #map}, {transform_indices = #map}, {transform_indices = #map1}, {transform_indices = #map1}, {transform_indices = #map}, {transform_indices = #map}, {transform_indices = #map}]} {
    %mul3A = arith.constant 2 : i32
    %mul3A_0 = arith.muli %arg1, %mul3A : i32
    %add3A = arith.addi %mul3A_0, %arg0 : i32
    %scan3A = arith.constant 0 : i32
    %scan3A_1 = arith.constant 0 : i32
    %scan3A_2 = arith.constant 98 : i32
    %scan3A_3 = arith.addi %scan3A_1, %scan3A_2 : i32
    %scan3A_4 = arith.constant 1 : i32
    %scan3A_5 = scf.for %scan3A_7 = %scan3A_1 to %scan3A_3 step %scan3A_4 iter_args(%scan3A_8 = %scan3A) -> (i32)  : i32 {
      %mul3A_9 = arith.constant 2 : i32
      %mul3A_10 = arith.muli %mul3A_9, %scan3A_7 : i32
      %mul3A_11 = arith.constant 32 : i32
      %mul3A_12 = arith.muli %mul3A_10, %mul3A_11 : i32
      %add3A_13 = arith.addi %add3A, %mul3A_12 : i32
      %mul3A_14 = arith.constant 2 : i32
      %mul3A_15 = arith.muli %mul3A_14, %scan3A_7 : i32
      %add3A_16 = arith.constant 1 : i32
      %add3A_17 = arith.addi %mul3A_15, %add3A_16 : i32
      %mul3A_18 = arith.constant 32 : i32
      %mul3A_19 = arith.muli %add3A_17, %mul3A_18 : i32
      %add3A_20 = arith.addi %add3A, %mul3A_19 : i32
      %lt3A = arith.constant 6250 : i32
      %lt3A_21 = arith.cmpi slt, %add3A_13, %lt3A : i32
      %convert_element_type3A = arith.extui %lt3A_21 : i1 to i32
      %cond3A = arith.constant 0 : i32
      %cond3A_22 = arith.cmpi ne, %convert_element_type3A, %cond3A : i32
      scf.if %cond3A_22 {
        %mul3A_24 = arith.constant 128 : i32
        %mul3A_25 = arith.muli %add3A_13, %mul3A_24 : i32
        %multiple_of3A = tpu.assume_multiple %mul3A_25, 128 : i32
        "tpu.region"() ({
          %run_scoped3A = tpu.sem_alloc : memref<!tpu.dma_semaphore, #tpu.memory_space<semaphore_mem>>
          %dma_start3A_76 = tpu.memref_slice %arg5[%multiple_of3A] : memref<800000xi32, #tpu.memory_space<hbm>> -> memref<128xi32, #tpu.memory_space<hbm>>
          %dma_start3A_77 = tpu.memref_slice %arg5[%multiple_of3A] : memref<800000xi32, #tpu.memory_space<hbm>> -> memref<128xi32, #tpu.memory_space<hbm>>
          tpu.enqueue_dma source(%dma_start3A_77 : memref<128xi32, #tpu.memory_space<hbm>>) target(%arg10 : memref<128xi32, #tpu.memory_space<vmem>>) target_semaphore(%run_scoped3A : memref<!tpu.dma_semaphore, #tpu.memory_space<semaphore_mem>>)
          %dma_wait3A_78 = tpu.memref_slice %arg5[%multiple_of3A] : memref<800000xi32, #tpu.memory_space<hbm>> -> memref<128xi32, #tpu.memory_space<hbm>>
          %dma_wait3A_79 = tpu.memref_slice %arg5[%multiple_of3A] : memref<800000xi32, #tpu.memory_space<hbm>> -> memref<128xi32, #tpu.memory_space<hbm>>
          tpu.wait_dma2 semaphore(%run_scoped3A : memref<!tpu.dma_semaphore, #tpu.memory_space<semaphore_mem>>) src(%dma_wait3A_79 : memref<128xi32, #tpu.memory_space<hbm>>) dst(%arg10 : memref<128xi32, #tpu.memory_space<vmem>>)
          tpu.yield
        }) : () -> ()
        "tpu.region"() ({
          %run_scoped3A = tpu.sem_alloc : memref<!tpu.dma_semaphore, #tpu.memory_space<semaphore_mem>>
          %dma_start3A_76 = tpu.memref_slice %arg6[%multiple_of3A] : memref<800000xi32, #tpu.memory_space<hbm>> -> memref<128xi32, #tpu.memory_space<hbm>>
          %dma_start3A_77 = tpu.memref_slice %arg6[%multiple_of3A] : memref<800000xi32, #tpu.memory_space<hbm>> -> memref<128xi32, #tpu.memory_space<hbm>>
          tpu.enqueue_dma source(%dma_start3A_77 : memref<128xi32, #tpu.memory_space<hbm>>) target(%arg11 : memref<128xi32, #tpu.memory_space<vmem>>) target_semaphore(%run_scoped3A : memref<!tpu.dma_semaphore, #tpu.memory_space<semaphore_mem>>)
          %dma_wait3A_78 = tpu.memref_slice %arg6[%multiple_of3A] : memref<800000xi32, #tpu.memory_space<hbm>> -> memref<128xi32, #tpu.memory_space<hbm>>
          %dma_wait3A_79 = tpu.memref_slice %arg6[%multiple_of3A] : memref<800000xi32, #tpu.memory_space<hbm>> -> memref<128xi32, #tpu.memory_space<hbm>>
          tpu.wait_dma2 semaphore(%run_scoped3A : memref<!tpu.dma_semaphore, #tpu.memory_space<semaphore_mem>>) src(%dma_wait3A_79 : memref<128xi32, #tpu.memory_space<hbm>>) dst(%arg11 : memref<128xi32, #tpu.memory_space<vmem>>)
          tpu.yield
        }) : () -> ()
        %dma_start3A = arith.constant 0 : i32
        %dma_start3A_26 = arith.constant 0 : i32
        %dma_start3A_27 = tpu.memref_slice %arg2[%dma_start3A, %dma_start3A_26] : memref<50000x32xf32, #tpu.memory_space<hbm>> -> memref<50000x32xf32, #tpu.memory_space<hbm>>
        tpu.enqueue_indirect_dma source(%dma_start3A_27 : memref<50000x32xf32, #tpu.memory_space<hbm>>) target(%arg12 : memref<128x32xf32, #tpu.memory_space<vmem>>) offsets(%arg10 : memref<128xi32, #tpu.memory_space<vmem>>) semaphore(%arg20 : memref<!tpu.dma_semaphore, #tpu.memory_space<semaphore_mem>>)
        %dma_start3A_28 = arith.constant 0 : i32
        %dma_start3A_29 = arith.constant 0 : i32
        %dma_start3A_30 = tpu.memref_slice %arg3[%dma_start3A_28, %dma_start3A_29] : memref<50000x32xf32, #tpu.memory_space<hbm>> -> memref<50000x32xf32, #tpu.memory_space<hbm>>
        tpu.enqueue_indirect_dma source(%dma_start3A_30 : memref<50000x32xf32, #tpu.memory_space<hbm>>) target(%arg13 : memref<128x32xf32, #tpu.memory_space<vmem>>) offsets(%arg11 : memref<128xi32, #tpu.memory_space<vmem>>) semaphore(%arg20 : memref<!tpu.dma_semaphore, #tpu.memory_space<semaphore_mem>>)
        %dma_start3A_31 = arith.constant 0 : i32
        %dma_start3A_32 = arith.constant 0 : i32
        %dma_start3A_33 = tpu.memref_slice %arg4[%dma_start3A_31, %dma_start3A_32] : memref<50000x32xf32, #tpu.memory_space<hbm>> -> memref<50000x32xf32, #tpu.memory_space<hbm>>
        tpu.enqueue_indirect_dma source(%dma_start3A_33 : memref<50000x32xf32, #tpu.memory_space<hbm>>) target(%arg14 : memref<128x32xf32, #tpu.memory_space<vmem>>) offsets(%arg11 : memref<128xi32, #tpu.memory_space<vmem>>) semaphore(%arg20 : memref<!tpu.dma_semaphore, #tpu.memory_space<semaphore_mem>>)
        %lt3A_34 = arith.constant 6250 : i32
        %lt3A_35 = arith.cmpi slt, %add3A_20, %lt3A_34 : i32
        %convert_element_type3A_36 = arith.extui %lt3A_35 : i1 to i32
        %cond3A_37 = arith.constant 0 : i32
        %cond3A_38 = arith.cmpi ne, %convert_element_type3A_36, %cond3A_37 : i32
        scf.if %cond3A_38 {
          %mul3A_76 = arith.constant 128 : i32
          %mul3A_77 = arith.muli %add3A_20, %mul3A_76 : i32
          %multiple_of3A_78 = tpu.assume_multiple %mul3A_77, 128 : i32
          "tpu.region"() ({
            %run_scoped3A = tpu.sem_alloc : memref<!tpu.dma_semaphore, #tpu.memory_space<semaphore_mem>>
            %dma_start3A_88 = tpu.memref_slice %arg5[%multiple_of3A_78] : memref<800000xi32, #tpu.memory_space<hbm>> -> memref<128xi32, #tpu.memory_space<hbm>>
            %dma_start3A_89 = tpu.memref_slice %arg5[%multiple_of3A_78] : memref<800000xi32, #tpu.memory_space<hbm>> -> memref<128xi32, #tpu.memory_space<hbm>>
            tpu.enqueue_dma source(%dma_start3A_89 : memref<128xi32, #tpu.memory_space<hbm>>) target(%arg15 : memref<128xi32, #tpu.memory_space<vmem>>) target_semaphore(%run_scoped3A : memref<!tpu.dma_semaphore, #tpu.memory_space<semaphore_mem>>)
            %dma_wait3A_90 = tpu.memref_slice %arg5[%multiple_of3A_78] : memref<800000xi32, #tpu.memory_space<hbm>> -> memref<128xi32, #tpu.memory_space<hbm>>
            %dma_wait3A_91 = tpu.memref_slice %arg5[%multiple_of3A_78] : memref<800000xi32, #tpu.memory_space<hbm>> -> memref<128xi32, #tpu.memory_space<hbm>>
            tpu.wait_dma2 semaphore(%run_scoped3A : memref<!tpu.dma_semaphore, #tpu.memory_space<semaphore_mem>>) src(%dma_wait3A_91 : memref<128xi32, #tpu.memory_space<hbm>>) dst(%arg15 : memref<128xi32, #tpu.memory_space<vmem>>)
            tpu.yield
          }) : () -> ()
          "tpu.region"() ({
            %run_scoped3A = tpu.sem_alloc : memref<!tpu.dma_semaphore, #tpu.memory_space<semaphore_mem>>
            %dma_start3A_88 = tpu.memref_slice %arg6[%multiple_of3A_78] : memref<800000xi32, #tpu.memory_space<hbm>> -> memref<128xi32, #tpu.memory_space<hbm>>
            %dma_start3A_89 = tpu.memref_slice %arg6[%multiple_of3A_78] : memref<800000xi32, #tpu.memory_space<hbm>> -> memref<128xi32, #tpu.memory_space<hbm>>
            tpu.enqueue_dma source(%dma_start3A_89 : memref<128xi32, #tpu.memory_space<hbm>>) target(%arg16 : memref<128xi32, #tpu.memory_space<vmem>>) target_semaphore(%run_scoped3A : memref<!tpu.dma_semaphore, #tpu.memory_space<semaphore_mem>>)
            %dma_wait3A_90 = tpu.memref_slice %arg6[%multiple_of3A_78] : memref<800000xi32, #tpu.memory_space<hbm>> -> memref<128xi32, #tpu.memory_space<hbm>>
            %dma_wait3A_91 = tpu.memref_slice %arg6[%multiple_of3A_78] : memref<800000xi32, #tpu.memory_space<hbm>> -> memref<128xi32, #tpu.memory_space<hbm>>
            tpu.wait_dma2 semaphore(%run_scoped3A : memref<!tpu.dma_semaphore, #tpu.memory_space<semaphore_mem>>) src(%dma_wait3A_91 : memref<128xi32, #tpu.memory_space<hbm>>) dst(%arg16 : memref<128xi32, #tpu.memory_space<vmem>>)
            tpu.yield
          }) : () -> ()
          %dma_start3A_79 = arith.constant 0 : i32
          %dma_start3A_80 = arith.constant 0 : i32
          %dma_start3A_81 = tpu.memref_slice %arg2[%dma_start3A_79, %dma_start3A_80] : memref<50000x32xf32, #tpu.memory_space<hbm>> -> memref<50000x32xf32, #tpu.memory_space<hbm>>
          tpu.enqueue_indirect_dma source(%dma_start3A_81 : memref<50000x32xf32, #tpu.memory_space<hbm>>) target(%arg17 : memref<128x32xf32, #tpu.memory_space<vmem>>) offsets(%arg15 : memref<128xi32, #tpu.memory_space<vmem>>) semaphore(%arg21 : memref<!tpu.dma_semaphore, #tpu.memory_space<semaphore_mem>>)
          %dma_start3A_82 = arith.constant 0 : i32
          %dma_start3A_83 = arith.constant 0 : i32
          %dma_start3A_84 = tpu.memref_slice %arg3[%dma_start3A_82, %dma_start3A_83] : memref<50000x32xf32, #tpu.memory_space<hbm>> -> memref<50000x32xf32, #tpu.memory_space<hbm>>
          tpu.enqueue_indirect_dma source(%dma_start3A_84 : memref<50000x32xf32, #tpu.memory_space<hbm>>) target(%arg18 : memref<128x32xf32, #tpu.memory_space<vmem>>) offsets(%arg16 : memref<128xi32, #tpu.memory_space<vmem>>) semaphore(%arg21 : memref<!tpu.dma_semaphore, #tpu.memory_space<semaphore_mem>>)
          %dma_start3A_85 = arith.constant 0 : i32
          %dma_start3A_86 = arith.constant 0 : i32
          %dma_start3A_87 = tpu.memref_slice %arg4[%dma_start3A_85, %dma_start3A_86] : memref<50000x32xf32, #tpu.memory_space<hbm>> -> memref<50000x32xf32, #tpu.memory_space<hbm>>
          tpu.enqueue_indirect_dma source(%dma_start3A_87 : memref<50000x32xf32, #tpu.memory_space<hbm>>) target(%arg19 : memref<128x32xf32, #tpu.memory_space<vmem>>) offsets(%arg16 : memref<128xi32, #tpu.memory_space<vmem>>) semaphore(%arg21 : memref<!tpu.dma_semaphore, #tpu.memory_space<semaphore_mem>>)
        } else {
        }
        %dma_wait3A = arith.constant 0 : i32
        %dma_wait3A_39 = arith.constant 0 : i32
        %dma_wait3A_40 = tpu.memref_slice %arg2[%dma_wait3A, %dma_wait3A_39] : memref<50000x32xf32, #tpu.memory_space<hbm>> -> memref<50000x32xf32, #tpu.memory_space<hbm>>
        tpu.wait_indirect_dma semaphore(%arg20 : memref<!tpu.dma_semaphore, #tpu.memory_space<semaphore_mem>>) src(%dma_wait3A_40 : memref<50000x32xf32, #tpu.memory_space<hbm>>) dst(%arg12 : memref<128x32xf32, #tpu.memory_space<vmem>>)
        %dma_wait3A_41 = arith.constant 0 : i32
        %dma_wait3A_42 = arith.constant 0 : i32
        %dma_wait3A_43 = tpu.memref_slice %arg3[%dma_wait3A_41, %dma_wait3A_42] : memref<50000x32xf32, #tpu.memory_space<hbm>> -> memref<50000x32xf32, #tpu.memory_space<hbm>>
        tpu.wait_indirect_dma semaphore(%arg20 : memref<!tpu.dma_semaphore, #tpu.memory_space<semaphore_mem>>) src(%dma_wait3A_43 : memref<50000x32xf32, #tpu.memory_space<hbm>>) dst(%arg13 : memref<128x32xf32, #tpu.memory_space<vmem>>)
        %dma_wait3A_44 = arith.constant 0 : i32
        %dma_wait3A_45 = arith.constant 0 : i32
        %dma_wait3A_46 = tpu.memref_slice %arg4[%dma_wait3A_44, %dma_wait3A_45] : memref<50000x32xf32, #tpu.memory_space<hbm>> -> memref<50000x32xf32, #tpu.memory_space<hbm>>
        tpu.wait_indirect_dma semaphore(%arg20 : memref<!tpu.dma_semaphore, #tpu.memory_space<semaphore_mem>>) src(%dma_wait3A_46 : memref<50000x32xf32, #tpu.memory_space<hbm>>) dst(%arg14 : memref<128x32xf32, #tpu.memory_space<vmem>>)
        %dma_start3A_47 = arith.constant 0 : i32
        %dma_start3A_48 = tpu.memref_slice %arg7[%multiple_of3A, %dma_start3A_47] : memref<800000x32xf32, #tpu.memory_space<hbm>> -> memref<128x32xf32, #tpu.memory_space<hbm>>
        %dma_start3A_49 = arith.constant 0 : i32
        %dma_start3A_50 = tpu.memref_slice %arg7[%multiple_of3A, %dma_start3A_49] : memref<800000x32xf32, #tpu.memory_space<hbm>> -> memref<128x32xf32, #tpu.memory_space<hbm>>
        tpu.enqueue_dma source(%arg12 : memref<128x32xf32, #tpu.memory_space<vmem>>) target(%dma_start3A_50 : memref<128x32xf32, #tpu.memory_space<hbm>>) target_semaphore(%arg22 : memref<!tpu.dma_semaphore, #tpu.memory_space<semaphore_mem>>)
        %dma_start3A_51 = arith.constant 0 : i32
        %dma_start3A_52 = tpu.memref_slice %arg8[%multiple_of3A, %dma_start3A_51] : memref<800000x32xf32, #tpu.memory_space<hbm>> -> memref<128x32xf32, #tpu.memory_space<hbm>>
        %dma_start3A_53 = arith.constant 0 : i32
        %dma_start3A_54 = tpu.memref_slice %arg8[%multiple_of3A, %dma_start3A_53] : memref<800000x32xf32, #tpu.memory_space<hbm>> -> memref<128x32xf32, #tpu.memory_space<hbm>>
        tpu.enqueue_dma source(%arg13 : memref<128x32xf32, #tpu.memory_space<vmem>>) target(%dma_start3A_54 : memref<128x32xf32, #tpu.memory_space<hbm>>) target_semaphore(%arg22 : memref<!tpu.dma_semaphore, #tpu.memory_space<semaphore_mem>>)
        %dma_start3A_55 = arith.constant 0 : i32
        %dma_start3A_56 = tpu.memref_slice %arg9[%multiple_of3A, %dma_start3A_55] : memref<800000x32xf32, #tpu.memory_space<hbm>> -> memref<128x32xf32, #tpu.memory_space<hbm>>
        %dma_start3A_57 = arith.constant 0 : i32
        %dma_start3A_58 = tpu.memref_slice %arg9[%multiple_of3A, %dma_start3A_57] : memref<800000x32xf32, #tpu.memory_space<hbm>> -> memref<128x32xf32, #tpu.memory_space<hbm>>
        tpu.enqueue_dma source(%arg14 : memref<128x32xf32, #tpu.memory_space<vmem>>) target(%dma_start3A_58 : memref<128x32xf32, #tpu.memory_space<hbm>>) target_semaphore(%arg22 : memref<!tpu.dma_semaphore, #tpu.memory_space<semaphore_mem>>)
        %lt3A_59 = arith.constant 6250 : i32
        %lt3A_60 = arith.cmpi slt, %add3A_20, %lt3A_59 : i32
        %convert_element_type3A_61 = arith.extui %lt3A_60 : i1 to i32
        %cond3A_62 = arith.constant 0 : i32
        %cond3A_63 = arith.cmpi ne, %convert_element_type3A_61, %cond3A_62 : i32
        scf.if %cond3A_63 {
          %mul3A_76 = arith.constant 128 : i32
          %mul3A_77 = arith.muli %add3A_20, %mul3A_76 : i32
          %multiple_of3A_78 = tpu.assume_multiple %mul3A_77, 128 : i32
          %dma_wait3A_79 = arith.constant 0 : i32
          %dma_wait3A_80 = arith.constant 0 : i32
          %dma_wait3A_81 = tpu.memref_slice %arg2[%dma_wait3A_79, %dma_wait3A_80] : memref<50000x32xf32, #tpu.memory_space<hbm>> -> memref<50000x32xf32, #tpu.memory_space<hbm>>
          tpu.wait_indirect_dma semaphore(%arg21 : memref<!tpu.dma_semaphore, #tpu.memory_space<semaphore_mem>>) src(%dma_wait3A_81 : memref<50000x32xf32, #tpu.memory_space<hbm>>) dst(%arg17 : memref<128x32xf32, #tpu.memory_space<vmem>>)
          %dma_wait3A_82 = arith.constant 0 : i32
          %dma_wait3A_83 = arith.constant 0 : i32
          %dma_wait3A_84 = tpu.memref_slice %arg3[%dma_wait3A_82, %dma_wait3A_83] : memref<50000x32xf32, #tpu.memory_space<hbm>> -> memref<50000x32xf32, #tpu.memory_space<hbm>>
          tpu.wait_indirect_dma semaphore(%arg21 : memref<!tpu.dma_semaphore, #tpu.memory_space<semaphore_mem>>) src(%dma_wait3A_84 : memref<50000x32xf32, #tpu.memory_space<hbm>>) dst(%arg18 : memref<128x32xf32, #tpu.memory_space<vmem>>)
          %dma_wait3A_85 = arith.constant 0 : i32
          %dma_wait3A_86 = arith.constant 0 : i32
          %dma_wait3A_87 = tpu.memref_slice %arg4[%dma_wait3A_85, %dma_wait3A_86] : memref<50000x32xf32, #tpu.memory_space<hbm>> -> memref<50000x32xf32, #tpu.memory_space<hbm>>
          tpu.wait_indirect_dma semaphore(%arg21 : memref<!tpu.dma_semaphore, #tpu.memory_space<semaphore_mem>>) src(%dma_wait3A_87 : memref<50000x32xf32, #tpu.memory_space<hbm>>) dst(%arg19 : memref<128x32xf32, #tpu.memory_space<vmem>>)
          %dma_start3A_88 = arith.constant 0 : i32
          %dma_start3A_89 = tpu.memref_slice %arg7[%multiple_of3A_78, %dma_start3A_88] : memref<800000x32xf32, #tpu.memory_space<hbm>> -> memref<128x32xf32, #tpu.memory_space<hbm>>
          %dma_start3A_90 = arith.constant 0 : i32
          %dma_start3A_91 = tpu.memref_slice %arg7[%multiple_of3A_78, %dma_start3A_90] : memref<800000x32xf32, #tpu.memory_space<hbm>> -> memref<128x32xf32, #tpu.memory_space<hbm>>
          tpu.enqueue_dma source(%arg17 : memref<128x32xf32, #tpu.memory_space<vmem>>) target(%dma_start3A_91 : memref<128x32xf32, #tpu.memory_space<hbm>>) target_semaphore(%arg23 : memref<!tpu.dma_semaphore, #tpu.memory_space<semaphore_mem>>)
          %dma_start3A_92 = arith.constant 0 : i32
          %dma_start3A_93 = tpu.memref_slice %arg8[%multiple_of3A_78, %dma_start3A_92] : memref<800000x32xf32, #tpu.memory_space<hbm>> -> memref<128x32xf32, #tpu.memory_space<hbm>>
          %dma_start3A_94 = arith.constant 0 : i32
          %dma_start3A_95 = tpu.memref_slice %arg8[%multiple_of3A_78, %dma_start3A_94] : memref<800000x32xf32, #tpu.memory_space<hbm>> -> memref<128x32xf32, #tpu.memory_space<hbm>>
          tpu.enqueue_dma source(%arg18 : memref<128x32xf32, #tpu.memory_space<vmem>>) target(%dma_start3A_95 : memref<128x32xf32, #tpu.memory_space<hbm>>) target_semaphore(%arg23 : memref<!tpu.dma_semaphore, #tpu.memory_space<semaphore_mem>>)
          %dma_start3A_96 = arith.constant 0 : i32
          %dma_start3A_97 = tpu.memref_slice %arg9[%multiple_of3A_78, %dma_start3A_96] : memref<800000x32xf32, #tpu.memory_space<hbm>> -> memref<128x32xf32, #tpu.memory_space<hbm>>
          %dma_start3A_98 = arith.constant 0 : i32
          %dma_start3A_99 = tpu.memref_slice %arg9[%multiple_of3A_78, %dma_start3A_98] : memref<800000x32xf32, #tpu.memory_space<hbm>> -> memref<128x32xf32, #tpu.memory_space<hbm>>
          tpu.enqueue_dma source(%arg19 : memref<128x32xf32, #tpu.memory_space<vmem>>) target(%dma_start3A_99 : memref<128x32xf32, #tpu.memory_space<hbm>>) target_semaphore(%arg23 : memref<!tpu.dma_semaphore, #tpu.memory_space<semaphore_mem>>)
          %dma_wait3A_100 = arith.constant 0 : i32
          %dma_wait3A_101 = tpu.memref_slice %arg7[%multiple_of3A_78, %dma_wait3A_100] : memref<800000x32xf32, #tpu.memory_space<hbm>> -> memref<128x32xf32, #tpu.memory_space<hbm>>
          %dma_wait3A_102 = arith.constant 0 : i32
          %dma_wait3A_103 = tpu.memref_slice %arg7[%multiple_of3A_78, %dma_wait3A_102] : memref<800000x32xf32, #tpu.memory_space<hbm>> -> memref<128x32xf32, #tpu.memory_space<hbm>>
          tpu.wait_dma2 semaphore(%arg23 : memref<!tpu.dma_semaphore, #tpu.memory_space<semaphore_mem>>) src(%arg17 : memref<128x32xf32, #tpu.memory_space<vmem>>) dst(%dma_wait3A_103 : memref<128x32xf32, #tpu.memory_space<hbm>>)
          %dma_wait3A_104 = arith.constant 0 : i32
          %dma_wait3A_105 = tpu.memref_slice %arg8[%multiple_of3A_78, %dma_wait3A_104] : memref<800000x32xf32, #tpu.memory_space<hbm>> -> memref<128x32xf32, #tpu.memory_space<hbm>>
          %dma_wait3A_106 = arith.constant 0 : i32
          %dma_wait3A_107 = tpu.memref_slice %arg8[%multiple_of3A_78, %dma_wait3A_106] : memref<800000x32xf32, #tpu.memory_space<hbm>> -> memref<128x32xf32, #tpu.memory_space<hbm>>
          tpu.wait_dma2 semaphore(%arg23 : memref<!tpu.dma_semaphore, #tpu.memory_space<semaphore_mem>>) src(%arg18 : memref<128x32xf32, #tpu.memory_space<vmem>>) dst(%dma_wait3A_107 : memref<128x32xf32, #tpu.memory_space<hbm>>)
          %dma_wait3A_108 = arith.constant 0 : i32
          %dma_wait3A_109 = tpu.memref_slice %arg9[%multiple_of3A_78, %dma_wait3A_108] : memref<800000x32xf32, #tpu.memory_space<hbm>> -> memref<128x32xf32, #tpu.memory_space<hbm>>
          %dma_wait3A_110 = arith.constant 0 : i32
          %dma_wait3A_111 = tpu.memref_slice %arg9[%multiple_of3A_78, %dma_wait3A_110] : memref<800000x32xf32, #tpu.memory_space<hbm>> -> memref<128x32xf32, #tpu.memory_space<hbm>>
          tpu.wait_dma2 semaphore(%arg23 : memref<!tpu.dma_semaphore, #tpu.memory_space<semaphore_mem>>) src(%arg19 : memref<128x32xf32, #tpu.memory_space<vmem>>) dst(%dma_wait3A_111 : memref<128x32xf32, #tpu.memory_space<hbm>>)
        } else {
        }
        %dma_wait3A_64 = arith.constant 0 : i32
        %dma_wait3A_65 = tpu.memref_slice %arg7[%multiple_of3A, %dma_wait3A_64] : memref<800000x32xf32, #tpu.memory_space<hbm>> -> memref<128x32xf32, #tpu.memory_space<hbm>>
        %dma_wait3A_66 = arith.constant 0 : i32
        %dma_wait3A_67 = tpu.memref_slice %arg7[%multiple_of3A, %dma_wait3A_66] : memref<800000x32xf32, #tpu.memory_space<hbm>> -> memref<128x32xf32, #tpu.memory_space<hbm>>
        tpu.wait_dma2 semaphore(%arg22 : memref<!tpu.dma_semaphore, #tpu.memory_space<semaphore_mem>>) src(%arg12 : memref<128x32xf32, #tpu.memory_space<vmem>>) dst(%dma_wait3A_67 : memref<128x32xf32, #tpu.memory_space<hbm>>)
        %dma_wait3A_68 = arith.constant 0 : i32
        %dma_wait3A_69 = tpu.memref_slice %arg8[%multiple_of3A, %dma_wait3A_68] : memref<800000x32xf32, #tpu.memory_space<hbm>> -> memref<128x32xf32, #tpu.memory_space<hbm>>
        %dma_wait3A_70 = arith.constant 0 : i32
        %dma_wait3A_71 = tpu.memref_slice %arg8[%multiple_of3A, %dma_wait3A_70] : memref<800000x32xf32, #tpu.memory_space<hbm>> -> memref<128x32xf32, #tpu.memory_space<hbm>>
        tpu.wait_dma2 semaphore(%arg22 : memref<!tpu.dma_semaphore, #tpu.memory_space<semaphore_mem>>) src(%arg13 : memref<128x32xf32, #tpu.memory_space<vmem>>) dst(%dma_wait3A_71 : memref<128x32xf32, #tpu.memory_space<hbm>>)
        %dma_wait3A_72 = arith.constant 0 : i32
        %dma_wait3A_73 = tpu.memref_slice %arg9[%multiple_of3A, %dma_wait3A_72] : memref<800000x32xf32, #tpu.memory_space<hbm>> -> memref<128x32xf32, #tpu.memory_space<hbm>>
        %dma_wait3A_74 = arith.constant 0 : i32
        %dma_wait3A_75 = tpu.memref_slice %arg9[%multiple_of3A, %dma_wait3A_74] : memref<800000x32xf32, #tpu.memory_space<hbm>> -> memref<128x32xf32, #tpu.memory_space<hbm>>
        tpu.wait_dma2 semaphore(%arg22 : memref<!tpu.dma_semaphore, #tpu.memory_space<semaphore_mem>>) src(%arg14 : memref<128x32xf32, #tpu.memory_space<vmem>>) dst(%dma_wait3A_75 : memref<128x32xf32, #tpu.memory_space<hbm>>)
      } else {
      }
      %scan3A_23 = arith.constant 0 : i32
      scf.yield %scan3A_23 : i32
    }
    %scan3A_6 = arith.constant 98 : i32
    return
  }
}

#map = affine_map<(d0, d1) -> (0, 0)>
#map1 = affine_map<(d0, d1) -> (0)>
#map2 = affine_map<(d0, d1) -> (0, 0, 0)>
module attributes {stable_mosaic.version = 14 : i64} {
  func.func @kern(%arg0: i32, %arg1: i32, %arg2: memref<800000x32xf32, #tpu.memory_space<hbm>>, %arg3: memref<800000xi32, #tpu.memory_space<hbm>>, %arg4: memref<50000x32xf32, #tpu.memory_space<hbm>>, %arg5: memref<2x50000x32xf32, #tpu.memory_space<hbm>>, %arg6: memref<128xi32, #tpu.memory_space<vmem>>, %arg7: memref<128x32xf32, #tpu.memory_space<vmem>>, %arg8: memref<128xi32, #tpu.memory_space<vmem>>, %arg9: memref<128x32xf32, #tpu.memory_space<vmem>>, %arg10: memref<50000x32xf32, #tpu.memory_space<vmem_shared>>, %arg11: memref<!tpu.dma_semaphore, #tpu.memory_space<semaphore_mem>>, %arg12: memref<!tpu.dma_semaphore, #tpu.memory_space<semaphore_mem>>, %arg13: memref<!tpu.dma_semaphore, #tpu.memory_space<semaphore_mem>>, %arg14: memref<!tpu.dma_semaphore, #tpu.memory_space<semaphore_mem>>) attributes {dimension_semantics = [#tpu.dimension_semantics<core_parallel>, #tpu.dimension_semantics<subcore_parallel>], iteration_bounds = array<i64: 2, 16>, scalar_prefetch = 0 : i64, scratch_operands = 9 : i64, tpu.core_type = #tpu.core_type<sc_vector_subcore>, window_params = [{transform_indices = #map}, {transform_indices = #map1}, {transform_indices = #map}, {transform_indices = #map2}]} {
    %mul3A = arith.constant 2 : i32
    %mul3A_0 = arith.muli %arg1, %mul3A : i32
    %add3A = arith.addi %mul3A_0, %arg0 : i32
    %mul3A_1 = arith.constant 3125 : i32
    %mul3A_2 = arith.muli %arg1, %mul3A_1 : i32
    "tpu.region"() ({
      %run_scoped3A = tpu.sem_alloc : memref<!tpu.dma_semaphore, #tpu.memory_space<semaphore_mem>>
      %dma_start3A = arith.constant 0 : i32
      %dma_start3A_10 = tpu.memref_slice %arg10[%mul3A_2, %dma_start3A] : memref<50000x32xf32, #tpu.memory_space<vmem_shared>> -> memref<3125x32xf32, #tpu.memory_space<vmem_shared>>
      %dma_start3A_11 = arith.constant 0 : i32
      %dma_start3A_12 = tpu.memref_slice %arg4[%mul3A_2, %dma_start3A_11] : memref<50000x32xf32, #tpu.memory_space<hbm>> -> memref<3125x32xf32, #tpu.memory_space<hbm>>
      tpu.enqueue_dma source(%dma_start3A_12 : memref<3125x32xf32, #tpu.memory_space<hbm>>) target(%dma_start3A_10 : memref<3125x32xf32, #tpu.memory_space<vmem_shared>>) target_semaphore(%run_scoped3A : memref<!tpu.dma_semaphore, #tpu.memory_space<semaphore_mem>>)
      %dma_wait3A = arith.constant 0 : i32
      %dma_wait3A_13 = tpu.memref_slice %arg10[%mul3A_2, %dma_wait3A] : memref<50000x32xf32, #tpu.memory_space<vmem_shared>> -> memref<3125x32xf32, #tpu.memory_space<vmem_shared>>
      %dma_wait3A_14 = arith.constant 0 : i32
      %dma_wait3A_15 = tpu.memref_slice %arg4[%mul3A_2, %dma_wait3A_14] : memref<50000x32xf32, #tpu.memory_space<hbm>> -> memref<3125x32xf32, #tpu.memory_space<hbm>>
      tpu.wait_dma2 semaphore(%run_scoped3A : memref<!tpu.dma_semaphore, #tpu.memory_space<semaphore_mem>>) src(%dma_wait3A_15 : memref<3125x32xf32, #tpu.memory_space<hbm>>) dst(%dma_wait3A_13 : memref<3125x32xf32, #tpu.memory_space<vmem_shared>>)
      tpu.yield
    }) : () -> ()
    %barrier3A = arith.constant 0 : index
    tpu.barrier barrier_id(%barrier3A)
    %scan3A = arith.constant 0 : i32
    %scan3A_3 = arith.constant 0 : i32
    %scan3A_4 = arith.constant 98 : i32
    %scan3A_5 = arith.addi %scan3A_3, %scan3A_4 : i32
    %scan3A_6 = arith.constant 1 : i32
    %scan3A_7 = scf.for %scan3A_10 = %scan3A_3 to %scan3A_5 step %scan3A_6 iter_args(%scan3A_11 = %scan3A) -> (i32)  : i32 {
      %mul3A_12 = arith.constant 2 : i32
      %mul3A_13 = arith.muli %mul3A_12, %scan3A_10 : i32
      %mul3A_14 = arith.constant 32 : i32
      %mul3A_15 = arith.muli %mul3A_13, %mul3A_14 : i32
      %add3A_16 = arith.addi %add3A, %mul3A_15 : i32
      %mul3A_17 = arith.constant 2 : i32
      %mul3A_18 = arith.muli %mul3A_17, %scan3A_10 : i32
      %add3A_19 = arith.constant 1 : i32
      %add3A_20 = arith.addi %mul3A_18, %add3A_19 : i32
      %mul3A_21 = arith.constant 32 : i32
      %mul3A_22 = arith.muli %add3A_20, %mul3A_21 : i32
      %add3A_23 = arith.addi %add3A, %mul3A_22 : i32
      %lt3A = arith.constant 6250 : i32
      %lt3A_24 = arith.cmpi slt, %add3A_16, %lt3A : i32
      %convert_element_type3A = arith.extui %lt3A_24 : i1 to i32
      %cond3A = arith.constant 0 : i32
      %cond3A_25 = arith.cmpi ne, %convert_element_type3A, %cond3A : i32
      scf.if %cond3A_25 {
        %mul3A_27 = arith.constant 128 : i32
        %mul3A_28 = arith.muli %add3A_16, %mul3A_27 : i32
        %multiple_of3A = tpu.assume_multiple %mul3A_28, 128 : i32
        %dma_start3A = tpu.memref_slice %arg3[%multiple_of3A] : memref<800000xi32, #tpu.memory_space<hbm>> -> memref<128xi32, #tpu.memory_space<hbm>>
        %dma_start3A_29 = tpu.memref_slice %arg3[%multiple_of3A] : memref<800000xi32, #tpu.memory_space<hbm>> -> memref<128xi32, #tpu.memory_space<hbm>>
        tpu.enqueue_dma source(%dma_start3A_29 : memref<128xi32, #tpu.memory_space<hbm>>) target(%arg6 : memref<128xi32, #tpu.memory_space<vmem>>) target_semaphore(%arg11 : memref<!tpu.dma_semaphore, #tpu.memory_space<semaphore_mem>>)
        %dma_start3A_30 = arith.constant 0 : i32
        %dma_start3A_31 = tpu.memref_slice %arg2[%multiple_of3A, %dma_start3A_30] : memref<800000x32xf32, #tpu.memory_space<hbm>> -> memref<128x32xf32, #tpu.memory_space<hbm>>
        %dma_start3A_32 = arith.constant 0 : i32
        %dma_start3A_33 = tpu.memref_slice %arg2[%multiple_of3A, %dma_start3A_32] : memref<800000x32xf32, #tpu.memory_space<hbm>> -> memref<128x32xf32, #tpu.memory_space<hbm>>
        tpu.enqueue_dma source(%dma_start3A_33 : memref<128x32xf32, #tpu.memory_space<hbm>>) target(%arg7 : memref<128x32xf32, #tpu.memory_space<vmem>>) target_semaphore(%arg11 : memref<!tpu.dma_semaphore, #tpu.memory_space<semaphore_mem>>)
        %lt3A_34 = arith.constant 6250 : i32
        %lt3A_35 = arith.cmpi slt, %add3A_23, %lt3A_34 : i32
        %convert_element_type3A_36 = arith.extui %lt3A_35 : i1 to i32
        %cond3A_37 = arith.constant 0 : i32
        %cond3A_38 = arith.cmpi ne, %convert_element_type3A_36, %cond3A_37 : i32
        scf.if %cond3A_38 {
          %mul3A_55 = arith.constant 128 : i32
          %mul3A_56 = arith.muli %add3A_23, %mul3A_55 : i32
          %multiple_of3A_57 = tpu.assume_multiple %mul3A_56, 128 : i32
          %dma_start3A_58 = tpu.memref_slice %arg3[%multiple_of3A_57] : memref<800000xi32, #tpu.memory_space<hbm>> -> memref<128xi32, #tpu.memory_space<hbm>>
          %dma_start3A_59 = tpu.memref_slice %arg3[%multiple_of3A_57] : memref<800000xi32, #tpu.memory_space<hbm>> -> memref<128xi32, #tpu.memory_space<hbm>>
          tpu.enqueue_dma source(%dma_start3A_59 : memref<128xi32, #tpu.memory_space<hbm>>) target(%arg8 : memref<128xi32, #tpu.memory_space<vmem>>) target_semaphore(%arg12 : memref<!tpu.dma_semaphore, #tpu.memory_space<semaphore_mem>>)
          %dma_start3A_60 = arith.constant 0 : i32
          %dma_start3A_61 = tpu.memref_slice %arg2[%multiple_of3A_57, %dma_start3A_60] : memref<800000x32xf32, #tpu.memory_space<hbm>> -> memref<128x32xf32, #tpu.memory_space<hbm>>
          %dma_start3A_62 = arith.constant 0 : i32
          %dma_start3A_63 = tpu.memref_slice %arg2[%multiple_of3A_57, %dma_start3A_62] : memref<800000x32xf32, #tpu.memory_space<hbm>> -> memref<128x32xf32, #tpu.memory_space<hbm>>
          tpu.enqueue_dma source(%dma_start3A_63 : memref<128x32xf32, #tpu.memory_space<hbm>>) target(%arg9 : memref<128x32xf32, #tpu.memory_space<vmem>>) target_semaphore(%arg12 : memref<!tpu.dma_semaphore, #tpu.memory_space<semaphore_mem>>)
        } else {
        }
        %dma_wait3A = tpu.memref_slice %arg3[%multiple_of3A] : memref<800000xi32, #tpu.memory_space<hbm>> -> memref<128xi32, #tpu.memory_space<hbm>>
        %dma_wait3A_39 = tpu.memref_slice %arg3[%multiple_of3A] : memref<800000xi32, #tpu.memory_space<hbm>> -> memref<128xi32, #tpu.memory_space<hbm>>
        tpu.wait_dma2 semaphore(%arg11 : memref<!tpu.dma_semaphore, #tpu.memory_space<semaphore_mem>>) src(%dma_wait3A_39 : memref<128xi32, #tpu.memory_space<hbm>>) dst(%arg6 : memref<128xi32, #tpu.memory_space<vmem>>)
        %dma_wait3A_40 = arith.constant 0 : i32
        %dma_wait3A_41 = tpu.memref_slice %arg2[%multiple_of3A, %dma_wait3A_40] : memref<800000x32xf32, #tpu.memory_space<hbm>> -> memref<128x32xf32, #tpu.memory_space<hbm>>
        %dma_wait3A_42 = arith.constant 0 : i32
        %dma_wait3A_43 = tpu.memref_slice %arg2[%multiple_of3A, %dma_wait3A_42] : memref<800000x32xf32, #tpu.memory_space<hbm>> -> memref<128x32xf32, #tpu.memory_space<hbm>>
        tpu.wait_dma2 semaphore(%arg11 : memref<!tpu.dma_semaphore, #tpu.memory_space<semaphore_mem>>) src(%dma_wait3A_43 : memref<128x32xf32, #tpu.memory_space<hbm>>) dst(%arg7 : memref<128x32xf32, #tpu.memory_space<vmem>>)
        %dma_start3A_44 = arith.constant 0 : i32
        %dma_start3A_45 = arith.constant 0 : i32
        %dma_start3A_46 = tpu.memref_slice %arg10[%dma_start3A_44, %dma_start3A_45] : memref<50000x32xf32, #tpu.memory_space<vmem_shared>> -> memref<50000x32xf32, #tpu.memory_space<vmem_shared>>
        tpu.enqueue_indirect_dma source(%arg7 : memref<128x32xf32, #tpu.memory_space<vmem>>) target(%dma_start3A_46 : memref<50000x32xf32, #tpu.memory_space<vmem_shared>>) offsets(%arg6 : memref<128xi32, #tpu.memory_space<vmem>>) semaphore(%arg13 : memref<!tpu.dma_semaphore, #tpu.memory_space<semaphore_mem>>) {add = true}
        %lt3A_47 = arith.constant 6250 : i32
        %lt3A_48 = arith.cmpi slt, %add3A_23, %lt3A_47 : i32
        %convert_element_type3A_49 = arith.extui %lt3A_48 : i1 to i32
        %cond3A_50 = arith.constant 0 : i32
        %cond3A_51 = arith.cmpi ne, %convert_element_type3A_49, %cond3A_50 : i32
        scf.if %cond3A_51 {
          %mul3A_55 = arith.constant 128 : i32
          %mul3A_56 = arith.muli %add3A_23, %mul3A_55 : i32
          %multiple_of3A_57 = tpu.assume_multiple %mul3A_56, 128 : i32
          %dma_wait3A_58 = tpu.memref_slice %arg3[%multiple_of3A_57] : memref<800000xi32, #tpu.memory_space<hbm>> -> memref<128xi32, #tpu.memory_space<hbm>>
          %dma_wait3A_59 = tpu.memref_slice %arg3[%multiple_of3A_57] : memref<800000xi32, #tpu.memory_space<hbm>> -> memref<128xi32, #tpu.memory_space<hbm>>
          tpu.wait_dma2 semaphore(%arg12 : memref<!tpu.dma_semaphore, #tpu.memory_space<semaphore_mem>>) src(%dma_wait3A_59 : memref<128xi32, #tpu.memory_space<hbm>>) dst(%arg8 : memref<128xi32, #tpu.memory_space<vmem>>)
          %dma_wait3A_60 = arith.constant 0 : i32
          %dma_wait3A_61 = tpu.memref_slice %arg2[%multiple_of3A_57, %dma_wait3A_60] : memref<800000x32xf32, #tpu.memory_space<hbm>> -> memref<128x32xf32, #tpu.memory_space<hbm>>
          %dma_wait3A_62 = arith.constant 0 : i32
          %dma_wait3A_63 = tpu.memref_slice %arg2[%multiple_of3A_57, %dma_wait3A_62] : memref<800000x32xf32, #tpu.memory_space<hbm>> -> memref<128x32xf32, #tpu.memory_space<hbm>>
          tpu.wait_dma2 semaphore(%arg12 : memref<!tpu.dma_semaphore, #tpu.memory_space<semaphore_mem>>) src(%dma_wait3A_63 : memref<128x32xf32, #tpu.memory_space<hbm>>) dst(%arg9 : memref<128x32xf32, #tpu.memory_space<vmem>>)
          %dma_start3A_64 = arith.constant 0 : i32
          %dma_start3A_65 = arith.constant 0 : i32
          %dma_start3A_66 = tpu.memref_slice %arg10[%dma_start3A_64, %dma_start3A_65] : memref<50000x32xf32, #tpu.memory_space<vmem_shared>> -> memref<50000x32xf32, #tpu.memory_space<vmem_shared>>
          tpu.enqueue_indirect_dma source(%arg9 : memref<128x32xf32, #tpu.memory_space<vmem>>) target(%dma_start3A_66 : memref<50000x32xf32, #tpu.memory_space<vmem_shared>>) offsets(%arg8 : memref<128xi32, #tpu.memory_space<vmem>>) semaphore(%arg14 : memref<!tpu.dma_semaphore, #tpu.memory_space<semaphore_mem>>) {add = true}
          %dma_wait3A_67 = arith.constant 0 : i32
          %dma_wait3A_68 = arith.constant 0 : i32
          %dma_wait3A_69 = tpu.memref_slice %arg10[%dma_wait3A_67, %dma_wait3A_68] : memref<50000x32xf32, #tpu.memory_space<vmem_shared>> -> memref<50000x32xf32, #tpu.memory_space<vmem_shared>>
          tpu.wait_indirect_dma semaphore(%arg14 : memref<!tpu.dma_semaphore, #tpu.memory_space<semaphore_mem>>) src(%arg9 : memref<128x32xf32, #tpu.memory_space<vmem>>) dst(%dma_wait3A_69 : memref<50000x32xf32, #tpu.memory_space<vmem_shared>>)
        } else {
        }
        %dma_wait3A_52 = arith.constant 0 : i32
        %dma_wait3A_53 = arith.constant 0 : i32
        %dma_wait3A_54 = tpu.memref_slice %arg10[%dma_wait3A_52, %dma_wait3A_53] : memref<50000x32xf32, #tpu.memory_space<vmem_shared>> -> memref<50000x32xf32, #tpu.memory_space<vmem_shared>>
        tpu.wait_indirect_dma semaphore(%arg13 : memref<!tpu.dma_semaphore, #tpu.memory_space<semaphore_mem>>) src(%arg7 : memref<128x32xf32, #tpu.memory_space<vmem>>) dst(%dma_wait3A_54 : memref<50000x32xf32, #tpu.memory_space<vmem_shared>>)
      } else {
      }
      %scan3A_26 = arith.constant 0 : i32
      scf.yield %scan3A_26 : i32
    }
    %scan3A_8 = arith.constant 98 : i32
    %barrier3A_9 = arith.constant 0 : index
    tpu.barrier barrier_id(%barrier3A_9)
    "tpu.region"() ({
      %run_scoped3A = tpu.sem_alloc : memref<!tpu.dma_semaphore, #tpu.memory_space<semaphore_mem>>
      %dma_start3A = arith.constant 0 : i32
      %dma_start3A_10 = tpu.memref_slice %arg5[%arg0, %mul3A_2, %dma_start3A] : memref<2x50000x32xf32, #tpu.memory_space<hbm>> -> memref<1x3125x32xf32, #tpu.memory_space<hbm>>
      %dma_start3A_11 = tpu.memref_squeeze %dma_start3A_10 : memref<1x3125x32xf32, #tpu.memory_space<hbm>> -> memref<3125x32xf32, #tpu.memory_space<hbm>>
      %dma_start3A_12 = arith.constant 0 : i32
      %dma_start3A_13 = tpu.memref_slice %arg10[%mul3A_2, %dma_start3A_12] : memref<50000x32xf32, #tpu.memory_space<vmem_shared>> -> memref<3125x32xf32, #tpu.memory_space<vmem_shared>>
      tpu.enqueue_dma source(%dma_start3A_13 : memref<3125x32xf32, #tpu.memory_space<vmem_shared>>) target(%dma_start3A_11 : memref<3125x32xf32, #tpu.memory_space<hbm>>) target_semaphore(%run_scoped3A : memref<!tpu.dma_semaphore, #tpu.memory_space<semaphore_mem>>)
      %dma_wait3A = arith.constant 0 : i32
      %dma_wait3A_14 = tpu.memref_slice %arg5[%arg0, %mul3A_2, %dma_wait3A] : memref<2x50000x32xf32, #tpu.memory_space<hbm>> -> memref<1x3125x32xf32, #tpu.memory_space<hbm>>
      %dma_wait3A_15 = tpu.memref_squeeze %dma_wait3A_14 : memref<1x3125x32xf32, #tpu.memory_space<hbm>> -> memref<3125x32xf32, #tpu.memory_space<hbm>>
      %dma_wait3A_16 = arith.constant 0 : i32
      %dma_wait3A_17 = tpu.memref_slice %arg10[%mul3A_2, %dma_wait3A_16] : memref<50000x32xf32, #tpu.memory_space<vmem_shared>> -> memref<3125x32xf32, #tpu.memory_space<vmem_shared>>
      tpu.wait_dma2 semaphore(%run_scoped3A : memref<!tpu.dma_semaphore, #tpu.memory_space<semaphore_mem>>) src(%dma_wait3A_17 : memref<3125x32xf32, #tpu.memory_space<vmem_shared>>) dst(%dma_wait3A_15 : memref<3125x32xf32, #tpu.memory_space<hbm>>)
      tpu.yield
    }) : () -> ()
    return
  }
}

#map = affine_map<(d0, d1) -> (0, 0)>
#map1 = affine_map<(d0, d1) -> (0)>
#map2 = affine_map<(d0, d1) -> (0, 0, 0)>
module attributes {stable_mosaic.version = 14 : i64} {
  func.func @kern(%arg0: i32, %arg1: i32, %arg2: memref<800000x16xf32, #tpu.memory_space<hbm>>, %arg3: memref<800000xi32, #tpu.memory_space<hbm>>, %arg4: memref<50000x16xf32, #tpu.memory_space<hbm>>, %arg5: memref<2x50000x16xf32, #tpu.memory_space<hbm>>, %arg6: memref<128xi32, #tpu.memory_space<vmem>>, %arg7: memref<128x16xf32, #tpu.memory_space<vmem>>, %arg8: memref<128xi32, #tpu.memory_space<vmem>>, %arg9: memref<128x16xf32, #tpu.memory_space<vmem>>, %arg10: memref<50000x16xf32, #tpu.memory_space<vmem_shared>>, %arg11: memref<!tpu.dma_semaphore, #tpu.memory_space<semaphore_mem>>, %arg12: memref<!tpu.dma_semaphore, #tpu.memory_space<semaphore_mem>>, %arg13: memref<!tpu.dma_semaphore, #tpu.memory_space<semaphore_mem>>, %arg14: memref<!tpu.dma_semaphore, #tpu.memory_space<semaphore_mem>>) attributes {dimension_semantics = [#tpu.dimension_semantics<core_parallel>, #tpu.dimension_semantics<subcore_parallel>], iteration_bounds = array<i64: 2, 16>, scalar_prefetch = 0 : i64, scratch_operands = 9 : i64, tpu.core_type = #tpu.core_type<sc_vector_subcore>, window_params = [{transform_indices = #map}, {transform_indices = #map1}, {transform_indices = #map}, {transform_indices = #map2}]} {
    %mul3A = arith.constant 2 : i32
    %mul3A_0 = arith.muli %arg1, %mul3A : i32
    %add3A = arith.addi %mul3A_0, %arg0 : i32
    %mul3A_1 = arith.constant 3125 : i32
    %mul3A_2 = arith.muli %arg1, %mul3A_1 : i32
    "tpu.region"() ({
      %run_scoped3A = tpu.sem_alloc : memref<!tpu.dma_semaphore, #tpu.memory_space<semaphore_mem>>
      %dma_start3A = arith.constant 0 : i32
      %dma_start3A_10 = tpu.memref_slice %arg10[%mul3A_2, %dma_start3A] : memref<50000x16xf32, #tpu.memory_space<vmem_shared>> -> memref<3125x16xf32, #tpu.memory_space<vmem_shared>>
      %dma_start3A_11 = arith.constant 0 : i32
      %dma_start3A_12 = tpu.memref_slice %arg4[%mul3A_2, %dma_start3A_11] : memref<50000x16xf32, #tpu.memory_space<hbm>> -> memref<3125x16xf32, #tpu.memory_space<hbm>>
      tpu.enqueue_dma source(%dma_start3A_12 : memref<3125x16xf32, #tpu.memory_space<hbm>>) target(%dma_start3A_10 : memref<3125x16xf32, #tpu.memory_space<vmem_shared>>) target_semaphore(%run_scoped3A : memref<!tpu.dma_semaphore, #tpu.memory_space<semaphore_mem>>)
      %dma_wait3A = arith.constant 0 : i32
      %dma_wait3A_13 = tpu.memref_slice %arg10[%mul3A_2, %dma_wait3A] : memref<50000x16xf32, #tpu.memory_space<vmem_shared>> -> memref<3125x16xf32, #tpu.memory_space<vmem_shared>>
      %dma_wait3A_14 = arith.constant 0 : i32
      %dma_wait3A_15 = tpu.memref_slice %arg4[%mul3A_2, %dma_wait3A_14] : memref<50000x16xf32, #tpu.memory_space<hbm>> -> memref<3125x16xf32, #tpu.memory_space<hbm>>
      tpu.wait_dma2 semaphore(%run_scoped3A : memref<!tpu.dma_semaphore, #tpu.memory_space<semaphore_mem>>) src(%dma_wait3A_15 : memref<3125x16xf32, #tpu.memory_space<hbm>>) dst(%dma_wait3A_13 : memref<3125x16xf32, #tpu.memory_space<vmem_shared>>)
      tpu.yield
    }) : () -> ()
    %barrier3A = arith.constant 0 : index
    tpu.barrier barrier_id(%barrier3A)
    %scan3A = arith.constant 0 : i32
    %scan3A_3 = arith.constant 0 : i32
    %scan3A_4 = arith.constant 98 : i32
    %scan3A_5 = arith.addi %scan3A_3, %scan3A_4 : i32
    %scan3A_6 = arith.constant 1 : i32
    %scan3A_7 = scf.for %scan3A_10 = %scan3A_3 to %scan3A_5 step %scan3A_6 iter_args(%scan3A_11 = %scan3A) -> (i32)  : i32 {
      %mul3A_12 = arith.constant 2 : i32
      %mul3A_13 = arith.muli %mul3A_12, %scan3A_10 : i32
      %mul3A_14 = arith.constant 32 : i32
      %mul3A_15 = arith.muli %mul3A_13, %mul3A_14 : i32
      %add3A_16 = arith.addi %add3A, %mul3A_15 : i32
      %mul3A_17 = arith.constant 2 : i32
      %mul3A_18 = arith.muli %mul3A_17, %scan3A_10 : i32
      %add3A_19 = arith.constant 1 : i32
      %add3A_20 = arith.addi %mul3A_18, %add3A_19 : i32
      %mul3A_21 = arith.constant 32 : i32
      %mul3A_22 = arith.muli %add3A_20, %mul3A_21 : i32
      %add3A_23 = arith.addi %add3A, %mul3A_22 : i32
      %lt3A = arith.constant 6250 : i32
      %lt3A_24 = arith.cmpi slt, %add3A_16, %lt3A : i32
      %convert_element_type3A = arith.extui %lt3A_24 : i1 to i32
      %cond3A = arith.constant 0 : i32
      %cond3A_25 = arith.cmpi ne, %convert_element_type3A, %cond3A : i32
      scf.if %cond3A_25 {
        %mul3A_27 = arith.constant 128 : i32
        %mul3A_28 = arith.muli %add3A_16, %mul3A_27 : i32
        %multiple_of3A = tpu.assume_multiple %mul3A_28, 128 : i32
        %dma_start3A = tpu.memref_slice %arg3[%multiple_of3A] : memref<800000xi32, #tpu.memory_space<hbm>> -> memref<128xi32, #tpu.memory_space<hbm>>
        %dma_start3A_29 = tpu.memref_slice %arg3[%multiple_of3A] : memref<800000xi32, #tpu.memory_space<hbm>> -> memref<128xi32, #tpu.memory_space<hbm>>
        tpu.enqueue_dma source(%dma_start3A_29 : memref<128xi32, #tpu.memory_space<hbm>>) target(%arg6 : memref<128xi32, #tpu.memory_space<vmem>>) target_semaphore(%arg11 : memref<!tpu.dma_semaphore, #tpu.memory_space<semaphore_mem>>)
        %dma_start3A_30 = arith.constant 0 : i32
        %dma_start3A_31 = tpu.memref_slice %arg2[%multiple_of3A, %dma_start3A_30] : memref<800000x16xf32, #tpu.memory_space<hbm>> -> memref<128x16xf32, #tpu.memory_space<hbm>>
        %dma_start3A_32 = arith.constant 0 : i32
        %dma_start3A_33 = tpu.memref_slice %arg2[%multiple_of3A, %dma_start3A_32] : memref<800000x16xf32, #tpu.memory_space<hbm>> -> memref<128x16xf32, #tpu.memory_space<hbm>>
        tpu.enqueue_dma source(%dma_start3A_33 : memref<128x16xf32, #tpu.memory_space<hbm>>) target(%arg7 : memref<128x16xf32, #tpu.memory_space<vmem>>) target_semaphore(%arg11 : memref<!tpu.dma_semaphore, #tpu.memory_space<semaphore_mem>>)
        %lt3A_34 = arith.constant 6250 : i32
        %lt3A_35 = arith.cmpi slt, %add3A_23, %lt3A_34 : i32
        %convert_element_type3A_36 = arith.extui %lt3A_35 : i1 to i32
        %cond3A_37 = arith.constant 0 : i32
        %cond3A_38 = arith.cmpi ne, %convert_element_type3A_36, %cond3A_37 : i32
        scf.if %cond3A_38 {
          %mul3A_55 = arith.constant 128 : i32
          %mul3A_56 = arith.muli %add3A_23, %mul3A_55 : i32
          %multiple_of3A_57 = tpu.assume_multiple %mul3A_56, 128 : i32
          %dma_start3A_58 = tpu.memref_slice %arg3[%multiple_of3A_57] : memref<800000xi32, #tpu.memory_space<hbm>> -> memref<128xi32, #tpu.memory_space<hbm>>
          %dma_start3A_59 = tpu.memref_slice %arg3[%multiple_of3A_57] : memref<800000xi32, #tpu.memory_space<hbm>> -> memref<128xi32, #tpu.memory_space<hbm>>
          tpu.enqueue_dma source(%dma_start3A_59 : memref<128xi32, #tpu.memory_space<hbm>>) target(%arg8 : memref<128xi32, #tpu.memory_space<vmem>>) target_semaphore(%arg12 : memref<!tpu.dma_semaphore, #tpu.memory_space<semaphore_mem>>)
          %dma_start3A_60 = arith.constant 0 : i32
          %dma_start3A_61 = tpu.memref_slice %arg2[%multiple_of3A_57, %dma_start3A_60] : memref<800000x16xf32, #tpu.memory_space<hbm>> -> memref<128x16xf32, #tpu.memory_space<hbm>>
          %dma_start3A_62 = arith.constant 0 : i32
          %dma_start3A_63 = tpu.memref_slice %arg2[%multiple_of3A_57, %dma_start3A_62] : memref<800000x16xf32, #tpu.memory_space<hbm>> -> memref<128x16xf32, #tpu.memory_space<hbm>>
          tpu.enqueue_dma source(%dma_start3A_63 : memref<128x16xf32, #tpu.memory_space<hbm>>) target(%arg9 : memref<128x16xf32, #tpu.memory_space<vmem>>) target_semaphore(%arg12 : memref<!tpu.dma_semaphore, #tpu.memory_space<semaphore_mem>>)
        } else {
        }
        %dma_wait3A = tpu.memref_slice %arg3[%multiple_of3A] : memref<800000xi32, #tpu.memory_space<hbm>> -> memref<128xi32, #tpu.memory_space<hbm>>
        %dma_wait3A_39 = tpu.memref_slice %arg3[%multiple_of3A] : memref<800000xi32, #tpu.memory_space<hbm>> -> memref<128xi32, #tpu.memory_space<hbm>>
        tpu.wait_dma2 semaphore(%arg11 : memref<!tpu.dma_semaphore, #tpu.memory_space<semaphore_mem>>) src(%dma_wait3A_39 : memref<128xi32, #tpu.memory_space<hbm>>) dst(%arg6 : memref<128xi32, #tpu.memory_space<vmem>>)
        %dma_wait3A_40 = arith.constant 0 : i32
        %dma_wait3A_41 = tpu.memref_slice %arg2[%multiple_of3A, %dma_wait3A_40] : memref<800000x16xf32, #tpu.memory_space<hbm>> -> memref<128x16xf32, #tpu.memory_space<hbm>>
        %dma_wait3A_42 = arith.constant 0 : i32
        %dma_wait3A_43 = tpu.memref_slice %arg2[%multiple_of3A, %dma_wait3A_42] : memref<800000x16xf32, #tpu.memory_space<hbm>> -> memref<128x16xf32, #tpu.memory_space<hbm>>
        tpu.wait_dma2 semaphore(%arg11 : memref<!tpu.dma_semaphore, #tpu.memory_space<semaphore_mem>>) src(%dma_wait3A_43 : memref<128x16xf32, #tpu.memory_space<hbm>>) dst(%arg7 : memref<128x16xf32, #tpu.memory_space<vmem>>)
        %dma_start3A_44 = arith.constant 0 : i32
        %dma_start3A_45 = arith.constant 0 : i32
        %dma_start3A_46 = tpu.memref_slice %arg10[%dma_start3A_44, %dma_start3A_45] : memref<50000x16xf32, #tpu.memory_space<vmem_shared>> -> memref<50000x16xf32, #tpu.memory_space<vmem_shared>>
        tpu.enqueue_indirect_dma source(%arg7 : memref<128x16xf32, #tpu.memory_space<vmem>>) target(%dma_start3A_46 : memref<50000x16xf32, #tpu.memory_space<vmem_shared>>) offsets(%arg6 : memref<128xi32, #tpu.memory_space<vmem>>) semaphore(%arg13 : memref<!tpu.dma_semaphore, #tpu.memory_space<semaphore_mem>>) {add = true}
        %lt3A_47 = arith.constant 6250 : i32
        %lt3A_48 = arith.cmpi slt, %add3A_23, %lt3A_47 : i32
        %convert_element_type3A_49 = arith.extui %lt3A_48 : i1 to i32
        %cond3A_50 = arith.constant 0 : i32
        %cond3A_51 = arith.cmpi ne, %convert_element_type3A_49, %cond3A_50 : i32
        scf.if %cond3A_51 {
          %mul3A_55 = arith.constant 128 : i32
          %mul3A_56 = arith.muli %add3A_23, %mul3A_55 : i32
          %multiple_of3A_57 = tpu.assume_multiple %mul3A_56, 128 : i32
          %dma_wait3A_58 = tpu.memref_slice %arg3[%multiple_of3A_57] : memref<800000xi32, #tpu.memory_space<hbm>> -> memref<128xi32, #tpu.memory_space<hbm>>
          %dma_wait3A_59 = tpu.memref_slice %arg3[%multiple_of3A_57] : memref<800000xi32, #tpu.memory_space<hbm>> -> memref<128xi32, #tpu.memory_space<hbm>>
          tpu.wait_dma2 semaphore(%arg12 : memref<!tpu.dma_semaphore, #tpu.memory_space<semaphore_mem>>) src(%dma_wait3A_59 : memref<128xi32, #tpu.memory_space<hbm>>) dst(%arg8 : memref<128xi32, #tpu.memory_space<vmem>>)
          %dma_wait3A_60 = arith.constant 0 : i32
          %dma_wait3A_61 = tpu.memref_slice %arg2[%multiple_of3A_57, %dma_wait3A_60] : memref<800000x16xf32, #tpu.memory_space<hbm>> -> memref<128x16xf32, #tpu.memory_space<hbm>>
          %dma_wait3A_62 = arith.constant 0 : i32
          %dma_wait3A_63 = tpu.memref_slice %arg2[%multiple_of3A_57, %dma_wait3A_62] : memref<800000x16xf32, #tpu.memory_space<hbm>> -> memref<128x16xf32, #tpu.memory_space<hbm>>
          tpu.wait_dma2 semaphore(%arg12 : memref<!tpu.dma_semaphore, #tpu.memory_space<semaphore_mem>>) src(%dma_wait3A_63 : memref<128x16xf32, #tpu.memory_space<hbm>>) dst(%arg9 : memref<128x16xf32, #tpu.memory_space<vmem>>)
          %dma_start3A_64 = arith.constant 0 : i32
          %dma_start3A_65 = arith.constant 0 : i32
          %dma_start3A_66 = tpu.memref_slice %arg10[%dma_start3A_64, %dma_start3A_65] : memref<50000x16xf32, #tpu.memory_space<vmem_shared>> -> memref<50000x16xf32, #tpu.memory_space<vmem_shared>>
          tpu.enqueue_indirect_dma source(%arg9 : memref<128x16xf32, #tpu.memory_space<vmem>>) target(%dma_start3A_66 : memref<50000x16xf32, #tpu.memory_space<vmem_shared>>) offsets(%arg8 : memref<128xi32, #tpu.memory_space<vmem>>) semaphore(%arg14 : memref<!tpu.dma_semaphore, #tpu.memory_space<semaphore_mem>>) {add = true}
          %dma_wait3A_67 = arith.constant 0 : i32
          %dma_wait3A_68 = arith.constant 0 : i32
          %dma_wait3A_69 = tpu.memref_slice %arg10[%dma_wait3A_67, %dma_wait3A_68] : memref<50000x16xf32, #tpu.memory_space<vmem_shared>> -> memref<50000x16xf32, #tpu.memory_space<vmem_shared>>
          tpu.wait_indirect_dma semaphore(%arg14 : memref<!tpu.dma_semaphore, #tpu.memory_space<semaphore_mem>>) src(%arg9 : memref<128x16xf32, #tpu.memory_space<vmem>>) dst(%dma_wait3A_69 : memref<50000x16xf32, #tpu.memory_space<vmem_shared>>)
        } else {
        }
        %dma_wait3A_52 = arith.constant 0 : i32
        %dma_wait3A_53 = arith.constant 0 : i32
        %dma_wait3A_54 = tpu.memref_slice %arg10[%dma_wait3A_52, %dma_wait3A_53] : memref<50000x16xf32, #tpu.memory_space<vmem_shared>> -> memref<50000x16xf32, #tpu.memory_space<vmem_shared>>
        tpu.wait_indirect_dma semaphore(%arg13 : memref<!tpu.dma_semaphore, #tpu.memory_space<semaphore_mem>>) src(%arg7 : memref<128x16xf32, #tpu.memory_space<vmem>>) dst(%dma_wait3A_54 : memref<50000x16xf32, #tpu.memory_space<vmem_shared>>)
      } else {
      }
      %scan3A_26 = arith.constant 0 : i32
      scf.yield %scan3A_26 : i32
    }
    %scan3A_8 = arith.constant 98 : i32
    %barrier3A_9 = arith.constant 0 : index
    tpu.barrier barrier_id(%barrier3A_9)
    "tpu.region"() ({
      %run_scoped3A = tpu.sem_alloc : memref<!tpu.dma_semaphore, #tpu.memory_space<semaphore_mem>>
      %dma_start3A = arith.constant 0 : i32
      %dma_start3A_10 = tpu.memref_slice %arg5[%arg0, %mul3A_2, %dma_start3A] : memref<2x50000x16xf32, #tpu.memory_space<hbm>> -> memref<1x3125x16xf32, #tpu.memory_space<hbm>>
      %dma_start3A_11 = tpu.memref_squeeze %dma_start3A_10 : memref<1x3125x16xf32, #tpu.memory_space<hbm>> -> memref<3125x16xf32, #tpu.memory_space<hbm>>
      %dma_start3A_12 = arith.constant 0 : i32
      %dma_start3A_13 = tpu.memref_slice %arg10[%mul3A_2, %dma_start3A_12] : memref<50000x16xf32, #tpu.memory_space<vmem_shared>> -> memref<3125x16xf32, #tpu.memory_space<vmem_shared>>
      tpu.enqueue_dma source(%dma_start3A_13 : memref<3125x16xf32, #tpu.memory_space<vmem_shared>>) target(%dma_start3A_11 : memref<3125x16xf32, #tpu.memory_space<hbm>>) target_semaphore(%run_scoped3A : memref<!tpu.dma_semaphore, #tpu.memory_space<semaphore_mem>>)
      %dma_wait3A = arith.constant 0 : i32
      %dma_wait3A_14 = tpu.memref_slice %arg5[%arg0, %mul3A_2, %dma_wait3A] : memref<2x50000x16xf32, #tpu.memory_space<hbm>> -> memref<1x3125x16xf32, #tpu.memory_space<hbm>>
      %dma_wait3A_15 = tpu.memref_squeeze %dma_wait3A_14 : memref<1x3125x16xf32, #tpu.memory_space<hbm>> -> memref<3125x16xf32, #tpu.memory_space<hbm>>
      %dma_wait3A_16 = arith.constant 0 : i32
      %dma_wait3A_17 = tpu.memref_slice %arg10[%mul3A_2, %dma_wait3A_16] : memref<50000x16xf32, #tpu.memory_space<vmem_shared>> -> memref<3125x16xf32, #tpu.memory_space<vmem_shared>>
      tpu.wait_dma2 semaphore(%run_scoped3A : memref<!tpu.dma_semaphore, #tpu.memory_space<semaphore_mem>>) src(%dma_wait3A_17 : memref<3125x16xf32, #tpu.memory_space<vmem_shared>>) dst(%dma_wait3A_15 : memref<3125x16xf32, #tpu.memory_space<hbm>>)
      tpu.yield
    }) : () -> ()
    return
  }
}

#map = affine_map<(d0, d1) -> (0, 0)>
#map1 = affine_map<(d0, d1) -> (0)>
#map2 = affine_map<(d0, d1) -> (0, 0, 0)>
module attributes {stable_mosaic.version = 14 : i64} {
  func.func @kern(%arg0: i32, %arg1: i32, %arg2: memref<800000x32xf32, #tpu.memory_space<hbm>>, %arg3: memref<800000xi32, #tpu.memory_space<hbm>>, %arg4: memref<50000x32xf32, #tpu.memory_space<hbm>>, %arg5: memref<2x50000x32xf32, #tpu.memory_space<hbm>>, %arg6: memref<128xi32, #tpu.memory_space<vmem>>, %arg7: memref<128x32xf32, #tpu.memory_space<vmem>>, %arg8: memref<128xi32, #tpu.memory_space<vmem>>, %arg9: memref<128x32xf32, #tpu.memory_space<vmem>>, %arg10: memref<50000x32xf32, #tpu.memory_space<vmem_shared>>, %arg11: memref<!tpu.dma_semaphore, #tpu.memory_space<semaphore_mem>>, %arg12: memref<!tpu.dma_semaphore, #tpu.memory_space<semaphore_mem>>, %arg13: memref<!tpu.dma_semaphore, #tpu.memory_space<semaphore_mem>>, %arg14: memref<!tpu.dma_semaphore, #tpu.memory_space<semaphore_mem>>) attributes {dimension_semantics = [#tpu.dimension_semantics<core_parallel>, #tpu.dimension_semantics<subcore_parallel>], iteration_bounds = array<i64: 2, 16>, scalar_prefetch = 0 : i64, scratch_operands = 9 : i64, tpu.core_type = #tpu.core_type<sc_vector_subcore>, window_params = [{transform_indices = #map}, {transform_indices = #map1}, {transform_indices = #map}, {transform_indices = #map2}]} {
    %mul3A = arith.constant 2 : i32
    %mul3A_0 = arith.muli %arg1, %mul3A : i32
    %add3A = arith.addi %mul3A_0, %arg0 : i32
    %mul3A_1 = arith.constant 3125 : i32
    %mul3A_2 = arith.muli %arg1, %mul3A_1 : i32
    "tpu.region"() ({
      %run_scoped3A = tpu.sem_alloc : memref<!tpu.dma_semaphore, #tpu.memory_space<semaphore_mem>>
      %dma_start3A = arith.constant 0 : i32
      %dma_start3A_10 = tpu.memref_slice %arg10[%mul3A_2, %dma_start3A] : memref<50000x32xf32, #tpu.memory_space<vmem_shared>> -> memref<3125x32xf32, #tpu.memory_space<vmem_shared>>
      %dma_start3A_11 = arith.constant 0 : i32
      %dma_start3A_12 = tpu.memref_slice %arg4[%mul3A_2, %dma_start3A_11] : memref<50000x32xf32, #tpu.memory_space<hbm>> -> memref<3125x32xf32, #tpu.memory_space<hbm>>
      tpu.enqueue_dma source(%dma_start3A_12 : memref<3125x32xf32, #tpu.memory_space<hbm>>) target(%dma_start3A_10 : memref<3125x32xf32, #tpu.memory_space<vmem_shared>>) target_semaphore(%run_scoped3A : memref<!tpu.dma_semaphore, #tpu.memory_space<semaphore_mem>>)
      %dma_wait3A = arith.constant 0 : i32
      %dma_wait3A_13 = tpu.memref_slice %arg10[%mul3A_2, %dma_wait3A] : memref<50000x32xf32, #tpu.memory_space<vmem_shared>> -> memref<3125x32xf32, #tpu.memory_space<vmem_shared>>
      %dma_wait3A_14 = arith.constant 0 : i32
      %dma_wait3A_15 = tpu.memref_slice %arg4[%mul3A_2, %dma_wait3A_14] : memref<50000x32xf32, #tpu.memory_space<hbm>> -> memref<3125x32xf32, #tpu.memory_space<hbm>>
      tpu.wait_dma2 semaphore(%run_scoped3A : memref<!tpu.dma_semaphore, #tpu.memory_space<semaphore_mem>>) src(%dma_wait3A_15 : memref<3125x32xf32, #tpu.memory_space<hbm>>) dst(%dma_wait3A_13 : memref<3125x32xf32, #tpu.memory_space<vmem_shared>>)
      tpu.yield
    }) : () -> ()
    %barrier3A = arith.constant 0 : index
    tpu.barrier barrier_id(%barrier3A)
    %scan3A = arith.constant 0 : i32
    %scan3A_3 = arith.constant 0 : i32
    %scan3A_4 = arith.constant 98 : i32
    %scan3A_5 = arith.addi %scan3A_3, %scan3A_4 : i32
    %scan3A_6 = arith.constant 1 : i32
    %scan3A_7 = scf.for %scan3A_10 = %scan3A_3 to %scan3A_5 step %scan3A_6 iter_args(%scan3A_11 = %scan3A) -> (i32)  : i32 {
      %mul3A_12 = arith.constant 2 : i32
      %mul3A_13 = arith.muli %mul3A_12, %scan3A_10 : i32
      %mul3A_14 = arith.constant 32 : i32
      %mul3A_15 = arith.muli %mul3A_13, %mul3A_14 : i32
      %add3A_16 = arith.addi %add3A, %mul3A_15 : i32
      %mul3A_17 = arith.constant 2 : i32
      %mul3A_18 = arith.muli %mul3A_17, %scan3A_10 : i32
      %add3A_19 = arith.constant 1 : i32
      %add3A_20 = arith.addi %mul3A_18, %add3A_19 : i32
      %mul3A_21 = arith.constant 32 : i32
      %mul3A_22 = arith.muli %add3A_20, %mul3A_21 : i32
      %add3A_23 = arith.addi %add3A, %mul3A_22 : i32
      %lt3A = arith.constant 6250 : i32
      %lt3A_24 = arith.cmpi slt, %add3A_16, %lt3A : i32
      %convert_element_type3A = arith.extui %lt3A_24 : i1 to i32
      %cond3A = arith.constant 0 : i32
      %cond3A_25 = arith.cmpi ne, %convert_element_type3A, %cond3A : i32
      scf.if %cond3A_25 {
        %mul3A_27 = arith.constant 128 : i32
        %mul3A_28 = arith.muli %add3A_16, %mul3A_27 : i32
        %multiple_of3A = tpu.assume_multiple %mul3A_28, 128 : i32
        %dma_start3A = tpu.memref_slice %arg3[%multiple_of3A] : memref<800000xi32, #tpu.memory_space<hbm>> -> memref<128xi32, #tpu.memory_space<hbm>>
        %dma_start3A_29 = tpu.memref_slice %arg3[%multiple_of3A] : memref<800000xi32, #tpu.memory_space<hbm>> -> memref<128xi32, #tpu.memory_space<hbm>>
        tpu.enqueue_dma source(%dma_start3A_29 : memref<128xi32, #tpu.memory_space<hbm>>) target(%arg6 : memref<128xi32, #tpu.memory_space<vmem>>) target_semaphore(%arg11 : memref<!tpu.dma_semaphore, #tpu.memory_space<semaphore_mem>>)
        %dma_start3A_30 = arith.constant 0 : i32
        %dma_start3A_31 = tpu.memref_slice %arg2[%multiple_of3A, %dma_start3A_30] : memref<800000x32xf32, #tpu.memory_space<hbm>> -> memref<128x32xf32, #tpu.memory_space<hbm>>
        %dma_start3A_32 = arith.constant 0 : i32
        %dma_start3A_33 = tpu.memref_slice %arg2[%multiple_of3A, %dma_start3A_32] : memref<800000x32xf32, #tpu.memory_space<hbm>> -> memref<128x32xf32, #tpu.memory_space<hbm>>
        tpu.enqueue_dma source(%dma_start3A_33 : memref<128x32xf32, #tpu.memory_space<hbm>>) target(%arg7 : memref<128x32xf32, #tpu.memory_space<vmem>>) target_semaphore(%arg11 : memref<!tpu.dma_semaphore, #tpu.memory_space<semaphore_mem>>)
        %lt3A_34 = arith.constant 6250 : i32
        %lt3A_35 = arith.cmpi slt, %add3A_23, %lt3A_34 : i32
        %convert_element_type3A_36 = arith.extui %lt3A_35 : i1 to i32
        %cond3A_37 = arith.constant 0 : i32
        %cond3A_38 = arith.cmpi ne, %convert_element_type3A_36, %cond3A_37 : i32
        scf.if %cond3A_38 {
          %mul3A_55 = arith.constant 128 : i32
          %mul3A_56 = arith.muli %add3A_23, %mul3A_55 : i32
          %multiple_of3A_57 = tpu.assume_multiple %mul3A_56, 128 : i32
          %dma_start3A_58 = tpu.memref_slice %arg3[%multiple_of3A_57] : memref<800000xi32, #tpu.memory_space<hbm>> -> memref<128xi32, #tpu.memory_space<hbm>>
          %dma_start3A_59 = tpu.memref_slice %arg3[%multiple_of3A_57] : memref<800000xi32, #tpu.memory_space<hbm>> -> memref<128xi32, #tpu.memory_space<hbm>>
          tpu.enqueue_dma source(%dma_start3A_59 : memref<128xi32, #tpu.memory_space<hbm>>) target(%arg8 : memref<128xi32, #tpu.memory_space<vmem>>) target_semaphore(%arg12 : memref<!tpu.dma_semaphore, #tpu.memory_space<semaphore_mem>>)
          %dma_start3A_60 = arith.constant 0 : i32
          %dma_start3A_61 = tpu.memref_slice %arg2[%multiple_of3A_57, %dma_start3A_60] : memref<800000x32xf32, #tpu.memory_space<hbm>> -> memref<128x32xf32, #tpu.memory_space<hbm>>
          %dma_start3A_62 = arith.constant 0 : i32
          %dma_start3A_63 = tpu.memref_slice %arg2[%multiple_of3A_57, %dma_start3A_62] : memref<800000x32xf32, #tpu.memory_space<hbm>> -> memref<128x32xf32, #tpu.memory_space<hbm>>
          tpu.enqueue_dma source(%dma_start3A_63 : memref<128x32xf32, #tpu.memory_space<hbm>>) target(%arg9 : memref<128x32xf32, #tpu.memory_space<vmem>>) target_semaphore(%arg12 : memref<!tpu.dma_semaphore, #tpu.memory_space<semaphore_mem>>)
        } else {
        }
        %dma_wait3A = tpu.memref_slice %arg3[%multiple_of3A] : memref<800000xi32, #tpu.memory_space<hbm>> -> memref<128xi32, #tpu.memory_space<hbm>>
        %dma_wait3A_39 = tpu.memref_slice %arg3[%multiple_of3A] : memref<800000xi32, #tpu.memory_space<hbm>> -> memref<128xi32, #tpu.memory_space<hbm>>
        tpu.wait_dma2 semaphore(%arg11 : memref<!tpu.dma_semaphore, #tpu.memory_space<semaphore_mem>>) src(%dma_wait3A_39 : memref<128xi32, #tpu.memory_space<hbm>>) dst(%arg6 : memref<128xi32, #tpu.memory_space<vmem>>)
        %dma_wait3A_40 = arith.constant 0 : i32
        %dma_wait3A_41 = tpu.memref_slice %arg2[%multiple_of3A, %dma_wait3A_40] : memref<800000x32xf32, #tpu.memory_space<hbm>> -> memref<128x32xf32, #tpu.memory_space<hbm>>
        %dma_wait3A_42 = arith.constant 0 : i32
        %dma_wait3A_43 = tpu.memref_slice %arg2[%multiple_of3A, %dma_wait3A_42] : memref<800000x32xf32, #tpu.memory_space<hbm>> -> memref<128x32xf32, #tpu.memory_space<hbm>>
        tpu.wait_dma2 semaphore(%arg11 : memref<!tpu.dma_semaphore, #tpu.memory_space<semaphore_mem>>) src(%dma_wait3A_43 : memref<128x32xf32, #tpu.memory_space<hbm>>) dst(%arg7 : memref<128x32xf32, #tpu.memory_space<vmem>>)
        %dma_start3A_44 = arith.constant 0 : i32
        %dma_start3A_45 = arith.constant 0 : i32
        %dma_start3A_46 = tpu.memref_slice %arg10[%dma_start3A_44, %dma_start3A_45] : memref<50000x32xf32, #tpu.memory_space<vmem_shared>> -> memref<50000x32xf32, #tpu.memory_space<vmem_shared>>
        tpu.enqueue_indirect_dma source(%arg7 : memref<128x32xf32, #tpu.memory_space<vmem>>) target(%dma_start3A_46 : memref<50000x32xf32, #tpu.memory_space<vmem_shared>>) offsets(%arg6 : memref<128xi32, #tpu.memory_space<vmem>>) semaphore(%arg13 : memref<!tpu.dma_semaphore, #tpu.memory_space<semaphore_mem>>) {add = true}
        %lt3A_47 = arith.constant 6250 : i32
        %lt3A_48 = arith.cmpi slt, %add3A_23, %lt3A_47 : i32
        %convert_element_type3A_49 = arith.extui %lt3A_48 : i1 to i32
        %cond3A_50 = arith.constant 0 : i32
        %cond3A_51 = arith.cmpi ne, %convert_element_type3A_49, %cond3A_50 : i32
        scf.if %cond3A_51 {
          %mul3A_55 = arith.constant 128 : i32
          %mul3A_56 = arith.muli %add3A_23, %mul3A_55 : i32
          %multiple_of3A_57 = tpu.assume_multiple %mul3A_56, 128 : i32
          %dma_wait3A_58 = tpu.memref_slice %arg3[%multiple_of3A_57] : memref<800000xi32, #tpu.memory_space<hbm>> -> memref<128xi32, #tpu.memory_space<hbm>>
          %dma_wait3A_59 = tpu.memref_slice %arg3[%multiple_of3A_57] : memref<800000xi32, #tpu.memory_space<hbm>> -> memref<128xi32, #tpu.memory_space<hbm>>
          tpu.wait_dma2 semaphore(%arg12 : memref<!tpu.dma_semaphore, #tpu.memory_space<semaphore_mem>>) src(%dma_wait3A_59 : memref<128xi32, #tpu.memory_space<hbm>>) dst(%arg8 : memref<128xi32, #tpu.memory_space<vmem>>)
          %dma_wait3A_60 = arith.constant 0 : i32
          %dma_wait3A_61 = tpu.memref_slice %arg2[%multiple_of3A_57, %dma_wait3A_60] : memref<800000x32xf32, #tpu.memory_space<hbm>> -> memref<128x32xf32, #tpu.memory_space<hbm>>
          %dma_wait3A_62 = arith.constant 0 : i32
          %dma_wait3A_63 = tpu.memref_slice %arg2[%multiple_of3A_57, %dma_wait3A_62] : memref<800000x32xf32, #tpu.memory_space<hbm>> -> memref<128x32xf32, #tpu.memory_space<hbm>>
          tpu.wait_dma2 semaphore(%arg12 : memref<!tpu.dma_semaphore, #tpu.memory_space<semaphore_mem>>) src(%dma_wait3A_63 : memref<128x32xf32, #tpu.memory_space<hbm>>) dst(%arg9 : memref<128x32xf32, #tpu.memory_space<vmem>>)
          %dma_start3A_64 = arith.constant 0 : i32
          %dma_start3A_65 = arith.constant 0 : i32
          %dma_start3A_66 = tpu.memref_slice %arg10[%dma_start3A_64, %dma_start3A_65] : memref<50000x32xf32, #tpu.memory_space<vmem_shared>> -> memref<50000x32xf32, #tpu.memory_space<vmem_shared>>
          tpu.enqueue_indirect_dma source(%arg9 : memref<128x32xf32, #tpu.memory_space<vmem>>) target(%dma_start3A_66 : memref<50000x32xf32, #tpu.memory_space<vmem_shared>>) offsets(%arg8 : memref<128xi32, #tpu.memory_space<vmem>>) semaphore(%arg14 : memref<!tpu.dma_semaphore, #tpu.memory_space<semaphore_mem>>) {add = true}
          %dma_wait3A_67 = arith.constant 0 : i32
          %dma_wait3A_68 = arith.constant 0 : i32
          %dma_wait3A_69 = tpu.memref_slice %arg10[%dma_wait3A_67, %dma_wait3A_68] : memref<50000x32xf32, #tpu.memory_space<vmem_shared>> -> memref<50000x32xf32, #tpu.memory_space<vmem_shared>>
          tpu.wait_indirect_dma semaphore(%arg14 : memref<!tpu.dma_semaphore, #tpu.memory_space<semaphore_mem>>) src(%arg9 : memref<128x32xf32, #tpu.memory_space<vmem>>) dst(%dma_wait3A_69 : memref<50000x32xf32, #tpu.memory_space<vmem_shared>>)
        } else {
        }
        %dma_wait3A_52 = arith.constant 0 : i32
        %dma_wait3A_53 = arith.constant 0 : i32
        %dma_wait3A_54 = tpu.memref_slice %arg10[%dma_wait3A_52, %dma_wait3A_53] : memref<50000x32xf32, #tpu.memory_space<vmem_shared>> -> memref<50000x32xf32, #tpu.memory_space<vmem_shared>>
        tpu.wait_indirect_dma semaphore(%arg13 : memref<!tpu.dma_semaphore, #tpu.memory_space<semaphore_mem>>) src(%arg7 : memref<128x32xf32, #tpu.memory_space<vmem>>) dst(%dma_wait3A_54 : memref<50000x32xf32, #tpu.memory_space<vmem_shared>>)
      } else {
      }
      %scan3A_26 = arith.constant 0 : i32
      scf.yield %scan3A_26 : i32
    }
    %scan3A_8 = arith.constant 98 : i32
    %barrier3A_9 = arith.constant 0 : index
    tpu.barrier barrier_id(%barrier3A_9)
    "tpu.region"() ({
      %run_scoped3A = tpu.sem_alloc : memref<!tpu.dma_semaphore, #tpu.memory_space<semaphore_mem>>
      %dma_start3A = arith.constant 0 : i32
      %dma_start3A_10 = tpu.memref_slice %arg5[%arg0, %mul3A_2, %dma_start3A] : memref<2x50000x32xf32, #tpu.memory_space<hbm>> -> memref<1x3125x32xf32, #tpu.memory_space<hbm>>
      %dma_start3A_11 = tpu.memref_squeeze %dma_start3A_10 : memref<1x3125x32xf32, #tpu.memory_space<hbm>> -> memref<3125x32xf32, #tpu.memory_space<hbm>>
      %dma_start3A_12 = arith.constant 0 : i32
      %dma_start3A_13 = tpu.memref_slice %arg10[%mul3A_2, %dma_start3A_12] : memref<50000x32xf32, #tpu.memory_space<vmem_shared>> -> memref<3125x32xf32, #tpu.memory_space<vmem_shared>>
      tpu.enqueue_dma source(%dma_start3A_13 : memref<3125x32xf32, #tpu.memory_space<vmem_shared>>) target(%dma_start3A_11 : memref<3125x32xf32, #tpu.memory_space<hbm>>) target_semaphore(%run_scoped3A : memref<!tpu.dma_semaphore, #tpu.memory_space<semaphore_mem>>)
      %dma_wait3A = arith.constant 0 : i32
      %dma_wait3A_14 = tpu.memref_slice %arg5[%arg0, %mul3A_2, %dma_wait3A] : memref<2x50000x32xf32, #tpu.memory_space<hbm>> -> memref<1x3125x32xf32, #tpu.memory_space<hbm>>
      %dma_wait3A_15 = tpu.memref_squeeze %dma_wait3A_14 : memref<1x3125x32xf32, #tpu.memory_space<hbm>> -> memref<3125x32xf32, #tpu.memory_space<hbm>>
      %dma_wait3A_16 = arith.constant 0 : i32
      %dma_wait3A_17 = tpu.memref_slice %arg10[%mul3A_2, %dma_wait3A_16] : memref<50000x32xf32, #tpu.memory_space<vmem_shared>> -> memref<3125x32xf32, #tpu.memory_space<vmem_shared>>
      tpu.wait_dma2 semaphore(%run_scoped3A : memref<!tpu.dma_semaphore, #tpu.memory_space<semaphore_mem>>) src(%dma_wait3A_17 : memref<3125x32xf32, #tpu.memory_space<vmem_shared>>) dst(%dma_wait3A_15 : memref<3125x32xf32, #tpu.memory_space<hbm>>)
      tpu.yield
    }) : () -> ()
    return
  }
}

#map = affine_map<(d0, d1) -> (0, 0)>
#map1 = affine_map<(d0, d1) -> (0)>
module attributes {stable_mosaic.version = 14 : i64} {
  func.func @kern(%arg0: i32, %arg1: i32, %arg2: memref<50000x32xf32, #tpu.memory_space<hbm>>, %arg3: memref<50000x32xf32, #tpu.memory_space<hbm>>, %arg4: memref<800000xi32, #tpu.memory_space<hbm>>, %arg5: memref<800000xi32, #tpu.memory_space<hbm>>, %arg6: memref<800000x32xf32, #tpu.memory_space<hbm>>, %arg7: memref<800000x32xf32, #tpu.memory_space<hbm>>, %arg8: memref<128xi32, #tpu.memory_space<vmem>>, %arg9: memref<128xi32, #tpu.memory_space<vmem>>, %arg10: memref<128x32xf32, #tpu.memory_space<vmem>>, %arg11: memref<128x32xf32, #tpu.memory_space<vmem>>, %arg12: memref<!tpu.dma_semaphore, #tpu.memory_space<semaphore_mem>>) attributes {dimension_semantics = [#tpu.dimension_semantics<core_parallel>, #tpu.dimension_semantics<subcore_parallel>], iteration_bounds = array<i64: 2, 16>, scalar_prefetch = 0 : i64, scratch_operands = 5 : i64, tpu.core_type = #tpu.core_type<sc_vector_subcore>, window_params = [{transform_indices = #map}, {transform_indices = #map}, {transform_indices = #map1}, {transform_indices = #map1}, {transform_indices = #map}, {transform_indices = #map}]} {
    %mul3A = arith.constant 2 : i32
    %mul3A_0 = arith.muli %arg1, %mul3A : i32
    %add3A = arith.addi %mul3A_0, %arg0 : i32
    %scan3A = arith.constant 0 : i32
    %scan3A_1 = arith.constant 0 : i32
    %scan3A_2 = arith.constant 196 : i32
    %scan3A_3 = arith.addi %scan3A_1, %scan3A_2 : i32
    %scan3A_4 = arith.constant 1 : i32
    %scan3A_5 = scf.for %scan3A_7 = %scan3A_1 to %scan3A_3 step %scan3A_4 iter_args(%scan3A_8 = %scan3A) -> (i32)  : i32 {
      %mul3A_9 = arith.constant 32 : i32
      %mul3A_10 = arith.muli %scan3A_7, %mul3A_9 : i32
      %add3A_11 = arith.addi %add3A, %mul3A_10 : i32
      %lt3A = arith.constant 6250 : i32
      %lt3A_12 = arith.cmpi slt, %add3A_11, %lt3A : i32
      %convert_element_type3A = arith.extui %lt3A_12 : i1 to i32
      %cond3A = arith.constant 0 : i32
      %cond3A_13 = arith.cmpi ne, %convert_element_type3A, %cond3A : i32
      scf.if %cond3A_13 {
        %mul3A_15 = arith.constant 128 : i32
        %mul3A_16 = arith.muli %add3A_11, %mul3A_15 : i32
        %multiple_of3A = tpu.assume_multiple %mul3A_16, 128 : i32
        "tpu.region"() ({
          %run_scoped3A = tpu.sem_alloc : memref<!tpu.dma_semaphore, #tpu.memory_space<semaphore_mem>>
          %dma_start3A_27 = tpu.memref_slice %arg4[%multiple_of3A] : memref<800000xi32, #tpu.memory_space<hbm>> -> memref<128xi32, #tpu.memory_space<hbm>>
          %dma_start3A_28 = tpu.memref_slice %arg4[%multiple_of3A] : memref<800000xi32, #tpu.memory_space<hbm>> -> memref<128xi32, #tpu.memory_space<hbm>>
          tpu.enqueue_dma source(%dma_start3A_28 : memref<128xi32, #tpu.memory_space<hbm>>) target(%arg8 : memref<128xi32, #tpu.memory_space<vmem>>) target_semaphore(%run_scoped3A : memref<!tpu.dma_semaphore, #tpu.memory_space<semaphore_mem>>)
          %dma_wait3A_29 = tpu.memref_slice %arg4[%multiple_of3A] : memref<800000xi32, #tpu.memory_space<hbm>> -> memref<128xi32, #tpu.memory_space<hbm>>
          %dma_wait3A_30 = tpu.memref_slice %arg4[%multiple_of3A] : memref<800000xi32, #tpu.memory_space<hbm>> -> memref<128xi32, #tpu.memory_space<hbm>>
          tpu.wait_dma2 semaphore(%run_scoped3A : memref<!tpu.dma_semaphore, #tpu.memory_space<semaphore_mem>>) src(%dma_wait3A_30 : memref<128xi32, #tpu.memory_space<hbm>>) dst(%arg8 : memref<128xi32, #tpu.memory_space<vmem>>)
          tpu.yield
        }) : () -> ()
        "tpu.region"() ({
          %run_scoped3A = tpu.sem_alloc : memref<!tpu.dma_semaphore, #tpu.memory_space<semaphore_mem>>
          %dma_start3A_27 = tpu.memref_slice %arg5[%multiple_of3A] : memref<800000xi32, #tpu.memory_space<hbm>> -> memref<128xi32, #tpu.memory_space<hbm>>
          %dma_start3A_28 = tpu.memref_slice %arg5[%multiple_of3A] : memref<800000xi32, #tpu.memory_space<hbm>> -> memref<128xi32, #tpu.memory_space<hbm>>
          tpu.enqueue_dma source(%dma_start3A_28 : memref<128xi32, #tpu.memory_space<hbm>>) target(%arg9 : memref<128xi32, #tpu.memory_space<vmem>>) target_semaphore(%run_scoped3A : memref<!tpu.dma_semaphore, #tpu.memory_space<semaphore_mem>>)
          %dma_wait3A_29 = tpu.memref_slice %arg5[%multiple_of3A] : memref<800000xi32, #tpu.memory_space<hbm>> -> memref<128xi32, #tpu.memory_space<hbm>>
          %dma_wait3A_30 = tpu.memref_slice %arg5[%multiple_of3A] : memref<800000xi32, #tpu.memory_space<hbm>> -> memref<128xi32, #tpu.memory_space<hbm>>
          tpu.wait_dma2 semaphore(%run_scoped3A : memref<!tpu.dma_semaphore, #tpu.memory_space<semaphore_mem>>) src(%dma_wait3A_30 : memref<128xi32, #tpu.memory_space<hbm>>) dst(%arg9 : memref<128xi32, #tpu.memory_space<vmem>>)
          tpu.yield
        }) : () -> ()
        %dma_start3A = arith.constant 0 : i32
        %dma_start3A_17 = arith.constant 0 : i32
        %dma_start3A_18 = tpu.memref_slice %arg2[%dma_start3A, %dma_start3A_17] : memref<50000x32xf32, #tpu.memory_space<hbm>> -> memref<50000x32xf32, #tpu.memory_space<hbm>>
        tpu.enqueue_indirect_dma source(%dma_start3A_18 : memref<50000x32xf32, #tpu.memory_space<hbm>>) target(%arg10 : memref<128x32xf32, #tpu.memory_space<vmem>>) offsets(%arg8 : memref<128xi32, #tpu.memory_space<vmem>>) semaphore(%arg12 : memref<!tpu.dma_semaphore, #tpu.memory_space<semaphore_mem>>)
        %dma_start3A_19 = arith.constant 0 : i32
        %dma_start3A_20 = arith.constant 0 : i32
        %dma_start3A_21 = tpu.memref_slice %arg3[%dma_start3A_19, %dma_start3A_20] : memref<50000x32xf32, #tpu.memory_space<hbm>> -> memref<50000x32xf32, #tpu.memory_space<hbm>>
        tpu.enqueue_indirect_dma source(%dma_start3A_21 : memref<50000x32xf32, #tpu.memory_space<hbm>>) target(%arg11 : memref<128x32xf32, #tpu.memory_space<vmem>>) offsets(%arg9 : memref<128xi32, #tpu.memory_space<vmem>>) semaphore(%arg12 : memref<!tpu.dma_semaphore, #tpu.memory_space<semaphore_mem>>)
        %dma_wait3A = arith.constant 0 : i32
        %dma_wait3A_22 = arith.constant 0 : i32
        %dma_wait3A_23 = tpu.memref_slice %arg2[%dma_wait3A, %dma_wait3A_22] : memref<50000x32xf32, #tpu.memory_space<hbm>> -> memref<50000x32xf32, #tpu.memory_space<hbm>>
        tpu.wait_indirect_dma semaphore(%arg12 : memref<!tpu.dma_semaphore, #tpu.memory_space<semaphore_mem>>) src(%dma_wait3A_23 : memref<50000x32xf32, #tpu.memory_space<hbm>>) dst(%arg10 : memref<128x32xf32, #tpu.memory_space<vmem>>)
        %dma_wait3A_24 = arith.constant 0 : i32
        %dma_wait3A_25 = arith.constant 0 : i32
        %dma_wait3A_26 = tpu.memref_slice %arg3[%dma_wait3A_24, %dma_wait3A_25] : memref<50000x32xf32, #tpu.memory_space<hbm>> -> memref<50000x32xf32, #tpu.memory_space<hbm>>
        tpu.wait_indirect_dma semaphore(%arg12 : memref<!tpu.dma_semaphore, #tpu.memory_space<semaphore_mem>>) src(%dma_wait3A_26 : memref<50000x32xf32, #tpu.memory_space<hbm>>) dst(%arg11 : memref<128x32xf32, #tpu.memory_space<vmem>>)
        "tpu.region"() ({
          %run_scoped3A = tpu.sem_alloc : memref<!tpu.dma_semaphore, #tpu.memory_space<semaphore_mem>>
          %dma_start3A_27 = arith.constant 0 : i32
          %dma_start3A_28 = tpu.memref_slice %arg6[%multiple_of3A, %dma_start3A_27] : memref<800000x32xf32, #tpu.memory_space<hbm>> -> memref<128x32xf32, #tpu.memory_space<hbm>>
          %dma_start3A_29 = arith.constant 0 : i32
          %dma_start3A_30 = tpu.memref_slice %arg6[%multiple_of3A, %dma_start3A_29] : memref<800000x32xf32, #tpu.memory_space<hbm>> -> memref<128x32xf32, #tpu.memory_space<hbm>>
          tpu.enqueue_dma source(%arg10 : memref<128x32xf32, #tpu.memory_space<vmem>>) target(%dma_start3A_30 : memref<128x32xf32, #tpu.memory_space<hbm>>) target_semaphore(%run_scoped3A : memref<!tpu.dma_semaphore, #tpu.memory_space<semaphore_mem>>)
          %dma_wait3A_31 = arith.constant 0 : i32
          %dma_wait3A_32 = tpu.memref_slice %arg6[%multiple_of3A, %dma_wait3A_31] : memref<800000x32xf32, #tpu.memory_space<hbm>> -> memref<128x32xf32, #tpu.memory_space<hbm>>
          %dma_wait3A_33 = arith.constant 0 : i32
          %dma_wait3A_34 = tpu.memref_slice %arg6[%multiple_of3A, %dma_wait3A_33] : memref<800000x32xf32, #tpu.memory_space<hbm>> -> memref<128x32xf32, #tpu.memory_space<hbm>>
          tpu.wait_dma2 semaphore(%run_scoped3A : memref<!tpu.dma_semaphore, #tpu.memory_space<semaphore_mem>>) src(%arg10 : memref<128x32xf32, #tpu.memory_space<vmem>>) dst(%dma_wait3A_34 : memref<128x32xf32, #tpu.memory_space<hbm>>)
          tpu.yield
        }) : () -> ()
        "tpu.region"() ({
          %run_scoped3A = tpu.sem_alloc : memref<!tpu.dma_semaphore, #tpu.memory_space<semaphore_mem>>
          %dma_start3A_27 = arith.constant 0 : i32
          %dma_start3A_28 = tpu.memref_slice %arg7[%multiple_of3A, %dma_start3A_27] : memref<800000x32xf32, #tpu.memory_space<hbm>> -> memref<128x32xf32, #tpu.memory_space<hbm>>
          %dma_start3A_29 = arith.constant 0 : i32
          %dma_start3A_30 = tpu.memref_slice %arg7[%multiple_of3A, %dma_start3A_29] : memref<800000x32xf32, #tpu.memory_space<hbm>> -> memref<128x32xf32, #tpu.memory_space<hbm>>
          tpu.enqueue_dma source(%arg11 : memref<128x32xf32, #tpu.memory_space<vmem>>) target(%dma_start3A_30 : memref<128x32xf32, #tpu.memory_space<hbm>>) target_semaphore(%run_scoped3A : memref<!tpu.dma_semaphore, #tpu.memory_space<semaphore_mem>>)
          %dma_wait3A_31 = arith.constant 0 : i32
          %dma_wait3A_32 = tpu.memref_slice %arg7[%multiple_of3A, %dma_wait3A_31] : memref<800000x32xf32, #tpu.memory_space<hbm>> -> memref<128x32xf32, #tpu.memory_space<hbm>>
          %dma_wait3A_33 = arith.constant 0 : i32
          %dma_wait3A_34 = tpu.memref_slice %arg7[%multiple_of3A, %dma_wait3A_33] : memref<800000x32xf32, #tpu.memory_space<hbm>> -> memref<128x32xf32, #tpu.memory_space<hbm>>
          tpu.wait_dma2 semaphore(%run_scoped3A : memref<!tpu.dma_semaphore, #tpu.memory_space<semaphore_mem>>) src(%arg11 : memref<128x32xf32, #tpu.memory_space<vmem>>) dst(%dma_wait3A_34 : memref<128x32xf32, #tpu.memory_space<hbm>>)
          tpu.yield
        }) : () -> ()
      } else {
      }
      %scan3A_14 = arith.constant 0 : i32
      scf.yield %scan3A_14 : i32
    }
    %scan3A_6 = arith.constant 196 : i32
    return
  }
}

module attributes {stable_mosaic.version = 14 : i64} {
  func.func @body(%arg0: i32, %arg1: memref<2000x8xf32, #tpu.memory_space<vmem>>, %arg2: memref<2000x8xf32, #tpu.memory_space<vmem>>, %arg3: memref<8x32xf32, #tpu.memory_space<vmem>>, %arg4: memref<1x32xf32, #tpu.memory_space<vmem>>, %arg5: memref<8x32xf32, #tpu.memory_space<vmem>>, %arg6: memref<1x32xf32, #tpu.memory_space<vmem>>, %arg7: memref<8x32xf32, #tpu.memory_space<vmem>>, %arg8: memref<1x32xf32, #tpu.memory_space<vmem>>, %arg9: memref<8x32xf32, #tpu.memory_space<vmem>>, %arg10: memref<1x32xf32, #tpu.memory_space<vmem>>, %arg11: memref<2000x32xf32, #tpu.memory_space<vmem>>, %arg12: memref<2000x32xf32, #tpu.memory_space<vmem>>, %arg13: memref<2000x32xf32, #tpu.memory_space<vmem>>, %arg14: memref<2000x32xf32, #tpu.memory_space<vmem>>) attributes {dimension_semantics = [#tpu.dimension_semantics<arbitrary>], iteration_bounds = array<i64: 25>, scalar_prefetch = 0 : i64, scratch_operands = 0 : i64, tpu.core_type = #tpu.core_type<tc>, window_params = [{transform_indices = @transform_0, window_bounds = array<i64: 2000, 8>}, {transform_indices = @transform_1, window_bounds = array<i64: 2000, 8>}, {pipeline_mode = #tpu.pipeline_mode<synchronous>, transform_indices = @transform_2, window_bounds = array<i64: 8, 32>}, {pipeline_mode = #tpu.pipeline_mode<synchronous>, transform_indices = @transform_3, window_bounds = array<i64: 1, 32>}, {pipeline_mode = #tpu.pipeline_mode<synchronous>, transform_indices = @transform_4, window_bounds = array<i64: 8, 32>}, {pipeline_mode = #tpu.pipeline_mode<synchronous>, transform_indices = @transform_5, window_bounds = array<i64: 1, 32>}, {pipeline_mode = #tpu.pipeline_mode<synchronous>, transform_indices = @transform_6, window_bounds = array<i64: 8, 32>}, {pipeline_mode = #tpu.pipeline_mode<synchronous>, transform_indices = @transform_7, window_bounds = array<i64: 1, 32>}, {pipeline_mode = #tpu.pipeline_mode<synchronous>, transform_indices = @transform_8, window_bounds = array<i64: 8, 32>}, {pipeline_mode = #tpu.pipeline_mode<synchronous>, transform_indices = @transform_9, window_bounds = array<i64: 1, 32>}, {transform_indices = @transform_10, window_bounds = array<i64: 2000, 32>}, {transform_indices = @transform_11, window_bounds = array<i64: 2000, 32>}, {transform_indices = @transform_12, window_bounds = array<i64: 2000, 32>}, {transform_indices = @transform_13, window_bounds = array<i64: 2000, 32>}]} {
    %get3A = arith.constant 0 : index
    %get3A_0 = arith.constant 0 : index
    %get3A_1 = vector.load %arg1[%get3A, %get3A_0] : memref<2000x8xf32, #tpu.memory_space<vmem>>, vector<2000x8xf32>
    %get3A_2 = arith.constant 0 : index
    %get3A_3 = arith.constant 0 : index
    %get3A_4 = vector.load %arg2[%get3A_2, %get3A_3] : memref<2000x8xf32, #tpu.memory_space<vmem>>, vector<2000x8xf32>
    %get3A_5 = arith.constant 0 : index
    %get3A_6 = arith.constant 0 : index
    %get3A_7 = vector.load %arg3[%get3A_5, %get3A_6] : memref<8x32xf32, #tpu.memory_space<vmem>>, vector<8x32xf32>
    %dot_general3A = arith.constant dense<0.000000e+00> : vector<2000x32xf32>
    %dot_general3A_8 = tpu.matmul %get3A_4, %get3A_7, %dot_general3A {dimension_numbers = #tpu.dot_dimension_numbers<[1], [0], [0], [1], [0, 0, 1, 1], [], []>, transpose_lhs_hint = false} : vector<2000x8xf32>, vector<8x32xf32>, vector<2000x32xf32> -> vector<2000x32xf32>
    %get3A_9 = arith.constant 0 : index
    %get3A_10 = arith.constant 0 : index
    %get3A_11 = vector.load %arg4[%get3A_9, %get3A_10] : memref<1x32xf32, #tpu.memory_space<vmem>>, vector<1x32xf32>
    %add3A = vector.broadcast %get3A_11 : vector<1x32xf32> to vector<2000x32xf32>
    %add3A_12 = arith.addf %dot_general3A_8, %add3A : vector<2000x32xf32>
    %swap3A = arith.constant 0 : index
    %swap3A_13 = arith.constant 0 : index
    %swap3A_14 = vector.load %arg11[%swap3A, %swap3A_13] : memref<2000x32xf32, #tpu.memory_space<vmem>>, vector<2000x32xf32>
    tpu.vector_store %arg11[%swap3A, %swap3A_13], %add3A_12 {strides = array<i32>} : memref<2000x32xf32, #tpu.memory_space<vmem>>, vector<2000x32xf32>,
    %get3A_15 = arith.constant 0 : index
    %get3A_16 = arith.constant 0 : index
    %get3A_17 = vector.load %arg5[%get3A_15, %get3A_16] : memref<8x32xf32, #tpu.memory_space<vmem>>, vector<8x32xf32>
    %dot_general3A_18 = arith.constant dense<0.000000e+00> : vector<2000x32xf32>
    %dot_general3A_19 = tpu.matmul %get3A_1, %get3A_17, %dot_general3A_18 {dimension_numbers = #tpu.dot_dimension_numbers<[1], [0], [0], [1], [0, 0, 1, 1], [], []>, transpose_lhs_hint = false} : vector<2000x8xf32>, vector<8x32xf32>, vector<2000x32xf32> -> vector<2000x32xf32>
    %get3A_20 = arith.constant 0 : index
    %get3A_21 = arith.constant 0 : index
    %get3A_22 = vector.load %arg6[%get3A_20, %get3A_21] : memref<1x32xf32, #tpu.memory_space<vmem>>, vector<1x32xf32>
    %add3A_23 = vector.broadcast %get3A_22 : vector<1x32xf32> to vector<2000x32xf32>
    %add3A_24 = arith.addf %dot_general3A_19, %add3A_23 : vector<2000x32xf32>
    %swap3A_25 = arith.constant 0 : index
    %swap3A_26 = arith.constant 0 : index
    %swap3A_27 = vector.load %arg12[%swap3A_25, %swap3A_26] : memref<2000x32xf32, #tpu.memory_space<vmem>>, vector<2000x32xf32>
    tpu.vector_store %arg12[%swap3A_25, %swap3A_26], %add3A_24 {strides = array<i32>} : memref<2000x32xf32, #tpu.memory_space<vmem>>, vector<2000x32xf32>,
    %get3A_28 = arith.constant 0 : index
    %get3A_29 = arith.constant 0 : index
    %get3A_30 = vector.load %arg7[%get3A_28, %get3A_29] : memref<8x32xf32, #tpu.memory_space<vmem>>, vector<8x32xf32>
    %dot_general3A_31 = arith.constant dense<0.000000e+00> : vector<2000x32xf32>
    %dot_general3A_32 = tpu.matmul %get3A_1, %get3A_30, %dot_general3A_31 {dimension_numbers = #tpu.dot_dimension_numbers<[1], [0], [0], [1], [0, 0, 1, 1], [], []>, transpose_lhs_hint = false} : vector<2000x8xf32>, vector<8x32xf32>, vector<2000x32xf32> -> vector<2000x32xf32>
    %get3A_33 = arith.constant 0 : index
    %get3A_34 = arith.constant 0 : index
    %get3A_35 = vector.load %arg8[%get3A_33, %get3A_34] : memref<1x32xf32, #tpu.memory_space<vmem>>, vector<1x32xf32>
    %add3A_36 = vector.broadcast %get3A_35 : vector<1x32xf32> to vector<2000x32xf32>
    %add3A_37 = arith.addf %dot_general3A_32, %add3A_36 : vector<2000x32xf32>
    %swap3A_38 = arith.constant 0 : index
    %swap3A_39 = arith.constant 0 : index
    %swap3A_40 = vector.load %arg13[%swap3A_38, %swap3A_39] : memref<2000x32xf32, #tpu.memory_space<vmem>>, vector<2000x32xf32>
    tpu.vector_store %arg13[%swap3A_38, %swap3A_39], %add3A_37 {strides = array<i32>} : memref<2000x32xf32, #tpu.memory_space<vmem>>, vector<2000x32xf32>,
    %get3A_41 = arith.constant 0 : index
    %get3A_42 = arith.constant 0 : index
    %get3A_43 = vector.load %arg9[%get3A_41, %get3A_42] : memref<8x32xf32, #tpu.memory_space<vmem>>, vector<8x32xf32>
    %dot_general3A_44 = arith.constant dense<0.000000e+00> : vector<2000x32xf32>
    %dot_general3A_45 = tpu.matmul %get3A_4, %get3A_43, %dot_general3A_44 {dimension_numbers = #tpu.dot_dimension_numbers<[1], [0], [0], [1], [0, 0, 1, 1], [], []>, transpose_lhs_hint = false} : vector<2000x8xf32>, vector<8x32xf32>, vector<2000x32xf32> -> vector<2000x32xf32>
    %get3A_46 = arith.constant 0 : index
    %get3A_47 = arith.constant 0 : index
    %get3A_48 = vector.load %arg10[%get3A_46, %get3A_47] : memref<1x32xf32, #tpu.memory_space<vmem>>, vector<1x32xf32>
    %add3A_49 = vector.broadcast %get3A_48 : vector<1x32xf32> to vector<2000x32xf32>
    %add3A_50 = arith.addf %dot_general3A_45, %add3A_49 : vector<2000x32xf32>
    %swap3A_51 = arith.constant 0 : index
    %swap3A_52 = arith.constant 0 : index
    %swap3A_53 = vector.load %arg14[%swap3A_51, %swap3A_52] : memref<2000x32xf32, #tpu.memory_space<vmem>>, vector<2000x32xf32>
    tpu.vector_store %arg14[%swap3A_51, %swap3A_52], %add3A_50 {strides = array<i32>} : memref<2000x32xf32, #tpu.memory_space<vmem>>, vector<2000x32xf32>,
    return
  }
  func.func @transform_0(%arg0: i32) -> (i32, i32) {
    %c0_i32 = arith.constant 0 : i32
    %c0_i32_0 = arith.constant 0 : i32
    return %arg0, %c0_i32 : i32, i32
  }
  func.func @transform_1(%arg0: i32) -> (i32, i32) {
    %c0_i32 = arith.constant 0 : i32
    %c0_i32_0 = arith.constant 0 : i32
    return %arg0, %c0_i32 : i32, i32
  }
  func.func @transform_2(%arg0: i32) -> (i32, i32) {
    %c0_i32 = arith.constant 0 : i32
    %c0_i32_0 = arith.constant 0 : i32
    %c0_i32_1 = arith.constant 0 : i32
    return %c0_i32, %c0_i32_0 : i32, i32
  }
  func.func @transform_3(%arg0: i32) -> (i32, i32) {
    %c0_i32 = arith.constant 0 : i32
    %c0_i32_0 = arith.constant 0 : i32
    %c0_i32_1 = arith.constant 0 : i32
    return %c0_i32, %c0_i32_0 : i32, i32
  }
  func.func @transform_4(%arg0: i32) -> (i32, i32) {
    %c0_i32 = arith.constant 0 : i32
    %c0_i32_0 = arith.constant 0 : i32
    %c0_i32_1 = arith.constant 0 : i32
    return %c0_i32, %c0_i32_0 : i32, i32
  }
  func.func @transform_5(%arg0: i32) -> (i32, i32) {
    %c0_i32 = arith.constant 0 : i32
    %c0_i32_0 = arith.constant 0 : i32
    %c0_i32_1 = arith.constant 0 : i32
    return %c0_i32, %c0_i32_0 : i32, i32
  }
  func.func @transform_6(%arg0: i32) -> (i32, i32) {
    %c0_i32 = arith.constant 0 : i32
    %c0_i32_0 = arith.constant 0 : i32
    %c0_i32_1 = arith.constant 0 : i32
    return %c0_i32, %c0_i32_0 : i32, i32
  }
  func.func @transform_7(%arg0: i32) -> (i32, i32) {
    %c0_i32 = arith.constant 0 : i32
    %c0_i32_0 = arith.constant 0 : i32
    %c0_i32_1 = arith.constant 0 : i32
    return %c0_i32, %c0_i32_0 : i32, i32
  }
  func.func @transform_8(%arg0: i32) -> (i32, i32) {
    %c0_i32 = arith.constant 0 : i32
    %c0_i32_0 = arith.constant 0 : i32
    %c0_i32_1 = arith.constant 0 : i32
    return %c0_i32, %c0_i32_0 : i32, i32
  }
  func.func @transform_9(%arg0: i32) -> (i32, i32) {
    %c0_i32 = arith.constant 0 : i32
    %c0_i32_0 = arith.constant 0 : i32
    %c0_i32_1 = arith.constant 0 : i32
    return %c0_i32, %c0_i32_0 : i32, i32
  }
  func.func @transform_10(%arg0: i32) -> (i32, i32) {
    %c0_i32 = arith.constant 0 : i32
    %c0_i32_0 = arith.constant 0 : i32
    return %arg0, %c0_i32 : i32, i32
  }
  func.func @transform_11(%arg0: i32) -> (i32, i32) {
    %c0_i32 = arith.constant 0 : i32
    %c0_i32_0 = arith.constant 0 : i32
    return %arg0, %c0_i32 : i32, i32
  }
  func.func @transform_12(%arg0: i32) -> (i32, i32) {
    %c0_i32 = arith.constant 0 : i32
    %c0_i32_0 = arith.constant 0 : i32
    return %arg0, %c0_i32 : i32, i32
  }
  func.func @transform_13(%arg0: i32) -> (i32, i32) {
    %c0_i32 = arith.constant 0 : i32
    %c0_i32_0 = arith.constant 0 : i32
    return %arg0, %c0_i32 : i32, i32
  }
}

module attributes {stable_mosaic.version = 14 : i64} {
  func.func @body(%arg0: i32, %arg1: memref<1600x1xf32, #tpu.memory_space<vmem>>, %arg2: memref<1600x1xf32, #tpu.memory_space<vmem>>, %arg3: memref<1600x1xf32, #tpu.memory_space<vmem>>, %arg4: memref<1600x5xf32, #tpu.memory_space<vmem>>, %arg5: memref<8x32xf32, #tpu.memory_space<vmem>>, %arg6: memref<8x32xf32, #tpu.memory_space<vmem>>, %arg7: memref<8x32xf32, #tpu.memory_space<vmem>>, %arg8: memref<1x32xf32, #tpu.memory_space<vmem>>, %arg9: memref<1600x32xf32, #tpu.memory_space<vmem>>, %arg10: memref<1600x32xf32, #tpu.memory_space<vmem>>, %arg11: memref<1600x32xf32, #tpu.memory_space<vmem>>) attributes {dimension_semantics = [#tpu.dimension_semantics<arbitrary>], iteration_bounds = array<i64: 500>, scalar_prefetch = 0 : i64, scratch_operands = 0 : i64, tpu.core_type = #tpu.core_type<tc>, window_params = [{transform_indices = @transform_0, window_bounds = array<i64: 1600, 1>}, {transform_indices = @transform_1, window_bounds = array<i64: 1600, 1>}, {transform_indices = @transform_2, window_bounds = array<i64: 1600, 1>}, {transform_indices = @transform_3, window_bounds = array<i64: 1600, 5>}, {pipeline_mode = #tpu.pipeline_mode<synchronous>, transform_indices = @transform_4, window_bounds = array<i64: 8, 32>}, {pipeline_mode = #tpu.pipeline_mode<synchronous>, transform_indices = @transform_5, window_bounds = array<i64: 8, 32>}, {pipeline_mode = #tpu.pipeline_mode<synchronous>, transform_indices = @transform_6, window_bounds = array<i64: 8, 32>}, {pipeline_mode = #tpu.pipeline_mode<synchronous>, transform_indices = @transform_7, window_bounds = array<i64: 1, 32>}, {transform_indices = @transform_8, window_bounds = array<i64: 1600, 32>}, {transform_indices = @transform_9, window_bounds = array<i64: 1600, 32>}, {transform_indices = @transform_10, window_bounds = array<i64: 1600, 32>}]} {
    %get3A = arith.constant 0 : index
    %get3A_0 = arith.constant 0 : index
    %get3A_1 = vector.load %arg1[%get3A, %get3A_0] : memref<1600x1xf32, #tpu.memory_space<vmem>>, vector<1600x1xf32>
    %get3A_2 = arith.constant 0 : index
    %get3A_3 = arith.constant 0 : index
    %get3A_4 = vector.load %arg2[%get3A_2, %get3A_3] : memref<1600x1xf32, #tpu.memory_space<vmem>>, vector<1600x1xf32>
    %get3A_5 = arith.constant 0 : index
    %get3A_6 = arith.constant 0 : index
    %get3A_7 = vector.load %arg3[%get3A_5, %get3A_6] : memref<1600x1xf32, #tpu.memory_space<vmem>>, vector<1600x1xf32>
    %get3A_8 = arith.constant 0 : index
    %get3A_9 = arith.constant 0 : index
    %get3A_10 = vector.load %arg4[%get3A_8, %get3A_9] : memref<1600x5xf32, #tpu.memory_space<vmem>>, vector<1600x5xf32>
    %concatenate3A = tpu.concatenate %get3A_1, %get3A_4, %get3A_7, %get3A_10 in 1 : vector<1600x1xf32>, vector<1600x1xf32>, vector<1600x1xf32>, vector<1600x5xf32> -> vector<1600x8xf32>
    %get3A_11 = arith.constant 0 : index
    %get3A_12 = arith.constant 0 : index
    %get3A_13 = vector.load %arg5[%get3A_11, %get3A_12] : memref<8x32xf32, #tpu.memory_space<vmem>>, vector<8x32xf32>
    %dot_general3A = arith.constant dense<0.000000e+00> : vector<1600x32xf32>
    %dot_general3A_14 = tpu.matmul %concatenate3A, %get3A_13, %dot_general3A {dimension_numbers = #tpu.dot_dimension_numbers<[1], [0], [0], [1], [0, 0, 1, 1], [], []>, transpose_lhs_hint = false} : vector<1600x8xf32>, vector<8x32xf32>, vector<1600x32xf32> -> vector<1600x32xf32>
    %swap3A = arith.constant 0 : index
    %swap3A_15 = arith.constant 0 : index
    %swap3A_16 = vector.load %arg9[%swap3A, %swap3A_15] : memref<1600x32xf32, #tpu.memory_space<vmem>>, vector<1600x32xf32>
    tpu.vector_store %arg9[%swap3A, %swap3A_15], %dot_general3A_14 {strides = array<i32>} : memref<1600x32xf32, #tpu.memory_space<vmem>>, vector<1600x32xf32>,
    %get3A_17 = arith.constant 0 : index
    %get3A_18 = arith.constant 0 : index
    %get3A_19 = vector.load %arg6[%get3A_17, %get3A_18] : memref<8x32xf32, #tpu.memory_space<vmem>>, vector<8x32xf32>
    %dot_general3A_20 = arith.constant dense<0.000000e+00> : vector<1600x32xf32>
    %dot_general3A_21 = tpu.matmul %concatenate3A, %get3A_19, %dot_general3A_20 {dimension_numbers = #tpu.dot_dimension_numbers<[1], [0], [0], [1], [0, 0, 1, 1], [], []>, transpose_lhs_hint = false} : vector<1600x8xf32>, vector<8x32xf32>, vector<1600x32xf32> -> vector<1600x32xf32>
    %swap3A_22 = arith.constant 0 : index
    %swap3A_23 = arith.constant 0 : index
    %swap3A_24 = vector.load %arg10[%swap3A_22, %swap3A_23] : memref<1600x32xf32, #tpu.memory_space<vmem>>, vector<1600x32xf32>
    tpu.vector_store %arg10[%swap3A_22, %swap3A_23], %dot_general3A_21 {strides = array<i32>} : memref<1600x32xf32, #tpu.memory_space<vmem>>, vector<1600x32xf32>,
    %get3A_25 = arith.constant 0 : index
    %get3A_26 = arith.constant 0 : index
    %get3A_27 = vector.load %arg7[%get3A_25, %get3A_26] : memref<8x32xf32, #tpu.memory_space<vmem>>, vector<8x32xf32>
    %dot_general3A_28 = arith.constant dense<0.000000e+00> : vector<1600x32xf32>
    %dot_general3A_29 = tpu.matmul %concatenate3A, %get3A_27, %dot_general3A_28 {dimension_numbers = #tpu.dot_dimension_numbers<[1], [0], [0], [1], [0, 0, 1, 1], [], []>, transpose_lhs_hint = false} : vector<1600x8xf32>, vector<8x32xf32>, vector<1600x32xf32> -> vector<1600x32xf32>
    %get3A_30 = arith.constant 0 : index
    %get3A_31 = arith.constant 0 : index
    %get3A_32 = vector.load %arg8[%get3A_30, %get3A_31] : memref<1x32xf32, #tpu.memory_space<vmem>>, vector<1x32xf32>
    %add3A = vector.broadcast %get3A_32 : vector<1x32xf32> to vector<1600x32xf32>
    %add3A_33 = arith.addf %dot_general3A_29, %add3A : vector<1600x32xf32>
    %swap3A_34 = arith.constant 0 : index
    %swap3A_35 = arith.constant 0 : index
    %swap3A_36 = vector.load %arg11[%swap3A_34, %swap3A_35] : memref<1600x32xf32, #tpu.memory_space<vmem>>, vector<1600x32xf32>
    tpu.vector_store %arg11[%swap3A_34, %swap3A_35], %add3A_33 {strides = array<i32>} : memref<1600x32xf32, #tpu.memory_space<vmem>>, vector<1600x32xf32>,
    return
  }
  func.func @transform_0(%arg0: i32) -> (i32, i32) {
    %c0_i32 = arith.constant 0 : i32
    %c0_i32_0 = arith.constant 0 : i32
    return %arg0, %c0_i32 : i32, i32
  }
  func.func @transform_1(%arg0: i32) -> (i32, i32) {
    %c0_i32 = arith.constant 0 : i32
    %c0_i32_0 = arith.constant 0 : i32
    return %arg0, %c0_i32 : i32, i32
  }
  func.func @transform_2(%arg0: i32) -> (i32, i32) {
    %c0_i32 = arith.constant 0 : i32
    %c0_i32_0 = arith.constant 0 : i32
    return %arg0, %c0_i32 : i32, i32
  }
  func.func @transform_3(%arg0: i32) -> (i32, i32) {
    %c0_i32 = arith.constant 0 : i32
    %c0_i32_0 = arith.constant 0 : i32
    return %arg0, %c0_i32 : i32, i32
  }
  func.func @transform_4(%arg0: i32) -> (i32, i32) {
    %c0_i32 = arith.constant 0 : i32
    %c0_i32_0 = arith.constant 0 : i32
    %c0_i32_1 = arith.constant 0 : i32
    return %c0_i32, %c0_i32_0 : i32, i32
  }
  func.func @transform_5(%arg0: i32) -> (i32, i32) {
    %c0_i32 = arith.constant 0 : i32
    %c0_i32_0 = arith.constant 0 : i32
    %c0_i32_1 = arith.constant 0 : i32
    return %c0_i32, %c0_i32_0 : i32, i32
  }
  func.func @transform_6(%arg0: i32) -> (i32, i32) {
    %c0_i32 = arith.constant 0 : i32
    %c0_i32_0 = arith.constant 0 : i32
    %c0_i32_1 = arith.constant 0 : i32
    return %c0_i32, %c0_i32_0 : i32, i32
  }
  func.func @transform_7(%arg0: i32) -> (i32, i32) {
    %c0_i32 = arith.constant 0 : i32
    %c0_i32_0 = arith.constant 0 : i32
    %c0_i32_1 = arith.constant 0 : i32
    return %c0_i32, %c0_i32_0 : i32, i32
  }
  func.func @transform_8(%arg0: i32) -> (i32, i32) {
    %c0_i32 = arith.constant 0 : i32
    %c0_i32_0 = arith.constant 0 : i32
    return %arg0, %c0_i32 : i32, i32
  }
  func.func @transform_9(%arg0: i32) -> (i32, i32) {
    %c0_i32 = arith.constant 0 : i32
    %c0_i32_0 = arith.constant 0 : i32
    return %arg0, %c0_i32 : i32, i32
  }
  func.func @transform_10(%arg0: i32) -> (i32, i32) {
    %c0_i32 = arith.constant 0 : i32
    %c0_i32_0 = arith.constant 0 : i32
    return %arg0, %c0_i32 : i32, i32
  }
}

module attributes {stable_mosaic.version = 14 : i64} {
  func.func @body(%arg0: i32, %arg1: memref<1600x32xf32, #tpu.memory_space<vmem>>, %arg2: memref<1600x32xf32, #tpu.memory_space<vmem>>, %arg3: memref<1600x32xf32, #tpu.memory_space<vmem>>, %arg4: memref<1600x32xf32, #tpu.memory_space<vmem>>, %arg5: memref<1600x32xf32, #tpu.memory_space<vmem>>, %arg6: memref<1600x16xf32, #tpu.memory_space<vmem>>) attributes {dimension_semantics = [#tpu.dimension_semantics<arbitrary>], iteration_bounds = array<i64: 500>, scalar_prefetch = 0 : i64, scratch_operands = 0 : i64, tpu.core_type = #tpu.core_type<tc>, window_params = [{transform_indices = @transform_0, window_bounds = array<i64: 1600, 32>}, {transform_indices = @transform_1, window_bounds = array<i64: 1600, 32>}, {transform_indices = @transform_2, window_bounds = array<i64: 1600, 32>}, {transform_indices = @transform_3, window_bounds = array<i64: 1600, 32>}, {transform_indices = @transform_4, window_bounds = array<i64: 1600, 32>}, {transform_indices = @transform_5, window_bounds = array<i64: 1600, 16>}]} {
    %get3A = arith.constant 0 : index
    %get3A_0 = arith.constant 0 : index
    %get3A_1 = vector.load %arg4[%get3A, %get3A_0] : memref<1600x32xf32, #tpu.memory_space<vmem>>, vector<1600x32xf32>
    %get3A_2 = arith.constant 0 : index
    %get3A_3 = arith.constant 0 : index
    %get3A_4 = vector.load %arg2[%get3A_2, %get3A_3] : memref<1600x32xf32, #tpu.memory_space<vmem>>, vector<1600x32xf32>
    %add3A = arith.addf %get3A_4, %get3A_1 : vector<1600x32xf32>
    %get3A_5 = arith.constant 0 : index
    %get3A_6 = arith.constant 0 : index
    %get3A_7 = vector.load %arg3[%get3A_5, %get3A_6] : memref<1600x32xf32, #tpu.memory_space<vmem>>, vector<1600x32xf32>
    %add3A_8 = arith.addf %get3A_7, %get3A_1 : vector<1600x32xf32>
    %get3A_9 = arith.constant 0 : index
    %get3A_10 = arith.constant 0 : index
    %get3A_11 = vector.load %arg1[%get3A_9, %get3A_10] : memref<1600x32xf32, #tpu.memory_space<vmem>>, vector<1600x32xf32>
    %mul3A = arith.mulf %get3A_11, %add3A : vector<1600x32xf32>
    %broadcast_in_dim3A = arith.constant 1.000000e+00 : f32
    %broadcast_in_dim3A_12 = vector.broadcast %broadcast_in_dim3A : f32 to vector<32x1xf32>
    %dot_general3A = arith.constant dense<0.000000e+00> : vector<1600x1xf32>
    %dot_general3A_13 = tpu.matmul %mul3A, %broadcast_in_dim3A_12, %dot_general3A {dimension_numbers = #tpu.dot_dimension_numbers<[1], [0], [0], [1], [0, 0, 1, 1], [], []>, transpose_lhs_hint = false} : vector<1600x32xf32>, vector<32x1xf32>, vector<1600x1xf32> -> vector<1600x1xf32>
    %mul3A_14 = arith.constant 0.176776692 : f32
    %mul3A_15 = vector.broadcast %mul3A_14 : f32 to vector<1600x1xf32>
    %mul3A_16 = arith.mulf %dot_general3A_13, %mul3A_15 : vector<1600x1xf32>
    %exp3A = math.exp %mul3A_16 : vector<1600x1xf32>
    %mul3A_17 = vector.broadcast %exp3A : vector<1600x1xf32> to vector<1600x32xf32>
    %mul3A_18 = arith.mulf %mul3A_17, %add3A_8 : vector<1600x32xf32>
    %swap3A = arith.constant 0 : index
    %swap3A_19 = arith.constant 0 : index
    %swap3A_20 = vector.load %arg5[%swap3A, %swap3A_19] : memref<1600x32xf32, #tpu.memory_space<vmem>>, vector<1600x32xf32>
    tpu.vector_store %arg5[%swap3A, %swap3A_19], %mul3A_18 {strides = array<i32>} : memref<1600x32xf32, #tpu.memory_space<vmem>>, vector<1600x32xf32>,
    %broadcast_in_dim3A_21 = arith.constant 1.000000e+00 : f32
    %broadcast_in_dim3A_22 = vector.broadcast %broadcast_in_dim3A_21 : f32 to vector<1600x1xf32>
    %broadcast_in_dim3A_23 = arith.constant 0.000000e+00 : f32
    %broadcast_in_dim3A_24 = vector.broadcast %broadcast_in_dim3A_23 : f32 to vector<1600x14xf32>
    %concatenate3A = tpu.concatenate %exp3A, %broadcast_in_dim3A_22, %broadcast_in_dim3A_24 in 1 : vector<1600x1xf32>, vector<1600x1xf32>, vector<1600x14xf32> -> vector<1600x16xf32>
    %swap3A_25 = arith.constant 0 : index
    %swap3A_26 = arith.constant 0 : index
    %swap3A_27 = vector.load %arg6[%swap3A_25, %swap3A_26] : memref<1600x16xf32, #tpu.memory_space<vmem>>, vector<1600x16xf32>
    tpu.vector_store %arg6[%swap3A_25, %swap3A_26], %concatenate3A {strides = array<i32>} : memref<1600x16xf32, #tpu.memory_space<vmem>>, vector<1600x16xf32>,
    return
  }
  func.func @transform_0(%arg0: i32) -> (i32, i32) {
    %c0_i32 = arith.constant 0 : i32
    %c0_i32_0 = arith.constant 0 : i32
    return %arg0, %c0_i32 : i32, i32
  }
  func.func @transform_1(%arg0: i32) -> (i32, i32) {
    %c0_i32 = arith.constant 0 : i32
    %c0_i32_0 = arith.constant 0 : i32
    return %arg0, %c0_i32 : i32, i32
  }
  func.func @transform_2(%arg0: i32) -> (i32, i32) {
    %c0_i32 = arith.constant 0 : i32
    %c0_i32_0 = arith.constant 0 : i32
    return %arg0, %c0_i32 : i32, i32
  }
  func.func @transform_3(%arg0: i32) -> (i32, i32) {
    %c0_i32 = arith.constant 0 : i32
    %c0_i32_0 = arith.constant 0 : i32
    return %arg0, %c0_i32 : i32, i32
  }
  func.func @transform_4(%arg0: i32) -> (i32, i32) {
    %c0_i32 = arith.constant 0 : i32
    %c0_i32_0 = arith.constant 0 : i32
    return %arg0, %c0_i32 : i32, i32
  }
  func.func @transform_5(%arg0: i32) -> (i32, i32) {
    %c0_i32 = arith.constant 0 : i32
    %c0_i32_0 = arith.constant 0 : i32
    return %arg0, %c0_i32 : i32, i32
  }
}

module attributes {stable_mosaic.version = 14 : i64} {
  func.func @body(%arg0: i32, %arg1: memref<2x2000x32xf32, #tpu.memory_space<vmem>>, %arg2: memref<2x2000x16xf32, #tpu.memory_space<vmem>>, %arg3: memref<2000x32xf32, #tpu.memory_space<vmem>>, %arg4: memref<2000x8xf32, #tpu.memory_space<vmem>>, %arg5: memref<2000x8xf32, #tpu.memory_space<vmem>>, %arg6: memref<32x32xf32, #tpu.memory_space<vmem>>, %arg7: memref<8x32xf32, #tpu.memory_space<vmem>>, %arg8: memref<1x32xf32, #tpu.memory_space<vmem>>, %arg9: memref<32x32xf32, #tpu.memory_space<vmem>>, %arg10: memref<8x32xf32, #tpu.memory_space<vmem>>, %arg11: memref<1x32xf32, #tpu.memory_space<vmem>>, %arg12: memref<32x32xf32, #tpu.memory_space<vmem>>, %arg13: memref<8x32xf32, #tpu.memory_space<vmem>>, %arg14: memref<1x32xf32, #tpu.memory_space<vmem>>, %arg15: memref<32x32xf32, #tpu.memory_space<vmem>>, %arg16: memref<1x32xf32, #tpu.memory_space<vmem>>, %arg17: memref<32x32xf32, #tpu.memory_space<vmem>>, %arg18: memref<8x32xf32, #tpu.memory_space<vmem>>, %arg19: memref<1x32xf32, #tpu.memory_space<vmem>>, %arg20: memref<8x32xf32, #tpu.memory_space<vmem>>, %arg21: memref<1x32xf32, #tpu.memory_space<vmem>>, %arg22: memref<2000x32xf32, #tpu.memory_space<vmem>>, %arg23: memref<2000x32xf32, #tpu.memory_space<vmem>>, %arg24: memref<2000x32xf32, #tpu.memory_space<vmem>>, %arg25: memref<2000x32xf32, #tpu.memory_space<vmem>>, %arg26: memref<2000x32xf32, #tpu.memory_space<vmem>>, %arg27: memref<2000x32xf32, #tpu.memory_space<vmem>>) attributes {dimension_semantics = [#tpu.dimension_semantics<arbitrary>], iteration_bounds = array<i64: 25>, scalar_prefetch = 0 : i64, scratch_operands = 0 : i64, tpu.core_type = #tpu.core_type<tc>, window_params = [{transform_indices = @transform_0, window_bounds = array<i64: 2, 2000, 32>}, {transform_indices = @transform_1, window_bounds = array<i64: 2, 2000, 16>}, {transform_indices = @transform_2, window_bounds = array<i64: 2000, 32>}, {transform_indices = @transform_3, window_bounds = array<i64: 2000, 8>}, {transform_indices = @transform_4, window_bounds = array<i64: 2000, 8>}, {pipeline_mode = #tpu.pipeline_mode<synchronous>, transform_indices = @transform_5, window_bounds = array<i64: 32, 32>}, {pipeline_mode = #tpu.pipeline_mode<synchronous>, transform_indices = @transform_6, window_bounds = array<i64: 8, 32>}, {pipeline_mode = #tpu.pipeline_mode<synchronous>, transform_indices = @transform_7, window_bounds = array<i64: 1, 32>}, {pipeline_mode = #tpu.pipeline_mode<synchronous>, transform_indices = @transform_8, window_bounds = array<i64: 32, 32>}, {pipeline_mode = #tpu.pipeline_mode<synchronous>, transform_indices = @transform_9, window_bounds = array<i64: 8, 32>}, {pipeline_mode = #tpu.pipeline_mode<synchronous>, transform_indices = @transform_10, window_bounds = array<i64: 1, 32>}, {pipeline_mode = #tpu.pipeline_mode<synchronous>, transform_indices = @transform_11, window_bounds = array<i64: 32, 32>}, {pipeline_mode = #tpu.pipeline_mode<synchronous>, transform_indices = @transform_12, window_bounds = array<i64: 8, 32>}, {pipeline_mode = #tpu.pipeline_mode<synchronous>, transform_indices = @transform_13, window_bounds = array<i64: 1, 32>}, {pipeline_mode = #tpu.pipeline_mode<synchronous>, transform_indices = @transform_14, window_bounds = array<i64: 32, 32>}, {pipeline_mode = #tpu.pipeline_mode<synchronous>, transform_indices = @transform_15, window_bounds = array<i64: 1, 32>}, {pipeline_mode = #tpu.pipeline_mode<synchronous>, transform_indices = @transform_16, window_bounds = array<i64: 32, 32>}, {pipeline_mode = #tpu.pipeline_mode<synchronous>, transform_indices = @transform_17, window_bounds = array<i64: 8, 32>}, {pipeline_mode = #tpu.pipeline_mode<synchronous>, transform_indices = @transform_18, window_bounds = array<i64: 1, 32>}, {pipeline_mode = #tpu.pipeline_mode<synchronous>, transform_indices = @transform_19, window_bounds = array<i64: 8, 32>}, {pipeline_mode = #tpu.pipeline_mode<synchronous>, transform_indices = @transform_20, window_bounds = array<i64: 1, 32>}, {transform_indices = @transform_21, window_bounds = array<i64: 2000, 32>}, {transform_indices = @transform_22, window_bounds = array<i64: 2000, 32>}, {transform_indices = @transform_23, window_bounds = array<i64: 2000, 32>}, {transform_indices = @transform_24, window_bounds = array<i64: 2000, 32>}, {transform_indices = @transform_25, window_bounds = array<i64: 2000, 32>}, {transform_indices = @transform_26, window_bounds = array<i64: 2000, 32>}]} {
    %get3A = arith.constant 0 : index
    %get3A_0 = arith.constant 0 : index
    %get3A_1 = vector.load %arg4[%get3A, %get3A_0] : memref<2000x8xf32, #tpu.memory_space<vmem>>, vector<2000x8xf32>
    %get3A_2 = arith.constant 0 : index
    %get3A_3 = arith.constant 0 : index
    %get3A_4 = vector.load %arg5[%get3A_2, %get3A_3] : memref<2000x8xf32, #tpu.memory_space<vmem>>, vector<2000x8xf32>
    %get3A_5 = arith.constant 0 : index
    %get3A_6 = arith.constant 0 : index
    %get3A_7 = arith.constant 0 : index
    %get3A_8 = vector.load %arg1[%get3A_5, %get3A_6, %get3A_7] : memref<2x2000x32xf32, #tpu.memory_space<vmem>>, vector<2x2000x32xf32>
    %get3A_9 = arith.constant 0 : index
    %get3A_10 = arith.constant 0 : index
    %get3A_11 = arith.constant 0 : index
    %get3A_12 = vector.load %arg2[%get3A_9, %get3A_10, %get3A_11] : memref<2x2000x16xf32, #tpu.memory_space<vmem>>, vector<2x2000x16xf32>
    %get3A_13 = arith.constant 0 : index
    %get3A_14 = arith.constant 0 : index
    %get3A_15 = vector.load %arg3[%get3A_13, %get3A_14] : memref<2000x32xf32, #tpu.memory_space<vmem>>, vector<2000x32xf32>
    %slice3A = vector.extract_strided_slice %get3A_8 {offsets = [0, 0, 0], sizes = [1, 2000, 32], strides = [1, 1, 1]} : vector<2x2000x32xf32> to vector<1x2000x32xf32>
    %squeeze3A = vector.shape_cast %slice3A : vector<1x2000x32xf32> to vector<2000x32xf32>
    %slice3A_16 = vector.extract_strided_slice %get3A_8 {offsets = [1, 0, 0], sizes = [1, 2000, 32], strides = [1, 1, 1]} : vector<2x2000x32xf32> to vector<1x2000x32xf32>
    %squeeze3A_17 = vector.shape_cast %slice3A_16 : vector<1x2000x32xf32> to vector<2000x32xf32>
    %add3A = arith.addf %squeeze3A, %squeeze3A_17 : vector<2000x32xf32>
    %slice3A_18 = vector.extract_strided_slice %get3A_12 {offsets = [0, 0, 0], sizes = [1, 2000, 16], strides = [1, 1, 1]} : vector<2x2000x16xf32> to vector<1x2000x16xf32>
    %squeeze3A_19 = vector.shape_cast %slice3A_18 : vector<1x2000x16xf32> to vector<2000x16xf32>
    %slice3A_20 = vector.extract_strided_slice %get3A_12 {offsets = [1, 0, 0], sizes = [1, 2000, 16], strides = [1, 1, 1]} : vector<2x2000x16xf32> to vector<1x2000x16xf32>
    %squeeze3A_21 = vector.shape_cast %slice3A_20 : vector<1x2000x16xf32> to vector<2000x16xf32>
    %add3A_22 = arith.addf %squeeze3A_19, %squeeze3A_21 : vector<2000x16xf32>
    %slice3A_23 = vector.extract_strided_slice %add3A_22 {offsets = [0, 0], sizes = [2000, 1], strides = [1, 1]} : vector<2000x16xf32> to vector<2000x1xf32>
    %slice3A_24 = vector.extract_strided_slice %add3A_22 {offsets = [0, 1], sizes = [2000, 1], strides = [1, 1]} : vector<2000x16xf32> to vector<2000x1xf32>
    %add3A_25 = arith.constant 1.000000e-16 : f32
    %add3A_26 = vector.broadcast %add3A_25 : f32 to vector<2000x1xf32>
    %add3A_27 = arith.addf %slice3A_23, %add3A_26 : vector<2000x1xf32>
    %div3A = vector.broadcast %add3A_27 : vector<2000x1xf32> to vector<2000x32xf32>
    %div3A_28 = arith.divf %add3A, %div3A : vector<2000x32xf32>
    %max3A = arith.constant 1.000000e+00 : f32
    %max3A_29 = vector.broadcast %max3A : f32 to vector<2000x1xf32>
    %max3A_30 = arith.maximumf %slice3A_24, %max3A_29 : vector<2000x1xf32>
    %div3A_31 = vector.broadcast %max3A_30 : vector<2000x1xf32> to vector<2000x32xf32>
    %div3A_32 = arith.divf %div3A_28, %div3A_31 : vector<2000x32xf32>
    %add3A_33 = arith.addf %div3A_32, %get3A_15 : vector<2000x32xf32>
    %max3A_34 = arith.constant 0.000000e+00 : f32
    %max3A_35 = vector.broadcast %max3A_34 : f32 to vector<2000x32xf32>
    %max3A_36 = arith.maximumf %add3A_33, %max3A_35 : vector<2000x32xf32>
    %swap3A = arith.constant 0 : index
    %swap3A_37 = arith.constant 0 : index
    %swap3A_38 = vector.load %arg22[%swap3A, %swap3A_37] : memref<2000x32xf32, #tpu.memory_space<vmem>>, vector<2000x32xf32>
    tpu.vector_store %arg22[%swap3A, %swap3A_37], %max3A_36 {strides = array<i32>} : memref<2000x32xf32, #tpu.memory_space<vmem>>, vector<2000x32xf32>,
    %get3A_39 = arith.constant 0 : index
    %get3A_40 = arith.constant 0 : index
    %get3A_41 = vector.load %arg6[%get3A_39, %get3A_40] : memref<32x32xf32, #tpu.memory_space<vmem>>, vector<32x32xf32>
    %dot_general3A = arith.constant dense<0.000000e+00> : vector<2000x32xf32>
    %dot_general3A_42 = tpu.matmul %max3A_36, %get3A_41, %dot_general3A {dimension_numbers = #tpu.dot_dimension_numbers<[1], [0], [0], [1], [0, 0, 1, 1], [], []>, transpose_lhs_hint = false} : vector<2000x32xf32>, vector<32x32xf32>, vector<2000x32xf32> -> vector<2000x32xf32>
    %get3A_43 = arith.constant 0 : index
    %get3A_44 = arith.constant 0 : index
    %get3A_45 = vector.load %arg7[%get3A_43, %get3A_44] : memref<8x32xf32, #tpu.memory_space<vmem>>, vector<8x32xf32>
    %dot_general3A_46 = arith.constant dense<0.000000e+00> : vector<2000x32xf32>
    %dot_general3A_47 = tpu.matmul %get3A_1, %get3A_45, %dot_general3A_46 {dimension_numbers = #tpu.dot_dimension_numbers<[1], [0], [0], [1], [0, 0, 1, 1], [], []>, transpose_lhs_hint = false} : vector<2000x8xf32>, vector<8x32xf32>, vector<2000x32xf32> -> vector<2000x32xf32>
    %add3A_48 = arith.addf %dot_general3A_42, %dot_general3A_47 : vector<2000x32xf32>
    %get3A_49 = arith.constant 0 : index
    %get3A_50 = arith.constant 0 : index
    %get3A_51 = vector.load %arg8[%get3A_49, %get3A_50] : memref<1x32xf32, #tpu.memory_space<vmem>>, vector<1x32xf32>
    %add3A_52 = vector.broadcast %get3A_51 : vector<1x32xf32> to vector<2000x32xf32>
    %add3A_53 = arith.addf %add3A_48, %add3A_52 : vector<2000x32xf32>
    %swap3A_54 = arith.constant 0 : index
    %swap3A_55 = arith.constant 0 : index
    %swap3A_56 = vector.load %arg23[%swap3A_54, %swap3A_55] : memref<2000x32xf32, #tpu.memory_space<vmem>>, vector<2000x32xf32>
    tpu.vector_store %arg23[%swap3A_54, %swap3A_55], %add3A_53 {strides = array<i32>} : memref<2000x32xf32, #tpu.memory_space<vmem>>, vector<2000x32xf32>,
    %get3A_57 = arith.constant 0 : index
    %get3A_58 = arith.constant 0 : index
    %get3A_59 = vector.load %arg9[%get3A_57, %get3A_58] : memref<32x32xf32, #tpu.memory_space<vmem>>, vector<32x32xf32>
    %dot_general3A_60 = arith.constant dense<0.000000e+00> : vector<2000x32xf32>
    %dot_general3A_61 = tpu.matmul %max3A_36, %get3A_59, %dot_general3A_60 {dimension_numbers = #tpu.dot_dimension_numbers<[1], [0], [0], [1], [0, 0, 1, 1], [], []>, transpose_lhs_hint = false} : vector<2000x32xf32>, vector<32x32xf32>, vector<2000x32xf32> -> vector<2000x32xf32>
    %get3A_62 = arith.constant 0 : index
    %get3A_63 = arith.constant 0 : index
    %get3A_64 = vector.load %arg10[%get3A_62, %get3A_63] : memref<8x32xf32, #tpu.memory_space<vmem>>, vector<8x32xf32>
    %dot_general3A_65 = arith.constant dense<0.000000e+00> : vector<2000x32xf32>
    %dot_general3A_66 = tpu.matmul %get3A_1, %get3A_64, %dot_general3A_65 {dimension_numbers = #tpu.dot_dimension_numbers<[1], [0], [0], [1], [0, 0, 1, 1], [], []>, transpose_lhs_hint = false} : vector<2000x8xf32>, vector<8x32xf32>, vector<2000x32xf32> -> vector<2000x32xf32>
    %add3A_67 = arith.addf %dot_general3A_61, %dot_general3A_66 : vector<2000x32xf32>
    %get3A_68 = arith.constant 0 : index
    %get3A_69 = arith.constant 0 : index
    %get3A_70 = vector.load %arg11[%get3A_68, %get3A_69] : memref<1x32xf32, #tpu.memory_space<vmem>>, vector<1x32xf32>
    %add3A_71 = vector.broadcast %get3A_70 : vector<1x32xf32> to vector<2000x32xf32>
    %add3A_72 = arith.addf %add3A_67, %add3A_71 : vector<2000x32xf32>
    %swap3A_73 = arith.constant 0 : index
    %swap3A_74 = arith.constant 0 : index
    %swap3A_75 = vector.load %arg24[%swap3A_73, %swap3A_74] : memref<2000x32xf32, #tpu.memory_space<vmem>>, vector<2000x32xf32>
    tpu.vector_store %arg24[%swap3A_73, %swap3A_74], %add3A_72 {strides = array<i32>} : memref<2000x32xf32, #tpu.memory_space<vmem>>, vector<2000x32xf32>,
    %get3A_76 = arith.constant 0 : index
    %get3A_77 = arith.constant 0 : index
    %get3A_78 = vector.load %arg12[%get3A_76, %get3A_77] : memref<32x32xf32, #tpu.memory_space<vmem>>, vector<32x32xf32>
    %dot_general3A_79 = arith.constant dense<0.000000e+00> : vector<2000x32xf32>
    %dot_general3A_80 = tpu.matmul %max3A_36, %get3A_78, %dot_general3A_79 {dimension_numbers = #tpu.dot_dimension_numbers<[1], [0], [0], [1], [0, 0, 1, 1], [], []>, transpose_lhs_hint = false} : vector<2000x32xf32>, vector<32x32xf32>, vector<2000x32xf32> -> vector<2000x32xf32>
    %get3A_81 = arith.constant 0 : index
    %get3A_82 = arith.constant 0 : index
    %get3A_83 = vector.load %arg13[%get3A_81, %get3A_82] : memref<8x32xf32, #tpu.memory_space<vmem>>, vector<8x32xf32>
    %dot_general3A_84 = arith.constant dense<0.000000e+00> : vector<2000x32xf32>
    %dot_general3A_85 = tpu.matmul %get3A_1, %get3A_83, %dot_general3A_84 {dimension_numbers = #tpu.dot_dimension_numbers<[1], [0], [0], [1], [0, 0, 1, 1], [], []>, transpose_lhs_hint = false} : vector<2000x8xf32>, vector<8x32xf32>, vector<2000x32xf32> -> vector<2000x32xf32>
    %add3A_86 = arith.addf %dot_general3A_80, %dot_general3A_85 : vector<2000x32xf32>
    %get3A_87 = arith.constant 0 : index
    %get3A_88 = arith.constant 0 : index
    %get3A_89 = vector.load %arg14[%get3A_87, %get3A_88] : memref<1x32xf32, #tpu.memory_space<vmem>>, vector<1x32xf32>
    %add3A_90 = vector.broadcast %get3A_89 : vector<1x32xf32> to vector<2000x32xf32>
    %add3A_91 = arith.addf %add3A_86, %add3A_90 : vector<2000x32xf32>
    %max3A_92 = arith.constant 0.000000e+00 : f32
    %max3A_93 = vector.broadcast %max3A_92 : f32 to vector<2000x32xf32>
    %max3A_94 = arith.maximumf %add3A_91, %max3A_93 : vector<2000x32xf32>
    %get3A_95 = arith.constant 0 : index
    %get3A_96 = arith.constant 0 : index
    %get3A_97 = vector.load %arg15[%get3A_95, %get3A_96] : memref<32x32xf32, #tpu.memory_space<vmem>>, vector<32x32xf32>
    %dot_general3A_98 = arith.constant dense<0.000000e+00> : vector<2000x32xf32>
    %dot_general3A_99 = tpu.matmul %max3A_94, %get3A_97, %dot_general3A_98 {dimension_numbers = #tpu.dot_dimension_numbers<[1], [0], [0], [1], [0, 0, 1, 1], [], []>, transpose_lhs_hint = false} : vector<2000x32xf32>, vector<32x32xf32>, vector<2000x32xf32> -> vector<2000x32xf32>
    %get3A_100 = arith.constant 0 : index
    %get3A_101 = arith.constant 0 : index
    %get3A_102 = vector.load %arg16[%get3A_100, %get3A_101] : memref<1x32xf32, #tpu.memory_space<vmem>>, vector<1x32xf32>
    %add3A_103 = vector.broadcast %get3A_102 : vector<1x32xf32> to vector<2000x32xf32>
    %add3A_104 = arith.addf %dot_general3A_99, %add3A_103 : vector<2000x32xf32>
    %max3A_105 = arith.constant 0.000000e+00 : f32
    %max3A_106 = vector.broadcast %max3A_105 : f32 to vector<2000x32xf32>
    %max3A_107 = arith.maximumf %add3A_104, %max3A_106 : vector<2000x32xf32>
    %get3A_108 = arith.constant 0 : index
    %get3A_109 = arith.constant 0 : index
    %get3A_110 = vector.load %arg17[%get3A_108, %get3A_109] : memref<32x32xf32, #tpu.memory_space<vmem>>, vector<32x32xf32>
    %dot_general3A_111 = arith.constant dense<0.000000e+00> : vector<2000x32xf32>
    %dot_general3A_112 = tpu.matmul %max3A_107, %get3A_110, %dot_general3A_111 {dimension_numbers = #tpu.dot_dimension_numbers<[1], [0], [0], [1], [0, 0, 1, 1], [], []>, transpose_lhs_hint = false} : vector<2000x32xf32>, vector<32x32xf32>, vector<2000x32xf32> -> vector<2000x32xf32>
    %swap3A_113 = arith.constant 0 : index
    %swap3A_114 = arith.constant 0 : index
    %swap3A_115 = vector.load %arg25[%swap3A_113, %swap3A_114] : memref<2000x32xf32, #tpu.memory_space<vmem>>, vector<2000x32xf32>
    tpu.vector_store %arg25[%swap3A_113, %swap3A_114], %dot_general3A_112 {strides = array<i32>} : memref<2000x32xf32, #tpu.memory_space<vmem>>, vector<2000x32xf32>,
    %get3A_116 = arith.constant 0 : index
    %get3A_117 = arith.constant 0 : index
    %get3A_118 = vector.load %arg18[%get3A_116, %get3A_117] : memref<8x32xf32, #tpu.memory_space<vmem>>, vector<8x32xf32>
    %dot_general3A_119 = arith.constant dense<0.000000e+00> : vector<2000x32xf32>
    %dot_general3A_120 = tpu.matmul %get3A_4, %get3A_118, %dot_general3A_119 {dimension_numbers = #tpu.dot_dimension_numbers<[1], [0], [0], [1], [0, 0, 1, 1], [], []>, transpose_lhs_hint = false} : vector<2000x8xf32>, vector<8x32xf32>, vector<2000x32xf32> -> vector<2000x32xf32>
    %get3A_121 = arith.constant 0 : index
    %get3A_122 = arith.constant 0 : index
    %get3A_123 = vector.load %arg19[%get3A_121, %get3A_122] : memref<1x32xf32, #tpu.memory_space<vmem>>, vector<1x32xf32>
    %add3A_124 = vector.broadcast %get3A_123 : vector<1x32xf32> to vector<2000x32xf32>
    %add3A_125 = arith.addf %dot_general3A_120, %add3A_124 : vector<2000x32xf32>
    %swap3A_126 = arith.constant 0 : index
    %swap3A_127 = arith.constant 0 : index
    %swap3A_128 = vector.load %arg26[%swap3A_126, %swap3A_127] : memref<2000x32xf32, #tpu.memory_space<vmem>>, vector<2000x32xf32>
    tpu.vector_store %arg26[%swap3A_126, %swap3A_127], %add3A_125 {strides = array<i32>} : memref<2000x32xf32, #tpu.memory_space<vmem>>, vector<2000x32xf32>,
    %get3A_129 = arith.constant 0 : index
    %get3A_130 = arith.constant 0 : index
    %get3A_131 = vector.load %arg20[%get3A_129, %get3A_130] : memref<8x32xf32, #tpu.memory_space<vmem>>, vector<8x32xf32>
    %dot_general3A_132 = arith.constant dense<0.000000e+00> : vector<2000x32xf32>
    %dot_general3A_133 = tpu.matmul %get3A_4, %get3A_131, %dot_general3A_132 {dimension_numbers = #tpu.dot_dimension_numbers<[1], [0], [0], [1], [0, 0, 1, 1], [], []>, transpose_lhs_hint = false} : vector<2000x8xf32>, vector<8x32xf32>, vector<2000x32xf32> -> vector<2000x32xf32>
    %get3A_134 = arith.constant 0 : index
    %get3A_135 = arith.constant 0 : index
    %get3A_136 = vector.load %arg21[%get3A_134, %get3A_135] : memref<1x32xf32, #tpu.memory_space<vmem>>, vector<1x32xf32>
    %add3A_137 = vector.broadcast %get3A_136 : vector<1x32xf32> to vector<2000x32xf32>
    %add3A_138 = arith.addf %dot_general3A_133, %add3A_137 : vector<2000x32xf32>
    %swap3A_139 = arith.constant 0 : index
    %swap3A_140 = arith.constant 0 : index
    %swap3A_141 = vector.load %arg27[%swap3A_139, %swap3A_140] : memref<2000x32xf32, #tpu.memory_space<vmem>>, vector<2000x32xf32>
    tpu.vector_store %arg27[%swap3A_139, %swap3A_140], %add3A_138 {strides = array<i32>} : memref<2000x32xf32, #tpu.memory_space<vmem>>, vector<2000x32xf32>,
    return
  }
  func.func @transform_0(%arg0: i32) -> (i32, i32, i32) {
    %c0_i32 = arith.constant 0 : i32
    %c0_i32_0 = arith.constant 0 : i32
    %c0_i32_1 = arith.constant 0 : i32
    return %c0_i32, %arg0, %c0_i32_0 : i32, i32, i32
  }
  func.func @transform_1(%arg0: i32) -> (i32, i32, i32) {
    %c0_i32 = arith.constant 0 : i32
    %c0_i32_0 = arith.constant 0 : i32
    %c0_i32_1 = arith.constant 0 : i32
    return %c0_i32, %arg0, %c0_i32_0 : i32, i32, i32
  }
  func.func @transform_2(%arg0: i32) -> (i32, i32) {
    %c0_i32 = arith.constant 0 : i32
    %c0_i32_0 = arith.constant 0 : i32
    return %arg0, %c0_i32 : i32, i32
  }
  func.func @transform_3(%arg0: i32) -> (i32, i32) {
    %c0_i32 = arith.constant 0 : i32
    %c0_i32_0 = arith.constant 0 : i32
    return %arg0, %c0_i32 : i32, i32
  }
  func.func @transform_4(%arg0: i32) -> (i32, i32) {
    %c0_i32 = arith.constant 0 : i32
    %c0_i32_0 = arith.constant 0 : i32
    return %arg0, %c0_i32 : i32, i32
  }
  func.func @transform_5(%arg0: i32) -> (i32, i32) {
    %c0_i32 = arith.constant 0 : i32
    %c0_i32_0 = arith.constant 0 : i32
    %c0_i32_1 = arith.constant 0 : i32
    return %c0_i32, %c0_i32_0 : i32, i32
  }
  func.func @transform_6(%arg0: i32) -> (i32, i32) {
    %c0_i32 = arith.constant 0 : i32
    %c0_i32_0 = arith.constant 0 : i32
    %c0_i32_1 = arith.constant 0 : i32
    return %c0_i32, %c0_i32_0 : i32, i32
  }
  func.func @transform_7(%arg0: i32) -> (i32, i32) {
    %c0_i32 = arith.constant 0 : i32
    %c0_i32_0 = arith.constant 0 : i32
    %c0_i32_1 = arith.constant 0 : i32
    return %c0_i32, %c0_i32_0 : i32, i32
  }
  func.func @transform_8(%arg0: i32) -> (i32, i32) {
    %c0_i32 = arith.constant 0 : i32
    %c0_i32_0 = arith.constant 0 : i32
    %c0_i32_1 = arith.constant 0 : i32
    return %c0_i32, %c0_i32_0 : i32, i32
  }
  func.func @transform_9(%arg0: i32) -> (i32, i32) {
    %c0_i32 = arith.constant 0 : i32
    %c0_i32_0 = arith.constant 0 : i32
    %c0_i32_1 = arith.constant 0 : i32
    return %c0_i32, %c0_i32_0 : i32, i32
  }
  func.func @transform_10(%arg0: i32) -> (i32, i32) {
    %c0_i32 = arith.constant 0 : i32
    %c0_i32_0 = arith.constant 0 : i32
    %c0_i32_1 = arith.constant 0 : i32
    return %c0_i32, %c0_i32_0 : i32, i32
  }
  func.func @transform_11(%arg0: i32) -> (i32, i32) {
    %c0_i32 = arith.constant 0 : i32
    %c0_i32_0 = arith.constant 0 : i32
    %c0_i32_1 = arith.constant 0 : i32
    return %c0_i32, %c0_i32_0 : i32, i32
  }
  func.func @transform_12(%arg0: i32) -> (i32, i32) {
    %c0_i32 = arith.constant 0 : i32
    %c0_i32_0 = arith.constant 0 : i32
    %c0_i32_1 = arith.constant 0 : i32
    return %c0_i32, %c0_i32_0 : i32, i32
  }
  func.func @transform_13(%arg0: i32) -> (i32, i32) {
    %c0_i32 = arith.constant 0 : i32
    %c0_i32_0 = arith.constant 0 : i32
    %c0_i32_1 = arith.constant 0 : i32
    return %c0_i32, %c0_i32_0 : i32, i32
  }
  func.func @transform_14(%arg0: i32) -> (i32, i32) {
    %c0_i32 = arith.constant 0 : i32
    %c0_i32_0 = arith.constant 0 : i32
    %c0_i32_1 = arith.constant 0 : i32
    return %c0_i32, %c0_i32_0 : i32, i32
  }
  func.func @transform_15(%arg0: i32) -> (i32, i32) {
    %c0_i32 = arith.constant 0 : i32
    %c0_i32_0 = arith.constant 0 : i32
    %c0_i32_1 = arith.constant 0 : i32
    return %c0_i32, %c0_i32_0 : i32, i32
  }
  func.func @transform_16(%arg0: i32) -> (i32, i32) {
    %c0_i32 = arith.constant 0 : i32
    %c0_i32_0 = arith.constant 0 : i32
    %c0_i32_1 = arith.constant 0 : i32
    return %c0_i32, %c0_i32_0 : i32, i32
  }
  func.func @transform_17(%arg0: i32) -> (i32, i32) {
    %c0_i32 = arith.constant 0 : i32
    %c0_i32_0 = arith.constant 0 : i32
    %c0_i32_1 = arith.constant 0 : i32
    return %c0_i32, %c0_i32_0 : i32, i32
  }
  func.func @transform_18(%arg0: i32) -> (i32, i32) {
    %c0_i32 = arith.constant 0 : i32
    %c0_i32_0 = arith.constant 0 : i32
    %c0_i32_1 = arith.constant 0 : i32
    return %c0_i32, %c0_i32_0 : i32, i32
  }
  func.func @transform_19(%arg0: i32) -> (i32, i32) {
    %c0_i32 = arith.constant 0 : i32
    %c0_i32_0 = arith.constant 0 : i32
    %c0_i32_1 = arith.constant 0 : i32
    return %c0_i32, %c0_i32_0 : i32, i32
  }
  func.func @transform_20(%arg0: i32) -> (i32, i32) {
    %c0_i32 = arith.constant 0 : i32
    %c0_i32_0 = arith.constant 0 : i32
    %c0_i32_1 = arith.constant 0 : i32
    return %c0_i32, %c0_i32_0 : i32, i32
  }
  func.func @transform_21(%arg0: i32) -> (i32, i32) {
    %c0_i32 = arith.constant 0 : i32
    %c0_i32_0 = arith.constant 0 : i32
    return %arg0, %c0_i32 : i32, i32
  }
  func.func @transform_22(%arg0: i32) -> (i32, i32) {
    %c0_i32 = arith.constant 0 : i32
    %c0_i32_0 = arith.constant 0 : i32
    return %arg0, %c0_i32 : i32, i32
  }
  func.func @transform_23(%arg0: i32) -> (i32, i32) {
    %c0_i32 = arith.constant 0 : i32
    %c0_i32_0 = arith.constant 0 : i32
    return %arg0, %c0_i32 : i32, i32
  }
  func.func @transform_24(%arg0: i32) -> (i32, i32) {
    %c0_i32 = arith.constant 0 : i32
    %c0_i32_0 = arith.constant 0 : i32
    return %arg0, %c0_i32 : i32, i32
  }
  func.func @transform_25(%arg0: i32) -> (i32, i32) {
    %c0_i32 = arith.constant 0 : i32
    %c0_i32_0 = arith.constant 0 : i32
    return %arg0, %c0_i32 : i32, i32
  }
  func.func @transform_26(%arg0: i32) -> (i32, i32) {
    %c0_i32 = arith.constant 0 : i32
    %c0_i32_0 = arith.constant 0 : i32
    return %arg0, %c0_i32 : i32, i32
  }
}

module attributes {stable_mosaic.version = 14 : i64} {
  func.func @body(%arg0: i32, %arg1: memref<2x2000x32xf32, #tpu.memory_space<vmem>>, %arg2: memref<2x2000x16xf32, #tpu.memory_space<vmem>>, %arg3: memref<2000x32xf32, #tpu.memory_space<vmem>>, %arg4: memref<2000x8xf32, #tpu.memory_space<vmem>>, %arg5: memref<32x32xf32, #tpu.memory_space<vmem>>, %arg6: memref<8x32xf32, #tpu.memory_space<vmem>>, %arg7: memref<1x32xf32, #tpu.memory_space<vmem>>, %arg8: memref<32x32xf32, #tpu.memory_space<vmem>>, %arg9: memref<1x32xf32, #tpu.memory_space<vmem>>, %arg10: memref<32x32xf32, #tpu.memory_space<vmem>>, %arg11: memref<2000x32xf32, #tpu.memory_space<vmem>>, %arg12: memref<2000x32xf32, #tpu.memory_space<vmem>>) attributes {dimension_semantics = [#tpu.dimension_semantics<arbitrary>], iteration_bounds = array<i64: 25>, scalar_prefetch = 0 : i64, scratch_operands = 0 : i64, tpu.core_type = #tpu.core_type<tc>, window_params = [{transform_indices = @transform_0, window_bounds = array<i64: 2, 2000, 32>}, {transform_indices = @transform_1, window_bounds = array<i64: 2, 2000, 16>}, {transform_indices = @transform_2, window_bounds = array<i64: 2000, 32>}, {transform_indices = @transform_3, window_bounds = array<i64: 2000, 8>}, {pipeline_mode = #tpu.pipeline_mode<synchronous>, transform_indices = @transform_4, window_bounds = array<i64: 32, 32>}, {pipeline_mode = #tpu.pipeline_mode<synchronous>, transform_indices = @transform_5, window_bounds = array<i64: 8, 32>}, {pipeline_mode = #tpu.pipeline_mode<synchronous>, transform_indices = @transform_6, window_bounds = array<i64: 1, 32>}, {pipeline_mode = #tpu.pipeline_mode<synchronous>, transform_indices = @transform_7, window_bounds = array<i64: 32, 32>}, {pipeline_mode = #tpu.pipeline_mode<synchronous>, transform_indices = @transform_8, window_bounds = array<i64: 1, 32>}, {pipeline_mode = #tpu.pipeline_mode<synchronous>, transform_indices = @transform_9, window_bounds = array<i64: 32, 32>}, {transform_indices = @transform_10, window_bounds = array<i64: 2000, 32>}, {transform_indices = @transform_11, window_bounds = array<i64: 2000, 32>}]} {
    %get3A = arith.constant 0 : index
    %get3A_0 = arith.constant 0 : index
    %get3A_1 = vector.load %arg4[%get3A, %get3A_0] : memref<2000x8xf32, #tpu.memory_space<vmem>>, vector<2000x8xf32>
    %get3A_2 = arith.constant 0 : index
    %get3A_3 = arith.constant 0 : index
    %get3A_4 = arith.constant 0 : index
    %get3A_5 = vector.load %arg1[%get3A_2, %get3A_3, %get3A_4] : memref<2x2000x32xf32, #tpu.memory_space<vmem>>, vector<2x2000x32xf32>
    %get3A_6 = arith.constant 0 : index
    %get3A_7 = arith.constant 0 : index
    %get3A_8 = arith.constant 0 : index
    %get3A_9 = vector.load %arg2[%get3A_6, %get3A_7, %get3A_8] : memref<2x2000x16xf32, #tpu.memory_space<vmem>>, vector<2x2000x16xf32>
    %get3A_10 = arith.constant 0 : index
    %get3A_11 = arith.constant 0 : index
    %get3A_12 = vector.load %arg3[%get3A_10, %get3A_11] : memref<2000x32xf32, #tpu.memory_space<vmem>>, vector<2000x32xf32>
    %slice3A = vector.extract_strided_slice %get3A_5 {offsets = [0, 0, 0], sizes = [1, 2000, 32], strides = [1, 1, 1]} : vector<2x2000x32xf32> to vector<1x2000x32xf32>
    %squeeze3A = vector.shape_cast %slice3A : vector<1x2000x32xf32> to vector<2000x32xf32>
    %slice3A_13 = vector.extract_strided_slice %get3A_5 {offsets = [1, 0, 0], sizes = [1, 2000, 32], strides = [1, 1, 1]} : vector<2x2000x32xf32> to vector<1x2000x32xf32>
    %squeeze3A_14 = vector.shape_cast %slice3A_13 : vector<1x2000x32xf32> to vector<2000x32xf32>
    %add3A = arith.addf %squeeze3A, %squeeze3A_14 : vector<2000x32xf32>
    %slice3A_15 = vector.extract_strided_slice %get3A_9 {offsets = [0, 0, 0], sizes = [1, 2000, 16], strides = [1, 1, 1]} : vector<2x2000x16xf32> to vector<1x2000x16xf32>
    %squeeze3A_16 = vector.shape_cast %slice3A_15 : vector<1x2000x16xf32> to vector<2000x16xf32>
    %slice3A_17 = vector.extract_strided_slice %get3A_9 {offsets = [1, 0, 0], sizes = [1, 2000, 16], strides = [1, 1, 1]} : vector<2x2000x16xf32> to vector<1x2000x16xf32>
    %squeeze3A_18 = vector.shape_cast %slice3A_17 : vector<1x2000x16xf32> to vector<2000x16xf32>
    %add3A_19 = arith.addf %squeeze3A_16, %squeeze3A_18 : vector<2000x16xf32>
    %slice3A_20 = vector.extract_strided_slice %add3A_19 {offsets = [0, 0], sizes = [2000, 1], strides = [1, 1]} : vector<2000x16xf32> to vector<2000x1xf32>
    %slice3A_21 = vector.extract_strided_slice %add3A_19 {offsets = [0, 1], sizes = [2000, 1], strides = [1, 1]} : vector<2000x16xf32> to vector<2000x1xf32>
    %add3A_22 = arith.constant 1.000000e-16 : f32
    %add3A_23 = vector.broadcast %add3A_22 : f32 to vector<2000x1xf32>
    %add3A_24 = arith.addf %slice3A_20, %add3A_23 : vector<2000x1xf32>
    %div3A = vector.broadcast %add3A_24 : vector<2000x1xf32> to vector<2000x32xf32>
    %div3A_25 = arith.divf %add3A, %div3A : vector<2000x32xf32>
    %max3A = arith.constant 1.000000e+00 : f32
    %max3A_26 = vector.broadcast %max3A : f32 to vector<2000x1xf32>
    %max3A_27 = arith.maximumf %slice3A_21, %max3A_26 : vector<2000x1xf32>
    %div3A_28 = vector.broadcast %max3A_27 : vector<2000x1xf32> to vector<2000x32xf32>
    %div3A_29 = arith.divf %div3A_25, %div3A_28 : vector<2000x32xf32>
    %add3A_30 = arith.addf %div3A_29, %get3A_12 : vector<2000x32xf32>
    %max3A_31 = arith.constant 0.000000e+00 : f32
    %max3A_32 = vector.broadcast %max3A_31 : f32 to vector<2000x32xf32>
    %max3A_33 = arith.maximumf %add3A_30, %max3A_32 : vector<2000x32xf32>
    %swap3A = arith.constant 0 : index
    %swap3A_34 = arith.constant 0 : index
    %swap3A_35 = vector.load %arg11[%swap3A, %swap3A_34] : memref<2000x32xf32, #tpu.memory_space<vmem>>, vector<2000x32xf32>
    tpu.vector_store %arg11[%swap3A, %swap3A_34], %max3A_33 {strides = array<i32>} : memref<2000x32xf32, #tpu.memory_space<vmem>>, vector<2000x32xf32>,
    %get3A_36 = arith.constant 0 : index
    %get3A_37 = arith.constant 0 : index
    %get3A_38 = vector.load %arg5[%get3A_36, %get3A_37] : memref<32x32xf32, #tpu.memory_space<vmem>>, vector<32x32xf32>
    %dot_general3A = arith.constant dense<0.000000e+00> : vector<2000x32xf32>
    %dot_general3A_39 = tpu.matmul %max3A_33, %get3A_38, %dot_general3A {dimension_numbers = #tpu.dot_dimension_numbers<[1], [0], [0], [1], [0, 0, 1, 1], [], []>, transpose_lhs_hint = false} : vector<2000x32xf32>, vector<32x32xf32>, vector<2000x32xf32> -> vector<2000x32xf32>
    %get3A_40 = arith.constant 0 : index
    %get3A_41 = arith.constant 0 : index
    %get3A_42 = vector.load %arg6[%get3A_40, %get3A_41] : memref<8x32xf32, #tpu.memory_space<vmem>>, vector<8x32xf32>
    %dot_general3A_43 = arith.constant dense<0.000000e+00> : vector<2000x32xf32>
    %dot_general3A_44 = tpu.matmul %get3A_1, %get3A_42, %dot_general3A_43 {dimension_numbers = #tpu.dot_dimension_numbers<[1], [0], [0], [1], [0, 0, 1, 1], [], []>, transpose_lhs_hint = false} : vector<2000x8xf32>, vector<8x32xf32>, vector<2000x32xf32> -> vector<2000x32xf32>
    %add3A_45 = arith.addf %dot_general3A_39, %dot_general3A_44 : vector<2000x32xf32>
    %get3A_46 = arith.constant 0 : index
    %get3A_47 = arith.constant 0 : index
    %get3A_48 = vector.load %arg7[%get3A_46, %get3A_47] : memref<1x32xf32, #tpu.memory_space<vmem>>, vector<1x32xf32>
    %add3A_49 = vector.broadcast %get3A_48 : vector<1x32xf32> to vector<2000x32xf32>
    %add3A_50 = arith.addf %add3A_45, %add3A_49 : vector<2000x32xf32>
    %max3A_51 = arith.constant 0.000000e+00 : f32
    %max3A_52 = vector.broadcast %max3A_51 : f32 to vector<2000x32xf32>
    %max3A_53 = arith.maximumf %add3A_50, %max3A_52 : vector<2000x32xf32>
    %get3A_54 = arith.constant 0 : index
    %get3A_55 = arith.constant 0 : index
    %get3A_56 = vector.load %arg8[%get3A_54, %get3A_55] : memref<32x32xf32, #tpu.memory_space<vmem>>, vector<32x32xf32>
    %dot_general3A_57 = arith.constant dense<0.000000e+00> : vector<2000x32xf32>
    %dot_general3A_58 = tpu.matmul %max3A_53, %get3A_56, %dot_general3A_57 {dimension_numbers = #tpu.dot_dimension_numbers<[1], [0], [0], [1], [0, 0, 1, 1], [], []>, transpose_lhs_hint = false} : vector<2000x32xf32>, vector<32x32xf32>, vector<2000x32xf32> -> vector<2000x32xf32>
    %get3A_59 = arith.constant 0 : index
    %get3A_60 = arith.constant 0 : index
    %get3A_61 = vector.load %arg9[%get3A_59, %get3A_60] : memref<1x32xf32, #tpu.memory_space<vmem>>, vector<1x32xf32>
    %add3A_62 = vector.broadcast %get3A_61 : vector<1x32xf32> to vector<2000x32xf32>
    %add3A_63 = arith.addf %dot_general3A_58, %add3A_62 : vector<2000x32xf32>
    %max3A_64 = arith.constant 0.000000e+00 : f32
    %max3A_65 = vector.broadcast %max3A_64 : f32 to vector<2000x32xf32>
    %max3A_66 = arith.maximumf %add3A_63, %max3A_65 : vector<2000x32xf32>
    %get3A_67 = arith.constant 0 : index
    %get3A_68 = arith.constant 0 : index
    %get3A_69 = vector.load %arg10[%get3A_67, %get3A_68] : memref<32x32xf32, #tpu.memory_space<vmem>>, vector<32x32xf32>
    %dot_general3A_70 = arith.constant dense<0.000000e+00> : vector<2000x32xf32>
    %dot_general3A_71 = tpu.matmul %max3A_66, %get3A_69, %dot_general3A_70 {dimension_numbers = #tpu.dot_dimension_numbers<[1], [0], [0], [1], [0, 0, 1, 1], [], []>, transpose_lhs_hint = false} : vector<2000x32xf32>, vector<32x32xf32>, vector<2000x32xf32> -> vector<2000x32xf32>
    %swap3A_72 = arith.constant 0 : index
    %swap3A_73 = arith.constant 0 : index
    %swap3A_74 = vector.load %arg12[%swap3A_72, %swap3A_73] : memref<2000x32xf32, #tpu.memory_space<vmem>>, vector<2000x32xf32>
    tpu.vector_store %arg12[%swap3A_72, %swap3A_73], %dot_general3A_71 {strides = array<i32>} : memref<2000x32xf32, #tpu.memory_space<vmem>>, vector<2000x32xf32>,
    return
  }
  func.func @transform_0(%arg0: i32) -> (i32, i32, i32) {
    %c0_i32 = arith.constant 0 : i32
    %c0_i32_0 = arith.constant 0 : i32
    %c0_i32_1 = arith.constant 0 : i32
    return %c0_i32, %arg0, %c0_i32_0 : i32, i32, i32
  }
  func.func @transform_1(%arg0: i32) -> (i32, i32, i32) {
    %c0_i32 = arith.constant 0 : i32
    %c0_i32_0 = arith.constant 0 : i32
    %c0_i32_1 = arith.constant 0 : i32
    return %c0_i32, %arg0, %c0_i32_0 : i32, i32, i32
  }
  func.func @transform_2(%arg0: i32) -> (i32, i32) {
    %c0_i32 = arith.constant 0 : i32
    %c0_i32_0 = arith.constant 0 : i32
    return %arg0, %c0_i32 : i32, i32
  }
  func.func @transform_3(%arg0: i32) -> (i32, i32) {
    %c0_i32 = arith.constant 0 : i32
    %c0_i32_0 = arith.constant 0 : i32
    return %arg0, %c0_i32 : i32, i32
  }
  func.func @transform_4(%arg0: i32) -> (i32, i32) {
    %c0_i32 = arith.constant 0 : i32
    %c0_i32_0 = arith.constant 0 : i32
    %c0_i32_1 = arith.constant 0 : i32
    return %c0_i32, %c0_i32_0 : i32, i32
  }
  func.func @transform_5(%arg0: i32) -> (i32, i32) {
    %c0_i32 = arith.constant 0 : i32
    %c0_i32_0 = arith.constant 0 : i32
    %c0_i32_1 = arith.constant 0 : i32
    return %c0_i32, %c0_i32_0 : i32, i32
  }
  func.func @transform_6(%arg0: i32) -> (i32, i32) {
    %c0_i32 = arith.constant 0 : i32
    %c0_i32_0 = arith.constant 0 : i32
    %c0_i32_1 = arith.constant 0 : i32
    return %c0_i32, %c0_i32_0 : i32, i32
  }
  func.func @transform_7(%arg0: i32) -> (i32, i32) {
    %c0_i32 = arith.constant 0 : i32
    %c0_i32_0 = arith.constant 0 : i32
    %c0_i32_1 = arith.constant 0 : i32
    return %c0_i32, %c0_i32_0 : i32, i32
  }
  func.func @transform_8(%arg0: i32) -> (i32, i32) {
    %c0_i32 = arith.constant 0 : i32
    %c0_i32_0 = arith.constant 0 : i32
    %c0_i32_1 = arith.constant 0 : i32
    return %c0_i32, %c0_i32_0 : i32, i32
  }
  func.func @transform_9(%arg0: i32) -> (i32, i32) {
    %c0_i32 = arith.constant 0 : i32
    %c0_i32_0 = arith.constant 0 : i32
    %c0_i32_1 = arith.constant 0 : i32
    return %c0_i32, %c0_i32_0 : i32, i32
  }
  func.func @transform_10(%arg0: i32) -> (i32, i32) {
    %c0_i32 = arith.constant 0 : i32
    %c0_i32_0 = arith.constant 0 : i32
    return %arg0, %c0_i32 : i32, i32
  }
  func.func @transform_11(%arg0: i32) -> (i32, i32) {
    %c0_i32 = arith.constant 0 : i32
    %c0_i32_0 = arith.constant 0 : i32
    return %arg0, %c0_i32 : i32, i32
  }
}

module attributes {stable_mosaic.version = 14 : i64} {
  func.func @body(%arg0: i32, %arg1: memref<1600x32xf32, #tpu.memory_space<vmem>>, %arg2: memref<1600x32xf32, #tpu.memory_space<vmem>>, %arg3: memref<1600x32xf32, #tpu.memory_space<vmem>>, %arg4: memref<32x32xf32, #tpu.memory_space<vmem>>, %arg5: memref<1x32xf32, #tpu.memory_space<vmem>>, %arg6: memref<1600x32xf32, #tpu.memory_space<vmem>>) attributes {dimension_semantics = [#tpu.dimension_semantics<arbitrary>], iteration_bounds = array<i64: 500>, scalar_prefetch = 0 : i64, scratch_operands = 0 : i64, tpu.core_type = #tpu.core_type<tc>, window_params = [{transform_indices = @transform_0, window_bounds = array<i64: 1600, 32>}, {transform_indices = @transform_1, window_bounds = array<i64: 1600, 32>}, {transform_indices = @transform_2, window_bounds = array<i64: 1600, 32>}, {pipeline_mode = #tpu.pipeline_mode<synchronous>, transform_indices = @transform_3, window_bounds = array<i64: 32, 32>}, {pipeline_mode = #tpu.pipeline_mode<synchronous>, transform_indices = @transform_4, window_bounds = array<i64: 1, 32>}, {transform_indices = @transform_5, window_bounds = array<i64: 1600, 32>}]} {
    %get3A = arith.constant 0 : index
    %get3A_0 = arith.constant 0 : index
    %get3A_1 = vector.load %arg1[%get3A, %get3A_0] : memref<1600x32xf32, #tpu.memory_space<vmem>>, vector<1600x32xf32>
    %get3A_2 = arith.constant 0 : index
    %get3A_3 = arith.constant 0 : index
    %get3A_4 = vector.load %arg2[%get3A_2, %get3A_3] : memref<1600x32xf32, #tpu.memory_space<vmem>>, vector<1600x32xf32>
    %add3A = arith.addf %get3A_1, %get3A_4 : vector<1600x32xf32>
    %get3A_5 = arith.constant 0 : index
    %get3A_6 = arith.constant 0 : index
    %get3A_7 = vector.load %arg3[%get3A_5, %get3A_6] : memref<1600x32xf32, #tpu.memory_space<vmem>>, vector<1600x32xf32>
    %add3A_8 = arith.addf %add3A, %get3A_7 : vector<1600x32xf32>
    %max3A = arith.constant 0.000000e+00 : f32
    %max3A_9 = vector.broadcast %max3A : f32 to vector<1600x32xf32>
    %max3A_10 = arith.maximumf %add3A_8, %max3A_9 : vector<1600x32xf32>
    %get3A_11 = arith.constant 0 : index
    %get3A_12 = arith.constant 0 : index
    %get3A_13 = vector.load %arg4[%get3A_11, %get3A_12] : memref<32x32xf32, #tpu.memory_space<vmem>>, vector<32x32xf32>
    %dot_general3A = arith.constant dense<0.000000e+00> : vector<1600x32xf32>
    %dot_general3A_14 = tpu.matmul %max3A_10, %get3A_13, %dot_general3A {dimension_numbers = #tpu.dot_dimension_numbers<[1], [0], [0], [1], [0, 0, 1, 1], [], []>, transpose_lhs_hint = false} : vector<1600x32xf32>, vector<32x32xf32>, vector<1600x32xf32> -> vector<1600x32xf32>
    %get3A_15 = arith.constant 0 : index
    %get3A_16 = arith.constant 0 : index
    %get3A_17 = vector.load %arg5[%get3A_15, %get3A_16] : memref<1x32xf32, #tpu.memory_space<vmem>>, vector<1x32xf32>
    %add3A_18 = vector.broadcast %get3A_17 : vector<1x32xf32> to vector<1600x32xf32>
    %add3A_19 = arith.addf %dot_general3A_14, %add3A_18 : vector<1600x32xf32>
    %max3A_20 = arith.constant 0.000000e+00 : f32
    %max3A_21 = vector.broadcast %max3A_20 : f32 to vector<1600x32xf32>
    %max3A_22 = arith.maximumf %add3A_19, %max3A_21 : vector<1600x32xf32>
    %swap3A = arith.constant 0 : index
    %swap3A_23 = arith.constant 0 : index
    %swap3A_24 = vector.load %arg6[%swap3A, %swap3A_23] : memref<1600x32xf32, #tpu.memory_space<vmem>>, vector<1600x32xf32>
    tpu.vector_store %arg6[%swap3A, %swap3A_23], %max3A_22 {strides = array<i32>} : memref<1600x32xf32, #tpu.memory_space<vmem>>, vector<1600x32xf32>,
    return
  }
  func.func @transform_0(%arg0: i32) -> (i32, i32) {
    %c0_i32 = arith.constant 0 : i32
    %c0_i32_0 = arith.constant 0 : i32
    return %arg0, %c0_i32 : i32, i32
  }
  func.func @transform_1(%arg0: i32) -> (i32, i32) {
    %c0_i32 = arith.constant 0 : i32
    %c0_i32_0 = arith.constant 0 : i32
    return %arg0, %c0_i32 : i32, i32
  }
  func.func @transform_2(%arg0: i32) -> (i32, i32) {
    %c0_i32 = arith.constant 0 : i32
    %c0_i32_0 = arith.constant 0 : i32
    return %arg0, %c0_i32 : i32, i32
  }
  func.func @transform_3(%arg0: i32) -> (i32, i32) {
    %c0_i32 = arith.constant 0 : i32
    %c0_i32_0 = arith.constant 0 : i32
    %c0_i32_1 = arith.constant 0 : i32
    return %c0_i32, %c0_i32_0 : i32, i32
  }
  func.func @transform_4(%arg0: i32) -> (i32, i32) {
    %c0_i32 = arith.constant 0 : i32
    %c0_i32_0 = arith.constant 0 : i32
    %c0_i32_1 = arith.constant 0 : i32
    return %c0_i32, %c0_i32_0 : i32, i32
  }
  func.func @transform_5(%arg0: i32) -> (i32, i32) {
    %c0_i32 = arith.constant 0 : i32
    %c0_i32_0 = arith.constant 0 : i32
    return %arg0, %c0_i32 : i32, i32
  }
}

</mosaic_0001>

<sc_bundles>
// kernel: kernel.16.cloned.1.call-start
scs
__scs_entry_jumppad:
0x0: {  	(pc) =	sbr.rel $0x88, $3  }
0x1: {  	(tag) =	ssettag $0x0;
	lr =	simm.s32 $0x1  }
0x2: {  	[smem:$0x3F7C] =	sst lr;
	_ =	strace $0xD0000000  }
0x3: {  	_ = 	snop  }
0x4: {  	_ = 	snop  }
0x5: {  	_ = 	snop  }
0x6: {  	_ = 	snop  }
0x7: {  	_ = 	snop  }
__scs_overlays_trampoline_lowered:
0x8: {  	[smem:$0x3F8B] =	sst s0  }
0x9: {  	[smem:$0x3F8C] =	sst s1  }
0xa: {  	[smem:$0x3F8D] =	sst s2  }
0xb: {  	[smem:$0x3F8E] =	sst s3  }
0xc: {  	[smem:$0x3F8F] =	sst s4  }
0xd: {  	[smem:$0x3F90] =	sst s5  }
0xe: {  	[smem:$0x3F91] =	sst s6  }
0xf: {  	[smem:$0x3F92] =	sst s7  }
0x10: {  	[smem:$0x3F93] =	sst s8  }
0x11: {  	[smem:$0x3F94] =	sst s9;
	s0 =	simm.s32 @!p0 $0x0  }
0x12: {  	s1 =	sld [smem:$0x3F7A];
	s0 =	simm.s32 @p0 $0x1  }
0x13: {  	[smem:$0x3F95] =	sst s0;
	s0 =	simm.s32 @!p1 $0x0  }
0x14: {  	s2 =	sld [smem:$0x3F79];
	s0 =	simm.s32 @p1 $0x1  }
0x15: {  	[smem:$0x3F96] =	sst s0;
	s0 =	simm.s32 @!p2 $0x0  }
0x16: {  	s3 =	sld [smem:$0x3FDB];
	s0 =	simm.s32 @p2 $0x1  }
0x17: {  	s4 =	simm.s32 $0x1BF5;
	[smem:$0x3F98] =	sst s0  }
0x18: {  	s0 =	sld [smem:$0x3F7B];
	_ =	swait.ge [sflag:s4], $0x0  }
0x19: {  	s7 =	sld [smem:$0x3F7C]  }
0x1a: {  	s8 =	sadd.s32 $0xFFFFE003, lr  }
0x1b: {  	s9 =	sadd.s32 $0xFFFFFEF7, lr;
	s5 =	simm.s32 $0xFFFFFFFF;
	p2 =	slt.u32 s8, $0xFFFFF086  }
0x1c: {  	p1 =	slt.u32 s9, $0xF7A;
	s5 =	simm.s32 @!p2 $0x0  }
0x1d: {  	s5 =	simm.s32 @p1 $0x1;
	p0 =	seq.s32 s7, s2  }
0x1e: {  	s7 =	smul.u32 @!p0 $0xF7A, s2;
	p2 =	seq.s32 @!p0 s5, $0x0  }
0x1f: {  	s9 =	smul.u32 $0xF7A, s1;
	s8 =	simm.s32 @!p0 $0x1BF5;
	p2 =	por !p2, p0  }
0x20: {  	[sflag:s8] =	ssyncset.s32 @!p0 $0xFFFFF086;
	s6 =	sadd.s32 @!p0 s3, s7;
	s7 =	simm.s32 @!p0 $0x108  }
0x21: {  	s3 =	sadd.s32 s3, s9;
	s6 =	sadd.s32 @!p0 $0x88, s6;
	s7 =	simm.s32 @p2 $0x1082  }
0x22: {  	[simem:s7], [sflag:s8] =	dma.local @!p0 [hbm:s6], $0xF7A  }
0x23: {  	s9 =	sor.u32 $0xD0000000, s2;
	s6 =	simm.s32 $0x108;
	_ =	swait.ge @!p0 [sflag:s8], $0x0  }
0x24: {  	s3 =	sadd.s32 $0x88, s3;
	s6 =	simm.s32 @!p1 $0x1082;
	[sflag:s4] =	ssyncset.s32 $0xFFFFF086  }
0x25: {  	[simem:s6], [sflag:s4] =	dma.local [hbm:s3], $0xF7A  }
0x26: {  	[smem:$0x3F7C] =	sst s1;
	(tag) =	ssettag s2;
	_ =	strace s9  }
0x27: {  	s1 =	sld [smem:$0x3F8C]  }
0x28: {  	s2 =	sld [smem:$0x3F8D]  }
0x29: {  	s4 =	sld [smem:$0x3F8F]  }
0x2a: {  	p0 =	seq.s32 s5, $0x0;
	s5 =	sld [smem:$0x3F90]  }
0x2b: {  	s6 =	sld [smem:$0x3F91]  }
0x2c: {  	s7 =	sld [smem:$0x3F92]  }
0x2d: {  	s3 =	simm.s32 $0x108;
	s8 =	sld [smem:$0x3F93]  }
0x2e: {  	s3 =	simm.s32 @!p0 $0x1082;
	s9 =	sld [smem:$0x3F94]  }
0x2f: {  	lr =	sadd.s32 s0, s3;
	s0 =	sld [smem:$0x3F8B]  }
0x30: {  	s3 =	sld [smem:$0x3F8E]  }
0x31: {  	[smem:$0x3F97] =	sst s10  }
0x32: {  	s10 =	sld [smem:$0x3F95];
	_ =	sdelay $0x3  }
0x33: {  	p0 =	seq.s32 s10, $0x1;
	s10 =	sld [smem:$0x3F97];
	_ =	sdelay $0x3  }
0x34: {  	[smem:$0x3F97] =	sst s10  }
0x35: {  	s10 =	sld [smem:$0x3F96];
	_ =	sdelay $0x3  }
0x36: {  	p1 =	seq.s32 s10, $0x1;
	s10 =	sld [smem:$0x3F97];
	_ =	sdelay $0x3  }
0x37: {  	[smem:$0x3F97] =	sst s10  }
0x38: {  	s10 =	sld [smem:$0x3F98]  }
0x39: {  	_ = 	snop;
	(pc) =	sbr.ind lr, $3  }
0x3a: {  	_ = 	snop  }
0x3b: {  	_ = 	snop  }
0x3c: {  	p2 =	seq.s32 s10, $0x1;
	s10 =	sld [smem:$0x3F97]  }
0x3d: {  	_ =	shalt  }
0x3e: {  	_ =	shalt  }
0x3f: {  	_ =	shalt  }
0x40: {  	_ =	shalt  }
0x41: {  	_ =	shalt  }
0x42: {  	_ =	shalt  }
0x43: {  	_ =	shalt  }
0x44: {  	_ =	shalt  }
0x45: {  	_ =	shalt  }
0x46: {  	_ =	shalt  }
0x47: {  	_ =	shalt  }
0x48: {  	_ =	shalt  }
0x49: {  	_ =	shalt  }
0x4a: {  	_ =	shalt  }
0x4b: {  	_ =	shalt  }
0x4c: {  	_ =	shalt  }
0x4d: {  	_ =	shalt  }
0x4e: {  	_ =	shalt  }
0x4f: {  	_ =	shalt  }
0x50: {  	_ =	shalt  }
0x51: {  	_ =	shalt  }
0x52: {  	_ =	shalt  }
0x53: {  	_ =	shalt  }
0x54: {  	_ =	shalt  }
0x55: {  	_ =	shalt  }
0x56: {  	_ =	shalt  }
0x57: {  	_ =	shalt  }
0x58: {  	_ =	shalt  }
0x59: {  	_ =	shalt  }
0x5a: {  	_ =	shalt  }
0x5b: {  	_ =	shalt  }
0x5c: {  	_ =	shalt  }
0x5d: {  	_ =	shalt  }
0x5e: {  	_ =	shalt  }
0x5f: {  	_ =	shalt  }
0x60: {  	_ =	shalt  }
0x61: {  	_ =	shalt  }
0x62: {  	_ =	shalt  }
0x63: {  	_ =	shalt  }
0x64: {  	_ =	shalt  }
0x65: {  	_ =	shalt  }
0x66: {  	_ =	shalt  }
0x67: {  	_ =	shalt  }
0x68: {  	_ =	shalt  }
0x69: {  	_ =	shalt  }
0x6a: {  	_ =	shalt  }
0x6b: {  	_ =	shalt  }
0x6c: {  	_ =	shalt  }
0x6d: {  	_ =	shalt  }
0x6e: {  	_ =	shalt  }
0x6f: {  	_ =	shalt  }
0x70: {  	_ =	shalt  }
0x71: {  	_ =	shalt  }
0x72: {  	_ =	shalt  }
0x73: {  	_ =	shalt  }
0x74: {  	_ =	shalt  }
0x75: {  	_ =	shalt  }
0x76: {  	_ =	shalt  }
0x77: {  	_ =	shalt  }
0x78: {  	_ =	shalt  }
0x79: {  	_ =	shalt  }
0x7a: {  	_ =	shalt  }
0x7b: {  	_ =	shalt  }
0x7c: {  	_ =	shalt  }
0x7d: {  	_ =	shalt  }
0x7e: {  	_ =	shalt  }
0x7f: {  	_ =	shalt  }
0x80: {  	_ =	shalt  }
0x81: {  	_ =	shalt  }
0x82: {  	_ =	shalt  }
0x83: {  	_ =	shalt  }
0x84: {  	_ =	shalt  }
0x85: {  	_ =	shalt  }
0x86: {  	_ =	shalt  }
0x87: {  	_ =	shalt  }
.Lfunc_end0:
.L_simem_size_0:
called_computation_lowered:
.L_overlay_start_0:
0x88: {  	s2 =	sld [smem:$0x3FD9]  }
0x89: {  	s3 =	sld [smem:$0x3FFE];
	_ =	sdelay $0x1  }
0x8a: {  	s1 =	srdreg.scid  }
0x8b: {  	s0 =	sand.u32 $0x1, s1  }
0x8c: {  	s14 =	sshll.u32 s0, $0xA;
	s2 =	sadd.s32 s3, s2  }
0x8d: {  	s2 =	sadd.s32 s2, s14  }
0x8e: {  	[smem:$0x3FA3] =	sst s2  }
0x8f: {  	_ = 	snop  }
0x90: {  	s2 =	sld [smem:$0x3FD0];
	_ =	sdelay $0x2  }
0x91: {  	s15 =	simm.s32 $0xB;
	s4 =	simm.s32 $0x10  }
0x92: {  	[smem:s4], [sflag:s15] =	dma.local [hbm:s2], $0x1  }
0x93: {  	_ =	swait.eq [sflag:s15], $0x1  }
0x94: {  	s16 =	sld [smem:$0x10];
	[sflag:s15] =	ssyncset.done $0x0  }
0x95: {  	s17 =	sld [smem:$0x11];
	[sflag:s15] =	ssyncadd.s32 $0xFFFFFFFF  }
0x96: {  	s18 =	sld [smem:$0x12];
	(tm) =	ssettm $0x1  }
0x97: {  	s5 =	sld [smem:$0x3FFB];
	_ =	sdelay $0x3  }
0x98: {  	_ =	strace s5  }
0x99: {  	s5 =	sld [smem:$0x3FFC];
	_ =	sdelay $0x3  }
0x9a: {  	_ =	strace s5  }
0x9b: {  	s5 =	sld [smem:$0x3FFD];
	_ =	sdelay $0x3  }
0x9c: {  	_ =	strace s5  }
0x9d: {  	_ =	strace $0x8FFFFFFF  }
0x9e: {  	s19 =	sld [smem:$0x3FDB];
	_ =	sdelay $0x1  }
0x9f: {  	s6 =	simm.s32 $_scs_section_size  }
0xa0: {  	s7 =	simm.s32 $_size__tile_overlayer_lowered;
	s8 =	simm.s32 $_tile_overlayer_lowered  }
0xa1: {  	s22 =	simm.s32 $0x1BFF;
	s21 =	sshll.u32 s8, $0x1;
	s5 =	sadd.s32 s6, s19  }
0xa2: {  	s9 =	simm.s32 $0x0;
	s20 =	sshll.u32 s7, $0x1;
	s7 =	sadd.s32 s21, s5  }
0xa3: {  	[timem:s9], [sflag:s22] =	dma.local [hbm:s7], s20  }
0xa4: {  	_ =	swait.ge [sflag:s22], s20  }
0xa5: {  	s6 =	ssub.s32 $0x0, s20;
	[sflag:s22] =	ssyncset.done $0x0  }
0xa6: {  	[sflag:s22] =	ssyncadd.s32 s6;
	_ =	sdelay $0x1  }
0xa7: {  	s23 =	simm.s32 $0x1B8B  }
0xa8: {  	_ =	swait.ge [sflag:s23], $0x1  }
0xa9: {  	[sflag:s23] =	ssyncset.done $0x0  }
0xaa: {  	s25 =	simm.s32 $0x1B8E;
	s24 =	sld [smem:$0x3FFE];
	[sflag:s23] =	ssyncadd.s32 $0xFFFFFFFF  }
0xab: {  	s26 =	simm.s32 $execute0_lowered;
	[smem:$0x3FD2] =	sst s25  }
0xac: {  	s7 =	sshll.u32 s26, $0x1;
	_ =	strace $0x80000046;
	[dreg:$0x1] =	wrdreg $0xFFFFFFFF  }
0xad: {  	s28 =	simm.s32 $_size_execute0_lowered;
	s5 =	sadd.s32 s5, s7;
	[dreg:$0x0] =	wrdreg $0x0  }
0xae: {  	s7 =	sshll.u32 s28, $0x1;
	[dreg:$0x2] =	wrdreg s5  }
0xaf: {  	[dreg:$0x3] =	wrdreg s7  }
0xb0: {  	[dreg:$0x4] =	wrdreg $0xC0  }
0xb1: {  	_ =	task [dreg:s9], $0x5FFFF  }
0xb2: {  	[dreg:$0x1] =	wrdreg $0xFFFFFFFF  }
0xb3: {  	[dreg:$0x0] =	wrdreg $0x60  }
0xb4: {  	[dreg:$0x2] =	wrdreg s17  }
0xb5: {  	[dreg:$0x3] =	wrdreg s16  }
0xb6: {  	[dreg:$0x4] =	wrdreg s24  }
0xb7: {  	[dreg:$0x5] =	wrdreg s18  }
0xb8: {  	[dreg:$0x6] =	wrdreg $0x9  }
0xb9: {  	_ =	task.clear_ibuf [dreg:s9], $0x7FFFF;
	_ =	strace $0x90000046  }
0xba: {  	s29 =	simm.s32 $0x9;
	_ =	strace $0x80000048  }
0xbb: {  	_ =	swait.ge [sflag:s29], $0x1  }
0xbc: {  	[sflag:s29] =	ssyncadd.s32 $0xFFFFFFFF  }
0xbd: {  	_ =	strace $0x90000048  }
0xbe: {  	_ =	sfence  }
0xbf: {  	s30 =	sld [smem:$0x0];
	_ =	sdelay $0x2  }
0xc0: {  	s31 =	sshll.u32 s1, $0xD;
	s1 =	sshrl.u32 s1, $0x2  }
0xc1: {  	s3 =	sand.u32 $0x4000, s31;
	s1 =	sadd.s32 s1, s30  }
0xc2: {  	s0 =	sor.u32 s3, s0;
	s1 =	sshll.u32 s1, $0x11  }
0xc3: {  	s0 =	sor.u32 s1, s0  }
0xc4: {  	s0 =	sadd.s32 $0x8F2B, s0  }
0xc5: {  	[sflag:s0] =	ssyncadd.remote.s32 $0x1  }
0xc6: {  	_ =	sfence.sel $0xFFFF  }
0xc7: {  	[dreg:$0x0] =	wrdreg $0xFFFFFFFF;
	(pc) =	sbr.abs _section_cstart, $3  }
0xc8: {  	[dreg:$0x1] =	wrdreg $0xFFFFFFFF  }
0xc9: {  	_ =	task.clear_ibuf [dreg:s9], $0x2FFFF;
	_ =	strace $0x9FFFFFFF  }
0xca: {  	(tm) =	ssettm $0x7FFFFFFF  }
0xcb: {  	_ =	shalt  }
tec
execute0_lowered:
.L_overlay_start_1:
0x0: {  	(tag) =	ssettag $0x1  }
0x1: {  	s1 =	rddreg [dreg:$0x0]  }
0x2: {  	s2 =	rddreg [dreg:$0x1]  }
0x3: {  	s6 =	rddreg [dreg:$0x2]  }
0x4: {  	s11 =	rddreg [dreg:$0x3];
	s3 =	simm.s32 $0x0;
	s4 =	srdreg.scid  }
0x5: {  	s0 =	stileid.u32;
	s17 =	simm.s32 $0x1100;
	s18 =	simm.s32 $0x2100  }
0x6: {  	s19 =	simm.s32 $0x1;
	s20 =	simm.s32 $0x3;
	s21 =	simm.s32 $0x0  }
0x7: {  	[smem:$0x7FF] =	sst s3;
	s13 =	sand.u32 $0x1, s4;
	s5 =	sadd.s32 $0x3DFE00, s6  }
0x8: {  	s8 =	sshll.u32 s0, $0x5;
	s12 =	sshll.u32 s0, $0xA;
	s15 =	sshll.u32 s0, $0x1  }
0x9: {  	_ =	strace $0x80000047;
	s7 =	ssub.s32 $0x2, s13;
	s10 =	sadd.s32 s8, s6  }
0xa: {  	s14 =	sadd.s32 s12, s6;
	s16 =	sshll.u32 s13, $0x9;
	s12 =	sadd.s32 s12, s11  }
0xb: {  	s9 =	sshrl.u32 s7, $0x1;
	s8 =	sadd.s32 $0x195C00, s10;
	s14 =	sadd.s32 s16, s14  }
0xc: {  	s30 =	sadd.s32 $0x1AE400, s10;
	s12 =	sadd.s32 s16, s12;
	s16 =	simm.s32 $0x100  }
0xd: {  	s28 =	ssub.s32 s7, s9;
	s7 =	sshll.u32 s13, $0x4;
	[dreg:$0x6] =	wrdreg s30  }
0xe: {  	s10 =	sadd.s32 $0x410C00, s14;
	s13 =	sor.u32 s13, s15;
	s29 =	smax.u32 s28, $0x1  }
0xf: {  	s11 =	sadd.s32 $0x71E000, s14;
	s31 =	sor.u32 $0x20, s13;
	[dreg:$0x5] =	wrdreg s29  }
0x10: {  	s14 =	simm.s32 $0x5;
	s15 =	simm.s32 $0x80;
	[dreg:$0x7] =	wrdreg s31  }
.LBB2_1:
0x11: {  	s0 =	rddreg [dreg:$0x6]  }
0x12: {  	s22 =	sadd.s32 s0, s7  }
0x13: {  	[tilespmem:s3], [sflag:$0x5] =	stream.linear.gather [hbm4b:s22+s3], $0x80, $0x38;
	[tilespmem:$0x6200] =	vst v63  }
0x14: {  	_ =	swait.ge [sflag:s14], $0x80  }
0x15: {  	[sflag:s14] =	ssyncset.done $0x0  }
0x16: {  	s28 =	sadd.s32 s8, s7;
	[sflag:s14] =	ssyncadd.s32 $0xFFFFFF80  }
0x17: {  	[tilespmem:s15], [sflag:$0x5] =	stream.linear.gather [hbm4b:s28+s3], $0x80, $0x38;
	[tilespmem:$0x6200] =	vst v63  }
0x18: {  	_ =	swait.ge [sflag:s14], $0x80  }
0x19: {  	[sflag:s14] =	ssyncset.done $0x0  }
0x1a: {  	s4 =	rddreg [dreg:$0x7];
	[sflag:s14] =	ssyncadd.s32 $0xFFFFFF80  }
0x1b: {  	[tilespmem:s16], [sflag:$0x1] =	stream.indirect.gather [hbm4b:s1+s15], $0x20, s3, s15, $0xb8;
	[tilespmem:$0x6200] =	vst v63  }
0x1c: {  	p0 =	sgt.u32 s4, $0x1869  }
0x1d: {  	[tilespmem:s17], [sflag:$0x1] =	stream.indirect.gather [hbm4b:s2+s15], $0x20, s15, s15, $0xb8;
	[tilespmem:$0x6200] =	vst v63  }
0x1e: {  	s22 =	sadd.s32 @!p0 s0, s7;
	s23 =	simm.s32 @!p0 $0x0  }
0x1f: {  	[tilespmem:s18], [sflag:$0x1] =	stream.indirect.gather [hbm4b:s5+s15], $0x20, s15, s15, $0xb8;
	[tilespmem:$0x6200] =	vst v63  }
0x20: {  	s24 =	simm.s32 @!p0 $0x3100;
	s25 =	simm.s32 @!p0 $0x5;
	s22 =	sadd.s32 @!p0 $0x200, s22  }
0x21: {  	[tilespmem:s24], [sflag:$0x5] =	stream.linear.gather @!p0 [hbm4b:s22+s23], $0x80, $0x38;
	[tilespmem:$0x6200] =	vst v63  }
0x22: {  	_ =	swait.ge @!p0 [sflag:s25], $0x80  }
0x23: {  	s22 =	sadd.s32 @!p0 s8, s7;
	[sflag:s25] =	ssyncset.done @!p0 $0x0  }
0x24: {  	s26 =	simm.s32 @!p0 $0x3180;
	s22 =	sadd.s32 @!p0 $0x200, s22;
	[sflag:s25] =	ssyncadd.s32 @!p0 $0xFFFFFF80  }
0x25: {  	[tilespmem:s26], [sflag:$0x5] =	stream.linear.gather @!p0 [hbm4b:s22+s23], $0x80, $0x38;
	[tilespmem:$0x6200] =	vst v63  }
0x26: {  	_ =	swait.ge @!p0 [sflag:s25], $0x80  }
0x27: {  	[sflag:s25] =	ssyncset.done @!p0 $0x0  }
0x28: {  	s28 =	simm.s32 @!p0 $0x3200;
	s22 =	simm.s32 @!p0 $0x80;
	[sflag:s25] =	ssyncadd.s32 @!p0 $0xFFFFFF80  }
0x29: {  	[tilespmem:s28], [sflag:$0x2] =	stream.indirect.gather @!p0 [hbm4b:s1+s22], $0x20, s24, s22, $0xb8;
	[tilespmem:$0x6200] =	vst v63  }
0x2a: {  	s24 =	simm.s32 @!p0 $0x4200  }
0x2b: {  	[tilespmem:s24], [sflag:$0x2] =	stream.indirect.gather @!p0 [hbm4b:s2+s22], $0x20, s26, s22, $0xb8;
	[tilespmem:$0x6200] =	vst v63  }
0x2c: {  	s25 =	simm.s32 @!p0 $0x5200  }
0x2d: {  	[tilespmem:s25], [sflag:$0x2] =	stream.indirect.gather @!p0 [hbm4b:s5+s22], $0x20, s26, s22, $0xb8;
	[tilespmem:$0x6200] =	vst v63  }
0x2e: {  	_ =	swait.ge [sflag:s19], $0x1000  }
0x2f: {  	[sflag:s19] =	ssyncset.done $0x0  }
0x30: {  	[sflag:s19] =	ssyncadd.s32 $0xFFFFF000  }
0x31: {  	_ =	swait.ge [sflag:s19], $0x1000  }
0x32: {  	[sflag:s19] =	ssyncset.done $0x0  }
0x33: {  	[sflag:s19] =	ssyncadd.s32 $0xFFFFF000  }
0x34: {  	_ =	swait.ge [sflag:s19], $0x1000  }
0x35: {  	[sflag:s19] =	ssyncset.done $0x0  }
0x36: {  	s29 =	sadd.s32 $0x0, s12;
	[sflag:s19] =	ssyncadd.s32 $0xFFFFF000  }
0x37: {  	[hbm4b:s29+s3] =	stream.linear.scatter [tilespmem:s16], [sflag:$0x3], $0x1000, $0x38;
	[tilespmem:$0x6200] =	vst v63  }
0x38: {  	s30 =	sadd.s32 $0x0, s11  }
0x39: {  	[hbm4b:s30+s3] =	stream.linear.scatter [tilespmem:s17], [sflag:$0x3], $0x1000, $0x38;
	[tilespmem:$0x6200] =	vst v63  }
0x3a: {  	s31 =	sadd.s32 $0x0, s10;
	s26 =	simm.s32 @!p0 $0x2  }
0x3b: {  	[hbm4b:s31+s3] =	stream.linear.scatter [tilespmem:s18], [sflag:$0x3], $0x1000, $0x38;
	[tilespmem:$0x6200] =	vst v63  }
0x3c: {  	_ =	swait.ge @!p0 [sflag:s26], $0x1000  }
0x3d: {  	[sflag:s26] =	ssyncset.done @!p0 $0x0  }
0x3e: {  	[sflag:s26] =	ssyncadd.s32 @!p0 $0xFFFFF000  }
0x3f: {  	_ =	swait.ge @!p0 [sflag:s26], $0x1000  }
0x40: {  	[sflag:s26] =	ssyncset.done @!p0 $0x0  }
0x41: {  	[sflag:s26] =	ssyncadd.s32 @!p0 $0xFFFFF000  }
0x42: {  	_ =	swait.ge @!p0 [sflag:s26], $0x1000  }
0x43: {  	s22 =	sadd.s32 @!p0 $0x0, s12;
	[sflag:s26] =	ssyncset.done @!p0 $0x0  }
0x44: {  	s22 =	sadd.s32 @!p0 $0x4000, s22;
	[sflag:s26] =	ssyncadd.s32 @!p0 $0xFFFFF000  }
0x45: {  	[hbm4b:s22+s23] =	stream.linear.scatter @!p0 [tilespmem:s28], [sflag:$0x4], $0x1000, $0x38;
	[tilespmem:$0x6200] =	vst v63  }
0x46: {  	s22 =	sadd.s32 @!p0 $0x0, s11  }
0x47: {  	s22 =	sadd.s32 @!p0 $0x4000, s22  }
0x48: {  	[hbm4b:s22+s23] =	stream.linear.scatter @!p0 [tilespmem:s24], [sflag:$0x4], $0x1000, $0x38;
	[tilespmem:$0x6200] =	vst v63  }
0x49: {  	s22 =	sadd.s32 @!p0 $0x0, s10  }
0x4a: {  	s24 =	simm.s32 @!p0 $0x4;
	s22 =	sadd.s32 @!p0 $0x4000, s22  }
0x4b: {  	[hbm4b:s22+s23] =	stream.linear.scatter @!p0 [tilespmem:s25], [sflag:$0x4], $0x1000, $0x38;
	[tilespmem:$0x6200] =	vst v63  }
0x4c: {  	_ =	swait.ge @!p0 [sflag:s24], $0x1000  }
0x4d: {  	[sflag:s24] =	ssyncset.done @!p0 $0x0  }
0x4e: {  	[sflag:s24] =	ssyncadd.s32 @!p0 $0xFFFFF000  }
0x4f: {  	_ =	swait.ge @!p0 [sflag:s24], $0x1000  }
0x50: {  	[sflag:s24] =	ssyncset.done @!p0 $0x0  }
0x51: {  	[sflag:s24] =	ssyncadd.s32 @!p0 $0xFFFFF000  }
0x52: {  	_ =	swait.ge @!p0 [sflag:s24], $0x1000  }
0x53: {  	[sflag:s24] =	ssyncset.done @!p0 $0x0  }
0x54: {  	[sflag:s24] =	ssyncadd.s32 @!p0 $0xFFFFF000  }
0x55: {  	_ =	swait.ge [sflag:s20], $0x1000  }
0x56: {  	[sflag:s20] =	ssyncset.done $0x0  }
0x57: {  	[sflag:s20] =	ssyncadd.s32 $0xFFFFF000  }
0x58: {  	_ =	swait.ge [sflag:s20], $0x1000  }
0x59: {  	[sflag:s20] =	ssyncset.done $0x0  }
0x5a: {  	s22 =	simm.s32 $0x8000;
	s23 =	sadd.s32 $0x400, s0;
	[sflag:s20] =	ssyncadd.s32 $0xFFFFF000  }
0x5b: {  	s25 =	smov.u32 s8;
	s24 =	sadd.s32 $0x40, s4;
	_ =	swait.ge [sflag:s20], $0x1000  }
.LBB2_2:
0x5c: {  	[sflag:s20] =	ssyncset.done $0x0  }
0x5d: {  	s25 =	sadd.s32 $0x400, s25;
	s26 =	smov.u32 s22;
	s22 =	sadd.s32 $0x8000, s22  }
0x5e: {  	s28 =	sadd.s32 s23, s7;
	p0 =	sne.s32 s22, $0x310000;
	[sflag:s20] =	ssyncadd.s32 $0xFFFFF000  }
0x5f: {  	[tilespmem:s3], [sflag:$0x5] =	stream.linear.gather [hbm4b:s28+s3], $0x80, $0x38;
	[tilespmem:$0x6200] =	vst v63  }
0x60: {  	_ =	swait.ge [sflag:s14], $0x80  }
0x61: {  	[sflag:s14] =	ssyncset.done $0x0  }
0x62: {  	s28 =	sadd.s32 s25, s7;
	[sflag:s14] =	ssyncadd.s32 $0xFFFFFF80  }
0x63: {  	[tilespmem:s15], [sflag:$0x5] =	stream.linear.gather [hbm4b:s28+s3], $0x80, $0x38;
	[tilespmem:$0x6200] =	vst v63  }
0x64: {  	_ =	swait.ge [sflag:s14], $0x80  }
0x65: {  	[sflag:s14] =	ssyncset.done $0x0  }
0x66: {  	[sflag:s14] =	ssyncadd.s32 $0xFFFFFF80  }
0x67: {  	[tilespmem:s16], [sflag:$0x1] =	stream.indirect.gather [hbm4b:s1+s15], $0x20, s3, s15, $0xb8;
	[tilespmem:$0x6200] =	vst v63  }
0x68: {  	_ = 	snop  }
0x69: {  	[tilespmem:s17], [sflag:$0x1] =	stream.indirect.gather [hbm4b:s2+s15], $0x20, s15, s15, $0xb8;
	[tilespmem:$0x6200] =	vst v63  }
0x6a: {  	p1 =	sgt.u32 s24, $0x1869  }
0x6b: {  	[tilespmem:s18], [sflag:$0x1] =	stream.indirect.gather [hbm4b:s5+s15], $0x20, s15, s15, $0xb8;
	[tilespmem:$0x6200] =	vst v63  }
0x6c: {  	s29 =	sadd.s32 @!p1 s23, s7;
	s0 =	simm.s32 @!p1 $0x3100;
	s28 =	simm.s32 @!p1 $0x0  }
0x6d: {  	s4 =	simm.s32 @!p1 $0x5;
	s30 =	sadd.s32 @!p1 s25, s7;
	s29 =	sadd.s32 @!p1 $0x200, s29  }
0x6e: {  	[tilespmem:s0], [sflag:$0x5] =	stream.linear.gather @!p1 [hbm4b:s29+s28], $0x80, $0x38;
	[tilespmem:$0x6200] =	vst v63  }
0x6f: {  	s30 =	sadd.s32 @!p1 $0x200, s30;
	s29 =	sadd.s32 @!p1 s26, s12;
	_ =	swait.ge @!p1 [sflag:s4], $0x80  }
0x70: {  	s6 =	simm.s32 @!p1 $0x3180;
	s29 =	sadd.s32 @!p1 $0x4000, s29;
	[sflag:s4] =	ssyncset.done @!p1 $0x0  }
0x71: {  	s31 =	sadd.s32 @!p1 s26, s11;
	s13 =	sadd.s32 @!p1 s26, s10;
	[sflag:s4] =	ssyncadd.s32 @!p1 $0xFFFFFF80  }
0x72: {  	[tilespmem:s6], [sflag:$0x5] =	stream.linear.gather @!p1 [hbm4b:s30+s28], $0x80, $0x38;
	[tilespmem:$0x6200] =	vst v63  }
0x73: {  	s31 =	sadd.s32 @!p1 $0x4000, s31;
	s30 =	sadd.s32 @!p1 $0x4000, s13;
	_ =	swait.ge @!p1 [sflag:s4], $0x80  }
0x74: {  	s9 =	simm.s32 @!p1 $0x3200;
	s13 =	simm.s32 @!p1 $0x80;
	[sflag:s4] =	ssyncset.done @!p1 $0x0  }
0x75: {  	[sflag:s4] =	ssyncadd.s32 @!p1 $0xFFFFFF80;
	s4 =	simm.s32 @!p1 $0x4200  }
0x76: {  	[tilespmem:s9], [sflag:$0x2] =	stream.indirect.gather @!p1 [hbm4b:s1+s13], $0x20, s0, s13, $0xb8;
	[tilespmem:$0x6200] =	vst v63  }
0x77: {  	s0 =	simm.s32 @!p1 $0x5200  }
0x78: {  	[tilespmem:s4], [sflag:$0x2] =	stream.indirect.gather @!p1 [hbm4b:s2+s13], $0x20, s6, s13, $0xb8;
	[tilespmem:$0x6200] =	vst v63  }
0x79: {  	_ = 	snop  }
0x7a: {  	[tilespmem:s0], [sflag:$0x2] =	stream.indirect.gather @!p1 [hbm4b:s5+s13], $0x20, s6, s13, $0xb8;
	[tilespmem:$0x6200] =	vst v63  }
0x7b: {  	_ =	swait.ge [sflag:s19], $0x1000  }
0x7c: {  	[sflag:s19] =	ssyncset.done $0x0  }
0x7d: {  	[sflag:s19] =	ssyncadd.s32 $0xFFFFF000  }
0x7e: {  	_ =	swait.ge [sflag:s19], $0x1000  }
0x7f: {  	[sflag:s19] =	ssyncset.done $0x0  }
0x80: {  	[sflag:s19] =	ssyncadd.s32 $0xFFFFF000  }
0x81: {  	_ =	swait.ge [sflag:s19], $0x1000  }
0x82: {  	s6 =	sadd.s32 s26, s12;
	[sflag:s19] =	ssyncset.done $0x0  }
0x83: {  	s13 =	sadd.s32 s26, s11;
	[sflag:s19] =	ssyncadd.s32 $0xFFFFF000  }
0x84: {  	[hbm4b:s6+s3] =	stream.linear.scatter [tilespmem:s16], [sflag:$0x3], $0x1000, $0x38;
	[tilespmem:$0x6200] =	vst v63  }
0x85: {  	s6 =	sadd.s32 s26, s10  }
0x86: {  	[hbm4b:s13+s3] =	stream.linear.scatter [tilespmem:s17], [sflag:$0x3], $0x1000, $0x38;
	[tilespmem:$0x6200] =	vst v63  }
0x87: {  	s13 =	simm.s32 @!p1 $0x2  }
0x88: {  	[hbm4b:s6+s3] =	stream.linear.scatter [tilespmem:s18], [sflag:$0x3], $0x1000, $0x38;
	[tilespmem:$0x6200] =	vst v63  }
0x89: {  	_ =	swait.ge @!p1 [sflag:s13], $0x1000  }
0x8a: {  	[sflag:s13] =	ssyncset.done @!p1 $0x0  }
0x8b: {  	[sflag:s13] =	ssyncadd.s32 @!p1 $0xFFFFF000  }
0x8c: {  	_ =	swait.ge @!p1 [sflag:s13], $0x1000  }
0x8d: {  	[sflag:s13] =	ssyncset.done @!p1 $0x0  }
0x8e: {  	[sflag:s13] =	ssyncadd.s32 @!p1 $0xFFFFF000  }
0x8f: {  	_ =	swait.ge @!p1 [sflag:s13], $0x1000  }
0x90: {  	[sflag:s13] =	ssyncset.done @!p1 $0x0  }
0x91: {  	[sflag:s13] =	ssyncadd.s32 @!p1 $0xFFFFF000  }
0x92: {  	[hbm4b:s29+s28] =	stream.linear.scatter @!p1 [tilespmem:s9], [sflag:$0x4], $0x1000, $0x38;
	[tilespmem:$0x6200] =	vst v63  }
0x93: {  	_ = 	snop  }
0x94: {  	[hbm4b:s31+s28] =	stream.linear.scatter @!p1 [tilespmem:s4], [sflag:$0x4], $0x1000, $0x38;
	[tilespmem:$0x6200] =	vst v63  }
0x95: {  	s4 =	simm.s32 @!p1 $0x4  }
0x96: {  	[hbm4b:s30+s28] =	stream.linear.scatter @!p1 [tilespmem:s0], [sflag:$0x4], $0x1000, $0x38;
	[tilespmem:$0x6200] =	vst v63  }
0x97: {  	_ =	swait.ge @!p1 [sflag:s4], $0x1000  }
0x98: {  	[sflag:s4] =	ssyncset.done @!p1 $0x0  }
0x99: {  	[sflag:s4] =	ssyncadd.s32 @!p1 $0xFFFFF000  }
0x9a: {  	_ =	swait.ge @!p1 [sflag:s4], $0x1000  }
0x9b: {  	[sflag:s4] =	ssyncset.done @!p1 $0x0  }
0x9c: {  	[sflag:s4] =	ssyncadd.s32 @!p1 $0xFFFFF000  }
0x9d: {  	_ =	swait.ge @!p1 [sflag:s4], $0x1000  }
0x9e: {  	[sflag:s4] =	ssyncset.done @!p1 $0x0  }
0x9f: {  	[sflag:s4] =	ssyncadd.s32 @!p1 $0xFFFFF000  }
0xa0: {  	_ =	swait.ge [sflag:s20], $0x1000  }
0xa1: {  	[sflag:s20] =	ssyncset.done $0x0  }
.Ltmp0:
0xa2: {  	[sflag:s20] =	ssyncadd.s32 $0xFFFFF000;
	(pc) =	sbr.rel @p0 .LBB2_2-.Ltmp0, $4  }
0xa3: {  	_ =	swait.ge [sflag:s20], $0x1000  }
0xa4: {  	[sflag:s20] =	ssyncset.done $0x0  }
0xa5: {  	[sflag:s20] =	ssyncadd.s32 $0xFFFFF000  }
0xa6: {  	s24 =	sadd.s32 $0x40, s24;
	s23 =	sadd.s32 $0x400, s23;
	_ =	swait.ge [sflag:s20], $0x1000  }
0xa7: {  	s21 =	sadd.s32 $0x1, s21;
	s0 =	rddreg [dreg:$0x5]  }
0xa8: {  	p0 =	sne.s32 s21, s0  }
.Ltmp1:
0xa9: {  	_ = 	snop;
	(pc) =	sbr.rel @p0 .LBB2_1-.Ltmp1, $3  }
0xaa: {  	_ =	sdelay $0x1  }
0xab: {  	[sflag:s20] =	ssyncset.done $0x0  }
0xac: {  	[sflag:s20] =	ssyncadd.s32 $0xFFFFF000  }
0xad: {  	_ =	sfence.sel $0x180000  }
0xae: {  	[bflag:$0x0] =	sbarrier.arrive $0xFFFF  }
0xaf: {  	_ =	strace $0x90000047  }
0xb0: {  	s0 =	stileid.u32;
	[bflag:$0x2] =	sbarrier.arrive $0xFFFF  }
0xb1: {  	p0 =	sne.s32 s0, $0x0;
	s0 =	rddreg [dreg:$0x4]  }
0xb2: {  	s0 =	sadd.s32 @!p0 $0x100000, s0  }
0xb3: {  	[sflag:s0] =	ssyncadd.tile.s32 @!p0 $0x1;
	_ =	shalt  }
.Lfunc_end2:
_tile_overlayer_lowered:
.L_overlay_start_2:
0xb4: {  	(tag) =	ssettag $0x2  }
0xb5: {  	s0 =	rddreg [dreg:$0x0];
	s2 =	stileid.u32  }
0xb6: {  	s1 =	rddreg [dreg:$0x1];
	p0 =	sne.s32 s2, $0x0  }
0xb7: {  	s3 =	rddreg [dreg:$0x2];
	[bflag:$0x3] =	sbarrier.arrive $0xFFFF;
	s2 =	simm.s32 @!p0 $0x1C05  }
0xb8: {  	[timem:s3], [sflag:s2] =	dma.local @!p0 [hbm:s0], s1  }
0xb9: {  	s0 =	simm.s32 @!p0 $0x5  }
0xba: {  	_ =	swait.ge @!p0 [sflag:s0], s1  }
0xbb: {  	s1 =	ssub.s32 @!p0 $0x0, s1;
	[sflag:s0] =	ssyncset.done @!p0 $0x0  }
0xbc: {  	[sflag:s0] =	ssyncadd.s32 @!p0 s1  }
0xbd: {  	[bflag:$0x3] =	sbarrier.arrive $0xFFFF  }
0xbe: {  	_ =	shalt  }

// kernel: kernel.19.cloned.1.call-start
scs
__scs_entry_jumppad:
0x0: {  	(pc) =	sbr.rel $0x88, $3  }
0x1: {  	(tag) =	ssettag $0x0;
	lr =	simm.s32 $0x1  }
0x2: {  	[smem:$0x3F7C] =	sst lr;
	_ =	strace $0xD0000000  }
0x3: {  	_ = 	snop  }
0x4: {  	_ = 	snop  }
0x5: {  	_ = 	snop  }
0x6: {  	_ = 	snop  }
0x7: {  	_ = 	snop  }
__scs_overlays_trampoline_lowered:
0x8: {  	[smem:$0x3F8B] =	sst s0  }
0x9: {  	[smem:$0x3F8C] =	sst s1  }
0xa: {  	[smem:$0x3F8D] =	sst s2  }
0xb: {  	[smem:$0x3F8E] =	sst s3  }
0xc: {  	[smem:$0x3F8F] =	sst s4  }
0xd: {  	[smem:$0x3F90] =	sst s5  }
0xe: {  	[smem:$0x3F91] =	sst s6  }
0xf: {  	[smem:$0x3F92] =	sst s7  }
0x10: {  	[smem:$0x3F93] =	sst s8  }
0x11: {  	[smem:$0x3F94] =	sst s9;
	s0 =	simm.s32 @!p0 $0x0  }
0x12: {  	s1 =	sld [smem:$0x3F7A];
	s0 =	simm.s32 @p0 $0x1  }
0x13: {  	[smem:$0x3F95] =	sst s0;
	s0 =	simm.s32 @!p1 $0x0  }
0x14: {  	s2 =	sld [smem:$0x3F79];
	s0 =	simm.s32 @p1 $0x1  }
0x15: {  	[smem:$0x3F96] =	sst s0;
	s0 =	simm.s32 @!p2 $0x0  }
0x16: {  	s3 =	sld [smem:$0x3FDB];
	s0 =	simm.s32 @p2 $0x1  }
0x17: {  	s4 =	simm.s32 $0x1BF5;
	[smem:$0x3F98] =	sst s0  }
0x18: {  	s0 =	sld [smem:$0x3F7B];
	_ =	swait.ge [sflag:s4], $0x0  }
0x19: {  	s7 =	sld [smem:$0x3F7C]  }
0x1a: {  	s8 =	sadd.s32 $0xFFFFE003, lr  }
0x1b: {  	s9 =	sadd.s32 $0xFFFFFEF7, lr;
	s5 =	simm.s32 $0xFFFFFFFF;
	p2 =	slt.u32 s8, $0xFFFFF086  }
0x1c: {  	p1 =	slt.u32 s9, $0xF7A;
	s5 =	simm.s32 @!p2 $0x0  }
0x1d: {  	s5 =	simm.s32 @p1 $0x1;
	p0 =	seq.s32 s7, s2  }
0x1e: {  	s7 =	smul.u32 @!p0 $0xF7A, s2;
	p2 =	seq.s32 @!p0 s5, $0x0  }
0x1f: {  	s9 =	smul.u32 $0xF7A, s1;
	s8 =	simm.s32 @!p0 $0x1BF5;
	p2 =	por !p2, p0  }
0x20: {  	[sflag:s8] =	ssyncset.s32 @!p0 $0xFFFFF086;
	s6 =	sadd.s32 @!p0 s3, s7;
	s7 =	simm.s32 @!p0 $0x108  }
0x21: {  	s3 =	sadd.s32 s3, s9;
	s6 =	sadd.s32 @!p0 $0x88, s6;
	s7 =	simm.s32 @p2 $0x1082  }
0x22: {  	[simem:s7], [sflag:s8] =	dma.local @!p0 [hbm:s6], $0xF7A  }
0x23: {  	s9 =	sor.u32 $0xD0000000, s2;
	s6 =	simm.s32 $0x108;
	_ =	swait.ge @!p0 [sflag:s8], $0x0  }
0x24: {  	s3 =	sadd.s32 $0x88, s3;
	s6 =	simm.s32 @!p1 $0x1082;
	[sflag:s4] =	ssyncset.s32 $0xFFFFF086  }
0x25: {  	[simem:s6], [sflag:s4] =	dma.local [hbm:s3], $0xF7A  }
0x26: {  	[smem:$0x3F7C] =	sst s1;
	(tag) =	ssettag s2;
	_ =	strace s9  }
0x27: {  	s1 =	sld [smem:$0x3F8C]  }
0x28: {  	s2 =	sld [smem:$0x3F8D]  }
0x29: {  	s4 =	sld [smem:$0x3F8F]  }
0x2a: {  	p0 =	seq.s32 s5, $0x0;
	s5 =	sld [smem:$0x3F90]  }
0x2b: {  	s6 =	sld [smem:$0x3F91]  }
0x2c: {  	s7 =	sld [smem:$0x3F92]  }
0x2d: {  	s3 =	simm.s32 $0x108;
	s8 =	sld [smem:$0x3F93]  }
0x2e: {  	s3 =	simm.s32 @!p0 $0x1082;
	s9 =	sld [smem:$0x3F94]  }
0x2f: {  	lr =	sadd.s32 s0, s3;
	s0 =	sld [smem:$0x3F8B]  }
0x30: {  	s3 =	sld [smem:$0x3F8E]  }
0x31: {  	[smem:$0x3F97] =	sst s10  }
0x32: {  	s10 =	sld [smem:$0x3F95];
	_ =	sdelay $0x3  }
0x33: {  	p0 =	seq.s32 s10, $0x1;
	s10 =	sld [smem:$0x3F97];
	_ =	sdelay $0x3  }
0x34: {  	[smem:$0x3F97] =	sst s10  }
0x35: {  	s10 =	sld [smem:$0x3F96];
	_ =	sdelay $0x3  }
0x36: {  	p1 =	seq.s32 s10, $0x1;
	s10 =	sld [smem:$0x3F97];
	_ =	sdelay $0x3  }
0x37: {  	[smem:$0x3F97] =	sst s10  }
0x38: {  	s10 =	sld [smem:$0x3F98]  }
0x39: {  	_ = 	snop;
	(pc) =	sbr.ind lr, $3  }
0x3a: {  	_ = 	snop  }
0x3b: {  	_ = 	snop  }
0x3c: {  	p2 =	seq.s32 s10, $0x1;
	s10 =	sld [smem:$0x3F97]  }
0x3d: {  	_ =	shalt  }
0x3e: {  	_ =	shalt  }
0x3f: {  	_ =	shalt  }
0x40: {  	_ =	shalt  }
0x41: {  	_ =	shalt  }
0x42: {  	_ =	shalt  }
0x43: {  	_ =	shalt  }
0x44: {  	_ =	shalt  }
0x45: {  	_ =	shalt  }
0x46: {  	_ =	shalt  }
0x47: {  	_ =	shalt  }
0x48: {  	_ =	shalt  }
0x49: {  	_ =	shalt  }
0x4a: {  	_ =	shalt  }
0x4b: {  	_ =	shalt  }
0x4c: {  	_ =	shalt  }
0x4d: {  	_ =	shalt  }
0x4e: {  	_ =	shalt  }
0x4f: {  	_ =	shalt  }
0x50: {  	_ =	shalt  }
0x51: {  	_ =	shalt  }
0x52: {  	_ =	shalt  }
0x53: {  	_ =	shalt  }
0x54: {  	_ =	shalt  }
0x55: {  	_ =	shalt  }
0x56: {  	_ =	shalt  }
0x57: {  	_ =	shalt  }
0x58: {  	_ =	shalt  }
0x59: {  	_ =	shalt  }
0x5a: {  	_ =	shalt  }
0x5b: {  	_ =	shalt  }
0x5c: {  	_ =	shalt  }
0x5d: {  	_ =	shalt  }
0x5e: {  	_ =	shalt  }
0x5f: {  	_ =	shalt  }
0x60: {  	_ =	shalt  }
0x61: {  	_ =	shalt  }
0x62: {  	_ =	shalt  }
0x63: {  	_ =	shalt  }
0x64: {  	_ =	shalt  }
0x65: {  	_ =	shalt  }
0x66: {  	_ =	shalt  }
0x67: {  	_ =	shalt  }
0x68: {  	_ =	shalt  }
0x69: {  	_ =	shalt  }
0x6a: {  	_ =	shalt  }
0x6b: {  	_ =	shalt  }
0x6c: {  	_ =	shalt  }
0x6d: {  	_ =	shalt  }
0x6e: {  	_ =	shalt  }
0x6f: {  	_ =	shalt  }
0x70: {  	_ =	shalt  }
0x71: {  	_ =	shalt  }
0x72: {  	_ =	shalt  }
0x73: {  	_ =	shalt  }
0x74: {  	_ =	shalt  }
0x75: {  	_ =	shalt  }
0x76: {  	_ =	shalt  }
0x77: {  	_ =	shalt  }
0x78: {  	_ =	shalt  }
0x79: {  	_ =	shalt  }
0x7a: {  	_ =	shalt  }
0x7b: {  	_ =	shalt  }
0x7c: {  	_ =	shalt  }
0x7d: {  	_ =	shalt  }
0x7e: {  	_ =	shalt  }
0x7f: {  	_ =	shalt  }
0x80: {  	_ =	shalt  }
0x81: {  	_ =	shalt  }
0x82: {  	_ =	shalt  }
0x83: {  	_ =	shalt  }
0x84: {  	_ =	shalt  }
0x85: {  	_ =	shalt  }
0x86: {  	_ =	shalt  }
0x87: {  	_ =	shalt  }
.Lfunc_end0:
.L_simem_size_0:
called_computation.1_lowered:
.L_overlay_start_0:
0x88: {  	s2 =	sld [smem:$0x3FD9]  }
0x89: {  	s3 =	sld [smem:$0x3FFE];
	_ =	sdelay $0x1  }
0x8a: {  	s1 =	srdreg.scid  }
0x8b: {  	s0 =	sand.u32 $0x1, s1  }
0x8c: {  	s14 =	sshll.u32 s0, $0xA;
	s2 =	sadd.s32 s3, s2  }
0x8d: {  	s2 =	sadd.s32 s2, s14  }
0x8e: {  	[smem:$0x3FA3] =	sst s2  }
0x8f: {  	_ = 	snop  }
0x90: {  	s2 =	sld [smem:$0x3FD0];
	_ =	sdelay $0x2  }
0x91: {  	s15 =	simm.s32 $0xB;
	s4 =	simm.s32 $0x10  }
0x92: {  	[smem:s4], [sflag:s15] =	dma.local [hbm:s2], $0x1  }
0x93: {  	_ =	swait.eq [sflag:s15], $0x1  }
0x94: {  	[sflag:s15] =	ssyncset.done $0x0  }
0x95: {  	s16 =	sld [smem:$0x11];
	[sflag:s15] =	ssyncadd.s32 $0xFFFFFFFF  }
0x96: {  	s17 =	sld [smem:$0x12];
	(tm) =	ssettm $0x1  }
0x97: {  	s18 =	sld [smem:$0x3FFB];
	_ =	sdelay $0x3  }
0x98: {  	_ =	strace s18  }
0x99: {  	s4 =	sld [smem:$0x3FFC];
	_ =	sdelay $0x3  }
0x9a: {  	_ =	strace s4  }
0x9b: {  	s4 =	sld [smem:$0x3FFD];
	_ =	sdelay $0x3  }
0x9c: {  	_ =	strace s4  }
0x9d: {  	_ =	strace $0x8FFFFFFF  }
0x9e: {  	s19 =	sld [smem:$0x3FDB];
	_ =	sdelay $0x1  }
0x9f: {  	s5 =	simm.s32 $_scs_section_size  }
0xa0: {  	s6 =	simm.s32 $_size__tile_overlayer_lowered;
	s7 =	simm.s32 $_tile_overlayer_lowered  }
0xa1: {  	s22 =	simm.s32 $0x1BFF;
	s21 =	sshll.u32 s7, $0x1;
	s4 =	sadd.s32 s5, s19  }
0xa2: {  	s8 =	simm.s32 $0x0;
	s20 =	sshll.u32 s6, $0x1;
	s6 =	sadd.s32 s21, s4  }
0xa3: {  	[timem:s8], [sflag:s22] =	dma.local [hbm:s6], s20  }
0xa4: {  	_ =	swait.ge [sflag:s22], s20  }
0xa5: {  	s5 =	ssub.s32 $0x0, s20;
	[sflag:s22] =	ssyncset.done $0x0  }
0xa6: {  	[sflag:s22] =	ssyncadd.s32 s5;
	_ =	sdelay $0x1  }
0xa7: {  	s23 =	simm.s32 $0x1B8B  }
0xa8: {  	_ =	swait.ge [sflag:s23], $0x1  }
0xa9: {  	[sflag:s23] =	ssyncset.done $0x0  }
0xaa: {  	s25 =	simm.s32 $0x1B8E;
	s24 =	sld [smem:$0x3FFE];
	[sflag:s23] =	ssyncadd.s32 $0xFFFFFFFF  }
0xab: {  	s26 =	simm.s32 $execute0_lowered;
	[smem:$0x3FD2] =	sst s25  }
0xac: {  	s6 =	sshll.u32 s26, $0x1;
	_ =	strace $0x80000049;
	[dreg:$0x1] =	wrdreg $0xFFFFFFFF  }
0xad: {  	s28 =	simm.s32 $_size_execute0_lowered;
	s4 =	sadd.s32 s4, s6;
	[dreg:$0x0] =	wrdreg $0x0  }
0xae: {  	s6 =	sshll.u32 s28, $0x1;
	[dreg:$0x2] =	wrdreg s4  }
0xaf: {  	[dreg:$0x3] =	wrdreg s6  }
0xb0: {  	[dreg:$0x4] =	wrdreg $0xC0  }
0xb1: {  	_ =	task [dreg:s8], $0x5FFFF  }
0xb2: {  	[dreg:$0x1] =	wrdreg $0xFFFFFFFF  }
0xb3: {  	[dreg:$0x0] =	wrdreg $0x60  }
0xb4: {  	[dreg:$0x2] =	wrdreg s17  }
0xb5: {  	[dreg:$0x3] =	wrdreg s24  }
0xb6: {  	[dreg:$0x4] =	wrdreg s16  }
0xb7: {  	[dreg:$0x5] =	wrdreg $0x21000  }
0xb8: {  	[dreg:$0x6] =	wrdreg $0x9  }
0xb9: {  	_ =	task.clear_ibuf [dreg:s8], $0x7FFFF;
	_ =	strace $0x90000049  }
0xba: {  	s29 =	simm.s32 $0x9;
	_ =	strace $0x8000004B  }
0xbb: {  	_ =	swait.ge [sflag:s29], $0x1  }
0xbc: {  	[sflag:s29] =	ssyncadd.s32 $0xFFFFFFFF  }
0xbd: {  	_ =	strace $0x9000004B  }
0xbe: {  	_ =	sfence  }
0xbf: {  	s30 =	sld [smem:$0x0];
	_ =	sdelay $0x2  }
0xc0: {  	s31 =	sshll.u32 s1, $0xD;
	s1 =	sshrl.u32 s1, $0x2  }
0xc1: {  	s3 =	sand.u32 $0x4000, s31;
	s1 =	sadd.s32 s1, s30  }
0xc2: {  	s0 =	sor.u32 s3, s0;
	s1 =	sshll.u32 s1, $0x11  }
0xc3: {  	s0 =	sor.u32 s1, s0  }
0xc4: {  	s0 =	sadd.s32 $0x8F2B, s0  }
0xc5: {  	[sflag:s0] =	ssyncadd.remote.s32 $0x1  }
0xc6: {  	_ =	sfence.sel $0xFFFF  }
0xc7: {  	[dreg:$0x0] =	wrdreg $0xFFFFFFFF;
	(pc) =	sbr.abs _section_cstart, $3  }
0xc8: {  	[dreg:$0x1] =	wrdreg $0xFFFFFFFF  }
0xc9: {  	_ =	task.clear_ibuf [dreg:s8], $0x2FFFF;
	_ =	strace $0x9FFFFFFF  }
0xca: {  	(tm) =	ssettm $0x7FFFFFFF  }
0xcb: {  	_ =	shalt  }
tec
execute0_lowered:
.L_overlay_start_1:
0x0: {  	(tag) =	ssettag $0x1  }
0x1: {  	s8 =	rddreg [dreg:$0x0]  }
0x2: {  	s4 =	rddreg [dreg:$0x1]  }
0x3: {  	s5 =	rddreg [dreg:$0x2]  }
0x4: {  	s2 =	rddreg [dreg:$0x3]  }
0x5: {  	s0 =	rddreg [dreg:$0x4]  }
0x6: {  	s1 =	stileid.u32;
	s6 =	srdreg.scid  }
0x7: {  	s3 =	simm.s32 $0x0;
	s15 =	simm.s32 $0x0;
	s10 =	sand.u32 $0x1, s6  }
0x8: {  	s24 =	smul.u32 $0x186A0, s1;
	[smem:$0x7FF] =	sst s3;
	s9 =	sshll.u32 s1, $0x5  }
0x9: {  	s25 =	sshll.u32 s1, $0x1;
	s28 =	sshll.u32 s1, $0x6;
	s14 =	sshll.u32 s1, $0xA  }
0xa: {  	s7 =	smul.u32 $0x186A00, s10;
	_ =	strace $0x8000004A;
	s11 =	ssub.s32 $0x2, s10  }
0xb: {  	s9 =	sadd.s32 s9, s4;
	s29 =	sshll.u32 s10, $0x4;
	s30 =	sadd.s32 s14, s8  }
0xc: {  	s31 =	sshll.u32 s10, $0x9;
	s10 =	sor.u32 s10, s25;
	s14 =	simm.s32 $0x3  }
0xd: {  	s12 =	sshrl.u32 s11, $0x1;
	s13 =	sadd.s32 s24, s2;
	s26 =	sshrl.u32 s24, $0x3  }
0xe: {  	s9 =	sadd.s32 s29, s9;
	s10 =	sor.u32 $0x20, s10;
	s7 =	sadd.s32 s24, s7  }
0xf: {  	s11 =	ssub.s32 s11, s12;
	s8 =	sadd.s32 $0x1AE400, s9;
	s7 =	sshrl.u32 s7, $0x3  }
0x10: {  	s9 =	sadd.s32 s31, s30;
	s12 =	simm.s32 $0x5;
	s7 =	sadd.s32 s7, s4  }
0x11: {  	s4 =	sadd.s32 s5, s26;
	s5 =	sor.u32 $0x1C05, s28;
	s6 =	sadd.s32 $0x1C6C00, s7  }
0x12: {  	s7 =	smax.u32 s11, $0x1;
	s11 =	sshrl.u32 s13, $0x3;
	s13 =	simm.s32 $0x80  }
.LBB2_1:
0x13: {  	[spmem:s11], [sflag:s5] =	dma.local [hbm:s4], $0x30D4  }
0x14: {  	_ =	swait.ge [sflag:s12], $0x30D4  }
0x15: {  	[sflag:s12] =	ssyncset.done $0x0  }
0x16: {  	[sflag:s12] =	ssyncadd.s32 $0xFFFFCF2C  }
0x17: {  	s16 =	sadd.s32 $0x0, s8;
	p0 =	sgt.u32 s10, $0x1869;
	[bflag:$0x0] =	sbarrier.arrive $0xFFFF  }
0x18: {  	[tilespmem:s3], [sflag:$0x1] =	stream.linear.gather [hbm4b:s16+s3], $0x80, $0x38;
	[tilespmem:$0x1A7A0] =	vst v63  }
0x19: {  	s16 =	simm.s32 @p0 $0x1  }
0x1a: {  	[tilespmem:s13], [sflag:$0x1] =	stream.linear.gather [hbm4b:s9+s3], $0x1000, $0x38;
	[tilespmem:$0x1A7A0] =	vst v63  }
0x1b: {  	_ =	swait.ge @p0 [sflag:s16], $0x80  }
0x1c: {  	[sflag:s16] =	ssyncset.done @p0 $0x0  }
0x1d: {  	[sflag:s16] =	ssyncadd.s32 @p0 $0xFFFFFF80  }
0x1e: {  	_ =	swait.ge @p0 [sflag:s16], $0x1000  }
0x1f: {  	s17 =	sadd.s32 @!p0 $0x0, s8;
	[sflag:s16] =	ssyncset.done @p0 $0x0  }
0x20: {  	s18 =	simm.s32 @p0 $0x0;
	s19 =	simm.s32 @p0 $0x80;
	[sflag:s16] =	ssyncadd.s32 @p0 $0xFFFFF000  }
0x21: {  	[spmem:s2] =	stream.indirect.scatter.add.f32 @p0 [tilespmem:s19], [sflag:$0x3], $0x20, s18, s19, $0xb8;
	[tilespmem:$0x1A7A0] =	vst v63  }
0x22: {  	s16 =	sadd.s32 @!p0 $0x200, s17;
	s17 =	simm.s32 @!p0 $0x0;
	s18 =	simm.s32 @!p0 $0x1080  }
0x23: {  	[tilespmem:s18], [sflag:$0x2] =	stream.linear.gather @!p0 [hbm4b:s16+s17], $0x80, $0x38;
	[tilespmem:$0x1A7A0] =	vst v63  }
0x24: {  	s20 =	simm.s32 @!p0 $0x1;
	s19 =	simm.s32 @!p0 $0x1100;
	s16 =	sadd.s32 @!p0 $0x4000, s9  }
0x25: {  	[tilespmem:s19], [sflag:$0x2] =	stream.linear.gather @!p0 [hbm4b:s16+s17], $0x1000, $0x38;
	[tilespmem:$0x1A7A0] =	vst v63  }
0x26: {  	_ =	swait.ge @!p0 [sflag:s20], $0x80  }
0x27: {  	[sflag:s20] =	ssyncset.done @!p0 $0x0  }
0x28: {  	[sflag:s20] =	ssyncadd.s32 @!p0 $0xFFFFFF80  }
0x29: {  	_ =	swait.ge @!p0 [sflag:s20], $0x1000  }
0x2a: {  	[sflag:s20] =	ssyncset.done @!p0 $0x0  }
0x2b: {  	s16 =	simm.s32 @!p0 $0x80;
	[sflag:s20] =	ssyncadd.s32 @!p0 $0xFFFFF000;
	s20 =	simm.s32 @!p0 $0x2  }
0x2c: {  	[spmem:s2] =	stream.indirect.scatter.add.f32 @!p0 [tilespmem:s16], [sflag:$0x3], $0x20, s17, s16, $0xb8;
	[tilespmem:$0x1A7A0] =	vst v63  }
0x2d: {  	_ =	swait.ge @!p0 [sflag:s20], $0x80  }
0x2e: {  	[sflag:s20] =	ssyncset.done @!p0 $0x0  }
0x2f: {  	[sflag:s20] =	ssyncadd.s32 @!p0 $0xFFFFFF80  }
0x30: {  	_ =	swait.ge @!p0 [sflag:s20], $0x1000  }
0x31: {  	[sflag:s20] =	ssyncset.done @!p0 $0x0  }
0x32: {  	s17 =	simm.s32 @!p0 $0x4;
	[sflag:s20] =	ssyncadd.s32 @!p0 $0xFFFFF000  }
0x33: {  	[spmem:s2] =	stream.indirect.scatter.add.f32 @!p0 [tilespmem:s19], [sflag:$0x4], $0x20, s18, s16, $0xb8;
	[tilespmem:$0x1A7A0] =	vst v63  }
0x34: {  	_ =	swait.ge @!p0 [sflag:s17], $0x1000  }
0x35: {  	[sflag:s17] =	ssyncset.done @!p0 $0x0  }
0x36: {  	s16 =	simm.s32 $0x400;
	[sflag:s17] =	ssyncadd.s32 @!p0 $0xFFFFF000  }
0x37: {  	s18 =	smov.u32 s9;
	s17 =	sadd.s32 $0x40, s10;
	_ =	swait.ge [sflag:s14], $0x1000  }
.LBB2_2:
0x38: {  	[sflag:s14] =	ssyncset.done $0x0  }
0x39: {  	s18 =	sadd.s32 $0x8000, s18;
	s19 =	smov.u32 s16;
	s16 =	sadd.s32 $0x400, s16  }
0x3a: {  	s20 =	sadd.s32 s19, s8;
	p0 =	sne.s32 s16, $0x18800;
	[sflag:s14] =	ssyncadd.s32 $0xFFFFF000  }
0x3b: {  	[tilespmem:s3], [sflag:$0x1] =	stream.linear.gather [hbm4b:s20+s3], $0x80, $0x38;
	[tilespmem:$0x1A7A0] =	vst v63  }
0x3c: {  	p1 =	sgt.u32 s17, $0x1869  }
0x3d: {  	[tilespmem:s13], [sflag:$0x1] =	stream.linear.gather [hbm4b:s18+s3], $0x1000, $0x38;
	[tilespmem:$0x1A7A0] =	vst v63  }
0x3e: {  	s19 =	sadd.s32 @!p1 s19, s8;
	s20 =	simm.s32 @p1 $0x1  }
0x3f: {  	s19 =	sadd.s32 @!p1 $0x200, s19;
	_ =	swait.ge @p1 [sflag:s20], $0x80  }
0x40: {  	[sflag:s20] =	ssyncset.done @p1 $0x0  }
0x41: {  	[sflag:s20] =	ssyncadd.s32 @p1 $0xFFFFFF80  }
0x42: {  	_ =	swait.ge @p1 [sflag:s20], $0x1000  }
0x43: {  	s21 =	simm.s32 @p1 $0x0;
	s22 =	simm.s32 @p1 $0x80;
	[sflag:s20] =	ssyncset.done @p1 $0x0  }
0x44: {  	s23 =	simm.s32 @!p1 $0x1080;
	[sflag:s20] =	ssyncadd.s32 @p1 $0xFFFFF000;
	s20 =	simm.s32 @!p1 $0x0  }
0x45: {  	[spmem:s2] =	stream.indirect.scatter.add.f32 @p1 [tilespmem:s22], [sflag:$0x3], $0x20, s21, s22, $0xb8;
	[tilespmem:$0x1A7A0] =	vst v63  }
0x46: {  	s21 =	sadd.s32 @!p1 $0x4000, s18;
	s22 =	simm.s32 @!p1 $0x1100  }
0x47: {  	[tilespmem:s23], [sflag:$0x2] =	stream.linear.gather @!p1 [hbm4b:s19+s20], $0x80, $0x38;
	[tilespmem:$0x1A7A0] =	vst v63  }
0x48: {  	s19 =	simm.s32 @!p1 $0x1  }
0x49: {  	[tilespmem:s22], [sflag:$0x2] =	stream.linear.gather @!p1 [hbm4b:s21+s20], $0x1000, $0x38;
	[tilespmem:$0x1A7A0] =	vst v63  }
0x4a: {  	_ =	swait.ge @!p1 [sflag:s19], $0x80  }
0x4b: {  	[sflag:s19] =	ssyncset.done @!p1 $0x0  }
0x4c: {  	[sflag:s19] =	ssyncadd.s32 @!p1 $0xFFFFFF80  }
0x4d: {  	_ =	swait.ge @!p1 [sflag:s19], $0x1000  }
0x4e: {  	s21 =	simm.s32 @!p1 $0x80;
	[sflag:s19] =	ssyncset.done @!p1 $0x0  }
0x4f: {  	[sflag:s19] =	ssyncadd.s32 @!p1 $0xFFFFF000;
	s19 =	simm.s32 @!p1 $0x2  }
0x50: {  	[spmem:s2] =	stream.indirect.scatter.add.f32 @!p1 [tilespmem:s21], [sflag:$0x3], $0x20, s20, s21, $0xb8;
	[tilespmem:$0x1A7A0] =	vst v63  }
0x51: {  	_ =	swait.ge @!p1 [sflag:s19], $0x80  }
0x52: {  	[sflag:s19] =	ssyncset.done @!p1 $0x0  }
0x53: {  	[sflag:s19] =	ssyncadd.s32 @!p1 $0xFFFFFF80  }
0x54: {  	_ =	swait.ge @!p1 [sflag:s19], $0x1000  }
0x55: {  	[sflag:s19] =	ssyncset.done @!p1 $0x0  }
0x56: {  	[sflag:s19] =	ssyncadd.s32 @!p1 $0xFFFFF000;
	s19 =	simm.s32 @!p1 $0x4  }
0x57: {  	[spmem:s2] =	stream.indirect.scatter.add.f32 @!p1 [tilespmem:s22], [sflag:$0x4], $0x20, s23, s21, $0xb8;
	[tilespmem:$0x1A7A0] =	vst v63  }
.Ltmp0:
0x58: {  	_ = 	snop;
	(pc) =	sbr.rel @p0 .LBB2_2-.Ltmp0, $4  }
0x59: {  	_ =	swait.ge @!p1 [sflag:s19], $0x1000  }
0x5a: {  	[sflag:s19] =	ssyncset.done @!p1 $0x0  }
0x5b: {  	[sflag:s19] =	ssyncadd.s32 @!p1 $0xFFFFF000  }
0x5c: {  	s17 =	sadd.s32 $0x40, s17;
	_ =	swait.ge [sflag:s14], $0x1000  }
0x5d: {  	[sflag:s14] =	ssyncset.done $0x0;
	s15 =	sadd.s32 $0x1, s15  }
0x5e: {  	[sflag:s14] =	ssyncadd.s32 $0xFFFFF000;
	p0 =	sne.s32 s15, s7  }
.Ltmp1:
0x5f: {  	[bflag:$0x0] =	sbarrier.arrive $0xFFFF;
	(pc) =	sbr.rel @p0 .LBB2_1-.Ltmp1, $4  }
0x60: {  	[hbm:s6], [sflag:s5] =	dma.local [spmem:s11], $0x30D4  }
0x61: {  	_ =	swait.ge [sflag:s12], $0x30D4  }
0x62: {  	[sflag:s12] =	ssyncset.done $0x0  }
0x63: {  	[sflag:s12] =	ssyncadd.s32 $0xFFFFCF2C  }
0x64: {  	_ =	sfence.sel $0x180000  }
0x65: {  	[bflag:$0x0] =	sbarrier.arrive $0xFFFF  }
0x66: {  	p0 =	sne.s32 s1, $0x0;
	_ =	strace $0x9000004A  }
0x67: {  	s0 =	sadd.s32 @!p0 $0x100000, s0;
	[bflag:$0x2] =	sbarrier.arrive $0xFFFF  }
0x68: {  	[sflag:s0] =	ssyncadd.tile.s32 @!p0 $0x1;
	_ =	shalt  }
.Lfunc_end2:
_tile_overlayer_lowered:
.L_overlay_start_2:
0x69: {  	(tag) =	ssettag $0x2  }
0x6a: {  	s0 =	rddreg [dreg:$0x0];
	s2 =	stileid.u32  }
0x6b: {  	s1 =	rddreg [dreg:$0x1];
	p0 =	sne.s32 s2, $0x0  }
0x6c: {  	s3 =	rddreg [dreg:$0x2];
	[bflag:$0x3] =	sbarrier.arrive $0xFFFF;
	s2 =	simm.s32 @!p0 $0x1C05  }
0x6d: {  	[timem:s3], [sflag:s2] =	dma.local @!p0 [hbm:s0], s1  }
0x6e: {  	s0 =	simm.s32 @!p0 $0x5  }
0x6f: {  	_ =	swait.ge @!p0 [sflag:s0], s1  }
0x70: {  	s1 =	ssub.s32 @!p0 $0x0, s1;
	[sflag:s0] =	ssyncset.done @!p0 $0x0  }
0x71: {  	[sflag:s0] =	ssyncadd.s32 @!p0 s1  }
0x72: {  	[bflag:$0x3] =	sbarrier.arrive $0xFFFF  }
0x73: {  	_ =	shalt  }

// kernel: kernel.22.cloned.1.call-start
scs
__scs_entry_jumppad:
0x0: {  	(pc) =	sbr.rel $0x88, $3  }
0x1: {  	(tag) =	ssettag $0x0;
	lr =	simm.s32 $0x1  }
0x2: {  	[smem:$0x3F7C] =	sst lr;
	_ =	strace $0xD0000000  }
0x3: {  	_ = 	snop  }
0x4: {  	_ = 	snop  }
0x5: {  	_ = 	snop  }
0x6: {  	_ = 	snop  }
0x7: {  	_ = 	snop  }
__scs_overlays_trampoline_lowered:
0x8: {  	[smem:$0x3F8B] =	sst s0  }
0x9: {  	[smem:$0x3F8C] =	sst s1  }
0xa: {  	[smem:$0x3F8D] =	sst s2  }
0xb: {  	[smem:$0x3F8E] =	sst s3  }
0xc: {  	[smem:$0x3F8F] =	sst s4  }
0xd: {  	[smem:$0x3F90] =	sst s5  }
0xe: {  	[smem:$0x3F91] =	sst s6  }
0xf: {  	[smem:$0x3F92] =	sst s7  }
0x10: {  	[smem:$0x3F93] =	sst s8  }
0x11: {  	[smem:$0x3F94] =	sst s9;
	s0 =	simm.s32 @!p0 $0x0  }
0x12: {  	s1 =	sld [smem:$0x3F7A];
	s0 =	simm.s32 @p0 $0x1  }
0x13: {  	[smem:$0x3F95] =	sst s0;
	s0 =	simm.s32 @!p1 $0x0  }
0x14: {  	s2 =	sld [smem:$0x3F79];
	s0 =	simm.s32 @p1 $0x1  }
0x15: {  	[smem:$0x3F96] =	sst s0;
	s0 =	simm.s32 @!p2 $0x0  }
0x16: {  	s3 =	sld [smem:$0x3FDB];
	s0 =	simm.s32 @p2 $0x1  }
0x17: {  	s4 =	simm.s32 $0x1BF5;
	[smem:$0x3F98] =	sst s0  }
0x18: {  	s0 =	sld [smem:$0x3F7B];
	_ =	swait.ge [sflag:s4], $0x0  }
0x19: {  	s7 =	sld [smem:$0x3F7C]  }
0x1a: {  	s8 =	sadd.s32 $0xFFFFE003, lr  }
0x1b: {  	s9 =	sadd.s32 $0xFFFFFEF7, lr;
	s5 =	simm.s32 $0xFFFFFFFF;
	p2 =	slt.u32 s8, $0xFFFFF086  }
0x1c: {  	p1 =	slt.u32 s9, $0xF7A;
	s5 =	simm.s32 @!p2 $0x0  }
0x1d: {  	s5 =	simm.s32 @p1 $0x1;
	p0 =	seq.s32 s7, s2  }
0x1e: {  	s7 =	smul.u32 @!p0 $0xF7A, s2;
	p2 =	seq.s32 @!p0 s5, $0x0  }
0x1f: {  	s9 =	smul.u32 $0xF7A, s1;
	s8 =	simm.s32 @!p0 $0x1BF5;
	p2 =	por !p2, p0  }
0x20: {  	[sflag:s8] =	ssyncset.s32 @!p0 $0xFFFFF086;
	s6 =	sadd.s32 @!p0 s3, s7;
	s7 =	simm.s32 @!p0 $0x108  }
0x21: {  	s3 =	sadd.s32 s3, s9;
	s6 =	sadd.s32 @!p0 $0x88, s6;
	s7 =	simm.s32 @p2 $0x1082  }
0x22: {  	[simem:s7], [sflag:s8] =	dma.local @!p0 [hbm:s6], $0xF7A  }
0x23: {  	s9 =	sor.u32 $0xD0000000, s2;
	s6 =	simm.s32 $0x108;
	_ =	swait.ge @!p0 [sflag:s8], $0x0  }
0x24: {  	s3 =	sadd.s32 $0x88, s3;
	s6 =	simm.s32 @!p1 $0x1082;
	[sflag:s4] =	ssyncset.s32 $0xFFFFF086  }
0x25: {  	[simem:s6], [sflag:s4] =	dma.local [hbm:s3], $0xF7A  }
0x26: {  	[smem:$0x3F7C] =	sst s1;
	(tag) =	ssettag s2;
	_ =	strace s9  }
0x27: {  	s1 =	sld [smem:$0x3F8C]  }
0x28: {  	s2 =	sld [smem:$0x3F8D]  }
0x29: {  	s4 =	sld [smem:$0x3F8F]  }
0x2a: {  	p0 =	seq.s32 s5, $0x0;
	s5 =	sld [smem:$0x3F90]  }
0x2b: {  	s6 =	sld [smem:$0x3F91]  }
0x2c: {  	s7 =	sld [smem:$0x3F92]  }
0x2d: {  	s3 =	simm.s32 $0x108;
	s8 =	sld [smem:$0x3F93]  }
0x2e: {  	s3 =	simm.s32 @!p0 $0x1082;
	s9 =	sld [smem:$0x3F94]  }
0x2f: {  	lr =	sadd.s32 s0, s3;
	s0 =	sld [smem:$0x3F8B]  }
0x30: {  	s3 =	sld [smem:$0x3F8E]  }
0x31: {  	[smem:$0x3F97] =	sst s10  }
0x32: {  	s10 =	sld [smem:$0x3F95];
	_ =	sdelay $0x3  }
0x33: {  	p0 =	seq.s32 s10, $0x1;
	s10 =	sld [smem:$0x3F97];
	_ =	sdelay $0x3  }
0x34: {  	[smem:$0x3F97] =	sst s10  }
0x35: {  	s10 =	sld [smem:$0x3F96];
	_ =	sdelay $0x3  }
0x36: {  	p1 =	seq.s32 s10, $0x1;
	s10 =	sld [smem:$0x3F97];
	_ =	sdelay $0x3  }
0x37: {  	[smem:$0x3F97] =	sst s10  }
0x38: {  	s10 =	sld [smem:$0x3F98]  }
0x39: {  	_ = 	snop;
	(pc) =	sbr.ind lr, $3  }
0x3a: {  	_ = 	snop  }
0x3b: {  	_ = 	snop  }
0x3c: {  	p2 =	seq.s32 s10, $0x1;
	s10 =	sld [smem:$0x3F97]  }
0x3d: {  	_ =	shalt  }
0x3e: {  	_ =	shalt  }
0x3f: {  	_ =	shalt  }
0x40: {  	_ =	shalt  }
0x41: {  	_ =	shalt  }
0x42: {  	_ =	shalt  }
0x43: {  	_ =	shalt  }
0x44: {  	_ =	shalt  }
0x45: {  	_ =	shalt  }
0x46: {  	_ =	shalt  }
0x47: {  	_ =	shalt  }
0x48: {  	_ =	shalt  }
0x49: {  	_ =	shalt  }
0x4a: {  	_ =	shalt  }
0x4b: {  	_ =	shalt  }
0x4c: {  	_ =	shalt  }
0x4d: {  	_ =	shalt  }
0x4e: {  	_ =	shalt  }
0x4f: {  	_ =	shalt  }
0x50: {  	_ =	shalt  }
0x51: {  	_ =	shalt  }
0x52: {  	_ =	shalt  }
0x53: {  	_ =	shalt  }
0x54: {  	_ =	shalt  }
0x55: {  	_ =	shalt  }
0x56: {  	_ =	shalt  }
0x57: {  	_ =	shalt  }
0x58: {  	_ =	shalt  }
0x59: {  	_ =	shalt  }
0x5a: {  	_ =	shalt  }
0x5b: {  	_ =	shalt  }
0x5c: {  	_ =	shalt  }
0x5d: {  	_ =	shalt  }
0x5e: {  	_ =	shalt  }
0x5f: {  	_ =	shalt  }
0x60: {  	_ =	shalt  }
0x61: {  	_ =	shalt  }
0x62: {  	_ =	shalt  }
0x63: {  	_ =	shalt  }
0x64: {  	_ =	shalt  }
0x65: {  	_ =	shalt  }
0x66: {  	_ =	shalt  }
0x67: {  	_ =	shalt  }
0x68: {  	_ =	shalt  }
0x69: {  	_ =	shalt  }
0x6a: {  	_ =	shalt  }
0x6b: {  	_ =	shalt  }
0x6c: {  	_ =	shalt  }
0x6d: {  	_ =	shalt  }
0x6e: {  	_ =	shalt  }
0x6f: {  	_ =	shalt  }
0x70: {  	_ =	shalt  }
0x71: {  	_ =	shalt  }
0x72: {  	_ =	shalt  }
0x73: {  	_ =	shalt  }
0x74: {  	_ =	shalt  }
0x75: {  	_ =	shalt  }
0x76: {  	_ =	shalt  }
0x77: {  	_ =	shalt  }
0x78: {  	_ =	shalt  }
0x79: {  	_ =	shalt  }
0x7a: {  	_ =	shalt  }
0x7b: {  	_ =	shalt  }
0x7c: {  	_ =	shalt  }
0x7d: {  	_ =	shalt  }
0x7e: {  	_ =	shalt  }
0x7f: {  	_ =	shalt  }
0x80: {  	_ =	shalt  }
0x81: {  	_ =	shalt  }
0x82: {  	_ =	shalt  }
0x83: {  	_ =	shalt  }
0x84: {  	_ =	shalt  }
0x85: {  	_ =	shalt  }
0x86: {  	_ =	shalt  }
0x87: {  	_ =	shalt  }
.Lfunc_end0:
.L_simem_size_0:
called_computation.2_lowered:
.L_overlay_start_0:
0x88: {  	s2 =	sld [smem:$0x3FD9]  }
0x89: {  	s3 =	sld [smem:$0x3FFE];
	_ =	sdelay $0x1  }
0x8a: {  	s1 =	srdreg.scid  }
0x8b: {  	s0 =	sand.u32 $0x1, s1  }
0x8c: {  	s15 =	sshll.u32 s0, $0xA;
	s2 =	sadd.s32 s3, s2  }
0x8d: {  	s2 =	sadd.s32 s2, s15  }
0x8e: {  	[smem:$0x3FA3] =	sst s2  }
0x8f: {  	_ = 	snop  }
0x90: {  	s2 =	sld [smem:$0x3FD0];
	_ =	sdelay $0x2  }
0x91: {  	s16 =	simm.s32 $0xB;
	s4 =	simm.s32 $0x10  }
0x92: {  	[smem:s4], [sflag:s16] =	dma.local [hbm:s2], $0x1  }
0x93: {  	_ =	swait.eq [sflag:s16], $0x1  }
0x94: {  	[sflag:s16] =	ssyncset.done $0x0  }
0x95: {  	[sflag:s16] =	ssyncadd.s32 $0xFFFFFFFF  }
0x96: {  	s17 =	sld [smem:$0x10];
	(tm) =	ssettm $0x1  }
0x97: {  	s18 =	sld [smem:$0x3FFB];
	_ =	sdelay $0x3  }
0x98: {  	_ =	strace s18  }
0x99: {  	s2 =	sld [smem:$0x3FFC];
	_ =	sdelay $0x3  }
0x9a: {  	_ =	strace s2  }
0x9b: {  	s2 =	sld [smem:$0x3FFD];
	_ =	sdelay $0x3  }
0x9c: {  	_ =	strace s2  }
0x9d: {  	_ =	strace $0x8FFFFFFF  }
0x9e: {  	s19 =	sld [smem:$0x3FDB];
	_ =	sdelay $0x1  }
0x9f: {  	s20 =	simm.s32 $_scs_section_size  }
0xa0: {  	s5 =	simm.s32 $_size__tile_overlayer_lowered;
	s6 =	simm.s32 $_tile_overlayer_lowered  }
0xa1: {  	s7 =	simm.s32 $0x1BFF;
	s21 =	sshll.u32 s6, $0x1;
	s4 =	sadd.s32 s20, s19  }
0xa2: {  	s22 =	simm.s32 $0x0;
	s5 =	sshll.u32 s5, $0x1;
	s6 =	sadd.s32 s21, s4  }
0xa3: {  	[timem:s22], [sflag:s7] =	dma.local [hbm:s6], s5  }
0xa4: {  	_ =	swait.ge [sflag:s7], s5  }
0xa5: {  	s5 =	ssub.s32 $0x0, s5;
	[sflag:s7] =	ssyncset.done $0x0  }
0xa6: {  	[sflag:s7] =	ssyncadd.s32 s5;
	_ =	sdelay $0x1  }
0xa7: {  	s23 =	simm.s32 $0x1B8B  }
0xa8: {  	_ =	swait.ge [sflag:s23], $0x1  }
0xa9: {  	[sflag:s23] =	ssyncset.done $0x0  }
0xaa: {  	[sflag:s23] =	ssyncadd.s32 $0xFFFFFFFF  }
0xab: {  	s5 =	sld [smem:$0x0]  }
0xac: {  	s6 =	sand.u32 $0xFFFFFFFE, s1  }
0xad: {  	p0 =	sne.s32 s1, s6  }
0xae: {  	s6 =	sshll.u32 @p0 s6, $0xE  }
0xaf: {  	s6 =	sadd.s32 @p0 $0x11B8D, s6;
	s7 =	sshll.u32 @p0 s5, $0x11  }
0xb0: {  	s6 =	sor.u32 @p0 s7, s6  }
0xb1: {  	[sflag:s6] =	ssyncadd.remote.s32 @p0 $0x1;
	_ =	sdelay $0x1  }
0xb2: {  	s6 =	simm.s32 @p0 $0x1B8D  }
0xb3: {  	_ =	swait.eq @p0 [sflag:s6], $0x1  }
0xb4: {  	[sflag:s6] =	ssyncadd.s32 @p0 $0xFFFFFFFF  }
0xb5: {  	s7 =	sshll.u32 @!p0 s1, $0xE  }
0xb6: {  	s7 =	sor.u32 @!p0 $0x4000, s7;
	s6 =	simm.s32 @!p0 $0x1B8D  }
0xb7: {  	s5 =	sshll.u32 @!p0 s5, $0x11;
	s7 =	sadd.s32 @!p0 $0x11B8D, s7;
	_ =	swait.eq @!p0 [sflag:s6], $0x1  }
0xb8: {  	s5 =	sor.u32 @!p0 s5, s7;
	[sflag:s6] =	ssyncadd.s32 @!p0 $0xFFFFFFFF  }
0xb9: {  	s25 =	simm.s32 $0x1B8E;
	s24 =	sld [smem:$0x3FFE];
	[sflag:s5] =	ssyncadd.remote.s32 @!p0 $0x1  }
0xba: {  	s26 =	simm.s32 $execute0_lowered;
	[smem:$0x3FD2] =	sst s25  }
0xbb: {  	s6 =	sshll.u32 s26, $0x1;
	_ =	strace $0x8000004C;
	[dreg:$0x1] =	wrdreg $0xFFFFFFFF  }
0xbc: {  	s28 =	simm.s32 $_size_execute0_lowered;
	s4 =	sadd.s32 s4, s6;
	[dreg:$0x0] =	wrdreg $0x0  }
0xbd: {  	s6 =	sshll.u32 s28, $0x1;
	[dreg:$0x2] =	wrdreg s4  }
0xbe: {  	[dreg:$0x3] =	wrdreg s6  }
0xbf: {  	[dreg:$0x4] =	wrdreg $0xC0  }
0xc0: {  	_ =	task [dreg:s22], $0x5FFFF  }
0xc1: {  	[dreg:$0x1] =	wrdreg $0xFFFFFFFF  }
0xc2: {  	[dreg:$0x0] =	wrdreg $0x60  }
0xc3: {  	[dreg:$0x2] =	wrdreg s24  }
0xc4: {  	[dreg:$0x3] =	wrdreg s17  }
0xc5: {  	[dreg:$0x4] =	wrdreg $0x11000  }
0xc6: {  	[dreg:$0x5] =	wrdreg $0xA  }
0xc7: {  	_ =	task.clear_ibuf [dreg:s22], $0x6FFFF;
	_ =	strace $0x9000004C  }
0xc8: {  	s29 =	simm.s32 $0xA;
	_ =	strace $0x8000004E  }
0xc9: {  	_ =	swait.ge [sflag:s29], $0x1  }
0xca: {  	[sflag:s29] =	ssyncadd.s32 $0xFFFFFFFF  }
0xcb: {  	_ =	strace $0x9000004E  }
0xcc: {  	_ =	sfence  }
0xcd: {  	s30 =	sld [smem:$0x0];
	_ =	sdelay $0x2  }
0xce: {  	s31 =	sshll.u32 s1, $0xD;
	s1 =	sshrl.u32 s1, $0x2  }
0xcf: {  	s4 =	sand.u32 $0x4000, s31;
	s1 =	sadd.s32 s1, s30  }
0xd0: {  	s0 =	sor.u32 s4, s0;
	s1 =	sshll.u32 s1, $0x11  }
0xd1: {  	s0 =	sor.u32 s1, s0  }
0xd2: {  	s0 =	sadd.s32 $0x8F2B, s0  }
0xd3: {  	[sflag:s0] =	ssyncadd.remote.s32 $0x1  }
0xd4: {  	_ =	sfence.sel $0xFFFF  }
0xd5: {  	[dreg:$0x0] =	wrdreg $0xFFFFFFFF;
	(pc) =	sbr.abs _section_cstart, $3  }
0xd6: {  	[dreg:$0x1] =	wrdreg $0xFFFFFFFF  }
0xd7: {  	_ =	task.clear_ibuf [dreg:s22], $0x2FFFF;
	_ =	strace $0x9FFFFFFF  }
0xd8: {  	(tm) =	ssettm $0x7FFFFFFF  }
0xd9: {  	_ =	shalt  }
tec
execute0_lowered:
.L_overlay_start_1:
0x0: {  	(tag) =	ssettag $0x1  }
0x1: {  	s4 =	rddreg [dreg:$0x0]  }
0x2: {  	s6 =	rddreg [dreg:$0x1]  }
0x3: {  	s2 =	rddreg [dreg:$0x2]  }
0x4: {  	s0 =	rddreg [dreg:$0x3]  }
0x5: {  	s3 =	simm.s32 $0x0;
	s1 =	stileid.u32;
	s7 =	srdreg.scid  }
0x6: {  	s15 =	simm.s32 $0x0;
	[smem:$0x7FF] =	sst s3;
	s5 =	sshll.u32 s1, $0x9  }
0x7: {  	s8 =	sshll.u32 s1, $0x5;
	s9 =	smul.u32 $0xC350, s1;
	s10 =	sand.u32 $0x1, s7  }
0x8: {  	s26 =	sshll.u32 s1, $0x1;
	s28 =	sshll.u32 s1, $0x6;
	_ =	strace $0x8000004D  }
0x9: {  	s11 =	sadd.s32 s5, s4;
	s8 =	sadd.s32 s8, s4;
	s23 =	ssub.s32 $0x2, s10  }
0xa: {  	s13 =	smul.u32 $0xC3500, s10;
	s5 =	sor.u32 $0x1C05, s28;
	s29 =	sshll.u32 s10, $0x4  }
0xb: {  	s30 =	sshll.u32 s10, $0x8;
	s10 =	sor.u32 s10, s26;
	s24 =	sshrl.u32 s9, $0x3  }
0xc: {  	s12 =	sshrl.u32 s23, $0x1;
	s14 =	sadd.s32 s9, s2;
	s8 =	sadd.s32 s29, s8  }
0xd: {  	s31 =	sadd.s32 s30, s11;
	s10 =	sor.u32 $0x20, s10;
	s4 =	sadd.s32 s24, s4  }
0xe: {  	s25 =	ssub.s32 s23, s12;
	s9 =	sadd.s32 s9, s13;
	s8 =	sadd.s32 $0x1AE400, s8  }
0xf: {  	s11 =	sshrl.u32 s14, $0x3;
	s12 =	simm.s32 $0x5;
	s13 =	simm.s32 $0x80  }
0x10: {  	s14 =	simm.s32 $0x3;
	s4 =	sadd.s32 $0x228800, s4;
	s9 =	sshrl.u32 s9, $0x3  }
0x11: {  	s7 =	smax.u32 s25, $0x1;
	s6 =	sadd.s32 s6, s9;
	s9 =	sadd.s32 $0x3DFE00, s31  }
.LBB2_1:
0x12: {  	[spmem:s11], [sflag:s5] =	dma.local [hbm:s4], $0x186A  }
0x13: {  	_ =	swait.ge [sflag:s12], $0x186A  }
0x14: {  	[sflag:s12] =	ssyncset.done $0x0  }
0x15: {  	[sflag:s12] =	ssyncadd.s32 $0xFFFFE796  }
0x16: {  	s16 =	sadd.s32 $0x0, s8;
	p0 =	sgt.u32 s10, $0x1869;
	[bflag:$0x0] =	sbarrier.arrive $0xFFFF  }
0x17: {  	[tilespmem:s3], [sflag:$0x1] =	stream.linear.gather [hbm4b:s16+s3], $0x80, $0x38;
	[tilespmem:$0xD450] =	vst v63  }
0x18: {  	s16 =	simm.s32 @p0 $0x1  }
0x19: {  	[tilespmem:s13], [sflag:$0x1] =	stream.linear.gather [hbm4b:s9+s3], $0x800, $0x38;
	[tilespmem:$0xD450] =	vst v63  }
0x1a: {  	_ =	swait.ge @p0 [sflag:s16], $0x80  }
0x1b: {  	[sflag:s16] =	ssyncset.done @p0 $0x0  }
0x1c: {  	[sflag:s16] =	ssyncadd.s32 @p0 $0xFFFFFF80  }
0x1d: {  	_ =	swait.ge @p0 [sflag:s16], $0x800  }
0x1e: {  	s17 =	sadd.s32 @!p0 $0x0, s8;
	[sflag:s16] =	ssyncset.done @p0 $0x0  }
0x1f: {  	s18 =	simm.s32 @p0 $0x0;
	s19 =	simm.s32 @p0 $0x80;
	[sflag:s16] =	ssyncadd.s32 @p0 $0xFFFFF800  }
0x20: {  	[spmem:s2] =	stream.indirect.scatter.add.f32 @p0 [tilespmem:s19], [sflag:$0x3], $0x10, s18, s19, $0xb8;
	[tilespmem:$0xD450] =	vst v63  }
0x21: {  	s16 =	sadd.s32 @!p0 $0x200, s17;
	s17 =	simm.s32 @!p0 $0x0;
	s18 =	simm.s32 @!p0 $0x880  }
0x22: {  	[tilespmem:s18], [sflag:$0x2] =	stream.linear.gather @!p0 [hbm4b:s16+s17], $0x80, $0x38;
	[tilespmem:$0xD450] =	vst v63  }
0x23: {  	s20 =	simm.s32 @!p0 $0x1;
	s19 =	simm.s32 @!p0 $0x900;
	s16 =	sadd.s32 @!p0 $0x2000, s9  }
0x24: {  	[tilespmem:s19], [sflag:$0x2] =	stream.linear.gather @!p0 [hbm4b:s16+s17], $0x800, $0x38;
	[tilespmem:$0xD450] =	vst v63  }
0x25: {  	_ =	swait.ge @!p0 [sflag:s20], $0x80  }
0x26: {  	[sflag:s20] =	ssyncset.done @!p0 $0x0  }
0x27: {  	[sflag:s20] =	ssyncadd.s32 @!p0 $0xFFFFFF80  }
0x28: {  	_ =	swait.ge @!p0 [sflag:s20], $0x800  }
0x29: {  	[sflag:s20] =	ssyncset.done @!p0 $0x0  }
0x2a: {  	s16 =	simm.s32 @!p0 $0x80;
	[sflag:s20] =	ssyncadd.s32 @!p0 $0xFFFFF800;
	s20 =	simm.s32 @!p0 $0x2  }
0x2b: {  	[spmem:s2] =	stream.indirect.scatter.add.f32 @!p0 [tilespmem:s16], [sflag:$0x3], $0x10, s17, s16, $0xb8;
	[tilespmem:$0xD450] =	vst v63  }
0x2c: {  	_ =	swait.ge @!p0 [sflag:s20], $0x80  }
0x2d: {  	[sflag:s20] =	ssyncset.done @!p0 $0x0  }
0x2e: {  	[sflag:s20] =	ssyncadd.s32 @!p0 $0xFFFFFF80  }
0x2f: {  	_ =	swait.ge @!p0 [sflag:s20], $0x800  }
0x30: {  	[sflag:s20] =	ssyncset.done @!p0 $0x0  }
0x31: {  	s17 =	simm.s32 @!p0 $0x4;
	[sflag:s20] =	ssyncadd.s32 @!p0 $0xFFFFF800  }
0x32: {  	[spmem:s2] =	stream.indirect.scatter.add.f32 @!p0 [tilespmem:s19], [sflag:$0x4], $0x10, s18, s16, $0xb8;
	[tilespmem:$0xD450] =	vst v63  }
0x33: {  	_ =	swait.ge @!p0 [sflag:s17], $0x800  }
0x34: {  	[sflag:s17] =	ssyncset.done @!p0 $0x0  }
0x35: {  	s16 =	simm.s32 $0x400;
	[sflag:s17] =	ssyncadd.s32 @!p0 $0xFFFFF800  }
0x36: {  	s18 =	smov.u32 s9;
	s17 =	sadd.s32 $0x40, s10;
	_ =	swait.ge [sflag:s14], $0x800  }
.LBB2_2:
0x37: {  	[sflag:s14] =	ssyncset.done $0x0  }
0x38: {  	s18 =	sadd.s32 $0x4000, s18;
	s19 =	smov.u32 s16;
	s16 =	sadd.s32 $0x400, s16  }
0x39: {  	s20 =	sadd.s32 s19, s8;
	p0 =	sne.s32 s16, $0x18800;
	[sflag:s14] =	ssyncadd.s32 $0xFFFFF800  }
0x3a: {  	[tilespmem:s3], [sflag:$0x1] =	stream.linear.gather [hbm4b:s20+s3], $0x80, $0x38;
	[tilespmem:$0xD450] =	vst v63  }
0x3b: {  	p1 =	sgt.u32 s17, $0x1869  }
0x3c: {  	[tilespmem:s13], [sflag:$0x1] =	stream.linear.gather [hbm4b:s18+s3], $0x800, $0x38;
	[tilespmem:$0xD450] =	vst v63  }
0x3d: {  	s19 =	sadd.s32 @!p1 s19, s8;
	s20 =	simm.s32 @p1 $0x1  }
0x3e: {  	s19 =	sadd.s32 @!p1 $0x200, s19;
	_ =	swait.ge @p1 [sflag:s20], $0x80  }
0x3f: {  	[sflag:s20] =	ssyncset.done @p1 $0x0  }
0x40: {  	[sflag:s20] =	ssyncadd.s32 @p1 $0xFFFFFF80  }
0x41: {  	_ =	swait.ge @p1 [sflag:s20], $0x800  }
0x42: {  	s21 =	simm.s32 @p1 $0x0;
	s22 =	simm.s32 @p1 $0x80;
	[sflag:s20] =	ssyncset.done @p1 $0x0  }
0x43: {  	s23 =	simm.s32 @!p1 $0x880;
	[sflag:s20] =	ssyncadd.s32 @p1 $0xFFFFF800;
	s20 =	simm.s32 @!p1 $0x0  }
0x44: {  	[spmem:s2] =	stream.indirect.scatter.add.f32 @p1 [tilespmem:s22], [sflag:$0x3], $0x10, s21, s22, $0xb8;
	[tilespmem:$0xD450] =	vst v63  }
0x45: {  	s21 =	sadd.s32 @!p1 $0x2000, s18;
	s22 =	simm.s32 @!p1 $0x900  }
0x46: {  	[tilespmem:s23], [sflag:$0x2] =	stream.linear.gather @!p1 [hbm4b:s19+s20], $0x80, $0x38;
	[tilespmem:$0xD450] =	vst v63  }
0x47: {  	s19 =	simm.s32 @!p1 $0x1  }
0x48: {  	[tilespmem:s22], [sflag:$0x2] =	stream.linear.gather @!p1 [hbm4b:s21+s20], $0x800, $0x38;
	[tilespmem:$0xD450] =	vst v63  }
0x49: {  	_ =	swait.ge @!p1 [sflag:s19], $0x80  }
0x4a: {  	[sflag:s19] =	ssyncset.done @!p1 $0x0  }
0x4b: {  	[sflag:s19] =	ssyncadd.s32 @!p1 $0xFFFFFF80  }
0x4c: {  	_ =	swait.ge @!p1 [sflag:s19], $0x800  }
0x4d: {  	s21 =	simm.s32 @!p1 $0x80;
	[sflag:s19] =	ssyncset.done @!p1 $0x0  }
0x4e: {  	[sflag:s19] =	ssyncadd.s32 @!p1 $0xFFFFF800;
	s19 =	simm.s32 @!p1 $0x2  }
0x4f: {  	[spmem:s2] =	stream.indirect.scatter.add.f32 @!p1 [tilespmem:s21], [sflag:$0x3], $0x10, s20, s21, $0xb8;
	[tilespmem:$0xD450] =	vst v63  }
0x50: {  	_ =	swait.ge @!p1 [sflag:s19], $0x80  }
0x51: {  	[sflag:s19] =	ssyncset.done @!p1 $0x0  }
0x52: {  	[sflag:s19] =	ssyncadd.s32 @!p1 $0xFFFFFF80  }
0x53: {  	_ =	swait.ge @!p1 [sflag:s19], $0x800  }
0x54: {  	[sflag:s19] =	ssyncset.done @!p1 $0x0  }
0x55: {  	[sflag:s19] =	ssyncadd.s32 @!p1 $0xFFFFF800;
	s19 =	simm.s32 @!p1 $0x4  }
0x56: {  	[spmem:s2] =	stream.indirect.scatter.add.f32 @!p1 [tilespmem:s22], [sflag:$0x4], $0x10, s23, s21, $0xb8;
	[tilespmem:$0xD450] =	vst v63  }
.Ltmp0:
0x57: {  	_ = 	snop;
	(pc) =	sbr.rel @p0 .LBB2_2-.Ltmp0, $4  }
0x58: {  	_ =	swait.ge @!p1 [sflag:s19], $0x800  }
0x59: {  	[sflag:s19] =	ssyncset.done @!p1 $0x0  }
0x5a: {  	[sflag:s19] =	ssyncadd.s32 @!p1 $0xFFFFF800  }
0x5b: {  	s17 =	sadd.s32 $0x40, s17;
	_ =	swait.ge [sflag:s14], $0x800  }
0x5c: {  	[sflag:s14] =	ssyncset.done $0x0;
	s15 =	sadd.s32 $0x1, s15  }
0x5d: {  	[sflag:s14] =	ssyncadd.s32 $0xFFFFF800;
	p0 =	sne.s32 s15, s7  }
.Ltmp1:
0x5e: {  	[bflag:$0x0] =	sbarrier.arrive $0xFFFF;
	(pc) =	sbr.rel @p0 .LBB2_1-.Ltmp1, $4  }
0x5f: {  	[hbm:s6], [sflag:s5] =	dma.local [spmem:s11], $0x186A  }
0x60: {  	_ =	swait.ge [sflag:s12], $0x186A  }
0x61: {  	[sflag:s12] =	ssyncset.done $0x0  }
0x62: {  	[sflag:s12] =	ssyncadd.s32 $0xFFFFE796  }
0x63: {  	_ =	sfence.sel $0x180000  }
0x64: {  	[bflag:$0x0] =	sbarrier.arrive $0xFFFF  }
0x65: {  	p0 =	sne.s32 s1, $0x0;
	_ =	strace $0x9000004D  }
0x66: {  	s0 =	sadd.s32 @!p0 $0x100000, s0;
	[bflag:$0x2] =	sbarrier.arrive $0xFFFF  }
0x67: {  	[sflag:s0] =	ssyncadd.tile.s32 @!p0 $0x1;
	_ =	shalt  }
.Lfunc_end2:
_tile_overlayer_lowered:
.L_overlay_start_2:
0x68: {  	(tag) =	ssettag $0x2  }
0x69: {  	s0 =	rddreg [dreg:$0x0];
	s2 =	stileid.u32  }
0x6a: {  	s1 =	rddreg [dreg:$0x1];
	p0 =	sne.s32 s2, $0x0  }
0x6b: {  	s3 =	rddreg [dreg:$0x2];
	[bflag:$0x3] =	sbarrier.arrive $0xFFFF;
	s2 =	simm.s32 @!p0 $0x1C05  }
0x6c: {  	[timem:s3], [sflag:s2] =	dma.local @!p0 [hbm:s0], s1  }
0x6d: {  	s0 =	simm.s32 @!p0 $0x5  }
0x6e: {  	_ =	swait.ge @!p0 [sflag:s0], s1  }
0x6f: {  	s1 =	ssub.s32 @!p0 $0x0, s1;
	[sflag:s0] =	ssyncset.done @!p0 $0x0  }
0x70: {  	[sflag:s0] =	ssyncadd.s32 @!p0 s1  }
0x71: {  	[bflag:$0x3] =	sbarrier.arrive $0xFFFF  }
0x72: {  	_ =	shalt  }

// kernel: kernel.25.cloned.1.call-start
scs
__scs_entry_jumppad:
0x0: {  	(pc) =	sbr.rel $0x88, $3  }
0x1: {  	(tag) =	ssettag $0x0;
	lr =	simm.s32 $0x1  }
0x2: {  	[smem:$0x3F7C] =	sst lr;
	_ =	strace $0xD0000000  }
0x3: {  	_ = 	snop  }
0x4: {  	_ = 	snop  }
0x5: {  	_ = 	snop  }
0x6: {  	_ = 	snop  }
0x7: {  	_ = 	snop  }
__scs_overlays_trampoline_lowered:
0x8: {  	[smem:$0x3F8B] =	sst s0  }
0x9: {  	[smem:$0x3F8C] =	sst s1  }
0xa: {  	[smem:$0x3F8D] =	sst s2  }
0xb: {  	[smem:$0x3F8E] =	sst s3  }
0xc: {  	[smem:$0x3F8F] =	sst s4  }
0xd: {  	[smem:$0x3F90] =	sst s5  }
0xe: {  	[smem:$0x3F91] =	sst s6  }
0xf: {  	[smem:$0x3F92] =	sst s7  }
0x10: {  	[smem:$0x3F93] =	sst s8  }
0x11: {  	[smem:$0x3F94] =	sst s9;
	s0 =	simm.s32 @!p0 $0x0  }
0x12: {  	s1 =	sld [smem:$0x3F7A];
	s0 =	simm.s32 @p0 $0x1  }
0x13: {  	[smem:$0x3F95] =	sst s0;
	s0 =	simm.s32 @!p1 $0x0  }
0x14: {  	s2 =	sld [smem:$0x3F79];
	s0 =	simm.s32 @p1 $0x1  }
0x15: {  	[smem:$0x3F96] =	sst s0;
	s0 =	simm.s32 @!p2 $0x0  }
0x16: {  	s3 =	sld [smem:$0x3FDB];
	s0 =	simm.s32 @p2 $0x1  }
0x17: {  	s4 =	simm.s32 $0x1BF5;
	[smem:$0x3F98] =	sst s0  }
0x18: {  	s0 =	sld [smem:$0x3F7B];
	_ =	swait.ge [sflag:s4], $0x0  }
0x19: {  	s7 =	sld [smem:$0x3F7C]  }
0x1a: {  	s8 =	sadd.s32 $0xFFFFE003, lr  }
0x1b: {  	s9 =	sadd.s32 $0xFFFFFEF7, lr;
	s5 =	simm.s32 $0xFFFFFFFF;
	p2 =	slt.u32 s8, $0xFFFFF086  }
0x1c: {  	p1 =	slt.u32 s9, $0xF7A;
	s5 =	simm.s32 @!p2 $0x0  }
0x1d: {  	s5 =	simm.s32 @p1 $0x1;
	p0 =	seq.s32 s7, s2  }
0x1e: {  	s7 =	smul.u32 @!p0 $0xF7A, s2;
	p2 =	seq.s32 @!p0 s5, $0x0  }
0x1f: {  	s9 =	smul.u32 $0xF7A, s1;
	s8 =	simm.s32 @!p0 $0x1BF5;
	p2 =	por !p2, p0  }
0x20: {  	[sflag:s8] =	ssyncset.s32 @!p0 $0xFFFFF086;
	s6 =	sadd.s32 @!p0 s3, s7;
	s7 =	simm.s32 @!p0 $0x108  }
0x21: {  	s3 =	sadd.s32 s3, s9;
	s6 =	sadd.s32 @!p0 $0x88, s6;
	s7 =	simm.s32 @p2 $0x1082  }
0x22: {  	[simem:s7], [sflag:s8] =	dma.local @!p0 [hbm:s6], $0xF7A  }
0x23: {  	s9 =	sor.u32 $0xD0000000, s2;
	s6 =	simm.s32 $0x108;
	_ =	swait.ge @!p0 [sflag:s8], $0x0  }
0x24: {  	s3 =	sadd.s32 $0x88, s3;
	s6 =	simm.s32 @!p1 $0x1082;
	[sflag:s4] =	ssyncset.s32 $0xFFFFF086  }
0x25: {  	[simem:s6], [sflag:s4] =	dma.local [hbm:s3], $0xF7A  }
0x26: {  	[smem:$0x3F7C] =	sst s1;
	(tag) =	ssettag s2;
	_ =	strace s9  }
0x27: {  	s1 =	sld [smem:$0x3F8C]  }
0x28: {  	s2 =	sld [smem:$0x3F8D]  }
0x29: {  	s4 =	sld [smem:$0x3F8F]  }
0x2a: {  	p0 =	seq.s32 s5, $0x0;
	s5 =	sld [smem:$0x3F90]  }
0x2b: {  	s6 =	sld [smem:$0x3F91]  }
0x2c: {  	s7 =	sld [smem:$0x3F92]  }
0x2d: {  	s3 =	simm.s32 $0x108;
	s8 =	sld [smem:$0x3F93]  }
0x2e: {  	s3 =	simm.s32 @!p0 $0x1082;
	s9 =	sld [smem:$0x3F94]  }
0x2f: {  	lr =	sadd.s32 s0, s3;
	s0 =	sld [smem:$0x3F8B]  }
0x30: {  	s3 =	sld [smem:$0x3F8E]  }
0x31: {  	[smem:$0x3F97] =	sst s10  }
0x32: {  	s10 =	sld [smem:$0x3F95];
	_ =	sdelay $0x3  }
0x33: {  	p0 =	seq.s32 s10, $0x1;
	s10 =	sld [smem:$0x3F97];
	_ =	sdelay $0x3  }
0x34: {  	[smem:$0x3F97] =	sst s10  }
0x35: {  	s10 =	sld [smem:$0x3F96];
	_ =	sdelay $0x3  }
0x36: {  	p1 =	seq.s32 s10, $0x1;
	s10 =	sld [smem:$0x3F97];
	_ =	sdelay $0x3  }
0x37: {  	[smem:$0x3F97] =	sst s10  }
0x38: {  	s10 =	sld [smem:$0x3F98]  }
0x39: {  	_ = 	snop;
	(pc) =	sbr.ind lr, $3  }
0x3a: {  	_ = 	snop  }
0x3b: {  	_ = 	snop  }
0x3c: {  	p2 =	seq.s32 s10, $0x1;
	s10 =	sld [smem:$0x3F97]  }
0x3d: {  	_ =	shalt  }
0x3e: {  	_ =	shalt  }
0x3f: {  	_ =	shalt  }
0x40: {  	_ =	shalt  }
0x41: {  	_ =	shalt  }
0x42: {  	_ =	shalt  }
0x43: {  	_ =	shalt  }
0x44: {  	_ =	shalt  }
0x45: {  	_ =	shalt  }
0x46: {  	_ =	shalt  }
0x47: {  	_ =	shalt  }
0x48: {  	_ =	shalt  }
0x49: {  	_ =	shalt  }
0x4a: {  	_ =	shalt  }
0x4b: {  	_ =	shalt  }
0x4c: {  	_ =	shalt  }
0x4d: {  	_ =	shalt  }
0x4e: {  	_ =	shalt  }
0x4f: {  	_ =	shalt  }
0x50: {  	_ =	shalt  }
0x51: {  	_ =	shalt  }
0x52: {  	_ =	shalt  }
0x53: {  	_ =	shalt  }
0x54: {  	_ =	shalt  }
0x55: {  	_ =	shalt  }
0x56: {  	_ =	shalt  }
0x57: {  	_ =	shalt  }
0x58: {  	_ =	shalt  }
0x59: {  	_ =	shalt  }
0x5a: {  	_ =	shalt  }
0x5b: {  	_ =	shalt  }
0x5c: {  	_ =	shalt  }
0x5d: {  	_ =	shalt  }
0x5e: {  	_ =	shalt  }
0x5f: {  	_ =	shalt  }
0x60: {  	_ =	shalt  }
0x61: {  	_ =	shalt  }
0x62: {  	_ =	shalt  }
0x63: {  	_ =	shalt  }
0x64: {  	_ =	shalt  }
0x65: {  	_ =	shalt  }
0x66: {  	_ =	shalt  }
0x67: {  	_ =	shalt  }
0x68: {  	_ =	shalt  }
0x69: {  	_ =	shalt  }
0x6a: {  	_ =	shalt  }
0x6b: {  	_ =	shalt  }
0x6c: {  	_ =	shalt  }
0x6d: {  	_ =	shalt  }
0x6e: {  	_ =	shalt  }
0x6f: {  	_ =	shalt  }
0x70: {  	_ =	shalt  }
0x71: {  	_ =	shalt  }
0x72: {  	_ =	shalt  }
0x73: {  	_ =	shalt  }
0x74: {  	_ =	shalt  }
0x75: {  	_ =	shalt  }
0x76: {  	_ =	shalt  }
0x77: {  	_ =	shalt  }
0x78: {  	_ =	shalt  }
0x79: {  	_ =	shalt  }
0x7a: {  	_ =	shalt  }
0x7b: {  	_ =	shalt  }
0x7c: {  	_ =	shalt  }
0x7d: {  	_ =	shalt  }
0x7e: {  	_ =	shalt  }
0x7f: {  	_ =	shalt  }
0x80: {  	_ =	shalt  }
0x81: {  	_ =	shalt  }
0x82: {  	_ =	shalt  }
0x83: {  	_ =	shalt  }
0x84: {  	_ =	shalt  }
0x85: {  	_ =	shalt  }
0x86: {  	_ =	shalt  }
0x87: {  	_ =	shalt  }
.Lfunc_end0:
.L_simem_size_0:
called_computation.3_lowered:
.L_overlay_start_0:
0x88: {  	s2 =	sld [smem:$0x3FD9]  }
0x89: {  	s3 =	sld [smem:$0x3FFE];
	_ =	sdelay $0x1  }
0x8a: {  	s1 =	srdreg.scid  }
0x8b: {  	s0 =	sand.u32 $0x1, s1  }
0x8c: {  	s14 =	sshll.u32 s0, $0xA;
	s2 =	sadd.s32 s3, s2  }
0x8d: {  	s2 =	sadd.s32 s2, s14  }
0x8e: {  	[smem:$0x3FA3] =	sst s2  }
0x8f: {  	_ = 	snop  }
0x90: {  	s2 =	sld [smem:$0x3FD0];
	_ =	sdelay $0x2  }
0x91: {  	s15 =	simm.s32 $0xB;
	s4 =	simm.s32 $0x10  }
0x92: {  	[smem:s4], [sflag:s15] =	dma.local [hbm:s2], $0x1  }
0x93: {  	_ =	swait.eq [sflag:s15], $0x1  }
0x94: {  	[sflag:s15] =	ssyncset.done $0x0  }
0x95: {  	s16 =	sld [smem:$0x10];
	[sflag:s15] =	ssyncadd.s32 $0xFFFFFFFF  }
0x96: {  	s17 =	sld [smem:$0x12];
	(tm) =	ssettm $0x1  }
0x97: {  	s18 =	sld [smem:$0x3FFB];
	_ =	sdelay $0x3  }
0x98: {  	_ =	strace s18  }
0x99: {  	s4 =	sld [smem:$0x3FFC];
	_ =	sdelay $0x3  }
0x9a: {  	_ =	strace s4  }
0x9b: {  	s4 =	sld [smem:$0x3FFD];
	_ =	sdelay $0x3  }
0x9c: {  	_ =	strace s4  }
0x9d: {  	_ =	strace $0x8FFFFFFF  }
0x9e: {  	s19 =	sld [smem:$0x3FDB];
	_ =	sdelay $0x1  }
0x9f: {  	s5 =	simm.s32 $_scs_section_size  }
0xa0: {  	s6 =	simm.s32 $_size__tile_overlayer_lowered;
	s7 =	simm.s32 $_tile_overlayer_lowered  }
0xa1: {  	s22 =	simm.s32 $0x1BFF;
	s21 =	sshll.u32 s7, $0x1;
	s4 =	sadd.s32 s5, s19  }
0xa2: {  	s8 =	simm.s32 $0x0;
	s20 =	sshll.u32 s6, $0x1;
	s6 =	sadd.s32 s21, s4  }
0xa3: {  	[timem:s8], [sflag:s22] =	dma.local [hbm:s6], s20  }
0xa4: {  	_ =	swait.ge [sflag:s22], s20  }
0xa5: {  	s5 =	ssub.s32 $0x0, s20;
	[sflag:s22] =	ssyncset.done $0x0  }
0xa6: {  	[sflag:s22] =	ssyncadd.s32 s5;
	_ =	sdelay $0x1  }
0xa7: {  	s23 =	simm.s32 $0x1B8B  }
0xa8: {  	_ =	swait.ge [sflag:s23], $0x1  }
0xa9: {  	[sflag:s23] =	ssyncset.done $0x0  }
0xaa: {  	s25 =	simm.s32 $0x1B8E;
	s24 =	sld [smem:$0x3FFE];
	[sflag:s23] =	ssyncadd.s32 $0xFFFFFFFF  }
0xab: {  	s26 =	simm.s32 $execute0_lowered;
	[smem:$0x3FD2] =	sst s25  }
0xac: {  	s6 =	sshll.u32 s26, $0x1;
	_ =	strace $0x8000004F;
	[dreg:$0x1] =	wrdreg $0xFFFFFFFF  }
0xad: {  	s28 =	simm.s32 $_size_execute0_lowered;
	s4 =	sadd.s32 s4, s6;
	[dreg:$0x0] =	wrdreg $0x0  }
0xae: {  	s6 =	sshll.u32 s28, $0x1;
	[dreg:$0x2] =	wrdreg s4  }
0xaf: {  	[dreg:$0x3] =	wrdreg s6  }
0xb0: {  	[dreg:$0x4] =	wrdreg $0xC0  }
0xb1: {  	_ =	task [dreg:s8], $0x5FFFF  }
0xb2: {  	[dreg:$0x1] =	wrdreg $0xFFFFFFFF  }
0xb3: {  	[dreg:$0x0] =	wrdreg $0x60  }
0xb4: {  	[dreg:$0x2] =	wrdreg s16  }
0xb5: {  	[dreg:$0x3] =	wrdreg s24  }
0xb6: {  	[dreg:$0x4] =	wrdreg s17  }
0xb7: {  	[dreg:$0x5] =	wrdreg $0x9  }
0xb8: {  	_ =	task.clear_ibuf [dreg:s8], $0x6FFFF;
	_ =	strace $0x9000004F  }
0xb9: {  	s29 =	simm.s32 $0x9;
	_ =	strace $0x80000051  }
0xba: {  	_ =	swait.ge [sflag:s29], $0x1  }
0xbb: {  	[sflag:s29] =	ssyncadd.s32 $0xFFFFFFFF  }
0xbc: {  	_ =	strace $0x90000051  }
0xbd: {  	_ =	sfence  }
0xbe: {  	s30 =	sld [smem:$0x0];
	_ =	sdelay $0x2  }
0xbf: {  	s31 =	sshll.u32 s1, $0xD;
	s1 =	sshrl.u32 s1, $0x2  }
0xc0: {  	s3 =	sand.u32 $0x4000, s31;
	s1 =	sadd.s32 s1, s30  }
0xc1: {  	s0 =	sor.u32 s3, s0;
	s1 =	sshll.u32 s1, $0x11  }
0xc2: {  	s0 =	sor.u32 s1, s0  }
0xc3: {  	s0 =	sadd.s32 $0x8F2B, s0  }
0xc4: {  	[sflag:s0] =	ssyncadd.remote.s32 $0x1  }
0xc5: {  	_ =	sfence.sel $0xFFFF  }
0xc6: {  	[dreg:$0x0] =	wrdreg $0xFFFFFFFF;
	(pc) =	sbr.abs _section_cstart, $3  }
0xc7: {  	[dreg:$0x1] =	wrdreg $0xFFFFFFFF  }
0xc8: {  	_ =	task.clear_ibuf [dreg:s8], $0x2FFFF;
	_ =	strace $0x9FFFFFFF  }
0xc9: {  	(tm) =	ssettm $0x7FFFFFFF  }
tec
execute0_lowered:
.L_overlay_start_1:
0x0: {  	(tag) =	ssettag $0x1  }
0x1: {  	s1 =	rddreg [dreg:$0x0]  }
0x2: {  	s6 =	rddreg [dreg:$0x1]  }
0x3: {  	s11 =	rddreg [dreg:$0x2]  }
0x4: {  	s2 =	simm.s32 $0x0;
	s3 =	srdreg.scid;
	s0 =	stileid.u32  }
0x5: {  	s17 =	simm.s32 $0x1100;
	s18 =	simm.s32 $0x2100;
	s19 =	simm.s32 $0x1  }
0x6: {  	s20 =	simm.s32 $0x3;
	s21 =	simm.s32 $0x0;
	[smem:$0x7FF] =	sst s2  }
0x7: {  	s4 =	sadd.s32 $0xD2600, s6;
	s13 =	sand.u32 $0x1, s3;
	s5 =	sadd.s32 $0x1C6C00, s6  }
0x8: {  	s8 =	sshll.u32 s0, $0x5;
	s12 =	sshll.u32 s0, $0xA;
	s15 =	sshll.u32 s0, $0x1  }
0x9: {  	_ =	strace $0x80000050;
	s7 =	ssub.s32 $0x2, s13;
	s10 =	sadd.s32 s8, s6  }
0xa: {  	s14 =	sadd.s32 s12, s6;
	s16 =	sshll.u32 s13, $0x9;
	s12 =	sadd.s32 s12, s11  }
0xb: {  	s9 =	sshrl.u32 s7, $0x1;
	s8 =	sadd.s32 $0x1AE400, s10;
	s14 =	sadd.s32 s16, s14  }
0xc: {  	s30 =	sadd.s32 $0x195C00, s10;
	s12 =	sadd.s32 s16, s12;
	s16 =	simm.s32 $0x100  }
0xd: {  	s28 =	ssub.s32 s7, s9;
	s7 =	sshll.u32 s13, $0x4;
	[dreg:$0x5] =	wrdreg s30  }
0xe: {  	s10 =	sadd.s32 $0x241200, s14;
	s13 =	sor.u32 s13, s15;
	s29 =	smax.u32 s28, $0x1  }
0xf: {  	s11 =	sadd.s32 $0x937600, s14;
	s31 =	sor.u32 $0x20, s13;
	[dreg:$0x4] =	wrdreg s29  }
0x10: {  	s14 =	simm.s32 $0x5;
	s15 =	simm.s32 $0x80;
	[dreg:$0x6] =	wrdreg s31  }
.LBB2_1:
0x11: {  	s0 =	rddreg [dreg:$0x5]  }
0x12: {  	s22 =	sadd.s32 s0, s7  }
0x13: {  	[tilespmem:s2], [sflag:$0x5] =	stream.linear.gather [hbm4b:s22+s2], $0x80, $0x38;
	[tilespmem:$0x6200] =	vst v63  }
0x14: {  	_ =	swait.ge [sflag:s14], $0x80  }
0x15: {  	[sflag:s14] =	ssyncset.done $0x0  }
0x16: {  	s28 =	sadd.s32 s8, s7;
	[sflag:s14] =	ssyncadd.s32 $0xFFFFFF80  }
0x17: {  	[tilespmem:s15], [sflag:$0x5] =	stream.linear.gather [hbm4b:s28+s2], $0x80, $0x38;
	[tilespmem:$0x6200] =	vst v63  }
0x18: {  	_ =	swait.ge [sflag:s14], $0x80  }
0x19: {  	[sflag:s14] =	ssyncset.done $0x0  }
0x1a: {  	s3 =	rddreg [dreg:$0x6];
	[sflag:s14] =	ssyncadd.s32 $0xFFFFFF80  }
0x1b: {  	[tilespmem:s16], [sflag:$0x1] =	stream.indirect.gather [hbm4b:s1+s15], $0x20, s2, s15, $0xb8;
	[tilespmem:$0x6200] =	vst v63  }
0x1c: {  	p0 =	sgt.u32 s3, $0x1869  }
0x1d: {  	[tilespmem:s17], [sflag:$0x1] =	stream.indirect.gather [hbm4b:s4+s15], $0x20, s15, s15, $0xb8;
	[tilespmem:$0x6200] =	vst v63  }
0x1e: {  	s22 =	sadd.s32 @!p0 s0, s7;
	s23 =	simm.s32 @!p0 $0x0  }
0x1f: {  	[tilespmem:s18], [sflag:$0x1] =	stream.indirect.gather [hbm4b:s5+s15], $0x20, s15, s15, $0xb8;
	[tilespmem:$0x6200] =	vst v63  }
0x20: {  	s24 =	simm.s32 @!p0 $0x3100;
	s25 =	simm.s32 @!p0 $0x5;
	s22 =	sadd.s32 @!p0 $0x200, s22  }
0x21: {  	[tilespmem:s24], [sflag:$0x5] =	stream.linear.gather @!p0 [hbm4b:s22+s23], $0x80, $0x38;
	[tilespmem:$0x6200] =	vst v63  }
0x22: {  	_ =	swait.ge @!p0 [sflag:s25], $0x80  }
0x23: {  	s22 =	sadd.s32 @!p0 s8, s7;
	[sflag:s25] =	ssyncset.done @!p0 $0x0  }
0x24: {  	s26 =	simm.s32 @!p0 $0x3180;
	s22 =	sadd.s32 @!p0 $0x200, s22;
	[sflag:s25] =	ssyncadd.s32 @!p0 $0xFFFFFF80  }
0x25: {  	[tilespmem:s26], [sflag:$0x5] =	stream.linear.gather @!p0 [hbm4b:s22+s23], $0x80, $0x38;
	[tilespmem:$0x6200] =	vst v63  }
0x26: {  	_ =	swait.ge @!p0 [sflag:s25], $0x80  }
0x27: {  	[sflag:s25] =	ssyncset.done @!p0 $0x0  }
0x28: {  	s28 =	simm.s32 @!p0 $0x3200;
	s22 =	simm.s32 @!p0 $0x80;
	[sflag:s25] =	ssyncadd.s32 @!p0 $0xFFFFFF80  }
0x29: {  	[tilespmem:s28], [sflag:$0x2] =	stream.indirect.gather @!p0 [hbm4b:s1+s22], $0x20, s24, s22, $0xb8;
	[tilespmem:$0x6200] =	vst v63  }
0x2a: {  	s24 =	simm.s32 @!p0 $0x4200  }
0x2b: {  	[tilespmem:s24], [sflag:$0x2] =	stream.indirect.gather @!p0 [hbm4b:s4+s22], $0x20, s26, s22, $0xb8;
	[tilespmem:$0x6200] =	vst v63  }
0x2c: {  	s25 =	simm.s32 @!p0 $0x5200  }
0x2d: {  	[tilespmem:s25], [sflag:$0x2] =	stream.indirect.gather @!p0 [hbm4b:s5+s22], $0x20, s26, s22, $0xb8;
	[tilespmem:$0x6200] =	vst v63  }
0x2e: {  	_ =	swait.ge [sflag:s19], $0x1000  }
0x2f: {  	[sflag:s19] =	ssyncset.done $0x0  }
0x30: {  	[sflag:s19] =	ssyncadd.s32 $0xFFFFF000  }
0x31: {  	_ =	swait.ge [sflag:s19], $0x1000  }
0x32: {  	[sflag:s19] =	ssyncset.done $0x0  }
0x33: {  	[sflag:s19] =	ssyncadd.s32 $0xFFFFF000  }
0x34: {  	_ =	swait.ge [sflag:s19], $0x1000  }
0x35: {  	[sflag:s19] =	ssyncset.done $0x0  }
0x36: {  	s29 =	sadd.s32 $0x0, s12;
	[sflag:s19] =	ssyncadd.s32 $0xFFFFF000  }
0x37: {  	[hbm4b:s29+s2] =	stream.linear.scatter [tilespmem:s16], [sflag:$0x3], $0x1000, $0x38;
	[tilespmem:$0x6200] =	vst v63  }
0x38: {  	s30 =	sadd.s32 $0x0, s11  }
0x39: {  	[hbm4b:s30+s2] =	stream.linear.scatter [tilespmem:s17], [sflag:$0x3], $0x1000, $0x38;
	[tilespmem:$0x6200] =	vst v63  }
0x3a: {  	s31 =	sadd.s32 $0x0, s10;
	s26 =	simm.s32 @!p0 $0x2  }
0x3b: {  	[hbm4b:s31+s2] =	stream.linear.scatter [tilespmem:s18], [sflag:$0x3], $0x1000, $0x38;
	[tilespmem:$0x6200] =	vst v63  }
0x3c: {  	_ =	swait.ge @!p0 [sflag:s26], $0x1000  }
0x3d: {  	[sflag:s26] =	ssyncset.done @!p0 $0x0  }
0x3e: {  	[sflag:s26] =	ssyncadd.s32 @!p0 $0xFFFFF000  }
0x3f: {  	_ =	swait.ge @!p0 [sflag:s26], $0x1000  }
0x40: {  	[sflag:s26] =	ssyncset.done @!p0 $0x0  }
0x41: {  	[sflag:s26] =	ssyncadd.s32 @!p0 $0xFFFFF000  }
0x42: {  	_ =	swait.ge @!p0 [sflag:s26], $0x1000  }
0x43: {  	s22 =	sadd.s32 @!p0 $0x0, s12;
	[sflag:s26] =	ssyncset.done @!p0 $0x0  }
0x44: {  	s22 =	sadd.s32 @!p0 $0x4000, s22;
	[sflag:s26] =	ssyncadd.s32 @!p0 $0xFFFFF000  }
0x45: {  	[hbm4b:s22+s23] =	stream.linear.scatter @!p0 [tilespmem:s28], [sflag:$0x4], $0x1000, $0x38;
	[tilespmem:$0x6200] =	vst v63  }
0x46: {  	s22 =	sadd.s32 @!p0 $0x0, s11  }
0x47: {  	s22 =	sadd.s32 @!p0 $0x4000, s22  }
0x48: {  	[hbm4b:s22+s23] =	stream.linear.scatter @!p0 [tilespmem:s24], [sflag:$0x4], $0x1000, $0x38;
	[tilespmem:$0x6200] =	vst v63  }
0x49: {  	s22 =	sadd.s32 @!p0 $0x0, s10  }
0x4a: {  	s24 =	simm.s32 @!p0 $0x4;
	s22 =	sadd.s32 @!p0 $0x4000, s22  }
0x4b: {  	[hbm4b:s22+s23] =	stream.linear.scatter @!p0 [tilespmem:s25], [sflag:$0x4], $0x1000, $0x38;
	[tilespmem:$0x6200] =	vst v63  }
0x4c: {  	_ =	swait.ge @!p0 [sflag:s24], $0x1000  }
0x4d: {  	[sflag:s24] =	ssyncset.done @!p0 $0x0  }
0x4e: {  	[sflag:s24] =	ssyncadd.s32 @!p0 $0xFFFFF000  }
0x4f: {  	_ =	swait.ge @!p0 [sflag:s24], $0x1000  }
0x50: {  	[sflag:s24] =	ssyncset.done @!p0 $0x0  }
0x51: {  	[sflag:s24] =	ssyncadd.s32 @!p0 $0xFFFFF000  }
0x52: {  	_ =	swait.ge @!p0 [sflag:s24], $0x1000  }
0x53: {  	[sflag:s24] =	ssyncset.done @!p0 $0x0  }
0x54: {  	[sflag:s24] =	ssyncadd.s32 @!p0 $0xFFFFF000  }
0x55: {  	_ =	swait.ge [sflag:s20], $0x1000  }
0x56: {  	[sflag:s20] =	ssyncset.done $0x0  }
0x57: {  	[sflag:s20] =	ssyncadd.s32 $0xFFFFF000  }
0x58: {  	_ =	swait.ge [sflag:s20], $0x1000  }
0x59: {  	[sflag:s20] =	ssyncset.done $0x0  }
0x5a: {  	s22 =	simm.s32 $0x8000;
	s23 =	sadd.s32 $0x400, s0;
	[sflag:s20] =	ssyncadd.s32 $0xFFFFF000  }
0x5b: {  	s25 =	smov.u32 s8;
	s24 =	sadd.s32 $0x40, s3;
	_ =	swait.ge [sflag:s20], $0x1000  }
.LBB2_2:
0x5c: {  	[sflag:s20] =	ssyncset.done $0x0  }
0x5d: {  	s25 =	sadd.s32 $0x400, s25;
	s26 =	smov.u32 s22;
	s22 =	sadd.s32 $0x8000, s22  }
0x5e: {  	s28 =	sadd.s32 s23, s7;
	p0 =	sne.s32 s22, $0x310000;
	[sflag:s20] =	ssyncadd.s32 $0xFFFFF000  }
0x5f: {  	[tilespmem:s2], [sflag:$0x5] =	stream.linear.gather [hbm4b:s28+s2], $0x80, $0x38;
	[tilespmem:$0x6200] =	vst v63  }
0x60: {  	_ =	swait.ge [sflag:s14], $0x80  }
0x61: {  	[sflag:s14] =	ssyncset.done $0x0  }
0x62: {  	s28 =	sadd.s32 s25, s7;
	[sflag:s14] =	ssyncadd.s32 $0xFFFFFF80  }
0x63: {  	[tilespmem:s15], [sflag:$0x5] =	stream.linear.gather [hbm4b:s28+s2], $0x80, $0x38;
	[tilespmem:$0x6200] =	vst v63  }
0x64: {  	_ =	swait.ge [sflag:s14], $0x80  }
0x65: {  	[sflag:s14] =	ssyncset.done $0x0  }
0x66: {  	[sflag:s14] =	ssyncadd.s32 $0xFFFFFF80  }
0x67: {  	[tilespmem:s16], [sflag:$0x1] =	stream.indirect.gather [hbm4b:s1+s15], $0x20, s2, s15, $0xb8;
	[tilespmem:$0x6200] =	vst v63  }
0x68: {  	_ = 	snop  }
0x69: {  	[tilespmem:s17], [sflag:$0x1] =	stream.indirect.gather [hbm4b:s4+s15], $0x20, s15, s15, $0xb8;
	[tilespmem:$0x6200] =	vst v63  }
0x6a: {  	p1 =	sgt.u32 s24, $0x1869  }
0x6b: {  	[tilespmem:s18], [sflag:$0x1] =	stream.indirect.gather [hbm4b:s5+s15], $0x20, s15, s15, $0xb8;
	[tilespmem:$0x6200] =	vst v63  }
0x6c: {  	s29 =	sadd.s32 @!p1 s23, s7;
	s0 =	simm.s32 @!p1 $0x3100;
	s28 =	simm.s32 @!p1 $0x0  }
0x6d: {  	s3 =	simm.s32 @!p1 $0x5;
	s30 =	sadd.s32 @!p1 s25, s7;
	s29 =	sadd.s32 @!p1 $0x200, s29  }
0x6e: {  	[tilespmem:s0], [sflag:$0x5] =	stream.linear.gather @!p1 [hbm4b:s29+s28], $0x80, $0x38;
	[tilespmem:$0x6200] =	vst v63  }
0x6f: {  	s30 =	sadd.s32 @!p1 $0x200, s30;
	s29 =	sadd.s32 @!p1 s26, s12;
	_ =	swait.ge @!p1 [sflag:s3], $0x80  }
0x70: {  	s6 =	simm.s32 @!p1 $0x3180;
	s29 =	sadd.s32 @!p1 $0x4000, s29;
	[sflag:s3] =	ssyncset.done @!p1 $0x0  }
0x71: {  	s31 =	sadd.s32 @!p1 s26, s11;
	s13 =	sadd.s32 @!p1 s26, s10;
	[sflag:s3] =	ssyncadd.s32 @!p1 $0xFFFFFF80  }
0x72: {  	[tilespmem:s6], [sflag:$0x5] =	stream.linear.gather @!p1 [hbm4b:s30+s28], $0x80, $0x38;
	[tilespmem:$0x6200] =	vst v63  }
0x73: {  	s31 =	sadd.s32 @!p1 $0x4000, s31;
	s30 =	sadd.s32 @!p1 $0x4000, s13;
	_ =	swait.ge @!p1 [sflag:s3], $0x80  }
0x74: {  	s9 =	simm.s32 @!p1 $0x3200;
	s13 =	simm.s32 @!p1 $0x80;
	[sflag:s3] =	ssyncset.done @!p1 $0x0  }
0x75: {  	[sflag:s3] =	ssyncadd.s32 @!p1 $0xFFFFFF80;
	s3 =	simm.s32 @!p1 $0x4200  }
0x76: {  	[tilespmem:s9], [sflag:$0x2] =	stream.indirect.gather @!p1 [hbm4b:s1+s13], $0x20, s0, s13, $0xb8;
	[tilespmem:$0x6200] =	vst v63  }
0x77: {  	s0 =	simm.s32 @!p1 $0x5200  }
0x78: {  	[tilespmem:s3], [sflag:$0x2] =	stream.indirect.gather @!p1 [hbm4b:s4+s13], $0x20, s6, s13, $0xb8;
	[tilespmem:$0x6200] =	vst v63  }
0x79: {  	_ = 	snop  }
0x7a: {  	[tilespmem:s0], [sflag:$0x2] =	stream.indirect.gather @!p1 [hbm4b:s5+s13], $0x20, s6, s13, $0xb8;
	[tilespmem:$0x6200] =	vst v63  }
0x7b: {  	_ =	swait.ge [sflag:s19], $0x1000  }
0x7c: {  	[sflag:s19] =	ssyncset.done $0x0  }
0x7d: {  	[sflag:s19] =	ssyncadd.s32 $0xFFFFF000  }
0x7e: {  	_ =	swait.ge [sflag:s19], $0x1000  }
0x7f: {  	[sflag:s19] =	ssyncset.done $0x0  }
0x80: {  	[sflag:s19] =	ssyncadd.s32 $0xFFFFF000  }
0x81: {  	_ =	swait.ge [sflag:s19], $0x1000  }
0x82: {  	s6 =	sadd.s32 s26, s12;
	[sflag:s19] =	ssyncset.done $0x0  }
0x83: {  	s13 =	sadd.s32 s26, s11;
	[sflag:s19] =	ssyncadd.s32 $0xFFFFF000  }
0x84: {  	[hbm4b:s6+s2] =	stream.linear.scatter [tilespmem:s16], [sflag:$0x3], $0x1000, $0x38;
	[tilespmem:$0x6200] =	vst v63  }
0x85: {  	s6 =	sadd.s32 s26, s10  }
0x86: {  	[hbm4b:s13+s2] =	stream.linear.scatter [tilespmem:s17], [sflag:$0x3], $0x1000, $0x38;
	[tilespmem:$0x6200] =	vst v63  }
0x87: {  	s13 =	simm.s32 @!p1 $0x2  }
0x88: {  	[hbm4b:s6+s2] =	stream.linear.scatter [tilespmem:s18], [sflag:$0x3], $0x1000, $0x38;
	[tilespmem:$0x6200] =	vst v63  }
0x89: {  	_ =	swait.ge @!p1 [sflag:s13], $0x1000  }
0x8a: {  	[sflag:s13] =	ssyncset.done @!p1 $0x0  }
0x8b: {  	[sflag:s13] =	ssyncadd.s32 @!p1 $0xFFFFF000  }
0x8c: {  	_ =	swait.ge @!p1 [sflag:s13], $0x1000  }
0x8d: {  	[sflag:s13] =	ssyncset.done @!p1 $0x0  }
0x8e: {  	[sflag:s13] =	ssyncadd.s32 @!p1 $0xFFFFF000  }
0x8f: {  	_ =	swait.ge @!p1 [sflag:s13], $0x1000  }
0x90: {  	[sflag:s13] =	ssyncset.done @!p1 $0x0  }
0x91: {  	[sflag:s13] =	ssyncadd.s32 @!p1 $0xFFFFF000  }
0x92: {  	[hbm4b:s29+s28] =	stream.linear.scatter @!p1 [tilespmem:s9], [sflag:$0x4], $0x1000, $0x38;
	[tilespmem:$0x6200] =	vst v63  }
0x93: {  	_ = 	snop  }
0x94: {  	[hbm4b:s31+s28] =	stream.linear.scatter @!p1 [tilespmem:s3], [sflag:$0x4], $0x1000, $0x38;
	[tilespmem:$0x6200] =	vst v63  }
0x95: {  	s3 =	simm.s32 @!p1 $0x4  }
0x96: {  	[hbm4b:s30+s28] =	stream.linear.scatter @!p1 [tilespmem:s0], [sflag:$0x4], $0x1000, $0x38;
	[tilespmem:$0x6200] =	vst v63  }
0x97: {  	_ =	swait.ge @!p1 [sflag:s3], $0x1000  }
0x98: {  	[sflag:s3] =	ssyncset.done @!p1 $0x0  }
0x99: {  	[sflag:s3] =	ssyncadd.s32 @!p1 $0xFFFFF000  }
0x9a: {  	_ =	swait.ge @!p1 [sflag:s3], $0x1000  }
0x9b: {  	[sflag:s3] =	ssyncset.done @!p1 $0x0  }
0x9c: {  	[sflag:s3] =	ssyncadd.s32 @!p1 $0xFFFFF000  }
0x9d: {  	_ =	swait.ge @!p1 [sflag:s3], $0x1000  }
0x9e: {  	[sflag:s3] =	ssyncset.done @!p1 $0x0  }
0x9f: {  	[sflag:s3] =	ssyncadd.s32 @!p1 $0xFFFFF000  }
0xa0: {  	_ =	swait.ge [sflag:s20], $0x1000  }
0xa1: {  	[sflag:s20] =	ssyncset.done $0x0  }
.Ltmp0:
0xa2: {  	[sflag:s20] =	ssyncadd.s32 $0xFFFFF000;
	(pc) =	sbr.rel @p0 .LBB2_2-.Ltmp0, $4  }
0xa3: {  	_ =	swait.ge [sflag:s20], $0x1000  }
0xa4: {  	[sflag:s20] =	ssyncset.done $0x0  }
0xa5: {  	[sflag:s20] =	ssyncadd.s32 $0xFFFFF000  }
0xa6: {  	s24 =	sadd.s32 $0x40, s24;
	s23 =	sadd.s32 $0x400, s23;
	_ =	swait.ge [sflag:s20], $0x1000  }
0xa7: {  	s21 =	sadd.s32 $0x1, s21;
	s0 =	rddreg [dreg:$0x4]  }
0xa8: {  	p0 =	sne.s32 s21, s0  }
.Ltmp1:
0xa9: {  	_ = 	snop;
	(pc) =	sbr.rel @p0 .LBB2_1-.Ltmp1, $3  }
0xaa: {  	_ =	sdelay $0x1  }
0xab: {  	[sflag:s20] =	ssyncset.done $0x0  }
0xac: {  	[sflag:s20] =	ssyncadd.s32 $0xFFFFF000  }
0xad: {  	_ =	sfence.sel $0x180000  }
0xae: {  	[bflag:$0x0] =	sbarrier.arrive $0xFFFF  }
0xaf: {  	_ =	strace $0x90000050  }
0xb0: {  	s0 =	stileid.u32;
	[bflag:$0x2] =	sbarrier.arrive $0xFFFF  }
0xb1: {  	p0 =	sne.s32 s0, $0x0;
	s0 =	rddreg [dreg:$0x3]  }
0xb2: {  	s0 =	sadd.s32 @!p0 $0x100000, s0  }
0xb3: {  	[sflag:s0] =	ssyncadd.tile.s32 @!p0 $0x1;
	_ =	shalt  }
.Lfunc_end2:
_tile_overlayer_lowered:
.L_overlay_start_2:
0xb4: {  	(tag) =	ssettag $0x2  }
0xb5: {  	s0 =	rddreg [dreg:$0x0];
	s2 =	stileid.u32  }
0xb6: {  	s1 =	rddreg [dreg:$0x1];
	p0 =	sne.s32 s2, $0x0  }
0xb7: {  	s3 =	rddreg [dreg:$0x2];
	[bflag:$0x3] =	sbarrier.arrive $0xFFFF;
	s2 =	simm.s32 @!p0 $0x1C05  }
0xb8: {  	[timem:s3], [sflag:s2] =	dma.local @!p0 [hbm:s0], s1  }
0xb9: {  	s0 =	simm.s32 @!p0 $0x5  }
0xba: {  	_ =	swait.ge @!p0 [sflag:s0], s1  }
0xbb: {  	s1 =	ssub.s32 @!p0 $0x0, s1;
	[sflag:s0] =	ssyncset.done @!p0 $0x0  }
0xbc: {  	[sflag:s0] =	ssyncadd.s32 @!p0 s1  }
0xbd: {  	[bflag:$0x3] =	sbarrier.arrive $0xFFFF  }
0xbe: {  	_ =	shalt  }

// kernel: kernel.28.cloned.1.call-start
scs
__scs_entry_jumppad:
0x0: {  	(pc) =	sbr.rel $0x88, $3  }
0x1: {  	(tag) =	ssettag $0x0;
	lr =	simm.s32 $0x1  }
0x2: {  	[smem:$0x3F7C] =	sst lr;
	_ =	strace $0xD0000000  }
0x3: {  	_ = 	snop  }
0x4: {  	_ = 	snop  }
0x5: {  	_ = 	snop  }
0x6: {  	_ = 	snop  }
0x7: {  	_ = 	snop  }
__scs_overlays_trampoline_lowered:
0x8: {  	[smem:$0x3F8B] =	sst s0  }
0x9: {  	[smem:$0x3F8C] =	sst s1  }
0xa: {  	[smem:$0x3F8D] =	sst s2  }
0xb: {  	[smem:$0x3F8E] =	sst s3  }
0xc: {  	[smem:$0x3F8F] =	sst s4  }
0xd: {  	[smem:$0x3F90] =	sst s5  }
0xe: {  	[smem:$0x3F91] =	sst s6  }
0xf: {  	[smem:$0x3F92] =	sst s7  }
0x10: {  	[smem:$0x3F93] =	sst s8  }
0x11: {  	[smem:$0x3F94] =	sst s9;
	s0 =	simm.s32 @!p0 $0x0  }
0x12: {  	s1 =	sld [smem:$0x3F7A];
	s0 =	simm.s32 @p0 $0x1  }
0x13: {  	[smem:$0x3F95] =	sst s0;
	s0 =	simm.s32 @!p1 $0x0  }
0x14: {  	s2 =	sld [smem:$0x3F79];
	s0 =	simm.s32 @p1 $0x1  }
0x15: {  	[smem:$0x3F96] =	sst s0;
	s0 =	simm.s32 @!p2 $0x0  }
0x16: {  	s3 =	sld [smem:$0x3FDB];
	s0 =	simm.s32 @p2 $0x1  }
0x17: {  	s4 =	simm.s32 $0x1BF5;
	[smem:$0x3F98] =	sst s0  }
0x18: {  	s0 =	sld [smem:$0x3F7B];
	_ =	swait.ge [sflag:s4], $0x0  }
0x19: {  	s7 =	sld [smem:$0x3F7C]  }
0x1a: {  	s8 =	sadd.s32 $0xFFFFE003, lr  }
0x1b: {  	s9 =	sadd.s32 $0xFFFFFEF7, lr;
	s5 =	simm.s32 $0xFFFFFFFF;
	p2 =	slt.u32 s8, $0xFFFFF086  }
0x1c: {  	p1 =	slt.u32 s9, $0xF7A;
	s5 =	simm.s32 @!p2 $0x0  }
0x1d: {  	s5 =	simm.s32 @p1 $0x1;
	p0 =	seq.s32 s7, s2  }
0x1e: {  	s7 =	smul.u32 @!p0 $0xF7A, s2;
	p2 =	seq.s32 @!p0 s5, $0x0  }
0x1f: {  	s9 =	smul.u32 $0xF7A, s1;
	s8 =	simm.s32 @!p0 $0x1BF5;
	p2 =	por !p2, p0  }
0x20: {  	[sflag:s8] =	ssyncset.s32 @!p0 $0xFFFFF086;
	s6 =	sadd.s32 @!p0 s3, s7;
	s7 =	simm.s32 @!p0 $0x108  }
0x21: {  	s3 =	sadd.s32 s3, s9;
	s6 =	sadd.s32 @!p0 $0x88, s6;
	s7 =	simm.s32 @p2 $0x1082  }
0x22: {  	[simem:s7], [sflag:s8] =	dma.local @!p0 [hbm:s6], $0xF7A  }
0x23: {  	s9 =	sor.u32 $0xD0000000, s2;
	s6 =	simm.s32 $0x108;
	_ =	swait.ge @!p0 [sflag:s8], $0x0  }
0x24: {  	s3 =	sadd.s32 $0x88, s3;
	s6 =	simm.s32 @!p1 $0x1082;
	[sflag:s4] =	ssyncset.s32 $0xFFFFF086  }
0x25: {  	[simem:s6], [sflag:s4] =	dma.local [hbm:s3], $0xF7A  }
0x26: {  	[smem:$0x3F7C] =	sst s1;
	(tag) =	ssettag s2;
	_ =	strace s9  }
0x27: {  	s1 =	sld [smem:$0x3F8C]  }
0x28: {  	s2 =	sld [smem:$0x3F8D]  }
0x29: {  	s4 =	sld [smem:$0x3F8F]  }
0x2a: {  	p0 =	seq.s32 s5, $0x0;
	s5 =	sld [smem:$0x3F90]  }
0x2b: {  	s6 =	sld [smem:$0x3F91]  }
0x2c: {  	s7 =	sld [smem:$0x3F92]  }
0x2d: {  	s3 =	simm.s32 $0x108;
	s8 =	sld [smem:$0x3F93]  }
0x2e: {  	s3 =	simm.s32 @!p0 $0x1082;
	s9 =	sld [smem:$0x3F94]  }
0x2f: {  	lr =	sadd.s32 s0, s3;
	s0 =	sld [smem:$0x3F8B]  }
0x30: {  	s3 =	sld [smem:$0x3F8E]  }
0x31: {  	[smem:$0x3F97] =	sst s10  }
0x32: {  	s10 =	sld [smem:$0x3F95];
	_ =	sdelay $0x3  }
0x33: {  	p0 =	seq.s32 s10, $0x1;
	s10 =	sld [smem:$0x3F97];
	_ =	sdelay $0x3  }
0x34: {  	[smem:$0x3F97] =	sst s10  }
0x35: {  	s10 =	sld [smem:$0x3F96];
	_ =	sdelay $0x3  }
0x36: {  	p1 =	seq.s32 s10, $0x1;
	s10 =	sld [smem:$0x3F97];
	_ =	sdelay $0x3  }
0x37: {  	[smem:$0x3F97] =	sst s10  }
0x38: {  	s10 =	sld [smem:$0x3F98]  }
0x39: {  	_ = 	snop;
	(pc) =	sbr.ind lr, $3  }
0x3a: {  	_ = 	snop  }
0x3b: {  	_ = 	snop  }
0x3c: {  	p2 =	seq.s32 s10, $0x1;
	s10 =	sld [smem:$0x3F97]  }
0x3d: {  	_ =	shalt  }
0x3e: {  	_ =	shalt  }
0x3f: {  	_ =	shalt  }
0x40: {  	_ =	shalt  }
0x41: {  	_ =	shalt  }
0x42: {  	_ =	shalt  }
0x43: {  	_ =	shalt  }
0x44: {  	_ =	shalt  }
0x45: {  	_ =	shalt  }
0x46: {  	_ =	shalt  }
0x47: {  	_ =	shalt  }
0x48: {  	_ =	shalt  }
0x49: {  	_ =	shalt  }
0x4a: {  	_ =	shalt  }
0x4b: {  	_ =	shalt  }
0x4c: {  	_ =	shalt  }
0x4d: {  	_ =	shalt  }
0x4e: {  	_ =	shalt  }
0x4f: {  	_ =	shalt  }
0x50: {  	_ =	shalt  }
0x51: {  	_ =	shalt  }
0x52: {  	_ =	shalt  }
0x53: {  	_ =	shalt  }
0x54: {  	_ =	shalt  }
0x55: {  	_ =	shalt  }
0x56: {  	_ =	shalt  }
0x57: {  	_ =	shalt  }
0x58: {  	_ =	shalt  }
0x59: {  	_ =	shalt  }
0x5a: {  	_ =	shalt  }
0x5b: {  	_ =	shalt  }
0x5c: {  	_ =	shalt  }
0x5d: {  	_ =	shalt  }
0x5e: {  	_ =	shalt  }
0x5f: {  	_ =	shalt  }
0x60: {  	_ =	shalt  }
0x61: {  	_ =	shalt  }
0x62: {  	_ =	shalt  }
0x63: {  	_ =	shalt  }
0x64: {  	_ =	shalt  }
0x65: {  	_ =	shalt  }
0x66: {  	_ =	shalt  }
0x67: {  	_ =	shalt  }
0x68: {  	_ =	shalt  }
0x69: {  	_ =	shalt  }
0x6a: {  	_ =	shalt  }
0x6b: {  	_ =	shalt  }
0x6c: {  	_ =	shalt  }
0x6d: {  	_ =	shalt  }
0x6e: {  	_ =	shalt  }
0x6f: {  	_ =	shalt  }
0x70: {  	_ =	shalt  }
0x71: {  	_ =	shalt  }
0x72: {  	_ =	shalt  }
0x73: {  	_ =	shalt  }
0x74: {  	_ =	shalt  }
0x75: {  	_ =	shalt  }
0x76: {  	_ =	shalt  }
0x77: {  	_ =	shalt  }
0x78: {  	_ =	shalt  }
0x79: {  	_ =	shalt  }
0x7a: {  	_ =	shalt  }
0x7b: {  	_ =	shalt  }
0x7c: {  	_ =	shalt  }
0x7d: {  	_ =	shalt  }
0x7e: {  	_ =	shalt  }
0x7f: {  	_ =	shalt  }
0x80: {  	_ =	shalt  }
0x81: {  	_ =	shalt  }
0x82: {  	_ =	shalt  }
0x83: {  	_ =	shalt  }
0x84: {  	_ =	shalt  }
0x85: {  	_ =	shalt  }
0x86: {  	_ =	shalt  }
0x87: {  	_ =	shalt  }
.Lfunc_end0:
.L_simem_size_0:
called_computation.4_lowered:
.L_overlay_start_0:
0x88: {  	s2 =	sld [smem:$0x3FD9]  }
0x89: {  	s3 =	sld [smem:$0x3FFE];
	_ =	sdelay $0x1  }
0x8a: {  	s1 =	srdreg.scid  }
0x8b: {  	s0 =	sand.u32 $0x1, s1  }
0x8c: {  	s14 =	sshll.u32 s0, $0xA;
	s2 =	sadd.s32 s3, s2  }
0x8d: {  	s2 =	sadd.s32 s2, s14  }
0x8e: {  	[smem:$0x3FA3] =	sst s2  }
0x8f: {  	_ = 	snop  }
0x90: {  	s2 =	sld [smem:$0x3FD0];
	_ =	sdelay $0x2  }
0x91: {  	s15 =	simm.s32 $0xB;
	s4 =	simm.s32 $0x10  }
0x92: {  	[smem:s4], [sflag:s15] =	dma.local [hbm:s2], $0x1  }
0x93: {  	_ =	swait.eq [sflag:s15], $0x1  }
0x94: {  	[sflag:s15] =	ssyncset.done $0x0  }
0x95: {  	s16 =	sld [smem:$0x11];
	[sflag:s15] =	ssyncadd.s32 $0xFFFFFFFF  }
0x96: {  	s17 =	sld [smem:$0x12];
	(tm) =	ssettm $0x1  }
0x97: {  	s18 =	sld [smem:$0x3FFB];
	_ =	sdelay $0x3  }
0x98: {  	_ =	strace s18  }
0x99: {  	s4 =	sld [smem:$0x3FFC];
	_ =	sdelay $0x3  }
0x9a: {  	_ =	strace s4  }
0x9b: {  	s4 =	sld [smem:$0x3FFD];
	_ =	sdelay $0x3  }
0x9c: {  	_ =	strace s4  }
0x9d: {  	_ =	strace $0x8FFFFFFF  }
0x9e: {  	s19 =	sld [smem:$0x3FDB];
	_ =	sdelay $0x1  }
0x9f: {  	s5 =	simm.s32 $_scs_section_size  }
0xa0: {  	s6 =	simm.s32 $_size__tile_overlayer_lowered;
	s7 =	simm.s32 $_tile_overlayer_lowered  }
0xa1: {  	s22 =	simm.s32 $0x1BFF;
	s21 =	sshll.u32 s7, $0x1;
	s4 =	sadd.s32 s5, s19  }
0xa2: {  	s8 =	simm.s32 $0x0;
	s20 =	sshll.u32 s6, $0x1;
	s6 =	sadd.s32 s21, s4  }
0xa3: {  	[timem:s8], [sflag:s22] =	dma.local [hbm:s6], s20  }
0xa4: {  	_ =	swait.ge [sflag:s22], s20  }
0xa5: {  	s5 =	ssub.s32 $0x0, s20;
	[sflag:s22] =	ssyncset.done $0x0  }
0xa6: {  	[sflag:s22] =	ssyncadd.s32 s5;
	_ =	sdelay $0x1  }
0xa7: {  	s23 =	simm.s32 $0x1B8B  }
0xa8: {  	_ =	swait.ge [sflag:s23], $0x1  }
0xa9: {  	[sflag:s23] =	ssyncset.done $0x0  }
0xaa: {  	s25 =	simm.s32 $0x1B8E;
	s24 =	sld [smem:$0x3FFE];
	[sflag:s23] =	ssyncadd.s32 $0xFFFFFFFF  }
0xab: {  	s26 =	simm.s32 $execute0_lowered;
	[smem:$0x3FD2] =	sst s25  }
0xac: {  	s6 =	sshll.u32 s26, $0x1;
	_ =	strace $0x80000052;
	[dreg:$0x1] =	wrdreg $0xFFFFFFFF  }
0xad: {  	s28 =	simm.s32 $_size_execute0_lowered;
	s4 =	sadd.s32 s4, s6;
	[dreg:$0x0] =	wrdreg $0x0  }
0xae: {  	s6 =	sshll.u32 s28, $0x1;
	[dreg:$0x2] =	wrdreg s4  }
0xaf: {  	[dreg:$0x3] =	wrdreg s6  }
0xb0: {  	[dreg:$0x4] =	wrdreg $0xC0  }
0xb1: {  	_ =	task [dreg:s8], $0x5FFFF  }
0xb2: {  	[dreg:$0x1] =	wrdreg $0xFFFFFFFF  }
0xb3: {  	[dreg:$0x0] =	wrdreg $0x60  }
0xb4: {  	[dreg:$0x2] =	wrdreg s17  }
0xb5: {  	[dreg:$0x3] =	wrdreg s24  }
0xb6: {  	[dreg:$0x4] =	wrdreg s16  }
0xb7: {  	[dreg:$0x5] =	wrdreg $0x21000  }
0xb8: {  	[dreg:$0x6] =	wrdreg $0x9  }
0xb9: {  	_ =	task.clear_ibuf [dreg:s8], $0x7FFFF;
	_ =	strace $0x90000052  }
0xba: {  	s29 =	simm.s32 $0x9;
	_ =	strace $0x80000054  }
0xbb: {  	_ =	swait.ge [sflag:s29], $0x1  }
0xbc: {  	[sflag:s29] =	ssyncadd.s32 $0xFFFFFFFF  }
0xbd: {  	_ =	strace $0x90000054  }
0xbe: {  	_ =	sfence  }
0xbf: {  	s30 =	sld [smem:$0x0];
	_ =	sdelay $0x2  }
0xc0: {  	s31 =	sshll.u32 s1, $0xD;
	s1 =	sshrl.u32 s1, $0x2  }
0xc1: {  	s3 =	sand.u32 $0x4000, s31;
	s1 =	sadd.s32 s1, s30  }
0xc2: {  	s0 =	sor.u32 s3, s0;
	s1 =	sshll.u32 s1, $0x11  }
0xc3: {  	s0 =	sor.u32 s1, s0  }
0xc4: {  	s0 =	sadd.s32 $0x8F2B, s0  }
0xc5: {  	[sflag:s0] =	ssyncadd.remote.s32 $0x1  }
0xc6: {  	_ =	sfence.sel $0xFFFF  }
0xc7: {  	[dreg:$0x0] =	wrdreg $0xFFFFFFFF;
	(pc) =	sbr.abs _section_cstart, $3  }
0xc8: {  	[dreg:$0x1] =	wrdreg $0xFFFFFFFF  }
0xc9: {  	_ =	task.clear_ibuf [dreg:s8], $0x2FFFF;
	_ =	strace $0x9FFFFFFF  }
0xca: {  	(tm) =	ssettm $0x7FFFFFFF  }
0xcb: {  	_ =	shalt  }
tec
execute0_lowered:
.L_overlay_start_1:
0x0: {  	(tag) =	ssettag $0x1  }
0x1: {  	s8 =	rddreg [dreg:$0x0]  }
0x2: {  	s4 =	rddreg [dreg:$0x1]  }
0x3: {  	s5 =	rddreg [dreg:$0x2]  }
0x4: {  	s2 =	rddreg [dreg:$0x3]  }
0x5: {  	s0 =	rddreg [dreg:$0x4]  }
0x6: {  	s1 =	stileid.u32;
	s6 =	srdreg.scid  }
0x7: {  	s3 =	simm.s32 $0x0;
	s15 =	simm.s32 $0x0;
	s10 =	sand.u32 $0x1, s6  }
0x8: {  	s24 =	smul.u32 $0x186A0, s1;
	[smem:$0x7FF] =	sst s3;
	s9 =	sshll.u32 s1, $0x5  }
0x9: {  	s25 =	sshll.u32 s1, $0x1;
	s28 =	sshll.u32 s1, $0x6;
	s14 =	sshll.u32 s1, $0xA  }
0xa: {  	s7 =	smul.u32 $0x186A00, s10;
	_ =	strace $0x80000053;
	s11 =	ssub.s32 $0x2, s10  }
0xb: {  	s9 =	sadd.s32 s9, s4;
	s29 =	sshll.u32 s10, $0x4;
	s30 =	sadd.s32 s14, s8  }
0xc: {  	s31 =	sshll.u32 s10, $0x9;
	s10 =	sor.u32 s10, s25;
	s14 =	simm.s32 $0x3  }
0xd: {  	s12 =	sshrl.u32 s11, $0x1;
	s13 =	sadd.s32 s24, s2;
	s26 =	sshrl.u32 s24, $0x3  }
0xe: {  	s9 =	sadd.s32 s29, s9;
	s10 =	sor.u32 $0x20, s10;
	s7 =	sadd.s32 s24, s7  }
0xf: {  	s11 =	ssub.s32 s11, s12;
	s8 =	sadd.s32 $0x195C00, s9;
	s7 =	sshrl.u32 s7, $0x3  }
0x10: {  	s9 =	sadd.s32 s31, s30;
	s12 =	simm.s32 $0x5;
	s7 =	sadd.s32 s7, s4  }
0x11: {  	s4 =	sadd.s32 s5, s26;
	s5 =	sor.u32 $0x1C05, s28;
	s6 =	sadd.s32 $0x1C6C00, s7  }
0x12: {  	s7 =	smax.u32 s11, $0x1;
	s11 =	sshrl.u32 s13, $0x3;
	s13 =	simm.s32 $0x80  }
.LBB2_1:
0x13: {  	[spmem:s11], [sflag:s5] =	dma.local [hbm:s4], $0x30D4  }
0x14: {  	_ =	swait.ge [sflag:s12], $0x30D4  }
0x15: {  	[sflag:s12] =	ssyncset.done $0x0  }
0x16: {  	[sflag:s12] =	ssyncadd.s32 $0xFFFFCF2C  }
0x17: {  	s16 =	sadd.s32 $0x0, s8;
	p0 =	sgt.u32 s10, $0x1869;
	[bflag:$0x0] =	sbarrier.arrive $0xFFFF  }
0x18: {  	[tilespmem:s3], [sflag:$0x1] =	stream.linear.gather [hbm4b:s16+s3], $0x80, $0x38;
	[tilespmem:$0x1A7A0] =	vst v63  }
0x19: {  	s16 =	simm.s32 @p0 $0x1  }
0x1a: {  	[tilespmem:s13], [sflag:$0x1] =	stream.linear.gather [hbm4b:s9+s3], $0x1000, $0x38;
	[tilespmem:$0x1A7A0] =	vst v63  }
0x1b: {  	_ =	swait.ge @p0 [sflag:s16], $0x80  }
0x1c: {  	[sflag:s16] =	ssyncset.done @p0 $0x0  }
0x1d: {  	[sflag:s16] =	ssyncadd.s32 @p0 $0xFFFFFF80  }
0x1e: {  	_ =	swait.ge @p0 [sflag:s16], $0x1000  }
0x1f: {  	s17 =	sadd.s32 @!p0 $0x0, s8;
	[sflag:s16] =	ssyncset.done @p0 $0x0  }
0x20: {  	s18 =	simm.s32 @p0 $0x0;
	s19 =	simm.s32 @p0 $0x80;
	[sflag:s16] =	ssyncadd.s32 @p0 $0xFFFFF000  }
0x21: {  	[spmem:s2] =	stream.indirect.scatter.add.f32 @p0 [tilespmem:s19], [sflag:$0x3], $0x20, s18, s19, $0xb8;
	[tilespmem:$0x1A7A0] =	vst v63  }
0x22: {  	s16 =	sadd.s32 @!p0 $0x200, s17;
	s17 =	simm.s32 @!p0 $0x0;
	s18 =	simm.s32 @!p0 $0x1080  }
0x23: {  	[tilespmem:s18], [sflag:$0x2] =	stream.linear.gather @!p0 [hbm4b:s16+s17], $0x80, $0x38;
	[tilespmem:$0x1A7A0] =	vst v63  }
0x24: {  	s20 =	simm.s32 @!p0 $0x1;
	s19 =	simm.s32 @!p0 $0x1100;
	s16 =	sadd.s32 @!p0 $0x4000, s9  }
0x25: {  	[tilespmem:s19], [sflag:$0x2] =	stream.linear.gather @!p0 [hbm4b:s16+s17], $0x1000, $0x38;
	[tilespmem:$0x1A7A0] =	vst v63  }
0x26: {  	_ =	swait.ge @!p0 [sflag:s20], $0x80  }
0x27: {  	[sflag:s20] =	ssyncset.done @!p0 $0x0  }
0x28: {  	[sflag:s20] =	ssyncadd.s32 @!p0 $0xFFFFFF80  }
0x29: {  	_ =	swait.ge @!p0 [sflag:s20], $0x1000  }
0x2a: {  	[sflag:s20] =	ssyncset.done @!p0 $0x0  }
0x2b: {  	s16 =	simm.s32 @!p0 $0x80;
	[sflag:s20] =	ssyncadd.s32 @!p0 $0xFFFFF000;
	s20 =	simm.s32 @!p0 $0x2  }
0x2c: {  	[spmem:s2] =	stream.indirect.scatter.add.f32 @!p0 [tilespmem:s16], [sflag:$0x3], $0x20, s17, s16, $0xb8;
	[tilespmem:$0x1A7A0] =	vst v63  }
0x2d: {  	_ =	swait.ge @!p0 [sflag:s20], $0x80  }
0x2e: {  	[sflag:s20] =	ssyncset.done @!p0 $0x0  }
0x2f: {  	[sflag:s20] =	ssyncadd.s32 @!p0 $0xFFFFFF80  }
0x30: {  	_ =	swait.ge @!p0 [sflag:s20], $0x1000  }
0x31: {  	[sflag:s20] =	ssyncset.done @!p0 $0x0  }
0x32: {  	s17 =	simm.s32 @!p0 $0x4;
	[sflag:s20] =	ssyncadd.s32 @!p0 $0xFFFFF000  }
0x33: {  	[spmem:s2] =	stream.indirect.scatter.add.f32 @!p0 [tilespmem:s19], [sflag:$0x4], $0x20, s18, s16, $0xb8;
	[tilespmem:$0x1A7A0] =	vst v63  }
0x34: {  	_ =	swait.ge @!p0 [sflag:s17], $0x1000  }
0x35: {  	[sflag:s17] =	ssyncset.done @!p0 $0x0  }
0x36: {  	s16 =	simm.s32 $0x400;
	[sflag:s17] =	ssyncadd.s32 @!p0 $0xFFFFF000  }
0x37: {  	s18 =	smov.u32 s9;
	s17 =	sadd.s32 $0x40, s10;
	_ =	swait.ge [sflag:s14], $0x1000  }
.LBB2_2:
0x38: {  	[sflag:s14] =	ssyncset.done $0x0  }
0x39: {  	s18 =	sadd.s32 $0x8000, s18;
	s19 =	smov.u32 s16;
	s16 =	sadd.s32 $0x400, s16  }
0x3a: {  	s20 =	sadd.s32 s19, s8;
	p0 =	sne.s32 s16, $0x18800;
	[sflag:s14] =	ssyncadd.s32 $0xFFFFF000  }
0x3b: {  	[tilespmem:s3], [sflag:$0x1] =	stream.linear.gather [hbm4b:s20+s3], $0x80, $0x38;
	[tilespmem:$0x1A7A0] =	vst v63  }
0x3c: {  	p1 =	sgt.u32 s17, $0x1869  }
0x3d: {  	[tilespmem:s13], [sflag:$0x1] =	stream.linear.gather [hbm4b:s18+s3], $0x1000, $0x38;
	[tilespmem:$0x1A7A0] =	vst v63  }
0x3e: {  	s19 =	sadd.s32 @!p1 s19, s8;
	s20 =	simm.s32 @p1 $0x1  }
0x3f: {  	s19 =	sadd.s32 @!p1 $0x200, s19;
	_ =	swait.ge @p1 [sflag:s20], $0x80  }
0x40: {  	[sflag:s20] =	ssyncset.done @p1 $0x0  }
0x41: {  	[sflag:s20] =	ssyncadd.s32 @p1 $0xFFFFFF80  }
0x42: {  	_ =	swait.ge @p1 [sflag:s20], $0x1000  }
0x43: {  	s21 =	simm.s32 @p1 $0x0;
	s22 =	simm.s32 @p1 $0x80;
	[sflag:s20] =	ssyncset.done @p1 $0x0  }
0x44: {  	s23 =	simm.s32 @!p1 $0x1080;
	[sflag:s20] =	ssyncadd.s32 @p1 $0xFFFFF000;
	s20 =	simm.s32 @!p1 $0x0  }
0x45: {  	[spmem:s2] =	stream.indirect.scatter.add.f32 @p1 [tilespmem:s22], [sflag:$0x3], $0x20, s21, s22, $0xb8;
	[tilespmem:$0x1A7A0] =	vst v63  }
0x46: {  	s21 =	sadd.s32 @!p1 $0x4000, s18;
	s22 =	simm.s32 @!p1 $0x1100  }
0x47: {  	[tilespmem:s23], [sflag:$0x2] =	stream.linear.gather @!p1 [hbm4b:s19+s20], $0x80, $0x38;
	[tilespmem:$0x1A7A0] =	vst v63  }
0x48: {  	s19 =	simm.s32 @!p1 $0x1  }
0x49: {  	[tilespmem:s22], [sflag:$0x2] =	stream.linear.gather @!p1 [hbm4b:s21+s20], $0x1000, $0x38;
	[tilespmem:$0x1A7A0] =	vst v63  }
0x4a: {  	_ =	swait.ge @!p1 [sflag:s19], $0x80  }
0x4b: {  	[sflag:s19] =	ssyncset.done @!p1 $0x0  }
0x4c: {  	[sflag:s19] =	ssyncadd.s32 @!p1 $0xFFFFFF80  }
0x4d: {  	_ =	swait.ge @!p1 [sflag:s19], $0x1000  }
0x4e: {  	s21 =	simm.s32 @!p1 $0x80;
	[sflag:s19] =	ssyncset.done @!p1 $0x0  }
0x4f: {  	[sflag:s19] =	ssyncadd.s32 @!p1 $0xFFFFF000;
	s19 =	simm.s32 @!p1 $0x2  }
0x50: {  	[spmem:s2] =	stream.indirect.scatter.add.f32 @!p1 [tilespmem:s21], [sflag:$0x3], $0x20, s20, s21, $0xb8;
	[tilespmem:$0x1A7A0] =	vst v63  }
0x51: {  	_ =	swait.ge @!p1 [sflag:s19], $0x80  }
0x52: {  	[sflag:s19] =	ssyncset.done @!p1 $0x0  }
0x53: {  	[sflag:s19] =	ssyncadd.s32 @!p1 $0xFFFFFF80  }
0x54: {  	_ =	swait.ge @!p1 [sflag:s19], $0x1000  }
0x55: {  	[sflag:s19] =	ssyncset.done @!p1 $0x0  }
0x56: {  	[sflag:s19] =	ssyncadd.s32 @!p1 $0xFFFFF000;
	s19 =	simm.s32 @!p1 $0x4  }
0x57: {  	[spmem:s2] =	stream.indirect.scatter.add.f32 @!p1 [tilespmem:s22], [sflag:$0x4], $0x20, s23, s21, $0xb8;
	[tilespmem:$0x1A7A0] =	vst v63  }
.Ltmp0:
0x58: {  	_ = 	snop;
	(pc) =	sbr.rel @p0 .LBB2_2-.Ltmp0, $4  }
0x59: {  	_ =	swait.ge @!p1 [sflag:s19], $0x1000  }
0x5a: {  	[sflag:s19] =	ssyncset.done @!p1 $0x0  }
0x5b: {  	[sflag:s19] =	ssyncadd.s32 @!p1 $0xFFFFF000  }
0x5c: {  	s17 =	sadd.s32 $0x40, s17;
	_ =	swait.ge [sflag:s14], $0x1000  }
0x5d: {  	[sflag:s14] =	ssyncset.done $0x0;
	s15 =	sadd.s32 $0x1, s15  }
0x5e: {  	[sflag:s14] =	ssyncadd.s32 $0xFFFFF000;
	p0 =	sne.s32 s15, s7  }
.Ltmp1:
0x5f: {  	[bflag:$0x0] =	sbarrier.arrive $0xFFFF;
	(pc) =	sbr.rel @p0 .LBB2_1-.Ltmp1, $4  }
0x60: {  	[hbm:s6], [sflag:s5] =	dma.local [spmem:s11], $0x30D4  }
0x61: {  	_ =	swait.ge [sflag:s12], $0x30D4  }
0x62: {  	[sflag:s12] =	ssyncset.done $0x0  }
0x63: {  	[sflag:s12] =	ssyncadd.s32 $0xFFFFCF2C  }
0x64: {  	_ =	sfence.sel $0x180000  }
0x65: {  	[bflag:$0x0] =	sbarrier.arrive $0xFFFF  }
0x66: {  	p0 =	sne.s32 s1, $0x0;
	_ =	strace $0x90000053  }
0x67: {  	s0 =	sadd.s32 @!p0 $0x100000, s0;
	[bflag:$0x2] =	sbarrier.arrive $0xFFFF  }
0x68: {  	[sflag:s0] =	ssyncadd.tile.s32 @!p0 $0x1;
	_ =	shalt  }
.Lfunc_end2:
_tile_overlayer_lowered:
.L_overlay_start_2:
0x69: {  	(tag) =	ssettag $0x2  }
0x6a: {  	s0 =	rddreg [dreg:$0x0];
	s2 =	stileid.u32  }
0x6b: {  	s1 =	rddreg [dreg:$0x1];
	p0 =	sne.s32 s2, $0x0  }
0x6c: {  	s3 =	rddreg [dreg:$0x2];
	[bflag:$0x3] =	sbarrier.arrive $0xFFFF;
	s2 =	simm.s32 @!p0 $0x1C05  }
0x6d: {  	[timem:s3], [sflag:s2] =	dma.local @!p0 [hbm:s0], s1  }
0x6e: {  	s0 =	simm.s32 @!p0 $0x5  }
0x6f: {  	_ =	swait.ge @!p0 [sflag:s0], s1  }
0x70: {  	s1 =	ssub.s32 @!p0 $0x0, s1;
	[sflag:s0] =	ssyncset.done @!p0 $0x0  }
0x71: {  	[sflag:s0] =	ssyncadd.s32 @!p0 s1  }
0x72: {  	[bflag:$0x3] =	sbarrier.arrive $0xFFFF  }
0x73: {  	_ =	shalt  }

// kernel: kernel.31.cloned.1.call-start
scs
__scs_entry_jumppad:
0x0: {  	(pc) =	sbr.rel $0x88, $3  }
0x1: {  	(tag) =	ssettag $0x0;
	lr =	simm.s32 $0x1  }
0x2: {  	[smem:$0x3F7C] =	sst lr;
	_ =	strace $0xD0000000  }
0x3: {  	_ = 	snop  }
0x4: {  	_ = 	snop  }
0x5: {  	_ = 	snop  }
0x6: {  	_ = 	snop  }
0x7: {  	_ = 	snop  }
__scs_overlays_trampoline_lowered:
0x8: {  	[smem:$0x3F8B] =	sst s0  }
0x9: {  	[smem:$0x3F8C] =	sst s1  }
0xa: {  	[smem:$0x3F8D] =	sst s2  }
0xb: {  	[smem:$0x3F8E] =	sst s3  }
0xc: {  	[smem:$0x3F8F] =	sst s4  }
0xd: {  	[smem:$0x3F90] =	sst s5  }
0xe: {  	[smem:$0x3F91] =	sst s6  }
0xf: {  	[smem:$0x3F92] =	sst s7  }
0x10: {  	[smem:$0x3F93] =	sst s8  }
0x11: {  	[smem:$0x3F94] =	sst s9;
	s0 =	simm.s32 @!p0 $0x0  }
0x12: {  	s1 =	sld [smem:$0x3F7A];
	s0 =	simm.s32 @p0 $0x1  }
0x13: {  	[smem:$0x3F95] =	sst s0;
	s0 =	simm.s32 @!p1 $0x0  }
0x14: {  	s2 =	sld [smem:$0x3F79];
	s0 =	simm.s32 @p1 $0x1  }
0x15: {  	[smem:$0x3F96] =	sst s0;
	s0 =	simm.s32 @!p2 $0x0  }
0x16: {  	s3 =	sld [smem:$0x3FDB];
	s0 =	simm.s32 @p2 $0x1  }
0x17: {  	s4 =	simm.s32 $0x1BF5;
	[smem:$0x3F98] =	sst s0  }
0x18: {  	s0 =	sld [smem:$0x3F7B];
	_ =	swait.ge [sflag:s4], $0x0  }
0x19: {  	s7 =	sld [smem:$0x3F7C]  }
0x1a: {  	s8 =	sadd.s32 $0xFFFFE003, lr  }
0x1b: {  	s9 =	sadd.s32 $0xFFFFFEF7, lr;
	s5 =	simm.s32 $0xFFFFFFFF;
	p2 =	slt.u32 s8, $0xFFFFF086  }
0x1c: {  	p1 =	slt.u32 s9, $0xF7A;
	s5 =	simm.s32 @!p2 $0x0  }
0x1d: {  	s5 =	simm.s32 @p1 $0x1;
	p0 =	seq.s32 s7, s2  }
0x1e: {  	s7 =	smul.u32 @!p0 $0xF7A, s2;
	p2 =	seq.s32 @!p0 s5, $0x0  }
0x1f: {  	s9 =	smul.u32 $0xF7A, s1;
	s8 =	simm.s32 @!p0 $0x1BF5;
	p2 =	por !p2, p0  }
0x20: {  	[sflag:s8] =	ssyncset.s32 @!p0 $0xFFFFF086;
	s6 =	sadd.s32 @!p0 s3, s7;
	s7 =	simm.s32 @!p0 $0x108  }
0x21: {  	s3 =	sadd.s32 s3, s9;
	s6 =	sadd.s32 @!p0 $0x88, s6;
	s7 =	simm.s32 @p2 $0x1082  }
0x22: {  	[simem:s7], [sflag:s8] =	dma.local @!p0 [hbm:s6], $0xF7A  }
0x23: {  	s9 =	sor.u32 $0xD0000000, s2;
	s6 =	simm.s32 $0x108;
	_ =	swait.ge @!p0 [sflag:s8], $0x0  }
0x24: {  	s3 =	sadd.s32 $0x88, s3;
	s6 =	simm.s32 @!p1 $0x1082;
	[sflag:s4] =	ssyncset.s32 $0xFFFFF086  }
0x25: {  	[simem:s6], [sflag:s4] =	dma.local [hbm:s3], $0xF7A  }
0x26: {  	[smem:$0x3F7C] =	sst s1;
	(tag) =	ssettag s2;
	_ =	strace s9  }
0x27: {  	s1 =	sld [smem:$0x3F8C]  }
0x28: {  	s2 =	sld [smem:$0x3F8D]  }
0x29: {  	s4 =	sld [smem:$0x3F8F]  }
0x2a: {  	p0 =	seq.s32 s5, $0x0;
	s5 =	sld [smem:$0x3F90]  }
0x2b: {  	s6 =	sld [smem:$0x3F91]  }
0x2c: {  	s7 =	sld [smem:$0x3F92]  }
0x2d: {  	s3 =	simm.s32 $0x108;
	s8 =	sld [smem:$0x3F93]  }
0x2e: {  	s3 =	simm.s32 @!p0 $0x1082;
	s9 =	sld [smem:$0x3F94]  }
0x2f: {  	lr =	sadd.s32 s0, s3;
	s0 =	sld [smem:$0x3F8B]  }
0x30: {  	s3 =	sld [smem:$0x3F8E]  }
0x31: {  	[smem:$0x3F97] =	sst s10  }
0x32: {  	s10 =	sld [smem:$0x3F95];
	_ =	sdelay $0x3  }
0x33: {  	p0 =	seq.s32 s10, $0x1;
	s10 =	sld [smem:$0x3F97];
	_ =	sdelay $0x3  }
0x34: {  	[smem:$0x3F97] =	sst s10  }
0x35: {  	s10 =	sld [smem:$0x3F96];
	_ =	sdelay $0x3  }
0x36: {  	p1 =	seq.s32 s10, $0x1;
	s10 =	sld [smem:$0x3F97];
	_ =	sdelay $0x3  }
0x37: {  	[smem:$0x3F97] =	sst s10  }
0x38: {  	s10 =	sld [smem:$0x3F98]  }
0x39: {  	_ = 	snop;
	(pc) =	sbr.ind lr, $3  }
0x3a: {  	_ = 	snop  }
0x3b: {  	_ = 	snop  }
0x3c: {  	p2 =	seq.s32 s10, $0x1;
	s10 =	sld [smem:$0x3F97]  }
0x3d: {  	_ =	shalt  }
0x3e: {  	_ =	shalt  }
0x3f: {  	_ =	shalt  }
0x40: {  	_ =	shalt  }
0x41: {  	_ =	shalt  }
0x42: {  	_ =	shalt  }
0x43: {  	_ =	shalt  }
0x44: {  	_ =	shalt  }
0x45: {  	_ =	shalt  }
0x46: {  	_ =	shalt  }
0x47: {  	_ =	shalt  }
0x48: {  	_ =	shalt  }
0x49: {  	_ =	shalt  }
0x4a: {  	_ =	shalt  }
0x4b: {  	_ =	shalt  }
0x4c: {  	_ =	shalt  }
0x4d: {  	_ =	shalt  }
0x4e: {  	_ =	shalt  }
0x4f: {  	_ =	shalt  }
0x50: {  	_ =	shalt  }
0x51: {  	_ =	shalt  }
0x52: {  	_ =	shalt  }
0x53: {  	_ =	shalt  }
0x54: {  	_ =	shalt  }
0x55: {  	_ =	shalt  }
0x56: {  	_ =	shalt  }
0x57: {  	_ =	shalt  }
0x58: {  	_ =	shalt  }
0x59: {  	_ =	shalt  }
0x5a: {  	_ =	shalt  }
0x5b: {  	_ =	shalt  }
0x5c: {  	_ =	shalt  }
0x5d: {  	_ =	shalt  }
0x5e: {  	_ =	shalt  }
0x5f: {  	_ =	shalt  }
0x60: {  	_ =	shalt  }
0x61: {  	_ =	shalt  }
0x62: {  	_ =	shalt  }
0x63: {  	_ =	shalt  }
0x64: {  	_ =	shalt  }
0x65: {  	_ =	shalt  }
0x66: {  	_ =	shalt  }
0x67: {  	_ =	shalt  }
0x68: {  	_ =	shalt  }
0x69: {  	_ =	shalt  }
0x6a: {  	_ =	shalt  }
0x6b: {  	_ =	shalt  }
0x6c: {  	_ =	shalt  }
0x6d: {  	_ =	shalt  }
0x6e: {  	_ =	shalt  }
0x6f: {  	_ =	shalt  }
0x70: {  	_ =	shalt  }
0x71: {  	_ =	shalt  }
0x72: {  	_ =	shalt  }
0x73: {  	_ =	shalt  }
0x74: {  	_ =	shalt  }
0x75: {  	_ =	shalt  }
0x76: {  	_ =	shalt  }
0x77: {  	_ =	shalt  }
0x78: {  	_ =	shalt  }
0x79: {  	_ =	shalt  }
0x7a: {  	_ =	shalt  }
0x7b: {  	_ =	shalt  }
0x7c: {  	_ =	shalt  }
0x7d: {  	_ =	shalt  }
0x7e: {  	_ =	shalt  }
0x7f: {  	_ =	shalt  }
0x80: {  	_ =	shalt  }
0x81: {  	_ =	shalt  }
0x82: {  	_ =	shalt  }
0x83: {  	_ =	shalt  }
0x84: {  	_ =	shalt  }
0x85: {  	_ =	shalt  }
0x86: {  	_ =	shalt  }
0x87: {  	_ =	shalt  }
.Lfunc_end0:
.L_simem_size_0:
called_computation.5_lowered:
.L_overlay_start_0:
0x88: {  	s2 =	sld [smem:$0x3FD9]  }
0x89: {  	s3 =	sld [smem:$0x3FFE];
	_ =	sdelay $0x1  }
0x8a: {  	s1 =	srdreg.scid  }
0x8b: {  	s0 =	sand.u32 $0x1, s1  }
0x8c: {  	s15 =	sshll.u32 s0, $0xA;
	s2 =	sadd.s32 s3, s2  }
0x8d: {  	s2 =	sadd.s32 s2, s15  }
0x8e: {  	[smem:$0x3FA3] =	sst s2  }
0x8f: {  	_ = 	snop  }
0x90: {  	s2 =	sld [smem:$0x3FD0];
	_ =	sdelay $0x2  }
0x91: {  	s16 =	simm.s32 $0xB;
	s4 =	simm.s32 $0x10  }
0x92: {  	[smem:s4], [sflag:s16] =	dma.local [hbm:s2], $0x1  }
0x93: {  	_ =	swait.eq [sflag:s16], $0x1  }
0x94: {  	[sflag:s16] =	ssyncset.done $0x0  }
0x95: {  	[sflag:s16] =	ssyncadd.s32 $0xFFFFFFFF  }
0x96: {  	s17 =	sld [smem:$0x10];
	(tm) =	ssettm $0x1  }
0x97: {  	s18 =	sld [smem:$0x3FFB];
	_ =	sdelay $0x3  }
0x98: {  	_ =	strace s18  }
0x99: {  	s2 =	sld [smem:$0x3FFC];
	_ =	sdelay $0x3  }
0x9a: {  	_ =	strace s2  }
0x9b: {  	s2 =	sld [smem:$0x3FFD];
	_ =	sdelay $0x3  }
0x9c: {  	_ =	strace s2  }
0x9d: {  	_ =	strace $0x8FFFFFFF  }
0x9e: {  	s19 =	sld [smem:$0x3FDB];
	_ =	sdelay $0x1  }
0x9f: {  	s20 =	simm.s32 $_scs_section_size  }
0xa0: {  	s5 =	simm.s32 $_size__tile_overlayer_lowered;
	s6 =	simm.s32 $_tile_overlayer_lowered  }
0xa1: {  	s7 =	simm.s32 $0x1BFF;
	s21 =	sshll.u32 s6, $0x1;
	s4 =	sadd.s32 s20, s19  }
0xa2: {  	s22 =	simm.s32 $0x0;
	s5 =	sshll.u32 s5, $0x1;
	s6 =	sadd.s32 s21, s4  }
0xa3: {  	[timem:s22], [sflag:s7] =	dma.local [hbm:s6], s5  }
0xa4: {  	_ =	swait.ge [sflag:s7], s5  }
0xa5: {  	s5 =	ssub.s32 $0x0, s5;
	[sflag:s7] =	ssyncset.done $0x0  }
0xa6: {  	[sflag:s7] =	ssyncadd.s32 s5;
	_ =	sdelay $0x1  }
0xa7: {  	s23 =	simm.s32 $0x1B8B  }
0xa8: {  	_ =	swait.ge [sflag:s23], $0x1  }
0xa9: {  	[sflag:s23] =	ssyncset.done $0x0  }
0xaa: {  	[sflag:s23] =	ssyncadd.s32 $0xFFFFFFFF  }
0xab: {  	s5 =	sld [smem:$0x0]  }
0xac: {  	s6 =	sand.u32 $0xFFFFFFFE, s1  }
0xad: {  	p0 =	sne.s32 s1, s6  }
0xae: {  	s6 =	sshll.u32 @p0 s6, $0xE  }
0xaf: {  	s6 =	sadd.s32 @p0 $0x11B8D, s6;
	s7 =	sshll.u32 @p0 s5, $0x11  }
0xb0: {  	s6 =	sor.u32 @p0 s7, s6  }
0xb1: {  	[sflag:s6] =	ssyncadd.remote.s32 @p0 $0x1;
	_ =	sdelay $0x1  }
0xb2: {  	s6 =	simm.s32 @p0 $0x1B8D  }
0xb3: {  	_ =	swait.eq @p0 [sflag:s6], $0x1  }
0xb4: {  	[sflag:s6] =	ssyncadd.s32 @p0 $0xFFFFFFFF  }
0xb5: {  	s7 =	sshll.u32 @!p0 s1, $0xE  }
0xb6: {  	s7 =	sor.u32 @!p0 $0x4000, s7;
	s6 =	simm.s32 @!p0 $0x1B8D  }
0xb7: {  	s5 =	sshll.u32 @!p0 s5, $0x11;
	s7 =	sadd.s32 @!p0 $0x11B8D, s7;
	_ =	swait.eq @!p0 [sflag:s6], $0x1  }
0xb8: {  	s5 =	sor.u32 @!p0 s5, s7;
	[sflag:s6] =	ssyncadd.s32 @!p0 $0xFFFFFFFF  }
0xb9: {  	s25 =	simm.s32 $0x1B8E;
	s24 =	sld [smem:$0x3FFE];
	[sflag:s5] =	ssyncadd.remote.s32 @!p0 $0x1  }
0xba: {  	s26 =	simm.s32 $execute0_lowered;
	[smem:$0x3FD2] =	sst s25  }
0xbb: {  	s6 =	sshll.u32 s26, $0x1;
	_ =	strace $0x80000055;
	[dreg:$0x1] =	wrdreg $0xFFFFFFFF  }
0xbc: {  	s28 =	simm.s32 $_size_execute0_lowered;
	s4 =	sadd.s32 s4, s6;
	[dreg:$0x0] =	wrdreg $0x0  }
0xbd: {  	s6 =	sshll.u32 s28, $0x1;
	[dreg:$0x2] =	wrdreg s4  }
0xbe: {  	[dreg:$0x3] =	wrdreg s6  }
0xbf: {  	[dreg:$0x4] =	wrdreg $0xC0  }
0xc0: {  	_ =	task [dreg:s22], $0x5FFFF  }
0xc1: {  	[dreg:$0x1] =	wrdreg $0xFFFFFFFF  }
0xc2: {  	[dreg:$0x0] =	wrdreg $0x60  }
0xc3: {  	[dreg:$0x2] =	wrdreg s24  }
0xc4: {  	[dreg:$0x3] =	wrdreg s17  }
0xc5: {  	[dreg:$0x4] =	wrdreg $0x11000  }
0xc6: {  	[dreg:$0x5] =	wrdreg $0xA  }
0xc7: {  	_ =	task.clear_ibuf [dreg:s22], $0x6FFFF;
	_ =	strace $0x90000055  }
0xc8: {  	s29 =	simm.s32 $0xA;
	_ =	strace $0x80000057  }
0xc9: {  	_ =	swait.ge [sflag:s29], $0x1  }
0xca: {  	[sflag:s29] =	ssyncadd.s32 $0xFFFFFFFF  }
0xcb: {  	_ =	strace $0x90000057  }
0xcc: {  	_ =	sfence  }
0xcd: {  	s30 =	sld [smem:$0x0];
	_ =	sdelay $0x2  }
0xce: {  	s31 =	sshll.u32 s1, $0xD;
	s1 =	sshrl.u32 s1, $0x2  }
0xcf: {  	s4 =	sand.u32 $0x4000, s31;
	s1 =	sadd.s32 s1, s30  }
0xd0: {  	s0 =	sor.u32 s4, s0;
	s1 =	sshll.u32 s1, $0x11  }
0xd1: {  	s0 =	sor.u32 s1, s0  }
0xd2: {  	s0 =	sadd.s32 $0x8F2B, s0  }
0xd3: {  	[sflag:s0] =	ssyncadd.remote.s32 $0x1  }
0xd4: {  	_ =	sfence.sel $0xFFFF  }
0xd5: {  	[dreg:$0x0] =	wrdreg $0xFFFFFFFF;
	(pc) =	sbr.abs _section_cstart, $3  }
0xd6: {  	[dreg:$0x1] =	wrdreg $0xFFFFFFFF  }
0xd7: {  	_ =	task.clear_ibuf [dreg:s22], $0x2FFFF;
	_ =	strace $0x9FFFFFFF  }
0xd8: {  	(tm) =	ssettm $0x7FFFFFFF  }
0xd9: {  	_ =	shalt  }
tec
execute0_lowered:
.L_overlay_start_1:
0x0: {  	(tag) =	ssettag $0x1  }
0x1: {  	s4 =	rddreg [dreg:$0x0]  }
0x2: {  	s6 =	rddreg [dreg:$0x1]  }
0x3: {  	s2 =	rddreg [dreg:$0x2]  }
0x4: {  	s0 =	rddreg [dreg:$0x3]  }
0x5: {  	s3 =	simm.s32 $0x0;
	s1 =	stileid.u32;
	s7 =	srdreg.scid  }
0x6: {  	s15 =	simm.s32 $0x0;
	[smem:$0x7FF] =	sst s3;
	s5 =	sshll.u32 s1, $0x9  }
0x7: {  	s8 =	sshll.u32 s1, $0x5;
	s9 =	smul.u32 $0xC350, s1;
	s10 =	sand.u32 $0x1, s7  }
0x8: {  	s26 =	sshll.u32 s1, $0x1;
	s28 =	sshll.u32 s1, $0x6;
	_ =	strace $0x80000056  }
0x9: {  	s11 =	sadd.s32 s5, s4;
	s8 =	sadd.s32 s8, s4;
	s23 =	ssub.s32 $0x2, s10  }
0xa: {  	s13 =	smul.u32 $0xC3500, s10;
	s5 =	sor.u32 $0x1C05, s28;
	s29 =	sshll.u32 s10, $0x4  }
0xb: {  	s30 =	sshll.u32 s10, $0x8;
	s10 =	sor.u32 s10, s26;
	s24 =	sshrl.u32 s9, $0x3  }
0xc: {  	s12 =	sshrl.u32 s23, $0x1;
	s14 =	sadd.s32 s9, s2;
	s8 =	sadd.s32 s29, s8  }
0xd: {  	s31 =	sadd.s32 s30, s11;
	s10 =	sor.u32 $0x20, s10;
	s4 =	sadd.s32 s24, s4  }
0xe: {  	s25 =	ssub.s32 s23, s12;
	s9 =	sadd.s32 s9, s13;
	s8 =	sadd.s32 $0x195C00, s8  }
0xf: {  	s11 =	sshrl.u32 s14, $0x3;
	s12 =	simm.s32 $0x5;
	s13 =	simm.s32 $0x80  }
0x10: {  	s14 =	simm.s32 $0x3;
	s4 =	sadd.s32 $0x228800, s4;
	s9 =	sshrl.u32 s9, $0x3  }
0x11: {  	s7 =	smax.u32 s25, $0x1;
	s6 =	sadd.s32 s6, s9;
	s9 =	sadd.s32 $0x241200, s31  }
.LBB2_1:
0x12: {  	[spmem:s11], [sflag:s5] =	dma.local [hbm:s4], $0x186A  }
0x13: {  	_ =	swait.ge [sflag:s12], $0x186A  }
0x14: {  	[sflag:s12] =	ssyncset.done $0x0  }
0x15: {  	[sflag:s12] =	ssyncadd.s32 $0xFFFFE796  }
0x16: {  	s16 =	sadd.s32 $0x0, s8;
	p0 =	sgt.u32 s10, $0x1869;
	[bflag:$0x0] =	sbarrier.arrive $0xFFFF  }
0x17: {  	[tilespmem:s3], [sflag:$0x1] =	stream.linear.gather [hbm4b:s16+s3], $0x80, $0x38;
	[tilespmem:$0xD450] =	vst v63  }
0x18: {  	s16 =	simm.s32 @p0 $0x1  }
0x19: {  	[tilespmem:s13], [sflag:$0x1] =	stream.linear.gather [hbm4b:s9+s3], $0x800, $0x38;
	[tilespmem:$0xD450] =	vst v63  }
0x1a: {  	_ =	swait.ge @p0 [sflag:s16], $0x80  }
0x1b: {  	[sflag:s16] =	ssyncset.done @p0 $0x0  }
0x1c: {  	[sflag:s16] =	ssyncadd.s32 @p0 $0xFFFFFF80  }
0x1d: {  	_ =	swait.ge @p0 [sflag:s16], $0x800  }
0x1e: {  	s17 =	sadd.s32 @!p0 $0x0, s8;
	[sflag:s16] =	ssyncset.done @p0 $0x0  }
0x1f: {  	s18 =	simm.s32 @p0 $0x0;
	s19 =	simm.s32 @p0 $0x80;
	[sflag:s16] =	ssyncadd.s32 @p0 $0xFFFFF800  }
0x20: {  	[spmem:s2] =	stream.indirect.scatter.add.f32 @p0 [tilespmem:s19], [sflag:$0x3], $0x10, s18, s19, $0xb8;
	[tilespmem:$0xD450] =	vst v63  }
0x21: {  	s16 =	sadd.s32 @!p0 $0x200, s17;
	s17 =	simm.s32 @!p0 $0x0;
	s18 =	simm.s32 @!p0 $0x880  }
0x22: {  	[tilespmem:s18], [sflag:$0x2] =	stream.linear.gather @!p0 [hbm4b:s16+s17], $0x80, $0x38;
	[tilespmem:$0xD450] =	vst v63  }
0x23: {  	s20 =	simm.s32 @!p0 $0x1;
	s19 =	simm.s32 @!p0 $0x900;
	s16 =	sadd.s32 @!p0 $0x2000, s9  }
0x24: {  	[tilespmem:s19], [sflag:$0x2] =	stream.linear.gather @!p0 [hbm4b:s16+s17], $0x800, $0x38;
	[tilespmem:$0xD450] =	vst v63  }
0x25: {  	_ =	swait.ge @!p0 [sflag:s20], $0x80  }
0x26: {  	[sflag:s20] =	ssyncset.done @!p0 $0x0  }
0x27: {  	[sflag:s20] =	ssyncadd.s32 @!p0 $0xFFFFFF80  }
0x28: {  	_ =	swait.ge @!p0 [sflag:s20], $0x800  }
0x29: {  	[sflag:s20] =	ssyncset.done @!p0 $0x0  }
0x2a: {  	s16 =	simm.s32 @!p0 $0x80;
	[sflag:s20] =	ssyncadd.s32 @!p0 $0xFFFFF800;
	s20 =	simm.s32 @!p0 $0x2  }
0x2b: {  	[spmem:s2] =	stream.indirect.scatter.add.f32 @!p0 [tilespmem:s16], [sflag:$0x3], $0x10, s17, s16, $0xb8;
	[tilespmem:$0xD450] =	vst v63  }
0x2c: {  	_ =	swait.ge @!p0 [sflag:s20], $0x80  }
0x2d: {  	[sflag:s20] =	ssyncset.done @!p0 $0x0  }
0x2e: {  	[sflag:s20] =	ssyncadd.s32 @!p0 $0xFFFFFF80  }
0x2f: {  	_ =	swait.ge @!p0 [sflag:s20], $0x800  }
0x30: {  	[sflag:s20] =	ssyncset.done @!p0 $0x0  }
0x31: {  	s17 =	simm.s32 @!p0 $0x4;
	[sflag:s20] =	ssyncadd.s32 @!p0 $0xFFFFF800  }
0x32: {  	[spmem:s2] =	stream.indirect.scatter.add.f32 @!p0 [tilespmem:s19], [sflag:$0x4], $0x10, s18, s16, $0xb8;
	[tilespmem:$0xD450] =	vst v63  }
0x33: {  	_ =	swait.ge @!p0 [sflag:s17], $0x800  }
0x34: {  	[sflag:s17] =	ssyncset.done @!p0 $0x0  }
0x35: {  	s16 =	simm.s32 $0x400;
	[sflag:s17] =	ssyncadd.s32 @!p0 $0xFFFFF800  }
0x36: {  	s18 =	smov.u32 s9;
	s17 =	sadd.s32 $0x40, s10;
	_ =	swait.ge [sflag:s14], $0x800  }
.LBB2_2:
0x37: {  	[sflag:s14] =	ssyncset.done $0x0  }
0x38: {  	s18 =	sadd.s32 $0x4000, s18;
	s19 =	smov.u32 s16;
	s16 =	sadd.s32 $0x400, s16  }
0x39: {  	s20 =	sadd.s32 s19, s8;
	p0 =	sne.s32 s16, $0x18800;
	[sflag:s14] =	ssyncadd.s32 $0xFFFFF800  }
0x3a: {  	[tilespmem:s3], [sflag:$0x1] =	stream.linear.gather [hbm4b:s20+s3], $0x80, $0x38;
	[tilespmem:$0xD450] =	vst v63  }
0x3b: {  	p1 =	sgt.u32 s17, $0x1869  }
0x3c: {  	[tilespmem:s13], [sflag:$0x1] =	stream.linear.gather [hbm4b:s18+s3], $0x800, $0x38;
	[tilespmem:$0xD450] =	vst v63  }
0x3d: {  	s19 =	sadd.s32 @!p1 s19, s8;
	s20 =	simm.s32 @p1 $0x1  }
0x3e: {  	s19 =	sadd.s32 @!p1 $0x200, s19;
	_ =	swait.ge @p1 [sflag:s20], $0x80  }
0x3f: {  	[sflag:s20] =	ssyncset.done @p1 $0x0  }
0x40: {  	[sflag:s20] =	ssyncadd.s32 @p1 $0xFFFFFF80  }
0x41: {  	_ =	swait.ge @p1 [sflag:s20], $0x800  }
0x42: {  	s21 =	simm.s32 @p1 $0x0;
	s22 =	simm.s32 @p1 $0x80;
	[sflag:s20] =	ssyncset.done @p1 $0x0  }
0x43: {  	s23 =	simm.s32 @!p1 $0x880;
	[sflag:s20] =	ssyncadd.s32 @p1 $0xFFFFF800;
	s20 =	simm.s32 @!p1 $0x0  }
0x44: {  	[spmem:s2] =	stream.indirect.scatter.add.f32 @p1 [tilespmem:s22], [sflag:$0x3], $0x10, s21, s22, $0xb8;
	[tilespmem:$0xD450] =	vst v63  }
0x45: {  	s21 =	sadd.s32 @!p1 $0x2000, s18;
	s22 =	simm.s32 @!p1 $0x900  }
0x46: {  	[tilespmem:s23], [sflag:$0x2] =	stream.linear.gather @!p1 [hbm4b:s19+s20], $0x80, $0x38;
	[tilespmem:$0xD450] =	vst v63  }
0x47: {  	s19 =	simm.s32 @!p1 $0x1  }
0x48: {  	[tilespmem:s22], [sflag:$0x2] =	stream.linear.gather @!p1 [hbm4b:s21+s20], $0x800, $0x38;
	[tilespmem:$0xD450] =	vst v63  }
0x49: {  	_ =	swait.ge @!p1 [sflag:s19], $0x80  }
0x4a: {  	[sflag:s19] =	ssyncset.done @!p1 $0x0  }
0x4b: {  	[sflag:s19] =	ssyncadd.s32 @!p1 $0xFFFFFF80  }
0x4c: {  	_ =	swait.ge @!p1 [sflag:s19], $0x800  }
0x4d: {  	s21 =	simm.s32 @!p1 $0x80;
	[sflag:s19] =	ssyncset.done @!p1 $0x0  }
0x4e: {  	[sflag:s19] =	ssyncadd.s32 @!p1 $0xFFFFF800;
	s19 =	simm.s32 @!p1 $0x2  }
0x4f: {  	[spmem:s2] =	stream.indirect.scatter.add.f32 @!p1 [tilespmem:s21], [sflag:$0x3], $0x10, s20, s21, $0xb8;
	[tilespmem:$0xD450] =	vst v63  }
0x50: {  	_ =	swait.ge @!p1 [sflag:s19], $0x80  }
0x51: {  	[sflag:s19] =	ssyncset.done @!p1 $0x0  }
0x52: {  	[sflag:s19] =	ssyncadd.s32 @!p1 $0xFFFFFF80  }
0x53: {  	_ =	swait.ge @!p1 [sflag:s19], $0x800  }
0x54: {  	[sflag:s19] =	ssyncset.done @!p1 $0x0  }
0x55: {  	[sflag:s19] =	ssyncadd.s32 @!p1 $0xFFFFF800;
	s19 =	simm.s32 @!p1 $0x4  }
0x56: {  	[spmem:s2] =	stream.indirect.scatter.add.f32 @!p1 [tilespmem:s22], [sflag:$0x4], $0x10, s23, s21, $0xb8;
	[tilespmem:$0xD450] =	vst v63  }
.Ltmp0:
0x57: {  	_ = 	snop;
	(pc) =	sbr.rel @p0 .LBB2_2-.Ltmp0, $4  }
0x58: {  	_ =	swait.ge @!p1 [sflag:s19], $0x800  }
0x59: {  	[sflag:s19] =	ssyncset.done @!p1 $0x0  }
0x5a: {  	[sflag:s19] =	ssyncadd.s32 @!p1 $0xFFFFF800  }
0x5b: {  	s17 =	sadd.s32 $0x40, s17;
	_ =	swait.ge [sflag:s14], $0x800  }
0x5c: {  	[sflag:s14] =	ssyncset.done $0x0;
	s15 =	sadd.s32 $0x1, s15  }
0x5d: {  	[sflag:s14] =	ssyncadd.s32 $0xFFFFF800;
	p0 =	sne.s32 s15, s7  }
.Ltmp1:
0x5e: {  	[bflag:$0x0] =	sbarrier.arrive $0xFFFF;
	(pc) =	sbr.rel @p0 .LBB2_1-.Ltmp1, $4  }
0x5f: {  	[hbm:s6], [sflag:s5] =	dma.local [spmem:s11], $0x186A  }
0x60: {  	_ =	swait.ge [sflag:s12], $0x186A  }
0x61: {  	[sflag:s12] =	ssyncset.done $0x0  }
0x62: {  	[sflag:s12] =	ssyncadd.s32 $0xFFFFE796  }
0x63: {  	_ =	sfence.sel $0x180000  }
0x64: {  	[bflag:$0x0] =	sbarrier.arrive $0xFFFF  }
0x65: {  	p0 =	sne.s32 s1, $0x0;
	_ =	strace $0x90000056  }
0x66: {  	s0 =	sadd.s32 @!p0 $0x100000, s0;
	[bflag:$0x2] =	sbarrier.arrive $0xFFFF  }
0x67: {  	[sflag:s0] =	ssyncadd.tile.s32 @!p0 $0x1;
	_ =	shalt  }
.Lfunc_end2:
_tile_overlayer_lowered:
.L_overlay_start_2:
0x68: {  	(tag) =	ssettag $0x2  }
0x69: {  	s0 =	rddreg [dreg:$0x0];
	s2 =	stileid.u32  }
0x6a: {  	s1 =	rddreg [dreg:$0x1];
	p0 =	sne.s32 s2, $0x0  }
0x6b: {  	s3 =	rddreg [dreg:$0x2];
	[bflag:$0x3] =	sbarrier.arrive $0xFFFF;
	s2 =	simm.s32 @!p0 $0x1C05  }
0x6c: {  	[timem:s3], [sflag:s2] =	dma.local @!p0 [hbm:s0], s1  }
0x6d: {  	s0 =	simm.s32 @!p0 $0x5  }
0x6e: {  	_ =	swait.ge @!p0 [sflag:s0], s1  }
0x6f: {  	s1 =	ssub.s32 @!p0 $0x0, s1;
	[sflag:s0] =	ssyncset.done @!p0 $0x0  }
0x70: {  	[sflag:s0] =	ssyncadd.s32 @!p0 s1  }
0x71: {  	[bflag:$0x3] =	sbarrier.arrive $0xFFFF  }
0x72: {  	_ =	shalt  }

// kernel: kernel.34.cloned.1.call-start
scs
__scs_entry_jumppad:
0x0: {  	(pc) =	sbr.rel $0x88, $3  }
0x1: {  	(tag) =	ssettag $0x0;
	lr =	simm.s32 $0x1  }
0x2: {  	[smem:$0x3F7C] =	sst lr;
	_ =	strace $0xD0000000  }
0x3: {  	_ = 	snop  }
0x4: {  	_ = 	snop  }
0x5: {  	_ = 	snop  }
0x6: {  	_ = 	snop  }
0x7: {  	_ = 	snop  }
__scs_overlays_trampoline_lowered:
0x8: {  	[smem:$0x3F8B] =	sst s0  }
0x9: {  	[smem:$0x3F8C] =	sst s1  }
0xa: {  	[smem:$0x3F8D] =	sst s2  }
0xb: {  	[smem:$0x3F8E] =	sst s3  }
0xc: {  	[smem:$0x3F8F] =	sst s4  }
0xd: {  	[smem:$0x3F90] =	sst s5  }
0xe: {  	[smem:$0x3F91] =	sst s6  }
0xf: {  	[smem:$0x3F92] =	sst s7  }
0x10: {  	[smem:$0x3F93] =	sst s8  }
0x11: {  	[smem:$0x3F94] =	sst s9;
	s0 =	simm.s32 @!p0 $0x0  }
0x12: {  	s1 =	sld [smem:$0x3F7A];
	s0 =	simm.s32 @p0 $0x1  }
0x13: {  	[smem:$0x3F95] =	sst s0;
	s0 =	simm.s32 @!p1 $0x0  }
0x14: {  	s2 =	sld [smem:$0x3F79];
	s0 =	simm.s32 @p1 $0x1  }
0x15: {  	[smem:$0x3F96] =	sst s0;
	s0 =	simm.s32 @!p2 $0x0  }
0x16: {  	s3 =	sld [smem:$0x3FDB];
	s0 =	simm.s32 @p2 $0x1  }
0x17: {  	s4 =	simm.s32 $0x1BF5;
	[smem:$0x3F98] =	sst s0  }
0x18: {  	s0 =	sld [smem:$0x3F7B];
	_ =	swait.ge [sflag:s4], $0x0  }
0x19: {  	s7 =	sld [smem:$0x3F7C]  }
0x1a: {  	s8 =	sadd.s32 $0xFFFFE003, lr  }
0x1b: {  	s9 =	sadd.s32 $0xFFFFFEF7, lr;
	s5 =	simm.s32 $0xFFFFFFFF;
	p2 =	slt.u32 s8, $0xFFFFF086  }
0x1c: {  	p1 =	slt.u32 s9, $0xF7A;
	s5 =	simm.s32 @!p2 $0x0  }
0x1d: {  	s5 =	simm.s32 @p1 $0x1;
	p0 =	seq.s32 s7, s2  }
0x1e: {  	s7 =	smul.u32 @!p0 $0xF7A, s2;
	p2 =	seq.s32 @!p0 s5, $0x0  }
0x1f: {  	s9 =	smul.u32 $0xF7A, s1;
	s8 =	simm.s32 @!p0 $0x1BF5;
	p2 =	por !p2, p0  }
0x20: {  	[sflag:s8] =	ssyncset.s32 @!p0 $0xFFFFF086;
	s6 =	sadd.s32 @!p0 s3, s7;
	s7 =	simm.s32 @!p0 $0x108  }
0x21: {  	s3 =	sadd.s32 s3, s9;
	s6 =	sadd.s32 @!p0 $0x88, s6;
	s7 =	simm.s32 @p2 $0x1082  }
0x22: {  	[simem:s7], [sflag:s8] =	dma.local @!p0 [hbm:s6], $0xF7A  }
0x23: {  	s9 =	sor.u32 $0xD0000000, s2;
	s6 =	simm.s32 $0x108;
	_ =	swait.ge @!p0 [sflag:s8], $0x0  }
0x24: {  	s3 =	sadd.s32 $0x88, s3;
	s6 =	simm.s32 @!p1 $0x1082;
	[sflag:s4] =	ssyncset.s32 $0xFFFFF086  }
0x25: {  	[simem:s6], [sflag:s4] =	dma.local [hbm:s3], $0xF7A  }
0x26: {  	[smem:$0x3F7C] =	sst s1;
	(tag) =	ssettag s2;
	_ =	strace s9  }
0x27: {  	s1 =	sld [smem:$0x3F8C]  }
0x28: {  	s2 =	sld [smem:$0x3F8D]  }
0x29: {  	s4 =	sld [smem:$0x3F8F]  }
0x2a: {  	p0 =	seq.s32 s5, $0x0;
	s5 =	sld [smem:$0x3F90]  }
0x2b: {  	s6 =	sld [smem:$0x3F91]  }
0x2c: {  	s7 =	sld [smem:$0x3F92]  }
0x2d: {  	s3 =	simm.s32 $0x108;
	s8 =	sld [smem:$0x3F93]  }
0x2e: {  	s3 =	simm.s32 @!p0 $0x1082;
	s9 =	sld [smem:$0x3F94]  }
0x2f: {  	lr =	sadd.s32 s0, s3;
	s0 =	sld [smem:$0x3F8B]  }
0x30: {  	s3 =	sld [smem:$0x3F8E]  }
0x31: {  	[smem:$0x3F97] =	sst s10  }
0x32: {  	s10 =	sld [smem:$0x3F95];
	_ =	sdelay $0x3  }
0x33: {  	p0 =	seq.s32 s10, $0x1;
	s10 =	sld [smem:$0x3F97];
	_ =	sdelay $0x3  }
0x34: {  	[smem:$0x3F97] =	sst s10  }
0x35: {  	s10 =	sld [smem:$0x3F96];
	_ =	sdelay $0x3  }
0x36: {  	p1 =	seq.s32 s10, $0x1;
	s10 =	sld [smem:$0x3F97];
	_ =	sdelay $0x3  }
0x37: {  	[smem:$0x3F97] =	sst s10  }
0x38: {  	s10 =	sld [smem:$0x3F98]  }
0x39: {  	_ = 	snop;
	(pc) =	sbr.ind lr, $3  }
0x3a: {  	_ = 	snop  }
0x3b: {  	_ = 	snop  }
0x3c: {  	p2 =	seq.s32 s10, $0x1;
	s10 =	sld [smem:$0x3F97]  }
0x3d: {  	_ =	shalt  }
0x3e: {  	_ =	shalt  }
0x3f: {  	_ =	shalt  }
0x40: {  	_ =	shalt  }
0x41: {  	_ =	shalt  }
0x42: {  	_ =	shalt  }
0x43: {  	_ =	shalt  }
0x44: {  	_ =	shalt  }
0x45: {  	_ =	shalt  }
0x46: {  	_ =	shalt  }
0x47: {  	_ =	shalt  }
0x48: {  	_ =	shalt  }
0x49: {  	_ =	shalt  }
0x4a: {  	_ =	shalt  }
0x4b: {  	_ =	shalt  }
0x4c: {  	_ =	shalt  }
0x4d: {  	_ =	shalt  }
0x4e: {  	_ =	shalt  }
0x4f: {  	_ =	shalt  }
0x50: {  	_ =	shalt  }
0x51: {  	_ =	shalt  }
0x52: {  	_ =	shalt  }
0x53: {  	_ =	shalt  }
0x54: {  	_ =	shalt  }
0x55: {  	_ =	shalt  }
0x56: {  	_ =	shalt  }
0x57: {  	_ =	shalt  }
0x58: {  	_ =	shalt  }
0x59: {  	_ =	shalt  }
0x5a: {  	_ =	shalt  }
0x5b: {  	_ =	shalt  }
0x5c: {  	_ =	shalt  }
0x5d: {  	_ =	shalt  }
0x5e: {  	_ =	shalt  }
0x5f: {  	_ =	shalt  }
0x60: {  	_ =	shalt  }
0x61: {  	_ =	shalt  }
0x62: {  	_ =	shalt  }
0x63: {  	_ =	shalt  }
0x64: {  	_ =	shalt  }
0x65: {  	_ =	shalt  }
0x66: {  	_ =	shalt  }
0x67: {  	_ =	shalt  }
0x68: {  	_ =	shalt  }
0x69: {  	_ =	shalt  }
0x6a: {  	_ =	shalt  }
0x6b: {  	_ =	shalt  }
0x6c: {  	_ =	shalt  }
0x6d: {  	_ =	shalt  }
0x6e: {  	_ =	shalt  }
0x6f: {  	_ =	shalt  }
0x70: {  	_ =	shalt  }
0x71: {  	_ =	shalt  }
0x72: {  	_ =	shalt  }
0x73: {  	_ =	shalt  }
0x74: {  	_ =	shalt  }
0x75: {  	_ =	shalt  }
0x76: {  	_ =	shalt  }
0x77: {  	_ =	shalt  }
0x78: {  	_ =	shalt  }
0x79: {  	_ =	shalt  }
0x7a: {  	_ =	shalt  }
0x7b: {  	_ =	shalt  }
0x7c: {  	_ =	shalt  }
0x7d: {  	_ =	shalt  }
0x7e: {  	_ =	shalt  }
0x7f: {  	_ =	shalt  }
0x80: {  	_ =	shalt  }
0x81: {  	_ =	shalt  }
0x82: {  	_ =	shalt  }
0x83: {  	_ =	shalt  }
0x84: {  	_ =	shalt  }
0x85: {  	_ =	shalt  }
0x86: {  	_ =	shalt  }
0x87: {  	_ =	shalt  }
.Lfunc_end0:
.L_simem_size_0:
called_computation.6_lowered:
.L_overlay_start_0:
0x88: {  	s2 =	sld [smem:$0x3FD9]  }
0x89: {  	s3 =	sld [smem:$0x3FFE];
	_ =	sdelay $0x1  }
0x8a: {  	s1 =	srdreg.scid  }
0x8b: {  	s0 =	sand.u32 $0x1, s1  }
0x8c: {  	s14 =	sshll.u32 s0, $0xA;
	s2 =	sadd.s32 s3, s2  }
0x8d: {  	s2 =	sadd.s32 s2, s14  }
0x8e: {  	[smem:$0x3FA3] =	sst s2  }
0x8f: {  	_ = 	snop  }
0x90: {  	s2 =	sld [smem:$0x3FD0];
	_ =	sdelay $0x2  }
0x91: {  	s15 =	simm.s32 $0xB;
	s4 =	simm.s32 $0x10  }
0x92: {  	[smem:s4], [sflag:s15] =	dma.local [hbm:s2], $0x1  }
0x93: {  	_ =	swait.eq [sflag:s15], $0x1  }
0x94: {  	[sflag:s15] =	ssyncset.done $0x0  }
0x95: {  	[sflag:s15] =	ssyncadd.s32 $0xFFFFFFFF  }
0x96: {  	s16 =	sld [smem:$0x12];
	(tm) =	ssettm $0x1  }
0x97: {  	s17 =	sld [smem:$0x3FFB];
	_ =	sdelay $0x3  }
0x98: {  	_ =	strace s17  }
0x99: {  	s3 =	sld [smem:$0x3FFC];
	_ =	sdelay $0x3  }
0x9a: {  	_ =	strace s3  }
0x9b: {  	s3 =	sld [smem:$0x3FFD];
	_ =	sdelay $0x3  }
0x9c: {  	_ =	strace s3  }
0x9d: {  	_ =	strace $0x8FFFFFFF  }
0x9e: {  	s18 =	sld [smem:$0x3FDB];
	_ =	sdelay $0x1  }
0x9f: {  	s19 =	simm.s32 $_scs_section_size  }
0xa0: {  	s5 =	simm.s32 $_size__tile_overlayer_lowered;
	s6 =	simm.s32 $_tile_overlayer_lowered  }
0xa1: {  	s22 =	simm.s32 $0x1BFF;
	s21 =	sshll.u32 s6, $0x1;
	s3 =	sadd.s32 s19, s18  }
0xa2: {  	s7 =	simm.s32 $0x0;
	s20 =	sshll.u32 s5, $0x1;
	s5 =	sadd.s32 s21, s3  }
0xa3: {  	[timem:s7], [sflag:s22] =	dma.local [hbm:s5], s20  }
0xa4: {  	_ =	swait.ge [sflag:s22], s20  }
0xa5: {  	s4 =	ssub.s32 $0x0, s20;
	[sflag:s22] =	ssyncset.done $0x0  }
0xa6: {  	[sflag:s22] =	ssyncadd.s32 s4;
	_ =	sdelay $0x1  }
0xa7: {  	s23 =	simm.s32 $0x1B8B  }
0xa8: {  	_ =	swait.ge [sflag:s23], $0x1  }
0xa9: {  	[sflag:s23] =	ssyncset.done $0x0  }
0xaa: {  	s25 =	simm.s32 $0x1B8E;
	s24 =	sld [smem:$0x3FFE];
	[sflag:s23] =	ssyncadd.s32 $0xFFFFFFFF  }
0xab: {  	s26 =	simm.s32 $execute0_lowered;
	[smem:$0x3FD2] =	sst s25  }
0xac: {  	s5 =	sshll.u32 s26, $0x1;
	_ =	strace $0x80000058;
	[dreg:$0x1] =	wrdreg $0xFFFFFFFF  }
0xad: {  	s28 =	simm.s32 $_size_execute0_lowered;
	s3 =	sadd.s32 s3, s5;
	[dreg:$0x0] =	wrdreg $0x0  }
0xae: {  	s5 =	sshll.u32 s28, $0x1;
	[dreg:$0x2] =	wrdreg s3  }
0xaf: {  	[dreg:$0x3] =	wrdreg s5  }
0xb0: {  	[dreg:$0x4] =	wrdreg $0xC0  }
0xb1: {  	_ =	task [dreg:s7], $0x5FFFF  }
0xb2: {  	[dreg:$0x1] =	wrdreg $0xFFFFFFFF  }
0xb3: {  	[dreg:$0x0] =	wrdreg $0x60  }
0xb4: {  	[dreg:$0x2] =	wrdreg s24  }
0xb5: {  	[dreg:$0x3] =	wrdreg s16  }
0xb6: {  	[dreg:$0x4] =	wrdreg $0x9  }
0xb7: {  	_ =	task.clear_ibuf [dreg:s7], $0x5FFFF;
	_ =	strace $0x90000058  }
0xb8: {  	s29 =	simm.s32 $0x9;
	_ =	strace $0x8000005A  }
0xb9: {  	_ =	swait.ge [sflag:s29], $0x1  }
0xba: {  	[sflag:s29] =	ssyncadd.s32 $0xFFFFFFFF  }
0xbb: {  	_ =	strace $0x9000005A  }
0xbc: {  	_ =	sfence  }
0xbd: {  	s30 =	sld [smem:$0x0];
	_ =	sdelay $0x2  }
0xbe: {  	s31 =	sshll.u32 s1, $0xD;
	s1 =	sshrl.u32 s1, $0x2  }
0xbf: {  	s3 =	sand.u32 $0x4000, s31;
	s1 =	sadd.s32 s1, s30  }
0xc0: {  	s0 =	sor.u32 s3, s0;
	s1 =	sshll.u32 s1, $0x11  }
0xc1: {  	s0 =	sor.u32 s1, s0  }
0xc2: {  	s0 =	sadd.s32 $0x8F2B, s0  }
0xc3: {  	[sflag:s0] =	ssyncadd.remote.s32 $0x1  }
0xc4: {  	_ =	sfence.sel $0xFFFF  }
0xc5: {  	[dreg:$0x0] =	wrdreg $0xFFFFFFFF;
	(pc) =	sbr.abs _section_cstart, $3  }
0xc6: {  	[dreg:$0x1] =	wrdreg $0xFFFFFFFF  }
0xc7: {  	_ =	task.clear_ibuf [dreg:s7], $0x2FFFF;
	_ =	strace $0x9FFFFFFF  }
0xc8: {  	(tm) =	ssettm $0x7FFFFFFF  }
0xc9: {  	_ =	shalt  }
tec
execute0_lowered:
.L_overlay_start_1:
0x0: {  	(tag) =	ssettag $0x1  }
0x1: {  	s5 =	rddreg [dreg:$0x0]  }
0x2: {  	s8 =	rddreg [dreg:$0x1]  }
0x3: {  	s0 =	rddreg [dreg:$0x2];
	s1 =	simm.s32 $0x0;
	s6 =	srdreg.scid  }
0x4: {  	s2 =	stileid.u32;
	[smem:$0x7FF] =	sst s1;
	s3 =	sadd.s32 $0x103400, s5  }
0x5: {  	s4 =	sadd.s32 $0xD2600, s5;
	s7 =	sand.u32 $0x1, s6;
	s26 =	sshll.u32 s2, $0x5  }
0x6: {  	s9 =	sshll.u32 s2, $0xA;
	_ =	strace $0x80000059;
	s10 =	ssub.s32 $0x2, s7  }
0x7: {  	s11 =	sadd.s32 s26, s5;
	s12 =	sadd.s32 s9, s5;
	s5 =	sshll.u32 s2, $0x1  }
0x8: {  	s30 =	sshll.u32 s7, $0x4;
	s31 =	sshll.u32 s7, $0x9;
	s28 =	sshrl.u32 s10, $0x1  }
0x9: {  	s13 =	sadd.s32 s9, s8;
	s12 =	sadd.s32 s31, s12;
	s29 =	ssub.s32 s10, s28  }
0xa: {  	s10 =	sadd.s32 s30, s11;
	s9 =	sadd.s32 $0x4D4200, s12;
	s6 =	smax.u32 s29, $0x1  }
0xb: {  	s7 =	sadd.s32 $0x1AE400, s10;
	s8 =	sadd.s32 $0x195C00, s10;
	s10 =	sadd.s32 s31, s13  }
.LBB2_1:
0xc: {  	p0 =	sgt.u32 s5, $0x1869  }
0xd: {  	s11 =	sadd.s32 @!p0 $0x0, s8;
	s12 =	simm.s32 @!p0 $0x0;
	s15 =	simm.s32 @!p0 $0x3  }
0xe: {  	[tilespmem:s12], [sflag:$0x3] =	stream.linear.gather @!p0 [hbm4b:s11+s12], $0x80, $0x38;
	[tilespmem:$0x2100] =	vst v63  }
0xf: {  	_ =	swait.ge @!p0 [sflag:s15], $0x80;
	p0 =	por p0, p0  }
0x10: {  	[sflag:s15] =	ssyncset.done @!p0 $0x0  }
0x11: {  	s11 =	sadd.s32 @!p0 $0x0, s7;
	s13 =	simm.s32 @!p0 $0x80;
	[sflag:s15] =	ssyncadd.s32 @!p0 $0xFFFFFF80  }
0x12: {  	[tilespmem:s13], [sflag:$0x3] =	stream.linear.gather @!p0 [hbm4b:s11+s12], $0x80, $0x38;
	[tilespmem:$0x2100] =	vst v63  }
0x13: {  	_ =	swait.ge @!p0 [sflag:s15], $0x80  }
0x14: {  	[sflag:s15] =	ssyncset.done @!p0 $0x0  }
0x15: {  	s11 =	simm.s32 @!p0 $0x100;
	[sflag:s15] =	ssyncadd.s32 @!p0 $0xFFFFFF80  }
0x16: {  	[tilespmem:s11], [sflag:$0x1] =	stream.indirect.gather @!p0 [hbm4b:s3+s13], $0x20, s12, s13, $0xb8;
	[tilespmem:$0x2100] =	vst v63  }
0x17: {  	s16 =	simm.s32 @!p0 $0x1100;
	s14 =	simm.s32 @!p0 $0x1  }
0x18: {  	[tilespmem:s16], [sflag:$0x1] =	stream.indirect.gather @!p0 [hbm4b:s4+s13], $0x20, s13, s13, $0xb8;
	[tilespmem:$0x2100] =	vst v63  }
0x19: {  	_ =	swait.ge @!p0 [sflag:s14], $0x1000  }
0x1a: {  	[sflag:s14] =	ssyncset.done @!p0 $0x0  }
0x1b: {  	[sflag:s14] =	ssyncadd.s32 @!p0 $0xFFFFF000  }
0x1c: {  	_ =	swait.ge @!p0 [sflag:s14], $0x1000  }
0x1d: {  	[sflag:s14] =	ssyncset.done @!p0 $0x0  }
0x1e: {  	[sflag:s14] =	ssyncadd.s32 @!p0 $0xFFFFF000  }
0x1f: {  	[hbm4b:s10+s12] =	stream.linear.scatter @!p0 [tilespmem:s11], [sflag:$0x3], $0x1000, $0x38;
	[tilespmem:$0x2100] =	vst v63  }
0x20: {  	_ =	swait.ge @!p0 [sflag:s15], $0x1000  }
0x21: {  	[sflag:s15] =	ssyncset.done @!p0 $0x0  }
0x22: {  	s13 =	simm.s32 $0x200;
	s14 =	simm.s32 $0x400;
	[sflag:s15] =	ssyncadd.s32 @!p0 $0xFFFFF000  }
0x23: {  	[hbm4b:s9+s12] =	stream.linear.scatter @!p0 [tilespmem:s16], [sflag:$0x2], $0x1000, $0x38;
	[tilespmem:$0x2100] =	vst v63  }
0x24: {  	s11 =	sadd.s32 $0x4000, s10;
	s15 =	sadd.s32 $0x20, s5;
	s16 =	simm.s32 @!p0 $0x2  }
0x25: {  	p2 =	sgt.u32 s15, $0x1869;
	s12 =	sadd.s32 $0x4000, s9;
	_ =	swait.ge @!p0 [sflag:s16], $0x1000  }
.LBB2_2:
0x26: {  	s17 =	sadd.s32 @!p2 s13, s8  }
0x27: {  	s18 =	simm.s32 @!p2 $0x0;
	[sflag:s16] =	ssyncset.done @!p0 $0x0;
	s19 =	smov.u32 s14  }
0x28: {  	s14 =	sadd.s32 $0x200, s14;
	s20 =	simm.s32 @!p2 $0x3;
	[sflag:s16] =	ssyncadd.s32 @!p0 $0xFFFFF000  }
0x29: {  	[tilespmem:s18], [sflag:$0x3] =	stream.linear.gather @!p2 [hbm4b:s17+s18], $0x80, $0x38;
	[tilespmem:$0x2100] =	vst v63  }
0x2a: {  	p1 =	sne.s32 s14, $0x18800;
	p0 =	por p2, p2;
	_ =	swait.ge @!p2 [sflag:s20], $0x80  }
0x2b: {  	[sflag:s20] =	ssyncset.done @!p0 $0x0  }
0x2c: {  	s13 =	sadd.s32 @!p0 s13, s7;
	s16 =	simm.s32 @!p0 $0x80;
	[sflag:s20] =	ssyncadd.s32 @!p0 $0xFFFFFF80  }
0x2d: {  	[tilespmem:s16], [sflag:$0x3] =	stream.linear.gather @!p0 [hbm4b:s13+s18], $0x80, $0x38;
	[tilespmem:$0x2100] =	vst v63  }
0x2e: {  	s13 =	smov.u32 s19;
	_ =	swait.ge @!p0 [sflag:s20], $0x80  }
0x2f: {  	[sflag:s20] =	ssyncset.done @!p0 $0x0  }
0x30: {  	s17 =	simm.s32 @!p0 $0x100;
	[sflag:s20] =	ssyncadd.s32 @!p0 $0xFFFFFF80  }
0x31: {  	[tilespmem:s17], [sflag:$0x1] =	stream.indirect.gather @!p0 [hbm4b:s3+s16], $0x20, s18, s16, $0xb8;
	[tilespmem:$0x2100] =	vst v63  }
0x32: {  	s21 =	simm.s32 @!p0 $0x1;
	s19 =	simm.s32 @!p0 $0x1100  }
0x33: {  	[tilespmem:s19], [sflag:$0x1] =	stream.indirect.gather @!p0 [hbm4b:s4+s16], $0x20, s16, s16, $0xb8;
	[tilespmem:$0x2100] =	vst v63  }
0x34: {  	_ =	swait.ge @!p0 [sflag:s21], $0x1000  }
0x35: {  	[sflag:s21] =	ssyncset.done @!p0 $0x0  }
0x36: {  	[sflag:s21] =	ssyncadd.s32 @!p0 $0xFFFFF000  }
0x37: {  	_ =	swait.ge @!p0 [sflag:s21], $0x1000  }
0x38: {  	[sflag:s21] =	ssyncset.done @!p0 $0x0  }
0x39: {  	[sflag:s21] =	ssyncadd.s32 @!p0 $0xFFFFF000  }
0x3a: {  	[hbm4b:s11+s18] =	stream.linear.scatter @!p0 [tilespmem:s17], [sflag:$0x3], $0x1000, $0x38;
	[tilespmem:$0x2100] =	vst v63  }
.Ltmp0:
0x3b: {  	_ =	swait.ge @!p0 [sflag:s20], $0x1000;
	(pc) =	sbr.rel @p1 .LBB2_2-.Ltmp0, $4  }
0x3c: {  	s11 =	sadd.s32 $0x4000, s11;
	[sflag:s20] =	ssyncset.done @!p0 $0x0  }
0x3d: {  	s15 =	sadd.s32 $0x20, s15;
	s16 =	simm.s32 @!p0 $0x2;
	[sflag:s20] =	ssyncadd.s32 @!p0 $0xFFFFF000  }
0x3e: {  	[hbm4b:s12+s18] =	stream.linear.scatter @!p0 [tilespmem:s19], [sflag:$0x2], $0x1000, $0x38;
	[tilespmem:$0x2100] =	vst v63  }
0x3f: {  	p2 =	sgt.u32 s15, $0x1869;
	s12 =	sadd.s32 $0x4000, s12;
	_ =	swait.ge @!p0 [sflag:s16], $0x1000  }
0x40: {  	s14 =	sadd.s32 @!p2 s13, s8;
	[sflag:s16] =	ssyncset.done @!p0 $0x0  }
0x41: {  	s15 =	simm.s32 @!p2 $0x0;
	s17 =	simm.s32 @!p2 $0x3;
	[sflag:s16] =	ssyncadd.s32 @!p0 $0xFFFFF000  }
0x42: {  	[tilespmem:s15], [sflag:$0x3] =	stream.linear.gather @!p2 [hbm4b:s14+s15], $0x80, $0x38;
	[tilespmem:$0x2100] =	vst v63  }
0x43: {  	p0 =	por p2, p2;
	_ =	swait.ge @!p2 [sflag:s17], $0x80  }
0x44: {  	[sflag:s17] =	ssyncset.done @!p0 $0x0  }
0x45: {  	s13 =	sadd.s32 @!p0 s13, s7;
	s14 =	simm.s32 @!p0 $0x80;
	[sflag:s17] =	ssyncadd.s32 @!p0 $0xFFFFFF80  }
0x46: {  	[tilespmem:s14], [sflag:$0x3] =	stream.linear.gather @!p0 [hbm4b:s13+s15], $0x80, $0x38;
	[tilespmem:$0x2100] =	vst v63  }
0x47: {  	_ =	swait.ge @!p0 [sflag:s17], $0x80  }
0x48: {  	[sflag:s17] =	ssyncset.done @!p0 $0x0  }
0x49: {  	s13 =	simm.s32 @!p0 $0x100;
	[sflag:s17] =	ssyncadd.s32 @!p0 $0xFFFFFF80  }
0x4a: {  	[tilespmem:s13], [sflag:$0x1] =	stream.indirect.gather @!p0 [hbm4b:s3+s14], $0x20, s15, s14, $0xb8;
	[tilespmem:$0x2100] =	vst v63  }
0x4b: {  	s16 =	simm.s32 @!p0 $0x1100;
	s18 =	simm.s32 @!p0 $0x1  }
0x4c: {  	[tilespmem:s16], [sflag:$0x1] =	stream.indirect.gather @!p0 [hbm4b:s4+s14], $0x20, s14, s14, $0xb8;
	[tilespmem:$0x2100] =	vst v63  }
0x4d: {  	_ =	swait.ge @!p0 [sflag:s18], $0x1000  }
0x4e: {  	[sflag:s18] =	ssyncset.done @!p0 $0x0  }
0x4f: {  	[sflag:s18] =	ssyncadd.s32 @!p0 $0xFFFFF000  }
0x50: {  	_ =	swait.ge @!p0 [sflag:s18], $0x1000  }
0x51: {  	[sflag:s18] =	ssyncset.done @!p0 $0x0  }
0x52: {  	[sflag:s18] =	ssyncadd.s32 @!p0 $0xFFFFF000  }
0x53: {  	[hbm4b:s11+s15] =	stream.linear.scatter @!p0 [tilespmem:s13], [sflag:$0x3], $0x1000, $0x38;
	[tilespmem:$0x2100] =	vst v63  }
0x54: {  	s1 =	sadd.s32 $0x1, s1;
	_ =	swait.ge @!p0 [sflag:s17], $0x1000  }
0x55: {  	p1 =	sne.s32 s1, s6;
	[sflag:s17] =	ssyncset.done @!p0 $0x0  }
.Ltmp1:
0x56: {  	s11 =	simm.s32 @!p0 $0x2;
	[sflag:s17] =	ssyncadd.s32 @!p0 $0xFFFFF000;
	(pc) =	sbr.rel @p1 .LBB2_1-.Ltmp1, $4  }
0x57: {  	[hbm4b:s12+s15] =	stream.linear.scatter @!p0 [tilespmem:s16], [sflag:$0x2], $0x1000, $0x38;
	[tilespmem:$0x2100] =	vst v63  }
0x58: {  	_ =	swait.ge @!p0 [sflag:s11], $0x1000  }
0x59: {  	[sflag:s11] =	ssyncset.done @!p0 $0x0  }
0x5a: {  	[sflag:s11] =	ssyncadd.s32 @!p0 $0xFFFFF000  }
0x5b: {  	_ =	sfence.sel $0x180000  }
0x5c: {  	[bflag:$0x0] =	sbarrier.arrive $0xFFFF  }
0x5d: {  	p0 =	sne.s32 s2, $0x0;
	_ =	strace $0x90000059  }
0x5e: {  	s0 =	sadd.s32 @!p0 $0x100000, s0;
	[bflag:$0x2] =	sbarrier.arrive $0xFFFF  }
0x5f: {  	[sflag:s0] =	ssyncadd.tile.s32 @!p0 $0x1;
	_ =	shalt  }
.Lfunc_end2:
_tile_overlayer_lowered:
.L_overlay_start_2:
0x60: {  	(tag) =	ssettag $0x2  }
0x61: {  	s0 =	rddreg [dreg:$0x0];
	s2 =	stileid.u32  }
0x62: {  	s1 =	rddreg [dreg:$0x1];
	p0 =	sne.s32 s2, $0x0  }
0x63: {  	s3 =	rddreg [dreg:$0x2];
	[bflag:$0x3] =	sbarrier.arrive $0xFFFF;
	s2 =	simm.s32 @!p0 $0x1C02  }
0x64: {  	[timem:s3], [sflag:s2] =	dma.local @!p0 [hbm:s0], s1  }
0x65: {  	s0 =	simm.s32 @!p0 $0x2  }
0x66: {  	_ =	swait.ge @!p0 [sflag:s0], s1  }
0x67: {  	s1 =	ssub.s32 @!p0 $0x0, s1;
	[sflag:s0] =	ssyncset.done @!p0 $0x0  }
0x68: {  	[sflag:s0] =	ssyncadd.s32 @!p0 s1  }
0x69: {  	[bflag:$0x3] =	sbarrier.arrive $0xFFFF  }
0x6a: {  	_ =	shalt  }

</sc_bundles>
